<compile_context>
chip_gen: v7x
topology: tpu7x:2x2x1
jax: 0.10.2.dev20260603
libtpu: 0.0.44.dev20260713+nightly
codegen_flags: <defaults>
</compile_context>

<pallas_src>
import functools

import jax
import jax.numpy as jnp
from jax import lax
from jax.experimental import pallas as pl
from jax.experimental.pallas import tpu as pltpu
from jax.experimental.pallas import tpu_sc as plsc

N = 10000
E = 320000
D = 128

NC = 2
NS = 16
NW = NC * NS

EDGES_PER_TILE = E // NS
CHUNK = 100
NCHUNKS = EDGES_PER_TILE // CHUNK
BLK = 80
NBLK = N // BLK
SLAB = 40
NSLABS = NCHUNKS // SLAB
NBUF = 3

_mesh = plsc.VectorSubcoreMesh(core_axis_name="c", subcore_axis_name="s")
_sc_params = pltpu.CompilerParams(needs_layout_passes=False)


@functools.partial(
    pl.kernel,
    out_type=jax.ShapeDtypeStruct((NW, N), jnp.float32),
    mesh=_mesh,
    scratch_types=[
        pltpu.VMEM((2, 10240), jnp.int32),
        pltpu.VMEM((N,), jnp.float32),
    ],
    compiler_params=_sc_params,
)
def _deg_kernel(ei_hbm, degp_hbm, ev, degv):
    c = lax.axis_index("c")
    s = lax.axis_index("s")
    wid = s * NC + c

    zeros = jnp.zeros((16,), jnp.float32)

    def zero_body(i, carry):
        degv[pl.ds(i * 16, 16)] = zeros
        return carry

    lax.fori_loop(0, N // 16, zero_body, 0)

    ones = jnp.ones((16,), jnp.float32)

    def add_body(i, carry):
        idx = ev[1, pl.ds(i * 16, 16)]
        plsc.addupdate_scatter(degv, [idx], ones)
        return carry

    @pl.when(wid < NW - 1)
    def _():
        pltpu.sync_copy(ei_hbm.at[:, pl.ds(wid * 10240, 10240)], ev)
        lax.fori_loop(0, 10240 // 16, add_body, 0)

    @pl.when(wid == NW - 1)
    def _():
        pltpu.sync_copy(ei_hbm.at[:, pl.ds((NW - 1) * 10240, 2560)],
                        ev.at[:, pl.ds(0, 2560)])
        lax.fori_loop(0, 2560 // 16, add_body, 0)

    pltpu.sync_copy(degv, degp_hbm.at[wid])


def _dinv_col(degp):
    ones = jnp.ones((NW, 1), jnp.float32)
    deg = lax.dot_general(degp, ones, (((0,), (0,)), ((), ())),
                          preferred_element_type=jnp.float32) + 1.0
    return lax.rsqrt(deg)


def _front_body(x_ref, wa_ref, wc_ref, degp_ref, ya_ref, yc_ref):
    dv = _dinv_col(degp_ref[...])
    xv = x_ref[...]
    f32 = jnp.float32
    ya_ref[...] = jnp.dot(xv, wa_ref[...], preferred_element_type=f32) * dv
    yc_ref[...] = jnp.dot(xv, wc_ref[...], preferred_element_type=f32) * dv


_front_call = pl.pallas_call(
    _front_body,
    out_shape=[
        jax.ShapeDtypeStruct((N, D), jnp.float32),
        jax.ShapeDtypeStruct((N, D), jnp.float32),
    ],
)


@functools.partial(
    pl.kernel,
    out_type=[
        jax.ShapeDtypeStruct((N, D), jnp.float32),
        jax.ShapeDtypeStruct((N, D), jnp.float32),
    ],
    mesh=_mesh,
    scratch_types=[
        pltpu.VMEM((SLAB, CHUNK), jnp.int32),
        pltpu.VMEM((SLAB, CHUNK), jnp.int32),
        pltpu.VMEM((CHUNK, D), jnp.float32),
        pltpu.VMEM((CHUNK, D), jnp.float32),
        pltpu.VMEM((CHUNK, D), jnp.float32),
        pltpu.VMEM_SHARED((N, D), jnp.float32),
        pltpu.SemaphoreType.DMA,
        pltpu.SemaphoreType.DMA,
        pltpu.SemaphoreType.DMA,
        pltpu.SemaphoreType.DMA,
        pltpu.SemaphoreType.DMA,
        pltpu.SemaphoreType.DMA,
        pltpu.SemaphoreType.DMA,
    ],
    compiler_params=_sc_params,
)
def _edge_kernel(ya_hbm, yc_hbm, ei_hbm, acca_hbm, accc_hbm,
                 srcv, dstv, rows0, rows1, rows2, accs,
                 g0, g1, g2, s0, s1, s2, isem):
    c = lax.axis_index("c")
    s = lax.axis_index("s")
    bufs = (rows0, rows1, rows2)
    gsems = (g0, g1, g2)
    ssems = (s0, s1, s2)

    def blocks_issue(src_at, dst_at, sem):
        for j in range((NBLK + NS - 1) // NS):
            g = j * NS + s

            @pl.when(g < NBLK)
            def _():
                pltpu.async_copy(src_at(g), dst_at(g), sem)

    def blocks_wait(src_at, dst_at, sem):
        for j in range((NBLK + NS - 1) // NS):
            g = j * NS + s

            @pl.when(g < NBLK)
            def _():
                pltpu.make_async_copy(src_at(g), dst_at(g), sem).wait()

    def blocks_copy(src_at, dst_at, sem):
        blocks_issue(src_at, dst_at, sem)
        blocks_wait(src_at, dst_at, sem)

    def run(y_hbm, out_hbm):
        init_src = lambda g: y_hbm.at[pl.ds(g * BLK, BLK)]
        init_dst = lambda g: accs.at[pl.ds(g * BLK, BLK)]
        blocks_issue(init_src, init_dst, isem)

        def gstart(l, b):
            pltpu.async_copy(y_hbm.at[srcv.at[l]], bufs[b], gsems[b])

        def gwait(b):
            pltpu.make_async_copy(y_hbm.at[srcv.at[0]], bufs[b], gsems[b]).wait()

        def sstart(l, b):
            pltpu.async_copy(bufs[b], accs.at[dstv.at[l]], ssems[b], add=True)

        def swait(b):
            pltpu.make_async_copy(bufs[b], accs.at[dstv.at[0]], ssems[b]).wait()

        for slab in range(NSLABS):
            ph = (slab * SLAB) % NBUF
            pltpu.async_copy(ei_hbm.at[0, s, pl.ds(slab * SLAB, SLAB)], srcv, g0)
            pltpu.async_copy(ei_hbm.at[1, s, pl.ds(slab * SLAB, SLAB)], dstv, g1)
            pltpu.make_async_copy(ei_hbm.at[0, s, pl.ds(slab * SLAB, SLAB)],
                                  srcv, g0).wait()
            pltpu.make_async_copy(ei_hbm.at[1, s, pl.ds(slab * SLAB, SLAB)],
                                  dstv, g1).wait()
            for l in range(NBUF - 1):
                gstart(l, (l + ph) % NBUF)

            if slab == 0:
                blocks_wait(init_src, init_dst, isem)
                plsc.subcore_barrier()

            def group(m, carry):
                l0 = m * NBUF
                for k in range(NBUF):
                    b = (k + ph) % NBUF
                    gwait(b)
                    sstart(l0 + k, b)
                    if k == 0:
                        @pl.when(m > 0)
                        def _():
                            swait((ph - 1) % NBUF)
                    else:
                        swait((k - 1 + ph) % NBUF)
                    if k == 0:
                        gstart(l0 + k + NBUF - 1, (b + NBUF - 1) % NBUF)
                    else:
                        @pl.when(l0 + k + NBUF - 1 < SLAB)
                        def _():
                            gstart(l0 + k + NBUF - 1, (b + NBUF - 1) % NBUF)
                return carry

            ngroups = SLAB // NBUF
            lax.fori_loop(0, ngroups, group, 0)
            for l in range(ngroups * NBUF, SLAB):
                b = (l + ph) % NBUF
                gwait(b)
                sstart(l, b)
                swait((b + NBUF - 1) % NBUF)
            swait((SLAB - 1 + ph) % NBUF)
        plsc.subcore_barrier()
        blocks_copy(lambda g: accs.at[pl.ds(g * BLK, BLK)],
                    lambda g: out_hbm.at[pl.ds(g * BLK, BLK)], g0)

    @pl.when(c == 0)
    def _():
        run(ya_hbm, acca_hbm)

    @pl.when(c == 1)
    def _():
        run(yc_hbm, accc_hbm)


def _softplus(v):
    return jnp.maximum(v, 0.0) + jnp.log1p(jnp.exp(-jnp.abs(v)))


def _epi_body(acca_ref, accc_ref, degp_ref, x_ref,
              bca_ref, w1a_ref, b1a_ref, w2a_ref, b2a_ref, w3a_ref, b3a_ref,
              bcc_ref, w1c_ref, b1c_ref, w2c_ref, b2c_ref, w3c_ref, b3c_ref,
              conc_ref, probs_ref, val_ref):
    dv = _dinv_col(degp_ref[...])
    xv = x_ref[...]
    f32 = jnp.float32

    ha = jnp.maximum(dv * acca_ref[...] + bca_ref[...], 0.0)
    xa = ha + xv
    t = jnp.maximum(jnp.dot(xa, w1a_ref[...], preferred_element_type=f32)
                    + b1a_ref[...], 0.0)
    t = jnp.maximum(jnp.dot(t, w2a_ref[...], preferred_element_type=f32)
                    + b2a_ref[...], 0.0)
    ao = (lax.dot_general(w3a_ref[...], t, (((0,), (1,)), ((), ())),
                          preferred_element_type=f32)
          + b3a_ref[...][:, None])
    conc_ref[...] = jnp.reshape(_softplus(ao[0:1, :]) + 1e-20, (N,))
    p2 = _softplus(ao[1:2, :])
    probs_ref[...] = jnp.reshape(p2 / jnp.sum(p2), (N,))

    hc = jnp.maximum(dv * accc_ref[...] + bcc_ref[...], 0.0)
    xc = jnp.sum(hc + xv, axis=0, keepdims=True)
    u = jnp.maximum(jnp.dot(xc, w1c_ref[...], preferred_element_type=f32)
                    + b1c_ref[...], 0.0)
    u = jnp.maximum(jnp.dot(u, w2c_ref[...], preferred_element_type=f32)
                    + b2c_ref[...], 0.0)
    val_ref[...] = jnp.dot(u, w3c_ref[...], preferred_element_type=f32) + b3c_ref[...]


_epi_call = pl.pallas_call(
    _epi_body,
    out_shape=[
        jax.ShapeDtypeStruct((N,), jnp.float32),
        jax.ShapeDtypeStruct((N,), jnp.float32),
        jax.ShapeDtypeStruct((1, 2), jnp.float32),
    ],
)


def kernel(x, edge_index, Wc_a, bc_a, W1_a, b1_a, W2_a, b2_a, W3_a, b3_a,
           Wc_c, bc_c, W1_c, b1_c, W2_c, b2_c, W3_c, b3_c):
    ei4 = edge_index.reshape(2, NS, NCHUNKS, CHUNK)
    degp = _deg_kernel(edge_index)
    ya, yc = _front_call(x, Wc_a, Wc_c, degp)

    acca, accc = _edge_kernel(ya, yc, ei4)

    conc, probs, value = _epi_call(
        acca, accc, degp, x,
        bc_a, W1_a, b1_a, W2_a, b2_a, W3_a, b3_a,
        bc_c, W1_c, b1_c, W2_c, b2_c, W3_c, b3_c,
    )
    return conc.reshape(-1), value.reshape(-1), probs.reshape(-1)

# --- scband reference (transcript-rebuilt; emitter-appended) ---
"""Pipeline reference for scband-a2-c-12884901888487 (READ-ONLY COPY).

The authoritative reference and input builder live on the scoring server;
editing this copy changes nothing except your own understanding.
"""

import jax, jax.numpy as jnp
import numpy as np

N = 10000
E = 320000
D = 128
H = 32


def _gcn_conv(x, W, b, src, dst, n):
    # PyG GCNConv: add self-loops, symmetric normalization, scatter-add aggregate
    xw = x @ W
    loop = jnp.arange(n, dtype=src.dtype)
    s = jnp.concatenate([src, loop])
    d = jnp.concatenate([dst, loop])
    deg = jax.ops.segment_sum(jnp.ones(s.shape[0], dtype=xw.dtype), d, num_segments=n)
    dinv = jnp.where(deg > 0, jax.lax.rsqrt(jnp.maximum(deg, 1e-12)), 0.0)
    norm = dinv[s] * dinv[d]
    msg = xw[s] * norm[:, None]
    out = jax.ops.segment_sum(msg, d, num_segments=n)
    return out + b


def setup_inputs(seed: int = 0) -> dict:
    key = jax.random.key(seed)
    ks = jax.random.split(key, 20)
    inp = {}
    inp['x'] = jax.random.normal(ks[0], (N, D), dtype=jnp.float32)
    inp['edge_index'] = jax.random.randint(ks[1], (2, E), 0, N, dtype=jnp.int32)
    sc = 0.05
    # actor params: GCNConv(D->D) + lin1(D->32) + lin2(32->32) + lin3(32->2)
    inp['Wc_a'] = jax.random.normal(ks[2], (D, D), dtype=jnp.float32) * sc
    inp['bc_a'] = jnp.zeros((D,), dtype=jnp.float32)
    inp['W1_a'] = jax.random.normal(ks[3], (D, H), dtype=jnp.float32) * sc
    inp['b1_a'] = jnp.zeros((H,), dtype=jnp.float32)
    inp['W2_a'] = jax.random.normal(ks[4], (H, H), dtype=jnp.float32) * sc
    inp['b2_a'] = jnp.zeros((H,), dtype=jnp.float32)
    inp['W3_a'] = jax.random.normal(ks[5], (H, 2), dtype=jnp.float32) * sc
    inp['b3_a'] = jnp.zeros((2,), dtype=jnp.float32)
    # critic params
    inp['Wc_c'] = jax.random.normal(ks[6], (D, D), dtype=jnp.float32) * sc
    inp['bc_c'] = jnp.zeros((D,), dtype=jnp.float32)
    inp['W1_c'] = jax.random.normal(ks[7], (D, H), dtype=jnp.float32) * sc
    inp['b1_c'] = jnp.zeros((H,), dtype=jnp.float32)
    inp['W2_c'] = jax.random.normal(ks[8], (H, H), dtype=jnp.float32) * sc
    inp['b2_c'] = jnp.zeros((H,), dtype=jnp.float32)
    inp['W3_c'] = jax.random.normal(ks[9], (H, 2), dtype=jnp.float32) * sc
    inp['b3_c'] = jnp.zeros((2,), dtype=jnp.float32)
    return inp


def reference(x, edge_index, Wc_a, bc_a, W1_a, b1_a, W2_a, b2_a, W3_a, b3_a,
              Wc_c, bc_c, W1_c, b1_c, W2_c, b2_c, W3_c, b3_c):
    jitter = 1e-20
    src = edge_index[0]
    dst = edge_index[1]
    n = x.shape[0]
    # --- actor (GNNActor.forward) ---
    h = jax.nn.relu(_gcn_conv(x, Wc_a, bc_a, src, dst, n))
    xa = h + x
    xa = jax.nn.relu(xa @ W1_a + b1_a)
    xa = jax.nn.relu(xa @ W2_a + b2_a)
    a_out = xa @ W3_a + b3_a  # [N, 2]
    a_out1 = a_out[:, 0]
    a_out2 = a_out[:, 1]
    concentration = jax.nn.softplus(a_out1).reshape(-1) + jitter
    action2_probs = jax.nn.softplus(a_out2).reshape(-1)
    action2_probs = action2_probs / jnp.sum(action2_probs)
    # --- critic (GNNCritic.forward) ---
    hc = jax.nn.relu(_gcn_conv(x, Wc_c, bc_c, src, dst, n))
    xc = hc + x
    xc = jnp.sum(xc, axis=0)  # [D]
    xc = jax.nn.relu(xc @ W1_c + b1_c)
    xc = jax.nn.relu(xc @ W2_c + b2_c)
    value = xc @ W3_c + b3_c  # [2]
    return (concentration, value, action2_probs)


if False:  # reference __main__ guard neutralized (emitter)
    out = reference(**setup_inputs())
    print([o.shape for o in out])

if __name__ == "__main__":
    import jax
    _d = setup_inputs()
    print(jax.jit(kernel)(*tuple(_d.values())))

</pallas_src>

<mosaic_0001>
#map = affine_map<(d0, d1) -> (0, 0)>
#map1 = affine_map<(d0, d1) -> (0, 0, 0, 0)>
module attributes {stable_mosaic.version = 14 : i64} {
  func.func @_edge_kernel(%arg0: i32, %arg1: i32, %arg2: memref<10000x128xf32, #tpu.memory_space<hbm>>, %arg3: memref<10000x128xf32, #tpu.memory_space<hbm>>, %arg4: memref<2x16x200x100xi32, #tpu.memory_space<hbm>>, %arg5: memref<10000x128xf32, #tpu.memory_space<hbm>>, %arg6: memref<10000x128xf32, #tpu.memory_space<hbm>>, %arg7: memref<40x100xi32, #tpu.memory_space<vmem>>, %arg8: memref<40x100xi32, #tpu.memory_space<vmem>>, %arg9: memref<100x128xf32, #tpu.memory_space<vmem>>, %arg10: memref<100x128xf32, #tpu.memory_space<vmem>>, %arg11: memref<100x128xf32, #tpu.memory_space<vmem>>, %arg12: memref<10000x128xf32, #tpu.memory_space<vmem_shared>>, %arg13: memref<!tpu.dma_semaphore, #tpu.memory_space<semaphore_mem>>, %arg14: memref<!tpu.dma_semaphore, #tpu.memory_space<semaphore_mem>>, %arg15: memref<!tpu.dma_semaphore, #tpu.memory_space<semaphore_mem>>, %arg16: memref<!tpu.dma_semaphore, #tpu.memory_space<semaphore_mem>>, %arg17: memref<!tpu.dma_semaphore, #tpu.memory_space<semaphore_mem>>, %arg18: memref<!tpu.dma_semaphore, #tpu.memory_space<semaphore_mem>>, %arg19: memref<!tpu.dma_semaphore, #tpu.memory_space<semaphore_mem>>) attributes {dimension_semantics = [#tpu.dimension_semantics<core_parallel>, #tpu.dimension_semantics<subcore_parallel>], iteration_bounds = array<i64: 2, 16>, scalar_prefetch = 0 : i64, scratch_operands = 13 : i64, tpu.core_type = #tpu.core_type<sc_vector_subcore>, window_params = [{transform_indices = #map}, {transform_indices = #map}, {transform_indices = #map1}, {transform_indices = #map}, {transform_indices = #map}]} {
    %eq3A = arith.constant 0 : i32
    %eq3A_0 = arith.cmpi eq, %arg0, %eq3A : i32
    %convert_element_type3A = arith.extui %eq3A_0 : i1 to i32
    %cond3A = arith.constant 0 : i32
    %cond3A_1 = arith.cmpi ne, %convert_element_type3A, %cond3A : i32
    scf.if %cond3A_1 {
      %add3A = arith.constant 0 : i32
      %add3A_7 = arith.addi %add3A, %arg1 : i32
      %lt3A = arith.constant 125 : i32
      %lt3A_8 = arith.cmpi slt, %add3A_7, %lt3A : i32
      %convert_element_type3A_9 = arith.extui %lt3A_8 : i1 to i32
      %cond3A_10 = arith.constant 0 : i32
      %cond3A_11 = arith.cmpi ne, %convert_element_type3A_9, %cond3A_10 : i32
      scf.if %cond3A_11 {
        %mul3A = arith.constant 80 : i32
        %mul3A_647 = arith.muli %add3A_7, %mul3A : i32
        %mul3A_648 = arith.constant 80 : i32
        %mul3A_649 = arith.muli %add3A_7, %mul3A_648 : i32
        %dma_start3A_650 = arith.constant 0 : i32
        %dma_start3A_651 = tpu.memref_slice %arg12[%mul3A_649, %dma_start3A_650] : memref<10000x128xf32, #tpu.memory_space<vmem_shared>> -> memref<80x128xf32, #tpu.memory_space<vmem_shared>>
        %dma_start3A_652 = arith.constant 0 : i32
        %dma_start3A_653 = tpu.memref_slice %arg2[%mul3A_647, %dma_start3A_652] : memref<10000x128xf32, #tpu.memory_space<hbm>> -> memref<80x128xf32, #tpu.memory_space<hbm>>
        tpu.enqueue_dma source(%dma_start3A_653 : memref<80x128xf32, #tpu.memory_space<hbm>>) target(%dma_start3A_651 : memref<80x128xf32, #tpu.memory_space<vmem_shared>>) target_semaphore(%arg19 : memref<!tpu.dma_semaphore, #tpu.memory_space<semaphore_mem>>)
      } else {
      }
      %add3A_12 = arith.constant 16 : i32
      %add3A_13 = arith.addi %add3A_12, %arg1 : i32
      %lt3A_14 = arith.constant 125 : i32
      %lt3A_15 = arith.cmpi slt, %add3A_13, %lt3A_14 : i32
      %convert_element_type3A_16 = arith.extui %lt3A_15 : i1 to i32
      %cond3A_17 = arith.constant 0 : i32
      %cond3A_18 = arith.cmpi ne, %convert_element_type3A_16, %cond3A_17 : i32
      scf.if %cond3A_18 {
        %mul3A = arith.constant 80 : i32
        %mul3A_647 = arith.muli %add3A_13, %mul3A : i32
        %mul3A_648 = arith.constant 80 : i32
        %mul3A_649 = arith.muli %add3A_13, %mul3A_648 : i32
        %dma_start3A_650 = arith.constant 0 : i32
        %dma_start3A_651 = tpu.memref_slice %arg12[%mul3A_649, %dma_start3A_650] : memref<10000x128xf32, #tpu.memory_space<vmem_shared>> -> memref<80x128xf32, #tpu.memory_space<vmem_shared>>
        %dma_start3A_652 = arith.constant 0 : i32
        %dma_start3A_653 = tpu.memref_slice %arg2[%mul3A_647, %dma_start3A_652] : memref<10000x128xf32, #tpu.memory_space<hbm>> -> memref<80x128xf32, #tpu.memory_space<hbm>>
        tpu.enqueue_dma source(%dma_start3A_653 : memref<80x128xf32, #tpu.memory_space<hbm>>) target(%dma_start3A_651 : memref<80x128xf32, #tpu.memory_space<vmem_shared>>) target_semaphore(%arg19 : memref<!tpu.dma_semaphore, #tpu.memory_space<semaphore_mem>>)
      } else {
      }
      %add3A_19 = arith.constant 32 : i32
      %add3A_20 = arith.addi %add3A_19, %arg1 : i32
      %lt3A_21 = arith.constant 125 : i32
      %lt3A_22 = arith.cmpi slt, %add3A_20, %lt3A_21 : i32
      %convert_element_type3A_23 = arith.extui %lt3A_22 : i1 to i32
      %cond3A_24 = arith.constant 0 : i32
      %cond3A_25 = arith.cmpi ne, %convert_element_type3A_23, %cond3A_24 : i32
      scf.if %cond3A_25 {
        %mul3A = arith.constant 80 : i32
        %mul3A_647 = arith.muli %add3A_20, %mul3A : i32
        %mul3A_648 = arith.constant 80 : i32
        %mul3A_649 = arith.muli %add3A_20, %mul3A_648 : i32
        %dma_start3A_650 = arith.constant 0 : i32
        %dma_start3A_651 = tpu.memref_slice %arg12[%mul3A_649, %dma_start3A_650] : memref<10000x128xf32, #tpu.memory_space<vmem_shared>> -> memref<80x128xf32, #tpu.memory_space<vmem_shared>>
        %dma_start3A_652 = arith.constant 0 : i32
        %dma_start3A_653 = tpu.memref_slice %arg2[%mul3A_647, %dma_start3A_652] : memref<10000x128xf32, #tpu.memory_space<hbm>> -> memref<80x128xf32, #tpu.memory_space<hbm>>
        tpu.enqueue_dma source(%dma_start3A_653 : memref<80x128xf32, #tpu.memory_space<hbm>>) target(%dma_start3A_651 : memref<80x128xf32, #tpu.memory_space<vmem_shared>>) target_semaphore(%arg19 : memref<!tpu.dma_semaphore, #tpu.memory_space<semaphore_mem>>)
      } else {
      }
      %add3A_26 = arith.constant 48 : i32
      %add3A_27 = arith.addi %add3A_26, %arg1 : i32
      %lt3A_28 = arith.constant 125 : i32
      %lt3A_29 = arith.cmpi slt, %add3A_27, %lt3A_28 : i32
      %convert_element_type3A_30 = arith.extui %lt3A_29 : i1 to i32
      %cond3A_31 = arith.constant 0 : i32
      %cond3A_32 = arith.cmpi ne, %convert_element_type3A_30, %cond3A_31 : i32
      scf.if %cond3A_32 {
        %mul3A = arith.constant 80 : i32
        %mul3A_647 = arith.muli %add3A_27, %mul3A : i32
        %mul3A_648 = arith.constant 80 : i32
        %mul3A_649 = arith.muli %add3A_27, %mul3A_648 : i32
        %dma_start3A_650 = arith.constant 0 : i32
        %dma_start3A_651 = tpu.memref_slice %arg12[%mul3A_649, %dma_start3A_650] : memref<10000x128xf32, #tpu.memory_space<vmem_shared>> -> memref<80x128xf32, #tpu.memory_space<vmem_shared>>
        %dma_start3A_652 = arith.constant 0 : i32
        %dma_start3A_653 = tpu.memref_slice %arg2[%mul3A_647, %dma_start3A_652] : memref<10000x128xf32, #tpu.memory_space<hbm>> -> memref<80x128xf32, #tpu.memory_space<hbm>>
        tpu.enqueue_dma source(%dma_start3A_653 : memref<80x128xf32, #tpu.memory_space<hbm>>) target(%dma_start3A_651 : memref<80x128xf32, #tpu.memory_space<vmem_shared>>) target_semaphore(%arg19 : memref<!tpu.dma_semaphore, #tpu.memory_space<semaphore_mem>>)
      } else {
      }
      %add3A_33 = arith.constant 64 : i32
      %add3A_34 = arith.addi %add3A_33, %arg1 : i32
      %lt3A_35 = arith.constant 125 : i32
      %lt3A_36 = arith.cmpi slt, %add3A_34, %lt3A_35 : i32
      %convert_element_type3A_37 = arith.extui %lt3A_36 : i1 to i32
      %cond3A_38 = arith.constant 0 : i32
      %cond3A_39 = arith.cmpi ne, %convert_element_type3A_37, %cond3A_38 : i32
      scf.if %cond3A_39 {
        %mul3A = arith.constant 80 : i32
        %mul3A_647 = arith.muli %add3A_34, %mul3A : i32
        %mul3A_648 = arith.constant 80 : i32
        %mul3A_649 = arith.muli %add3A_34, %mul3A_648 : i32
        %dma_start3A_650 = arith.constant 0 : i32
        %dma_start3A_651 = tpu.memref_slice %arg12[%mul3A_649, %dma_start3A_650] : memref<10000x128xf32, #tpu.memory_space<vmem_shared>> -> memref<80x128xf32, #tpu.memory_space<vmem_shared>>
        %dma_start3A_652 = arith.constant 0 : i32
        %dma_start3A_653 = tpu.memref_slice %arg2[%mul3A_647, %dma_start3A_652] : memref<10000x128xf32, #tpu.memory_space<hbm>> -> memref<80x128xf32, #tpu.memory_space<hbm>>
        tpu.enqueue_dma source(%dma_start3A_653 : memref<80x128xf32, #tpu.memory_space<hbm>>) target(%dma_start3A_651 : memref<80x128xf32, #tpu.memory_space<vmem_shared>>) target_semaphore(%arg19 : memref<!tpu.dma_semaphore, #tpu.memory_space<semaphore_mem>>)
      } else {
      }
      %add3A_40 = arith.constant 80 : i32
      %add3A_41 = arith.addi %add3A_40, %arg1 : i32
      %lt3A_42 = arith.constant 125 : i32
      %lt3A_43 = arith.cmpi slt, %add3A_41, %lt3A_42 : i32
      %convert_element_type3A_44 = arith.extui %lt3A_43 : i1 to i32
      %cond3A_45 = arith.constant 0 : i32
      %cond3A_46 = arith.cmpi ne, %convert_element_type3A_44, %cond3A_45 : i32
      scf.if %cond3A_46 {
        %mul3A = arith.constant 80 : i32
        %mul3A_647 = arith.muli %add3A_41, %mul3A : i32
        %mul3A_648 = arith.constant 80 : i32
        %mul3A_649 = arith.muli %add3A_41, %mul3A_648 : i32
        %dma_start3A_650 = arith.constant 0 : i32
        %dma_start3A_651 = tpu.memref_slice %arg12[%mul3A_649, %dma_start3A_650] : memref<10000x128xf32, #tpu.memory_space<vmem_shared>> -> memref<80x128xf32, #tpu.memory_space<vmem_shared>>
        %dma_start3A_652 = arith.constant 0 : i32
        %dma_start3A_653 = tpu.memref_slice %arg2[%mul3A_647, %dma_start3A_652] : memref<10000x128xf32, #tpu.memory_space<hbm>> -> memref<80x128xf32, #tpu.memory_space<hbm>>
        tpu.enqueue_dma source(%dma_start3A_653 : memref<80x128xf32, #tpu.memory_space<hbm>>) target(%dma_start3A_651 : memref<80x128xf32, #tpu.memory_space<vmem_shared>>) target_semaphore(%arg19 : memref<!tpu.dma_semaphore, #tpu.memory_space<semaphore_mem>>)
      } else {
      }
      %add3A_47 = arith.constant 96 : i32
      %add3A_48 = arith.addi %add3A_47, %arg1 : i32
      %lt3A_49 = arith.constant 125 : i32
      %lt3A_50 = arith.cmpi slt, %add3A_48, %lt3A_49 : i32
      %convert_element_type3A_51 = arith.extui %lt3A_50 : i1 to i32
      %cond3A_52 = arith.constant 0 : i32
      %cond3A_53 = arith.cmpi ne, %convert_element_type3A_51, %cond3A_52 : i32
      scf.if %cond3A_53 {
        %mul3A = arith.constant 80 : i32
        %mul3A_647 = arith.muli %add3A_48, %mul3A : i32
        %mul3A_648 = arith.constant 80 : i32
        %mul3A_649 = arith.muli %add3A_48, %mul3A_648 : i32
        %dma_start3A_650 = arith.constant 0 : i32
        %dma_start3A_651 = tpu.memref_slice %arg12[%mul3A_649, %dma_start3A_650] : memref<10000x128xf32, #tpu.memory_space<vmem_shared>> -> memref<80x128xf32, #tpu.memory_space<vmem_shared>>
        %dma_start3A_652 = arith.constant 0 : i32
        %dma_start3A_653 = tpu.memref_slice %arg2[%mul3A_647, %dma_start3A_652] : memref<10000x128xf32, #tpu.memory_space<hbm>> -> memref<80x128xf32, #tpu.memory_space<hbm>>
        tpu.enqueue_dma source(%dma_start3A_653 : memref<80x128xf32, #tpu.memory_space<hbm>>) target(%dma_start3A_651 : memref<80x128xf32, #tpu.memory_space<vmem_shared>>) target_semaphore(%arg19 : memref<!tpu.dma_semaphore, #tpu.memory_space<semaphore_mem>>)
      } else {
      }
      %add3A_54 = arith.constant 112 : i32
      %add3A_55 = arith.addi %add3A_54, %arg1 : i32
      %lt3A_56 = arith.constant 125 : i32
      %lt3A_57 = arith.cmpi slt, %add3A_55, %lt3A_56 : i32
      %convert_element_type3A_58 = arith.extui %lt3A_57 : i1 to i32
      %cond3A_59 = arith.constant 0 : i32
      %cond3A_60 = arith.cmpi ne, %convert_element_type3A_58, %cond3A_59 : i32
      scf.if %cond3A_60 {
        %mul3A = arith.constant 80 : i32
        %mul3A_647 = arith.muli %add3A_55, %mul3A : i32
        %mul3A_648 = arith.constant 80 : i32
        %mul3A_649 = arith.muli %add3A_55, %mul3A_648 : i32
        %dma_start3A_650 = arith.constant 0 : i32
        %dma_start3A_651 = tpu.memref_slice %arg12[%mul3A_649, %dma_start3A_650] : memref<10000x128xf32, #tpu.memory_space<vmem_shared>> -> memref<80x128xf32, #tpu.memory_space<vmem_shared>>
        %dma_start3A_652 = arith.constant 0 : i32
        %dma_start3A_653 = tpu.memref_slice %arg2[%mul3A_647, %dma_start3A_652] : memref<10000x128xf32, #tpu.memory_space<hbm>> -> memref<80x128xf32, #tpu.memory_space<hbm>>
        tpu.enqueue_dma source(%dma_start3A_653 : memref<80x128xf32, #tpu.memory_space<hbm>>) target(%dma_start3A_651 : memref<80x128xf32, #tpu.memory_space<vmem_shared>>) target_semaphore(%arg19 : memref<!tpu.dma_semaphore, #tpu.memory_space<semaphore_mem>>)
      } else {
      }
      %dma_start3A = arith.constant 0 : i32
      %dma_start3A_61 = arith.constant 0 : i32
      %dma_start3A_62 = arith.constant 0 : i32
      %dma_start3A_63 = tpu.memref_slice %arg4[%dma_start3A, %arg1, %dma_start3A_61, %dma_start3A_62] : memref<2x16x200x100xi32, #tpu.memory_space<hbm>> -> memref<1x1x40x100xi32, #tpu.memory_space<hbm>>
      %dma_start3A_64 = tpu.memref_squeeze %dma_start3A_63 : memref<1x1x40x100xi32, #tpu.memory_space<hbm>> -> memref<40x100xi32, #tpu.memory_space<hbm>>
      %dma_start3A_65 = arith.constant 0 : i32
      %dma_start3A_66 = arith.constant 0 : i32
      %dma_start3A_67 = tpu.memref_slice %arg4[%dma_start3A, %arg1, %dma_start3A_65, %dma_start3A_66] : memref<2x16x200x100xi32, #tpu.memory_space<hbm>> -> memref<1x1x40x100xi32, #tpu.memory_space<hbm>>
      %dma_start3A_68 = tpu.memref_squeeze %dma_start3A_67 : memref<1x1x40x100xi32, #tpu.memory_space<hbm>> -> memref<40x100xi32, #tpu.memory_space<hbm>>
      tpu.enqueue_dma source(%dma_start3A_68 : memref<40x100xi32, #tpu.memory_space<hbm>>) target(%arg7 : memref<40x100xi32, #tpu.memory_space<vmem>>) target_semaphore(%arg13 : memref<!tpu.dma_semaphore, #tpu.memory_space<semaphore_mem>>)
      %dma_start3A_69 = arith.constant 1 : i32
      %dma_start3A_70 = arith.constant 0 : i32
      %dma_start3A_71 = arith.constant 0 : i32
      %dma_start3A_72 = tpu.memref_slice %arg4[%dma_start3A_69, %arg1, %dma_start3A_70, %dma_start3A_71] : memref<2x16x200x100xi32, #tpu.memory_space<hbm>> -> memref<1x1x40x100xi32, #tpu.memory_space<hbm>>
      %dma_start3A_73 = tpu.memref_squeeze %dma_start3A_72 : memref<1x1x40x100xi32, #tpu.memory_space<hbm>> -> memref<40x100xi32, #tpu.memory_space<hbm>>
      %dma_start3A_74 = arith.constant 0 : i32
      %dma_start3A_75 = arith.constant 0 : i32
      %dma_start3A_76 = tpu.memref_slice %arg4[%dma_start3A_69, %arg1, %dma_start3A_74, %dma_start3A_75] : memref<2x16x200x100xi32, #tpu.memory_space<hbm>> -> memref<1x1x40x100xi32, #tpu.memory_space<hbm>>
      %dma_start3A_77 = tpu.memref_squeeze %dma_start3A_76 : memref<1x1x40x100xi32, #tpu.memory_space<hbm>> -> memref<40x100xi32, #tpu.memory_space<hbm>>
      tpu.enqueue_dma source(%dma_start3A_77 : memref<40x100xi32, #tpu.memory_space<hbm>>) target(%arg8 : memref<40x100xi32, #tpu.memory_space<vmem>>) target_semaphore(%arg14 : memref<!tpu.dma_semaphore, #tpu.memory_space<semaphore_mem>>)
      %dma_wait3A = arith.constant 0 : i32
      %dma_wait3A_78 = arith.constant 0 : i32
      %dma_wait3A_79 = arith.constant 0 : i32
      %dma_wait3A_80 = tpu.memref_slice %arg4[%dma_wait3A, %arg1, %dma_wait3A_78, %dma_wait3A_79] : memref<2x16x200x100xi32, #tpu.memory_space<hbm>> -> memref<1x1x40x100xi32, #tpu.memory_space<hbm>>
      %dma_wait3A_81 = tpu.memref_squeeze %dma_wait3A_80 : memref<1x1x40x100xi32, #tpu.memory_space<hbm>> -> memref<40x100xi32, #tpu.memory_space<hbm>>
      %dma_wait3A_82 = arith.constant 0 : i32
      %dma_wait3A_83 = arith.constant 0 : i32
      %dma_wait3A_84 = tpu.memref_slice %arg4[%dma_wait3A, %arg1, %dma_wait3A_82, %dma_wait3A_83] : memref<2x16x200x100xi32, #tpu.memory_space<hbm>> -> memref<1x1x40x100xi32, #tpu.memory_space<hbm>>
      %dma_wait3A_85 = tpu.memref_squeeze %dma_wait3A_84 : memref<1x1x40x100xi32, #tpu.memory_space<hbm>> -> memref<40x100xi32, #tpu.memory_space<hbm>>
      tpu.wait_dma2 semaphore(%arg13 : memref<!tpu.dma_semaphore, #tpu.memory_space<semaphore_mem>>) src(%dma_wait3A_85 : memref<40x100xi32, #tpu.memory_space<hbm>>) dst(%arg7 : memref<40x100xi32, #tpu.memory_space<vmem>>)
      %dma_wait3A_86 = arith.constant 1 : i32
      %dma_wait3A_87 = arith.constant 0 : i32
      %dma_wait3A_88 = arith.constant 0 : i32
      %dma_wait3A_89 = tpu.memref_slice %arg4[%dma_wait3A_86, %arg1, %dma_wait3A_87, %dma_wait3A_88] : memref<2x16x200x100xi32, #tpu.memory_space<hbm>> -> memref<1x1x40x100xi32, #tpu.memory_space<hbm>>
      %dma_wait3A_90 = tpu.memref_squeeze %dma_wait3A_89 : memref<1x1x40x100xi32, #tpu.memory_space<hbm>> -> memref<40x100xi32, #tpu.memory_space<hbm>>
      %dma_wait3A_91 = arith.constant 0 : i32
      %dma_wait3A_92 = arith.constant 0 : i32
      %dma_wait3A_93 = tpu.memref_slice %arg4[%dma_wait3A_86, %arg1, %dma_wait3A_91, %dma_wait3A_92] : memref<2x16x200x100xi32, #tpu.memory_space<hbm>> -> memref<1x1x40x100xi32, #tpu.memory_space<hbm>>
      %dma_wait3A_94 = tpu.memref_squeeze %dma_wait3A_93 : memref<1x1x40x100xi32, #tpu.memory_space<hbm>> -> memref<40x100xi32, #tpu.memory_space<hbm>>
      tpu.wait_dma2 semaphore(%arg14 : memref<!tpu.dma_semaphore, #tpu.memory_space<semaphore_mem>>) src(%dma_wait3A_94 : memref<40x100xi32, #tpu.memory_space<hbm>>) dst(%arg8 : memref<40x100xi32, #tpu.memory_space<vmem>>)
      %dma_start3A_95 = arith.constant 0 : i32
      %dma_start3A_96 = arith.constant 0 : i32
      %dma_start3A_97 = tpu.memref_slice %arg7[%dma_start3A_95, %dma_start3A_96] : memref<40x100xi32, #tpu.memory_space<vmem>> -> memref<1x100xi32, #tpu.memory_space<vmem>>
      %dma_start3A_98 = tpu.memref_squeeze %dma_start3A_97 : memref<1x100xi32, #tpu.memory_space<vmem>> -> memref<100xi32, #tpu.memory_space<vmem>>
      %dma_start3A_99 = arith.constant 0 : i32
      %dma_start3A_100 = arith.constant 0 : i32
      %dma_start3A_101 = tpu.memref_slice %arg2[%dma_start3A_99, %dma_start3A_100] : memref<10000x128xf32, #tpu.memory_space<hbm>> -> memref<10000x128xf32, #tpu.memory_space<hbm>>
      tpu.enqueue_indirect_dma source(%dma_start3A_101 : memref<10000x128xf32, #tpu.memory_space<hbm>>) target(%arg9 : memref<100x128xf32, #tpu.memory_space<vmem>>) offsets(%dma_start3A_98 : memref<100xi32, #tpu.memory_space<vmem>>) semaphore(%arg13 : memref<!tpu.dma_semaphore, #tpu.memory_space<semaphore_mem>>)
      %dma_start3A_102 = arith.constant 1 : i32
      %dma_start3A_103 = arith.constant 0 : i32
      %dma_start3A_104 = tpu.memref_slice %arg7[%dma_start3A_102, %dma_start3A_103] : memref<40x100xi32, #tpu.memory_space<vmem>> -> memref<1x100xi32, #tpu.memory_space<vmem>>
      %dma_start3A_105 = tpu.memref_squeeze %dma_start3A_104 : memref<1x100xi32, #tpu.memory_space<vmem>> -> memref<100xi32, #tpu.memory_space<vmem>>
      %dma_start3A_106 = arith.constant 0 : i32
      %dma_start3A_107 = arith.constant 0 : i32
      %dma_start3A_108 = tpu.memref_slice %arg2[%dma_start3A_106, %dma_start3A_107] : memref<10000x128xf32, #tpu.memory_space<hbm>> -> memref<10000x128xf32, #tpu.memory_space<hbm>>
      tpu.enqueue_indirect_dma source(%dma_start3A_108 : memref<10000x128xf32, #tpu.memory_space<hbm>>) target(%arg10 : memref<100x128xf32, #tpu.memory_space<vmem>>) offsets(%dma_start3A_105 : memref<100xi32, #tpu.memory_space<vmem>>) semaphore(%arg14 : memref<!tpu.dma_semaphore, #tpu.memory_space<semaphore_mem>>)
      %add3A_109 = arith.constant 0 : i32
      %add3A_110 = arith.addi %add3A_109, %arg1 : i32
      %lt3A_111 = arith.constant 125 : i32
      %lt3A_112 = arith.cmpi slt, %add3A_110, %lt3A_111 : i32
      %convert_element_type3A_113 = arith.extui %lt3A_112 : i1 to i32
      %cond3A_114 = arith.constant 0 : i32
      %cond3A_115 = arith.cmpi ne, %convert_element_type3A_113, %cond3A_114 : i32
      scf.if %cond3A_115 {
        %mul3A = arith.constant 80 : i32
        %mul3A_647 = arith.muli %add3A_110, %mul3A : i32
        %mul3A_648 = arith.constant 80 : i32
        %mul3A_649 = arith.muli %add3A_110, %mul3A_648 : i32
        %dma_wait3A_650 = arith.constant 0 : i32
        %dma_wait3A_651 = tpu.memref_slice %arg12[%mul3A_649, %dma_wait3A_650] : memref<10000x128xf32, #tpu.memory_space<vmem_shared>> -> memref<80x128xf32, #tpu.memory_space<vmem_shared>>
        %dma_wait3A_652 = arith.constant 0 : i32
        %dma_wait3A_653 = tpu.memref_slice %arg2[%mul3A_647, %dma_wait3A_652] : memref<10000x128xf32, #tpu.memory_space<hbm>> -> memref<80x128xf32, #tpu.memory_space<hbm>>
        tpu.wait_dma2 semaphore(%arg19 : memref<!tpu.dma_semaphore, #tpu.memory_space<semaphore_mem>>) src(%dma_wait3A_653 : memref<80x128xf32, #tpu.memory_space<hbm>>) dst(%dma_wait3A_651 : memref<80x128xf32, #tpu.memory_space<vmem_shared>>)
      } else {
      }
      %add3A_116 = arith.constant 16 : i32
      %add3A_117 = arith.addi %add3A_116, %arg1 : i32
      %lt3A_118 = arith.constant 125 : i32
      %lt3A_119 = arith.cmpi slt, %add3A_117, %lt3A_118 : i32
      %convert_element_type3A_120 = arith.extui %lt3A_119 : i1 to i32
      %cond3A_121 = arith.constant 0 : i32
      %cond3A_122 = arith.cmpi ne, %convert_element_type3A_120, %cond3A_121 : i32
      scf.if %cond3A_122 {
        %mul3A = arith.constant 80 : i32
        %mul3A_647 = arith.muli %add3A_117, %mul3A : i32
        %mul3A_648 = arith.constant 80 : i32
        %mul3A_649 = arith.muli %add3A_117, %mul3A_648 : i32
        %dma_wait3A_650 = arith.constant 0 : i32
        %dma_wait3A_651 = tpu.memref_slice %arg12[%mul3A_649, %dma_wait3A_650] : memref<10000x128xf32, #tpu.memory_space<vmem_shared>> -> memref<80x128xf32, #tpu.memory_space<vmem_shared>>
        %dma_wait3A_652 = arith.constant 0 : i32
        %dma_wait3A_653 = tpu.memref_slice %arg2[%mul3A_647, %dma_wait3A_652] : memref<10000x128xf32, #tpu.memory_space<hbm>> -> memref<80x128xf32, #tpu.memory_space<hbm>>
        tpu.wait_dma2 semaphore(%arg19 : memref<!tpu.dma_semaphore, #tpu.memory_space<semaphore_mem>>) src(%dma_wait3A_653 : memref<80x128xf32, #tpu.memory_space<hbm>>) dst(%dma_wait3A_651 : memref<80x128xf32, #tpu.memory_space<vmem_shared>>)
      } else {
      }
      %add3A_123 = arith.constant 32 : i32
      %add3A_124 = arith.addi %add3A_123, %arg1 : i32
      %lt3A_125 = arith.constant 125 : i32
      %lt3A_126 = arith.cmpi slt, %add3A_124, %lt3A_125 : i32
      %convert_element_type3A_127 = arith.extui %lt3A_126 : i1 to i32
      %cond3A_128 = arith.constant 0 : i32
      %cond3A_129 = arith.cmpi ne, %convert_element_type3A_127, %cond3A_128 : i32
      scf.if %cond3A_129 {
        %mul3A = arith.constant 80 : i32
        %mul3A_647 = arith.muli %add3A_124, %mul3A : i32
        %mul3A_648 = arith.constant 80 : i32
        %mul3A_649 = arith.muli %add3A_124, %mul3A_648 : i32
        %dma_wait3A_650 = arith.constant 0 : i32
        %dma_wait3A_651 = tpu.memref_slice %arg12[%mul3A_649, %dma_wait3A_650] : memref<10000x128xf32, #tpu.memory_space<vmem_shared>> -> memref<80x128xf32, #tpu.memory_space<vmem_shared>>
        %dma_wait3A_652 = arith.constant 0 : i32
        %dma_wait3A_653 = tpu.memref_slice %arg2[%mul3A_647, %dma_wait3A_652] : memref<10000x128xf32, #tpu.memory_space<hbm>> -> memref<80x128xf32, #tpu.memory_space<hbm>>
        tpu.wait_dma2 semaphore(%arg19 : memref<!tpu.dma_semaphore, #tpu.memory_space<semaphore_mem>>) src(%dma_wait3A_653 : memref<80x128xf32, #tpu.memory_space<hbm>>) dst(%dma_wait3A_651 : memref<80x128xf32, #tpu.memory_space<vmem_shared>>)
      } else {
      }
      %add3A_130 = arith.constant 48 : i32
      %add3A_131 = arith.addi %add3A_130, %arg1 : i32
      %lt3A_132 = arith.constant 125 : i32
      %lt3A_133 = arith.cmpi slt, %add3A_131, %lt3A_132 : i32
      %convert_element_type3A_134 = arith.extui %lt3A_133 : i1 to i32
      %cond3A_135 = arith.constant 0 : i32
      %cond3A_136 = arith.cmpi ne, %convert_element_type3A_134, %cond3A_135 : i32
      scf.if %cond3A_136 {
        %mul3A = arith.constant 80 : i32
        %mul3A_647 = arith.muli %add3A_131, %mul3A : i32
        %mul3A_648 = arith.constant 80 : i32
        %mul3A_649 = arith.muli %add3A_131, %mul3A_648 : i32
        %dma_wait3A_650 = arith.constant 0 : i32
        %dma_wait3A_651 = tpu.memref_slice %arg12[%mul3A_649, %dma_wait3A_650] : memref<10000x128xf32, #tpu.memory_space<vmem_shared>> -> memref<80x128xf32, #tpu.memory_space<vmem_shared>>
        %dma_wait3A_652 = arith.constant 0 : i32
        %dma_wait3A_653 = tpu.memref_slice %arg2[%mul3A_647, %dma_wait3A_652] : memref<10000x128xf32, #tpu.memory_space<hbm>> -> memref<80x128xf32, #tpu.memory_space<hbm>>
        tpu.wait_dma2 semaphore(%arg19 : memref<!tpu.dma_semaphore, #tpu.memory_space<semaphore_mem>>) src(%dma_wait3A_653 : memref<80x128xf32, #tpu.memory_space<hbm>>) dst(%dma_wait3A_651 : memref<80x128xf32, #tpu.memory_space<vmem_shared>>)
      } else {
      }
      %add3A_137 = arith.constant 64 : i32
      %add3A_138 = arith.addi %add3A_137, %arg1 : i32
      %lt3A_139 = arith.constant 125 : i32
      %lt3A_140 = arith.cmpi slt, %add3A_138, %lt3A_139 : i32
      %convert_element_type3A_141 = arith.extui %lt3A_140 : i1 to i32
      %cond3A_142 = arith.constant 0 : i32
      %cond3A_143 = arith.cmpi ne, %convert_element_type3A_141, %cond3A_142 : i32
      scf.if %cond3A_143 {
        %mul3A = arith.constant 80 : i32
        %mul3A_647 = arith.muli %add3A_138, %mul3A : i32
        %mul3A_648 = arith.constant 80 : i32
        %mul3A_649 = arith.muli %add3A_138, %mul3A_648 : i32
        %dma_wait3A_650 = arith.constant 0 : i32
        %dma_wait3A_651 = tpu.memref_slice %arg12[%mul3A_649, %dma_wait3A_650] : memref<10000x128xf32, #tpu.memory_space<vmem_shared>> -> memref<80x128xf32, #tpu.memory_space<vmem_shared>>
        %dma_wait3A_652 = arith.constant 0 : i32
        %dma_wait3A_653 = tpu.memref_slice %arg2[%mul3A_647, %dma_wait3A_652] : memref<10000x128xf32, #tpu.memory_space<hbm>> -> memref<80x128xf32, #tpu.memory_space<hbm>>
        tpu.wait_dma2 semaphore(%arg19 : memref<!tpu.dma_semaphore, #tpu.memory_space<semaphore_mem>>) src(%dma_wait3A_653 : memref<80x128xf32, #tpu.memory_space<hbm>>) dst(%dma_wait3A_651 : memref<80x128xf32, #tpu.memory_space<vmem_shared>>)
      } else {
      }
      %add3A_144 = arith.constant 80 : i32
      %add3A_145 = arith.addi %add3A_144, %arg1 : i32
      %lt3A_146 = arith.constant 125 : i32
      %lt3A_147 = arith.cmpi slt, %add3A_145, %lt3A_146 : i32
      %convert_element_type3A_148 = arith.extui %lt3A_147 : i1 to i32
      %cond3A_149 = arith.constant 0 : i32
      %cond3A_150 = arith.cmpi ne, %convert_element_type3A_148, %cond3A_149 : i32
      scf.if %cond3A_150 {
        %mul3A = arith.constant 80 : i32
        %mul3A_647 = arith.muli %add3A_145, %mul3A : i32
        %mul3A_648 = arith.constant 80 : i32
        %mul3A_649 = arith.muli %add3A_145, %mul3A_648 : i32
        %dma_wait3A_650 = arith.constant 0 : i32
        %dma_wait3A_651 = tpu.memref_slice %arg12[%mul3A_649, %dma_wait3A_650] : memref<10000x128xf32, #tpu.memory_space<vmem_shared>> -> memref<80x128xf32, #tpu.memory_space<vmem_shared>>
        %dma_wait3A_652 = arith.constant 0 : i32
        %dma_wait3A_653 = tpu.memref_slice %arg2[%mul3A_647, %dma_wait3A_652] : memref<10000x128xf32, #tpu.memory_space<hbm>> -> memref<80x128xf32, #tpu.memory_space<hbm>>
        tpu.wait_dma2 semaphore(%arg19 : memref<!tpu.dma_semaphore, #tpu.memory_space<semaphore_mem>>) src(%dma_wait3A_653 : memref<80x128xf32, #tpu.memory_space<hbm>>) dst(%dma_wait3A_651 : memref<80x128xf32, #tpu.memory_space<vmem_shared>>)
      } else {
      }
      %add3A_151 = arith.constant 96 : i32
      %add3A_152 = arith.addi %add3A_151, %arg1 : i32
      %lt3A_153 = arith.constant 125 : i32
      %lt3A_154 = arith.cmpi slt, %add3A_152, %lt3A_153 : i32
      %convert_element_type3A_155 = arith.extui %lt3A_154 : i1 to i32
      %cond3A_156 = arith.constant 0 : i32
      %cond3A_157 = arith.cmpi ne, %convert_element_type3A_155, %cond3A_156 : i32
      scf.if %cond3A_157 {
        %mul3A = arith.constant 80 : i32
        %mul3A_647 = arith.muli %add3A_152, %mul3A : i32
        %mul3A_648 = arith.constant 80 : i32
        %mul3A_649 = arith.muli %add3A_152, %mul3A_648 : i32
        %dma_wait3A_650 = arith.constant 0 : i32
        %dma_wait3A_651 = tpu.memref_slice %arg12[%mul3A_649, %dma_wait3A_650] : memref<10000x128xf32, #tpu.memory_space<vmem_shared>> -> memref<80x128xf32, #tpu.memory_space<vmem_shared>>
        %dma_wait3A_652 = arith.constant 0 : i32
        %dma_wait3A_653 = tpu.memref_slice %arg2[%mul3A_647, %dma_wait3A_652] : memref<10000x128xf32, #tpu.memory_space<hbm>> -> memref<80x128xf32, #tpu.memory_space<hbm>>
        tpu.wait_dma2 semaphore(%arg19 : memref<!tpu.dma_semaphore, #tpu.memory_space<semaphore_mem>>) src(%dma_wait3A_653 : memref<80x128xf32, #tpu.memory_space<hbm>>) dst(%dma_wait3A_651 : memref<80x128xf32, #tpu.memory_space<vmem_shared>>)
      } else {
      }
      %add3A_158 = arith.constant 112 : i32
      %add3A_159 = arith.addi %add3A_158, %arg1 : i32
      %lt3A_160 = arith.constant 125 : i32
      %lt3A_161 = arith.cmpi slt, %add3A_159, %lt3A_160 : i32
      %convert_element_type3A_162 = arith.extui %lt3A_161 : i1 to i32
      %cond3A_163 = arith.constant 0 : i32
      %cond3A_164 = arith.cmpi ne, %convert_element_type3A_162, %cond3A_163 : i32
      scf.if %cond3A_164 {
        %mul3A = arith.constant 80 : i32
        %mul3A_647 = arith.muli %add3A_159, %mul3A : i32
        %mul3A_648 = arith.constant 80 : i32
        %mul3A_649 = arith.muli %add3A_159, %mul3A_648 : i32
        %dma_wait3A_650 = arith.constant 0 : i32
        %dma_wait3A_651 = tpu.memref_slice %arg12[%mul3A_649, %dma_wait3A_650] : memref<10000x128xf32, #tpu.memory_space<vmem_shared>> -> memref<80x128xf32, #tpu.memory_space<vmem_shared>>
        %dma_wait3A_652 = arith.constant 0 : i32
        %dma_wait3A_653 = tpu.memref_slice %arg2[%mul3A_647, %dma_wait3A_652] : memref<10000x128xf32, #tpu.memory_space<hbm>> -> memref<80x128xf32, #tpu.memory_space<hbm>>
        tpu.wait_dma2 semaphore(%arg19 : memref<!tpu.dma_semaphore, #tpu.memory_space<semaphore_mem>>) src(%dma_wait3A_653 : memref<80x128xf32, #tpu.memory_space<hbm>>) dst(%dma_wait3A_651 : memref<80x128xf32, #tpu.memory_space<vmem_shared>>)
      } else {
      }
      %barrier3A = arith.constant 0 : index
      tpu.barrier barrier_id(%barrier3A)
      %scan3A = arith.constant 0 : i32
      %scan3A_165 = arith.constant 0 : i32
      %scan3A_166 = arith.constant 13 : i32
      %scan3A_167 = arith.addi %scan3A_165, %scan3A_166 : i32
      %scan3A_168 = arith.constant 1 : i32
      scf.for %scan3A_647 = %scan3A_165 to %scan3A_167 step %scan3A_168  : i32 {
        %mul3A = arith.constant 3 : i32
        %mul3A_648 = arith.muli %scan3A_647, %mul3A : i32
        %dma_wait3A_649 = arith.constant 0 : i32
        %dma_wait3A_650 = arith.constant 0 : i32
        %dma_wait3A_651 = tpu.memref_slice %arg7[%dma_wait3A_649, %dma_wait3A_650] : memref<40x100xi32, #tpu.memory_space<vmem>> -> memref<1x100xi32, #tpu.memory_space<vmem>>
        %dma_wait3A_652 = tpu.memref_squeeze %dma_wait3A_651 : memref<1x100xi32, #tpu.memory_space<vmem>> -> memref<100xi32, #tpu.memory_space<vmem>>
        %dma_wait3A_653 = arith.constant 0 : i32
        %dma_wait3A_654 = arith.constant 0 : i32
        %dma_wait3A_655 = tpu.memref_slice %arg2[%dma_wait3A_653, %dma_wait3A_654] : memref<10000x128xf32, #tpu.memory_space<hbm>> -> memref<10000x128xf32, #tpu.memory_space<hbm>>
        tpu.wait_indirect_dma semaphore(%arg13 : memref<!tpu.dma_semaphore, #tpu.memory_space<semaphore_mem>>) src(%dma_wait3A_655 : memref<10000x128xf32, #tpu.memory_space<hbm>>) dst(%arg9 : memref<100x128xf32, #tpu.memory_space<vmem>>)
        %add3A_656 = arith.constant 0 : i32
        %add3A_657 = arith.addi %mul3A_648, %add3A_656 : i32
        %dma_start3A_658 = arith.constant 0 : i32
        %dma_start3A_659 = tpu.memref_slice %arg8[%add3A_657, %dma_start3A_658] : memref<40x100xi32, #tpu.memory_space<vmem>> -> memref<1x100xi32, #tpu.memory_space<vmem>>
        %dma_start3A_660 = tpu.memref_squeeze %dma_start3A_659 : memref<1x100xi32, #tpu.memory_space<vmem>> -> memref<100xi32, #tpu.memory_space<vmem>>
        %dma_start3A_661 = arith.constant 0 : i32
        %dma_start3A_662 = arith.constant 0 : i32
        %dma_start3A_663 = tpu.memref_slice %arg12[%dma_start3A_661, %dma_start3A_662] : memref<10000x128xf32, #tpu.memory_space<vmem_shared>> -> memref<10000x128xf32, #tpu.memory_space<vmem_shared>>
        tpu.enqueue_indirect_dma source(%arg9 : memref<100x128xf32, #tpu.memory_space<vmem>>) target(%dma_start3A_663 : memref<10000x128xf32, #tpu.memory_space<vmem_shared>>) offsets(%dma_start3A_660 : memref<100xi32, #tpu.memory_space<vmem>>) semaphore(%arg16 : memref<!tpu.dma_semaphore, #tpu.memory_space<semaphore_mem>>) {add = true}
        %gt3A = arith.constant 0 : i32
        %gt3A_664 = arith.cmpi sgt, %scan3A_647, %gt3A : i32
        %convert_element_type3A_665 = arith.extui %gt3A_664 : i1 to i32
        %cond3A_666 = arith.constant 0 : i32
        %cond3A_667 = arith.cmpi ne, %convert_element_type3A_665, %cond3A_666 : i32
        scf.if %cond3A_667 {
          %dma_wait3A_745 = arith.constant 0 : i32
          %dma_wait3A_746 = arith.constant 0 : i32
          %dma_wait3A_747 = tpu.memref_slice %arg8[%dma_wait3A_745, %dma_wait3A_746] : memref<40x100xi32, #tpu.memory_space<vmem>> -> memref<1x100xi32, #tpu.memory_space<vmem>>
          %dma_wait3A_748 = tpu.memref_squeeze %dma_wait3A_747 : memref<1x100xi32, #tpu.memory_space<vmem>> -> memref<100xi32, #tpu.memory_space<vmem>>
          %dma_wait3A_749 = arith.constant 0 : i32
          %dma_wait3A_750 = arith.constant 0 : i32
          %dma_wait3A_751 = tpu.memref_slice %arg12[%dma_wait3A_749, %dma_wait3A_750] : memref<10000x128xf32, #tpu.memory_space<vmem_shared>> -> memref<10000x128xf32, #tpu.memory_space<vmem_shared>>
          tpu.wait_indirect_dma semaphore(%arg18 : memref<!tpu.dma_semaphore, #tpu.memory_space<semaphore_mem>>) src(%arg11 : memref<100x128xf32, #tpu.memory_space<vmem>>) dst(%dma_wait3A_751 : memref<10000x128xf32, #tpu.memory_space<vmem_shared>>)
        } else {
        }
        %add3A_668 = arith.constant 0 : i32
        %add3A_669 = arith.addi %mul3A_648, %add3A_668 : i32
        %add3A_670 = arith.constant 3 : i32
        %add3A_671 = arith.addi %add3A_669, %add3A_670 : i32
        %sub3A = arith.constant 1 : i32
        %sub3A_672 = arith.subi %add3A_671, %sub3A : i32
        %dma_start3A_673 = arith.constant 0 : i32
        %dma_start3A_674 = tpu.memref_slice %arg7[%sub3A_672, %dma_start3A_673] : memref<40x100xi32, #tpu.memory_space<vmem>> -> memref<1x100xi32, #tpu.memory_space<vmem>>
        %dma_start3A_675 = tpu.memref_squeeze %dma_start3A_674 : memref<1x100xi32, #tpu.memory_space<vmem>> -> memref<100xi32, #tpu.memory_space<vmem>>
        %dma_start3A_676 = arith.constant 0 : i32
        %dma_start3A_677 = arith.constant 0 : i32
        %dma_start3A_678 = tpu.memref_slice %arg2[%dma_start3A_676, %dma_start3A_677] : memref<10000x128xf32, #tpu.memory_space<hbm>> -> memref<10000x128xf32, #tpu.memory_space<hbm>>
        tpu.enqueue_indirect_dma source(%dma_start3A_678 : memref<10000x128xf32, #tpu.memory_space<hbm>>) target(%arg11 : memref<100x128xf32, #tpu.memory_space<vmem>>) offsets(%dma_start3A_675 : memref<100xi32, #tpu.memory_space<vmem>>) semaphore(%arg15 : memref<!tpu.dma_semaphore, #tpu.memory_space<semaphore_mem>>)
        %dma_wait3A_679 = arith.constant 0 : i32
        %dma_wait3A_680 = arith.constant 0 : i32
        %dma_wait3A_681 = tpu.memref_slice %arg7[%dma_wait3A_679, %dma_wait3A_680] : memref<40x100xi32, #tpu.memory_space<vmem>> -> memref<1x100xi32, #tpu.memory_space<vmem>>
        %dma_wait3A_682 = tpu.memref_squeeze %dma_wait3A_681 : memref<1x100xi32, #tpu.memory_space<vmem>> -> memref<100xi32, #tpu.memory_space<vmem>>
        %dma_wait3A_683 = arith.constant 0 : i32
        %dma_wait3A_684 = arith.constant 0 : i32
        %dma_wait3A_685 = tpu.memref_slice %arg2[%dma_wait3A_683, %dma_wait3A_684] : memref<10000x128xf32, #tpu.memory_space<hbm>> -> memref<10000x128xf32, #tpu.memory_space<hbm>>
        tpu.wait_indirect_dma semaphore(%arg14 : memref<!tpu.dma_semaphore, #tpu.memory_space<semaphore_mem>>) src(%dma_wait3A_685 : memref<10000x128xf32, #tpu.memory_space<hbm>>) dst(%arg10 : memref<100x128xf32, #tpu.memory_space<vmem>>)
        %add3A_686 = arith.constant 1 : i32
        %add3A_687 = arith.addi %mul3A_648, %add3A_686 : i32
        %dma_start3A_688 = arith.constant 0 : i32
        %dma_start3A_689 = tpu.memref_slice %arg8[%add3A_687, %dma_start3A_688] : memref<40x100xi32, #tpu.memory_space<vmem>> -> memref<1x100xi32, #tpu.memory_space<vmem>>
        %dma_start3A_690 = tpu.memref_squeeze %dma_start3A_689 : memref<1x100xi32, #tpu.memory_space<vmem>> -> memref<100xi32, #tpu.memory_space<vmem>>
        %dma_start3A_691 = arith.constant 0 : i32
        %dma_start3A_692 = arith.constant 0 : i32
        %dma_start3A_693 = tpu.memref_slice %arg12[%dma_start3A_691, %dma_start3A_692] : memref<10000x128xf32, #tpu.memory_space<vmem_shared>> -> memref<10000x128xf32, #tpu.memory_space<vmem_shared>>
        tpu.enqueue_indirect_dma source(%arg10 : memref<100x128xf32, #tpu.memory_space<vmem>>) target(%dma_start3A_693 : memref<10000x128xf32, #tpu.memory_space<vmem_shared>>) offsets(%dma_start3A_690 : memref<100xi32, #tpu.memory_space<vmem>>) semaphore(%arg17 : memref<!tpu.dma_semaphore, #tpu.memory_space<semaphore_mem>>) {add = true}
        %dma_wait3A_694 = arith.constant 0 : i32
        %dma_wait3A_695 = arith.constant 0 : i32
        %dma_wait3A_696 = tpu.memref_slice %arg8[%dma_wait3A_694, %dma_wait3A_695] : memref<40x100xi32, #tpu.memory_space<vmem>> -> memref<1x100xi32, #tpu.memory_space<vmem>>
        %dma_wait3A_697 = tpu.memref_squeeze %dma_wait3A_696 : memref<1x100xi32, #tpu.memory_space<vmem>> -> memref<100xi32, #tpu.memory_space<vmem>>
        %dma_wait3A_698 = arith.constant 0 : i32
        %dma_wait3A_699 = arith.constant 0 : i32
        %dma_wait3A_700 = tpu.memref_slice %arg12[%dma_wait3A_698, %dma_wait3A_699] : memref<10000x128xf32, #tpu.memory_space<vmem_shared>> -> memref<10000x128xf32, #tpu.memory_space<vmem_shared>>
        tpu.wait_indirect_dma semaphore(%arg16 : memref<!tpu.dma_semaphore, #tpu.memory_space<semaphore_mem>>) src(%arg9 : memref<100x128xf32, #tpu.memory_space<vmem>>) dst(%dma_wait3A_700 : memref<10000x128xf32, #tpu.memory_space<vmem_shared>>)
        %add3A_701 = arith.constant 1 : i32
        %add3A_702 = arith.addi %mul3A_648, %add3A_701 : i32
        %add3A_703 = arith.constant 3 : i32
        %add3A_704 = arith.addi %add3A_702, %add3A_703 : i32
        %sub3A_705 = arith.constant 1 : i32
        %sub3A_706 = arith.subi %add3A_704, %sub3A_705 : i32
        %lt3A_707 = arith.constant 40 : i32
        %lt3A_708 = arith.cmpi slt, %sub3A_706, %lt3A_707 : i32
        %convert_element_type3A_709 = arith.extui %lt3A_708 : i1 to i32
        %cond3A_710 = arith.constant 0 : i32
        %cond3A_711 = arith.cmpi ne, %convert_element_type3A_709, %cond3A_710 : i32
        scf.if %cond3A_711 {
          %add3A_745 = arith.constant 1 : i32
          %add3A_746 = arith.addi %mul3A_648, %add3A_745 : i32
          %add3A_747 = arith.constant 3 : i32
          %add3A_748 = arith.addi %add3A_746, %add3A_747 : i32
          %sub3A_749 = arith.constant 1 : i32
          %sub3A_750 = arith.subi %add3A_748, %sub3A_749 : i32
          %dma_start3A_751 = arith.constant 0 : i32
          %dma_start3A_752 = tpu.memref_slice %arg7[%sub3A_750, %dma_start3A_751] : memref<40x100xi32, #tpu.memory_space<vmem>> -> memref<1x100xi32, #tpu.memory_space<vmem>>
          %dma_start3A_753 = tpu.memref_squeeze %dma_start3A_752 : memref<1x100xi32, #tpu.memory_space<vmem>> -> memref<100xi32, #tpu.memory_space<vmem>>
          %dma_start3A_754 = arith.constant 0 : i32
          %dma_start3A_755 = arith.constant 0 : i32
          %dma_start3A_756 = tpu.memref_slice %arg2[%dma_start3A_754, %dma_start3A_755] : memref<10000x128xf32, #tpu.memory_space<hbm>> -> memref<10000x128xf32, #tpu.memory_space<hbm>>
          tpu.enqueue_indirect_dma source(%dma_start3A_756 : memref<10000x128xf32, #tpu.memory_space<hbm>>) target(%arg9 : memref<100x128xf32, #tpu.memory_space<vmem>>) offsets(%dma_start3A_753 : memref<100xi32, #tpu.memory_space<vmem>>) semaphore(%arg13 : memref<!tpu.dma_semaphore, #tpu.memory_space<semaphore_mem>>)
        } else {
        }
        %dma_wait3A_712 = arith.constant 0 : i32
        %dma_wait3A_713 = arith.constant 0 : i32
        %dma_wait3A_714 = tpu.memref_slice %arg7[%dma_wait3A_712, %dma_wait3A_713] : memref<40x100xi32, #tpu.memory_space<vmem>> -> memref<1x100xi32, #tpu.memory_space<vmem>>
        %dma_wait3A_715 = tpu.memref_squeeze %dma_wait3A_714 : memref<1x100xi32, #tpu.memory_space<vmem>> -> memref<100xi32, #tpu.memory_space<vmem>>
        %dma_wait3A_716 = arith.constant 0 : i32
        %dma_wait3A_717 = arith.constant 0 : i32
        %dma_wait3A_718 = tpu.memref_slice %arg2[%dma_wait3A_716, %dma_wait3A_717] : memref<10000x128xf32, #tpu.memory_space<hbm>> -> memref<10000x128xf32, #tpu.memory_space<hbm>>
        tpu.wait_indirect_dma semaphore(%arg15 : memref<!tpu.dma_semaphore, #tpu.memory_space<semaphore_mem>>) src(%dma_wait3A_718 : memref<10000x128xf32, #tpu.memory_space<hbm>>) dst(%arg11 : memref<100x128xf32, #tpu.memory_space<vmem>>)
        %add3A_719 = arith.constant 2 : i32
        %add3A_720 = arith.addi %mul3A_648, %add3A_719 : i32
        %dma_start3A_721 = arith.constant 0 : i32
        %dma_start3A_722 = tpu.memref_slice %arg8[%add3A_720, %dma_start3A_721] : memref<40x100xi32, #tpu.memory_space<vmem>> -> memref<1x100xi32, #tpu.memory_space<vmem>>
        %dma_start3A_723 = tpu.memref_squeeze %dma_start3A_722 : memref<1x100xi32, #tpu.memory_space<vmem>> -> memref<100xi32, #tpu.memory_space<vmem>>
        %dma_start3A_724 = arith.constant 0 : i32
        %dma_start3A_725 = arith.constant 0 : i32
        %dma_start3A_726 = tpu.memref_slice %arg12[%dma_start3A_724, %dma_start3A_725] : memref<10000x128xf32, #tpu.memory_space<vmem_shared>> -> memref<10000x128xf32, #tpu.memory_space<vmem_shared>>
        tpu.enqueue_indirect_dma source(%arg11 : memref<100x128xf32, #tpu.memory_space<vmem>>) target(%dma_start3A_726 : memref<10000x128xf32, #tpu.memory_space<vmem_shared>>) offsets(%dma_start3A_723 : memref<100xi32, #tpu.memory_space<vmem>>) semaphore(%arg18 : memref<!tpu.dma_semaphore, #tpu.memory_space<semaphore_mem>>) {add = true}
        %dma_wait3A_727 = arith.constant 0 : i32
        %dma_wait3A_728 = arith.constant 0 : i32
        %dma_wait3A_729 = tpu.memref_slice %arg8[%dma_wait3A_727, %dma_wait3A_728] : memref<40x100xi32, #tpu.memory_space<vmem>> -> memref<1x100xi32, #tpu.memory_space<vmem>>
        %dma_wait3A_730 = tpu.memref_squeeze %dma_wait3A_729 : memref<1x100xi32, #tpu.memory_space<vmem>> -> memref<100xi32, #tpu.memory_space<vmem>>
        %dma_wait3A_731 = arith.constant 0 : i32
        %dma_wait3A_732 = arith.constant 0 : i32
        %dma_wait3A_733 = tpu.memref_slice %arg12[%dma_wait3A_731, %dma_wait3A_732] : memref<10000x128xf32, #tpu.memory_space<vmem_shared>> -> memref<10000x128xf32, #tpu.memory_space<vmem_shared>>
        tpu.wait_indirect_dma semaphore(%arg17 : memref<!tpu.dma_semaphore, #tpu.memory_space<semaphore_mem>>) src(%arg10 : memref<100x128xf32, #tpu.memory_space<vmem>>) dst(%dma_wait3A_733 : memref<10000x128xf32, #tpu.memory_space<vmem_shared>>)
        %add3A_734 = arith.constant 2 : i32
        %add3A_735 = arith.addi %mul3A_648, %add3A_734 : i32
        %add3A_736 = arith.constant 3 : i32
        %add3A_737 = arith.addi %add3A_735, %add3A_736 : i32
        %sub3A_738 = arith.constant 1 : i32
        %sub3A_739 = arith.subi %add3A_737, %sub3A_738 : i32
        %lt3A_740 = arith.constant 40 : i32
        %lt3A_741 = arith.cmpi slt, %sub3A_739, %lt3A_740 : i32
        %convert_element_type3A_742 = arith.extui %lt3A_741 : i1 to i32
        %cond3A_743 = arith.constant 0 : i32
        %cond3A_744 = arith.cmpi ne, %convert_element_type3A_742, %cond3A_743 : i32
        scf.if %cond3A_744 {
          %add3A_745 = arith.constant 2 : i32
          %add3A_746 = arith.addi %mul3A_648, %add3A_745 : i32
          %add3A_747 = arith.constant 3 : i32
          %add3A_748 = arith.addi %add3A_746, %add3A_747 : i32
          %sub3A_749 = arith.constant 1 : i32
          %sub3A_750 = arith.subi %add3A_748, %sub3A_749 : i32
          %dma_start3A_751 = arith.constant 0 : i32
          %dma_start3A_752 = tpu.memref_slice %arg7[%sub3A_750, %dma_start3A_751] : memref<40x100xi32, #tpu.memory_space<vmem>> -> memref<1x100xi32, #tpu.memory_space<vmem>>
          %dma_start3A_753 = tpu.memref_squeeze %dma_start3A_752 : memref<1x100xi32, #tpu.memory_space<vmem>> -> memref<100xi32, #tpu.memory_space<vmem>>
          %dma_start3A_754 = arith.constant 0 : i32
          %dma_start3A_755 = arith.constant 0 : i32
          %dma_start3A_756 = tpu.memref_slice %arg2[%dma_start3A_754, %dma_start3A_755] : memref<10000x128xf32, #tpu.memory_space<hbm>> -> memref<10000x128xf32, #tpu.memory_space<hbm>>
          tpu.enqueue_indirect_dma source(%dma_start3A_756 : memref<10000x128xf32, #tpu.memory_space<hbm>>) target(%arg10 : memref<100x128xf32, #tpu.memory_space<vmem>>) offsets(%dma_start3A_753 : memref<100xi32, #tpu.memory_space<vmem>>) semaphore(%arg14 : memref<!tpu.dma_semaphore, #tpu.memory_space<semaphore_mem>>)
        } else {
        }
      }
      %scan3A_169 = arith.constant 13 : i32
      %dma_wait3A_170 = arith.constant 0 : i32
      %dma_wait3A_171 = arith.constant 0 : i32
      %dma_wait3A_172 = tpu.memref_slice %arg7[%dma_wait3A_170, %dma_wait3A_171] : memref<40x100xi32, #tpu.memory_space<vmem>> -> memref<1x100xi32, #tpu.memory_space<vmem>>
      %dma_wait3A_173 = tpu.memref_squeeze %dma_wait3A_172 : memref<1x100xi32, #tpu.memory_space<vmem>> -> memref<100xi32, #tpu.memory_space<vmem>>
      %dma_wait3A_174 = arith.constant 0 : i32
      %dma_wait3A_175 = arith.constant 0 : i32
      %dma_wait3A_176 = tpu.memref_slice %arg2[%dma_wait3A_174, %dma_wait3A_175] : memref<10000x128xf32, #tpu.memory_space<hbm>> -> memref<10000x128xf32, #tpu.memory_space<hbm>>
      tpu.wait_indirect_dma semaphore(%arg13 : memref<!tpu.dma_semaphore, #tpu.memory_space<semaphore_mem>>) src(%dma_wait3A_176 : memref<10000x128xf32, #tpu.memory_space<hbm>>) dst(%arg9 : memref<100x128xf32, #tpu.memory_space<vmem>>)
      %dma_start3A_177 = arith.constant 39 : i32
      %dma_start3A_178 = arith.constant 0 : i32
      %dma_start3A_179 = tpu.memref_slice %arg8[%dma_start3A_177, %dma_start3A_178] : memref<40x100xi32, #tpu.memory_space<vmem>> -> memref<1x100xi32, #tpu.memory_space<vmem>>
      %dma_start3A_180 = tpu.memref_squeeze %dma_start3A_179 : memref<1x100xi32, #tpu.memory_space<vmem>> -> memref<100xi32, #tpu.memory_space<vmem>>
      %dma_start3A_181 = arith.constant 0 : i32
      %dma_start3A_182 = arith.constant 0 : i32
      %dma_start3A_183 = tpu.memref_slice %arg12[%dma_start3A_181, %dma_start3A_182] : memref<10000x128xf32, #tpu.memory_space<vmem_shared>> -> memref<10000x128xf32, #tpu.memory_space<vmem_shared>>
      tpu.enqueue_indirect_dma source(%arg9 : memref<100x128xf32, #tpu.memory_space<vmem>>) target(%dma_start3A_183 : memref<10000x128xf32, #tpu.memory_space<vmem_shared>>) offsets(%dma_start3A_180 : memref<100xi32, #tpu.memory_space<vmem>>) semaphore(%arg16 : memref<!tpu.dma_semaphore, #tpu.memory_space<semaphore_mem>>) {add = true}
      %dma_wait3A_184 = arith.constant 0 : i32
      %dma_wait3A_185 = arith.constant 0 : i32
      %dma_wait3A_186 = tpu.memref_slice %arg8[%dma_wait3A_184, %dma_wait3A_185] : memref<40x100xi32, #tpu.memory_space<vmem>> -> memref<1x100xi32, #tpu.memory_space<vmem>>
      %dma_wait3A_187 = tpu.memref_squeeze %dma_wait3A_186 : memref<1x100xi32, #tpu.memory_space<vmem>> -> memref<100xi32, #tpu.memory_space<vmem>>
      %dma_wait3A_188 = arith.constant 0 : i32
      %dma_wait3A_189 = arith.constant 0 : i32
      %dma_wait3A_190 = tpu.memref_slice %arg12[%dma_wait3A_188, %dma_wait3A_189] : memref<10000x128xf32, #tpu.memory_space<vmem_shared>> -> memref<10000x128xf32, #tpu.memory_space<vmem_shared>>
      tpu.wait_indirect_dma semaphore(%arg18 : memref<!tpu.dma_semaphore, #tpu.memory_space<semaphore_mem>>) src(%arg11 : memref<100x128xf32, #tpu.memory_space<vmem>>) dst(%dma_wait3A_190 : memref<10000x128xf32, #tpu.memory_space<vmem_shared>>)
      %dma_wait3A_191 = arith.constant 0 : i32
      %dma_wait3A_192 = arith.constant 0 : i32
      %dma_wait3A_193 = tpu.memref_slice %arg8[%dma_wait3A_191, %dma_wait3A_192] : memref<40x100xi32, #tpu.memory_space<vmem>> -> memref<1x100xi32, #tpu.memory_space<vmem>>
      %dma_wait3A_194 = tpu.memref_squeeze %dma_wait3A_193 : memref<1x100xi32, #tpu.memory_space<vmem>> -> memref<100xi32, #tpu.memory_space<vmem>>
      %dma_wait3A_195 = arith.constant 0 : i32
      %dma_wait3A_196 = arith.constant 0 : i32
      %dma_wait3A_197 = tpu.memref_slice %arg12[%dma_wait3A_195, %dma_wait3A_196] : memref<10000x128xf32, #tpu.memory_space<vmem_shared>> -> memref<10000x128xf32, #tpu.memory_space<vmem_shared>>
      tpu.wait_indirect_dma semaphore(%arg16 : memref<!tpu.dma_semaphore, #tpu.memory_space<semaphore_mem>>) src(%arg9 : memref<100x128xf32, #tpu.memory_space<vmem>>) dst(%dma_wait3A_197 : memref<10000x128xf32, #tpu.memory_space<vmem_shared>>)
      %dma_start3A_198 = arith.constant 0 : i32
      %dma_start3A_199 = arith.constant 40 : i32
      %dma_start3A_200 = arith.constant 0 : i32
      %dma_start3A_201 = tpu.memref_slice %arg4[%dma_start3A_198, %arg1, %dma_start3A_199, %dma_start3A_200] : memref<2x16x200x100xi32, #tpu.memory_space<hbm>> -> memref<1x1x40x100xi32, #tpu.memory_space<hbm>>
      %dma_start3A_202 = tpu.memref_squeeze %dma_start3A_201 : memref<1x1x40x100xi32, #tpu.memory_space<hbm>> -> memref<40x100xi32, #tpu.memory_space<hbm>>
      %dma_start3A_203 = arith.constant 40 : i32
      %dma_start3A_204 = arith.constant 0 : i32
      %dma_start3A_205 = tpu.memref_slice %arg4[%dma_start3A_198, %arg1, %dma_start3A_203, %dma_start3A_204] : memref<2x16x200x100xi32, #tpu.memory_space<hbm>> -> memref<1x1x40x100xi32, #tpu.memory_space<hbm>>
      %dma_start3A_206 = tpu.memref_squeeze %dma_start3A_205 : memref<1x1x40x100xi32, #tpu.memory_space<hbm>> -> memref<40x100xi32, #tpu.memory_space<hbm>>
      tpu.enqueue_dma source(%dma_start3A_206 : memref<40x100xi32, #tpu.memory_space<hbm>>) target(%arg7 : memref<40x100xi32, #tpu.memory_space<vmem>>) target_semaphore(%arg13 : memref<!tpu.dma_semaphore, #tpu.memory_space<semaphore_mem>>)
      %dma_start3A_207 = arith.constant 1 : i32
      %dma_start3A_208 = arith.constant 40 : i32
      %dma_start3A_209 = arith.constant 0 : i32
      %dma_start3A_210 = tpu.memref_slice %arg4[%dma_start3A_207, %arg1, %dma_start3A_208, %dma_start3A_209] : memref<2x16x200x100xi32, #tpu.memory_space<hbm>> -> memref<1x1x40x100xi32, #tpu.memory_space<hbm>>
      %dma_start3A_211 = tpu.memref_squeeze %dma_start3A_210 : memref<1x1x40x100xi32, #tpu.memory_space<hbm>> -> memref<40x100xi32, #tpu.memory_space<hbm>>
      %dma_start3A_212 = arith.constant 40 : i32
      %dma_start3A_213 = arith.constant 0 : i32
      %dma_start3A_214 = tpu.memref_slice %arg4[%dma_start3A_207, %arg1, %dma_start3A_212, %dma_start3A_213] : memref<2x16x200x100xi32, #tpu.memory_space<hbm>> -> memref<1x1x40x100xi32, #tpu.memory_space<hbm>>
      %dma_start3A_215 = tpu.memref_squeeze %dma_start3A_214 : memref<1x1x40x100xi32, #tpu.memory_space<hbm>> -> memref<40x100xi32, #tpu.memory_space<hbm>>
      tpu.enqueue_dma source(%dma_start3A_215 : memref<40x100xi32, #tpu.memory_space<hbm>>) target(%arg8 : memref<40x100xi32, #tpu.memory_space<vmem>>) target_semaphore(%arg14 : memref<!tpu.dma_semaphore, #tpu.memory_space<semaphore_mem>>)
      %dma_wait3A_216 = arith.constant 0 : i32
      %dma_wait3A_217 = arith.constant 40 : i32
      %dma_wait3A_218 = arith.constant 0 : i32
      %dma_wait3A_219 = tpu.memref_slice %arg4[%dma_wait3A_216, %arg1, %dma_wait3A_217, %dma_wait3A_218] : memref<2x16x200x100xi32, #tpu.memory_space<hbm>> -> memref<1x1x40x100xi32, #tpu.memory_space<hbm>>
      %dma_wait3A_220 = tpu.memref_squeeze %dma_wait3A_219 : memref<1x1x40x100xi32, #tpu.memory_space<hbm>> -> memref<40x100xi32, #tpu.memory_space<hbm>>
      %dma_wait3A_221 = arith.constant 40 : i32
      %dma_wait3A_222 = arith.constant 0 : i32
      %dma_wait3A_223 = tpu.memref_slice %arg4[%dma_wait3A_216, %arg1, %dma_wait3A_221, %dma_wait3A_222] : memref<2x16x200x100xi32, #tpu.memory_space<hbm>> -> memref<1x1x40x100xi32, #tpu.memory_space<hbm>>
      %dma_wait3A_224 = tpu.memref_squeeze %dma_wait3A_223 : memref<1x1x40x100xi32, #tpu.memory_space<hbm>> -> memref<40x100xi32, #tpu.memory_space<hbm>>
      tpu.wait_dma2 semaphore(%arg13 : memref<!tpu.dma_semaphore, #tpu.memory_space<semaphore_mem>>) src(%dma_wait3A_224 : memref<40x100xi32, #tpu.memory_space<hbm>>) dst(%arg7 : memref<40x100xi32, #tpu.memory_space<vmem>>)
      %dma_wait3A_225 = arith.constant 1 : i32
      %dma_wait3A_226 = arith.constant 40 : i32
      %dma_wait3A_227 = arith.constant 0 : i32
      %dma_wait3A_228 = tpu.memref_slice %arg4[%dma_wait3A_225, %arg1, %dma_wait3A_226, %dma_wait3A_227] : memref<2x16x200x100xi32, #tpu.memory_space<hbm>> -> memref<1x1x40x100xi32, #tpu.memory_space<hbm>>
      %dma_wait3A_229 = tpu.memref_squeeze %dma_wait3A_228 : memref<1x1x40x100xi32, #tpu.memory_space<hbm>> -> memref<40x100xi32, #tpu.memory_space<hbm>>
      %dma_wait3A_230 = arith.constant 40 : i32
      %dma_wait3A_231 = arith.constant 0 : i32
      %dma_wait3A_232 = tpu.memref_slice %arg4[%dma_wait3A_225, %arg1, %dma_wait3A_230, %dma_wait3A_231] : memref<2x16x200x100xi32, #tpu.memory_space<hbm>> -> memref<1x1x40x100xi32, #tpu.memory_space<hbm>>
      %dma_wait3A_233 = tpu.memref_squeeze %dma_wait3A_232 : memref<1x1x40x100xi32, #tpu.memory_space<hbm>> -> memref<40x100xi32, #tpu.memory_space<hbm>>
      tpu.wait_dma2 semaphore(%arg14 : memref<!tpu.dma_semaphore, #tpu.memory_space<semaphore_mem>>) src(%dma_wait3A_233 : memref<40x100xi32, #tpu.memory_space<hbm>>) dst(%arg8 : memref<40x100xi32, #tpu.memory_space<vmem>>)
      %dma_start3A_234 = arith.constant 0 : i32
      %dma_start3A_235 = arith.constant 0 : i32
      %dma_start3A_236 = tpu.memref_slice %arg7[%dma_start3A_234, %dma_start3A_235] : memref<40x100xi32, #tpu.memory_space<vmem>> -> memref<1x100xi32, #tpu.memory_space<vmem>>
      %dma_start3A_237 = tpu.memref_squeeze %dma_start3A_236 : memref<1x100xi32, #tpu.memory_space<vmem>> -> memref<100xi32, #tpu.memory_space<vmem>>
      %dma_start3A_238 = arith.constant 0 : i32
      %dma_start3A_239 = arith.constant 0 : i32
      %dma_start3A_240 = tpu.memref_slice %arg2[%dma_start3A_238, %dma_start3A_239] : memref<10000x128xf32, #tpu.memory_space<hbm>> -> memref<10000x128xf32, #tpu.memory_space<hbm>>
      tpu.enqueue_indirect_dma source(%dma_start3A_240 : memref<10000x128xf32, #tpu.memory_space<hbm>>) target(%arg10 : memref<100x128xf32, #tpu.memory_space<vmem>>) offsets(%dma_start3A_237 : memref<100xi32, #tpu.memory_space<vmem>>) semaphore(%arg14 : memref<!tpu.dma_semaphore, #tpu.memory_space<semaphore_mem>>)
      %dma_start3A_241 = arith.constant 1 : i32
      %dma_start3A_242 = arith.constant 0 : i32
      %dma_start3A_243 = tpu.memref_slice %arg7[%dma_start3A_241, %dma_start3A_242] : memref<40x100xi32, #tpu.memory_space<vmem>> -> memref<1x100xi32, #tpu.memory_space<vmem>>
      %dma_start3A_244 = tpu.memref_squeeze %dma_start3A_243 : memref<1x100xi32, #tpu.memory_space<vmem>> -> memref<100xi32, #tpu.memory_space<vmem>>
      %dma_start3A_245 = arith.constant 0 : i32
      %dma_start3A_246 = arith.constant 0 : i32
      %dma_start3A_247 = tpu.memref_slice %arg2[%dma_start3A_245, %dma_start3A_246] : memref<10000x128xf32, #tpu.memory_space<hbm>> -> memref<10000x128xf32, #tpu.memory_space<hbm>>
      tpu.enqueue_indirect_dma source(%dma_start3A_247 : memref<10000x128xf32, #tpu.memory_space<hbm>>) target(%arg11 : memref<100x128xf32, #tpu.memory_space<vmem>>) offsets(%dma_start3A_244 : memref<100xi32, #tpu.memory_space<vmem>>) semaphore(%arg15 : memref<!tpu.dma_semaphore, #tpu.memory_space<semaphore_mem>>)
      %scan3A_248 = arith.constant 0 : i32
      %scan3A_249 = arith.constant 0 : i32
      %scan3A_250 = arith.constant 13 : i32
      %scan3A_251 = arith.addi %scan3A_249, %scan3A_250 : i32
      %scan3A_252 = arith.constant 1 : i32
      scf.for %scan3A_647 = %scan3A_249 to %scan3A_251 step %scan3A_252  : i32 {
        %mul3A = arith.constant 3 : i32
        %mul3A_648 = arith.muli %scan3A_647, %mul3A : i32
        %dma_wait3A_649 = arith.constant 0 : i32
        %dma_wait3A_650 = arith.constant 0 : i32
        %dma_wait3A_651 = tpu.memref_slice %arg7[%dma_wait3A_649, %dma_wait3A_650] : memref<40x100xi32, #tpu.memory_space<vmem>> -> memref<1x100xi32, #tpu.memory_space<vmem>>
        %dma_wait3A_652 = tpu.memref_squeeze %dma_wait3A_651 : memref<1x100xi32, #tpu.memory_space<vmem>> -> memref<100xi32, #tpu.memory_space<vmem>>
        %dma_wait3A_653 = arith.constant 0 : i32
        %dma_wait3A_654 = arith.constant 0 : i32
        %dma_wait3A_655 = tpu.memref_slice %arg2[%dma_wait3A_653, %dma_wait3A_654] : memref<10000x128xf32, #tpu.memory_space<hbm>> -> memref<10000x128xf32, #tpu.memory_space<hbm>>
        tpu.wait_indirect_dma semaphore(%arg14 : memref<!tpu.dma_semaphore, #tpu.memory_space<semaphore_mem>>) src(%dma_wait3A_655 : memref<10000x128xf32, #tpu.memory_space<hbm>>) dst(%arg10 : memref<100x128xf32, #tpu.memory_space<vmem>>)
        %add3A_656 = arith.constant 0 : i32
        %add3A_657 = arith.addi %mul3A_648, %add3A_656 : i32
        %dma_start3A_658 = arith.constant 0 : i32
        %dma_start3A_659 = tpu.memref_slice %arg8[%add3A_657, %dma_start3A_658] : memref<40x100xi32, #tpu.memory_space<vmem>> -> memref<1x100xi32, #tpu.memory_space<vmem>>
        %dma_start3A_660 = tpu.memref_squeeze %dma_start3A_659 : memref<1x100xi32, #tpu.memory_space<vmem>> -> memref<100xi32, #tpu.memory_space<vmem>>
        %dma_start3A_661 = arith.constant 0 : i32
        %dma_start3A_662 = arith.constant 0 : i32
        %dma_start3A_663 = tpu.memref_slice %arg12[%dma_start3A_661, %dma_start3A_662] : memref<10000x128xf32, #tpu.memory_space<vmem_shared>> -> memref<10000x128xf32, #tpu.memory_space<vmem_shared>>
        tpu.enqueue_indirect_dma source(%arg10 : memref<100x128xf32, #tpu.memory_space<vmem>>) target(%dma_start3A_663 : memref<10000x128xf32, #tpu.memory_space<vmem_shared>>) offsets(%dma_start3A_660 : memref<100xi32, #tpu.memory_space<vmem>>) semaphore(%arg17 : memref<!tpu.dma_semaphore, #tpu.memory_space<semaphore_mem>>) {add = true}
        %gt3A = arith.constant 0 : i32
        %gt3A_664 = arith.cmpi sgt, %scan3A_647, %gt3A : i32
        %convert_element_type3A_665 = arith.extui %gt3A_664 : i1 to i32
        %cond3A_666 = arith.constant 0 : i32
        %cond3A_667 = arith.cmpi ne, %convert_element_type3A_665, %cond3A_666 : i32
        scf.if %cond3A_667 {
          %dma_wait3A_745 = arith.constant 0 : i32
          %dma_wait3A_746 = arith.constant 0 : i32
          %dma_wait3A_747 = tpu.memref_slice %arg8[%dma_wait3A_745, %dma_wait3A_746] : memref<40x100xi32, #tpu.memory_space<vmem>> -> memref<1x100xi32, #tpu.memory_space<vmem>>
          %dma_wait3A_748 = tpu.memref_squeeze %dma_wait3A_747 : memref<1x100xi32, #tpu.memory_space<vmem>> -> memref<100xi32, #tpu.memory_space<vmem>>
          %dma_wait3A_749 = arith.constant 0 : i32
          %dma_wait3A_750 = arith.constant 0 : i32
          %dma_wait3A_751 = tpu.memref_slice %arg12[%dma_wait3A_749, %dma_wait3A_750] : memref<10000x128xf32, #tpu.memory_space<vmem_shared>> -> memref<10000x128xf32, #tpu.memory_space<vmem_shared>>
          tpu.wait_indirect_dma semaphore(%arg16 : memref<!tpu.dma_semaphore, #tpu.memory_space<semaphore_mem>>) src(%arg9 : memref<100x128xf32, #tpu.memory_space<vmem>>) dst(%dma_wait3A_751 : memref<10000x128xf32, #tpu.memory_space<vmem_shared>>)
        } else {
        }
        %add3A_668 = arith.constant 0 : i32
        %add3A_669 = arith.addi %mul3A_648, %add3A_668 : i32
        %add3A_670 = arith.constant 3 : i32
        %add3A_671 = arith.addi %add3A_669, %add3A_670 : i32
        %sub3A = arith.constant 1 : i32
        %sub3A_672 = arith.subi %add3A_671, %sub3A : i32
        %dma_start3A_673 = arith.constant 0 : i32
        %dma_start3A_674 = tpu.memref_slice %arg7[%sub3A_672, %dma_start3A_673] : memref<40x100xi32, #tpu.memory_space<vmem>> -> memref<1x100xi32, #tpu.memory_space<vmem>>
        %dma_start3A_675 = tpu.memref_squeeze %dma_start3A_674 : memref<1x100xi32, #tpu.memory_space<vmem>> -> memref<100xi32, #tpu.memory_space<vmem>>
        %dma_start3A_676 = arith.constant 0 : i32
        %dma_start3A_677 = arith.constant 0 : i32
        %dma_start3A_678 = tpu.memref_slice %arg2[%dma_start3A_676, %dma_start3A_677] : memref<10000x128xf32, #tpu.memory_space<hbm>> -> memref<10000x128xf32, #tpu.memory_space<hbm>>
        tpu.enqueue_indirect_dma source(%dma_start3A_678 : memref<10000x128xf32, #tpu.memory_space<hbm>>) target(%arg9 : memref<100x128xf32, #tpu.memory_space<vmem>>) offsets(%dma_start3A_675 : memref<100xi32, #tpu.memory_space<vmem>>) semaphore(%arg13 : memref<!tpu.dma_semaphore, #tpu.memory_space<semaphore_mem>>)
        %dma_wait3A_679 = arith.constant 0 : i32
        %dma_wait3A_680 = arith.constant 0 : i32
        %dma_wait3A_681 = tpu.memref_slice %arg7[%dma_wait3A_679, %dma_wait3A_680] : memref<40x100xi32, #tpu.memory_space<vmem>> -> memref<1x100xi32, #tpu.memory_space<vmem>>
        %dma_wait3A_682 = tpu.memref_squeeze %dma_wait3A_681 : memref<1x100xi32, #tpu.memory_space<vmem>> -> memref<100xi32, #tpu.memory_space<vmem>>
        %dma_wait3A_683 = arith.constant 0 : i32
        %dma_wait3A_684 = arith.constant 0 : i32
        %dma_wait3A_685 = tpu.memref_slice %arg2[%dma_wait3A_683, %dma_wait3A_684] : memref<10000x128xf32, #tpu.memory_space<hbm>> -> memref<10000x128xf32, #tpu.memory_space<hbm>>
        tpu.wait_indirect_dma semaphore(%arg15 : memref<!tpu.dma_semaphore, #tpu.memory_space<semaphore_mem>>) src(%dma_wait3A_685 : memref<10000x128xf32, #tpu.memory_space<hbm>>) dst(%arg11 : memref<100x128xf32, #tpu.memory_space<vmem>>)
        %add3A_686 = arith.constant 1 : i32
        %add3A_687 = arith.addi %mul3A_648, %add3A_686 : i32
        %dma_start3A_688 = arith.constant 0 : i32
        %dma_start3A_689 = tpu.memref_slice %arg8[%add3A_687, %dma_start3A_688] : memref<40x100xi32, #tpu.memory_space<vmem>> -> memref<1x100xi32, #tpu.memory_space<vmem>>
        %dma_start3A_690 = tpu.memref_squeeze %dma_start3A_689 : memref<1x100xi32, #tpu.memory_space<vmem>> -> memref<100xi32, #tpu.memory_space<vmem>>
        %dma_start3A_691 = arith.constant 0 : i32
        %dma_start3A_692 = arith.constant 0 : i32
        %dma_start3A_693 = tpu.memref_slice %arg12[%dma_start3A_691, %dma_start3A_692] : memref<10000x128xf32, #tpu.memory_space<vmem_shared>> -> memref<10000x128xf32, #tpu.memory_space<vmem_shared>>
        tpu.enqueue_indirect_dma source(%arg11 : memref<100x128xf32, #tpu.memory_space<vmem>>) target(%dma_start3A_693 : memref<10000x128xf32, #tpu.memory_space<vmem_shared>>) offsets(%dma_start3A_690 : memref<100xi32, #tpu.memory_space<vmem>>) semaphore(%arg18 : memref<!tpu.dma_semaphore, #tpu.memory_space<semaphore_mem>>) {add = true}
        %dma_wait3A_694 = arith.constant 0 : i32
        %dma_wait3A_695 = arith.constant 0 : i32
        %dma_wait3A_696 = tpu.memref_slice %arg8[%dma_wait3A_694, %dma_wait3A_695] : memref<40x100xi32, #tpu.memory_space<vmem>> -> memref<1x100xi32, #tpu.memory_space<vmem>>
        %dma_wait3A_697 = tpu.memref_squeeze %dma_wait3A_696 : memref<1x100xi32, #tpu.memory_space<vmem>> -> memref<100xi32, #tpu.memory_space<vmem>>
        %dma_wait3A_698 = arith.constant 0 : i32
        %dma_wait3A_699 = arith.constant 0 : i32
        %dma_wait3A_700 = tpu.memref_slice %arg12[%dma_wait3A_698, %dma_wait3A_699] : memref<10000x128xf32, #tpu.memory_space<vmem_shared>> -> memref<10000x128xf32, #tpu.memory_space<vmem_shared>>
        tpu.wait_indirect_dma semaphore(%arg17 : memref<!tpu.dma_semaphore, #tpu.memory_space<semaphore_mem>>) src(%arg10 : memref<100x128xf32, #tpu.memory_space<vmem>>) dst(%dma_wait3A_700 : memref<10000x128xf32, #tpu.memory_space<vmem_shared>>)
        %add3A_701 = arith.constant 1 : i32
        %add3A_702 = arith.addi %mul3A_648, %add3A_701 : i32
        %add3A_703 = arith.constant 3 : i32
        %add3A_704 = arith.addi %add3A_702, %add3A_703 : i32
        %sub3A_705 = arith.constant 1 : i32
        %sub3A_706 = arith.subi %add3A_704, %sub3A_705 : i32
        %lt3A_707 = arith.constant 40 : i32
        %lt3A_708 = arith.cmpi slt, %sub3A_706, %lt3A_707 : i32
        %convert_element_type3A_709 = arith.extui %lt3A_708 : i1 to i32
        %cond3A_710 = arith.constant 0 : i32
        %cond3A_711 = arith.cmpi ne, %convert_element_type3A_709, %cond3A_710 : i32
        scf.if %cond3A_711 {
          %add3A_745 = arith.constant 1 : i32
          %add3A_746 = arith.addi %mul3A_648, %add3A_745 : i32
          %add3A_747 = arith.constant 3 : i32
          %add3A_748 = arith.addi %add3A_746, %add3A_747 : i32
          %sub3A_749 = arith.constant 1 : i32
          %sub3A_750 = arith.subi %add3A_748, %sub3A_749 : i32
          %dma_start3A_751 = arith.constant 0 : i32
          %dma_start3A_752 = tpu.memref_slice %arg7[%sub3A_750, %dma_start3A_751] : memref<40x100xi32, #tpu.memory_space<vmem>> -> memref<1x100xi32, #tpu.memory_space<vmem>>
          %dma_start3A_753 = tpu.memref_squeeze %dma_start3A_752 : memref<1x100xi32, #tpu.memory_space<vmem>> -> memref<100xi32, #tpu.memory_space<vmem>>
          %dma_start3A_754 = arith.constant 0 : i32
          %dma_start3A_755 = arith.constant 0 : i32
          %dma_start3A_756 = tpu.memref_slice %arg2[%dma_start3A_754, %dma_start3A_755] : memref<10000x128xf32, #tpu.memory_space<hbm>> -> memref<10000x128xf32, #tpu.memory_space<hbm>>
          tpu.enqueue_indirect_dma source(%dma_start3A_756 : memref<10000x128xf32, #tpu.memory_space<hbm>>) target(%arg10 : memref<100x128xf32, #tpu.memory_space<vmem>>) offsets(%dma_start3A_753 : memref<100xi32, #tpu.memory_space<vmem>>) semaphore(%arg14 : memref<!tpu.dma_semaphore, #tpu.memory_space<semaphore_mem>>)
        } else {
        }
        %dma_wait3A_712 = arith.constant 0 : i32
        %dma_wait3A_713 = arith.constant 0 : i32
        %dma_wait3A_714 = tpu.memref_slice %arg7[%dma_wait3A_712, %dma_wait3A_713] : memref<40x100xi32, #tpu.memory_space<vmem>> -> memref<1x100xi32, #tpu.memory_space<vmem>>
        %dma_wait3A_715 = tpu.memref_squeeze %dma_wait3A_714 : memref<1x100xi32, #tpu.memory_space<vmem>> -> memref<100xi32, #tpu.memory_space<vmem>>
        %dma_wait3A_716 = arith.constant 0 : i32
        %dma_wait3A_717 = arith.constant 0 : i32
        %dma_wait3A_718 = tpu.memref_slice %arg2[%dma_wait3A_716, %dma_wait3A_717] : memref<10000x128xf32, #tpu.memory_space<hbm>> -> memref<10000x128xf32, #tpu.memory_space<hbm>>
        tpu.wait_indirect_dma semaphore(%arg13 : memref<!tpu.dma_semaphore, #tpu.memory_space<semaphore_mem>>) src(%dma_wait3A_718 : memref<10000x128xf32, #tpu.memory_space<hbm>>) dst(%arg9 : memref<100x128xf32, #tpu.memory_space<vmem>>)
        %add3A_719 = arith.constant 2 : i32
        %add3A_720 = arith.addi %mul3A_648, %add3A_719 : i32
        %dma_start3A_721 = arith.constant 0 : i32
        %dma_start3A_722 = tpu.memref_slice %arg8[%add3A_720, %dma_start3A_721] : memref<40x100xi32, #tpu.memory_space<vmem>> -> memref<1x100xi32, #tpu.memory_space<vmem>>
        %dma_start3A_723 = tpu.memref_squeeze %dma_start3A_722 : memref<1x100xi32, #tpu.memory_space<vmem>> -> memref<100xi32, #tpu.memory_space<vmem>>
        %dma_start3A_724 = arith.constant 0 : i32
        %dma_start3A_725 = arith.constant 0 : i32
        %dma_start3A_726 = tpu.memref_slice %arg12[%dma_start3A_724, %dma_start3A_725] : memref<10000x128xf32, #tpu.memory_space<vmem_shared>> -> memref<10000x128xf32, #tpu.memory_space<vmem_shared>>
        tpu.enqueue_indirect_dma source(%arg9 : memref<100x128xf32, #tpu.memory_space<vmem>>) target(%dma_start3A_726 : memref<10000x128xf32, #tpu.memory_space<vmem_shared>>) offsets(%dma_start3A_723 : memref<100xi32, #tpu.memory_space<vmem>>) semaphore(%arg16 : memref<!tpu.dma_semaphore, #tpu.memory_space<semaphore_mem>>) {add = true}
        %dma_wait3A_727 = arith.constant 0 : i32
        %dma_wait3A_728 = arith.constant 0 : i32
        %dma_wait3A_729 = tpu.memref_slice %arg8[%dma_wait3A_727, %dma_wait3A_728] : memref<40x100xi32, #tpu.memory_space<vmem>> -> memref<1x100xi32, #tpu.memory_space<vmem>>
        %dma_wait3A_730 = tpu.memref_squeeze %dma_wait3A_729 : memref<1x100xi32, #tpu.memory_space<vmem>> -> memref<100xi32, #tpu.memory_space<vmem>>
        %dma_wait3A_731 = arith.constant 0 : i32
        %dma_wait3A_732 = arith.constant 0 : i32
        %dma_wait3A_733 = tpu.memref_slice %arg12[%dma_wait3A_731, %dma_wait3A_732] : memref<10000x128xf32, #tpu.memory_space<vmem_shared>> -> memref<10000x128xf32, #tpu.memory_space<vmem_shared>>
        tpu.wait_indirect_dma semaphore(%arg18 : memref<!tpu.dma_semaphore, #tpu.memory_space<semaphore_mem>>) src(%arg11 : memref<100x128xf32, #tpu.memory_space<vmem>>) dst(%dma_wait3A_733 : memref<10000x128xf32, #tpu.memory_space<vmem_shared>>)
        %add3A_734 = arith.constant 2 : i32
        %add3A_735 = arith.addi %mul3A_648, %add3A_734 : i32
        %add3A_736 = arith.constant 3 : i32
        %add3A_737 = arith.addi %add3A_735, %add3A_736 : i32
        %sub3A_738 = arith.constant 1 : i32
        %sub3A_739 = arith.subi %add3A_737, %sub3A_738 : i32
        %lt3A_740 = arith.constant 40 : i32
        %lt3A_741 = arith.cmpi slt, %sub3A_739, %lt3A_740 : i32
        %convert_element_type3A_742 = arith.extui %lt3A_741 : i1 to i32
        %cond3A_743 = arith.constant 0 : i32
        %cond3A_744 = arith.cmpi ne, %convert_element_type3A_742, %cond3A_743 : i32
        scf.if %cond3A_744 {
          %add3A_745 = arith.constant 2 : i32
          %add3A_746 = arith.addi %mul3A_648, %add3A_745 : i32
          %add3A_747 = arith.constant 3 : i32
          %add3A_748 = arith.addi %add3A_746, %add3A_747 : i32
          %sub3A_749 = arith.constant 1 : i32
          %sub3A_750 = arith.subi %add3A_748, %sub3A_749 : i32
          %dma_start3A_751 = arith.constant 0 : i32
          %dma_start3A_752 = tpu.memref_slice %arg7[%sub3A_750, %dma_start3A_751] : memref<40x100xi32, #tpu.memory_space<vmem>> -> memref<1x100xi32, #tpu.memory_space<vmem>>
          %dma_start3A_753 = tpu.memref_squeeze %dma_start3A_752 : memref<1x100xi32, #tpu.memory_space<vmem>> -> memref<100xi32, #tpu.memory_space<vmem>>
          %dma_start3A_754 = arith.constant 0 : i32
          %dma_start3A_755 = arith.constant 0 : i32
          %dma_start3A_756 = tpu.memref_slice %arg2[%dma_start3A_754, %dma_start3A_755] : memref<10000x128xf32, #tpu.memory_space<hbm>> -> memref<10000x128xf32, #tpu.memory_space<hbm>>
          tpu.enqueue_indirect_dma source(%dma_start3A_756 : memref<10000x128xf32, #tpu.memory_space<hbm>>) target(%arg11 : memref<100x128xf32, #tpu.memory_space<vmem>>) offsets(%dma_start3A_753 : memref<100xi32, #tpu.memory_space<vmem>>) semaphore(%arg15 : memref<!tpu.dma_semaphore, #tpu.memory_space<semaphore_mem>>)
        } else {
        }
      }
      %scan3A_253 = arith.constant 13 : i32
      %dma_wait3A_254 = arith.constant 0 : i32
      %dma_wait3A_255 = arith.constant 0 : i32
      %dma_wait3A_256 = tpu.memref_slice %arg7[%dma_wait3A_254, %dma_wait3A_255] : memref<40x100xi32, #tpu.memory_space<vmem>> -> memref<1x100xi32, #tpu.memory_space<vmem>>
      %dma_wait3A_257 = tpu.memref_squeeze %dma_wait3A_256 : memref<1x100xi32, #tpu.memory_space<vmem>> -> memref<100xi32, #tpu.memory_space<vmem>>
      %dma_wait3A_258 = arith.constant 0 : i32
      %dma_wait3A_259 = arith.constant 0 : i32
      %dma_wait3A_260 = tpu.memref_slice %arg2[%dma_wait3A_258, %dma_wait3A_259] : memref<10000x128xf32, #tpu.memory_space<hbm>> -> memref<10000x128xf32, #tpu.memory_space<hbm>>
      tpu.wait_indirect_dma semaphore(%arg14 : memref<!tpu.dma_semaphore, #tpu.memory_space<semaphore_mem>>) src(%dma_wait3A_260 : memref<10000x128xf32, #tpu.memory_space<hbm>>) dst(%arg10 : memref<100x128xf32, #tpu.memory_space<vmem>>)
      %dma_start3A_261 = arith.constant 39 : i32
      %dma_start3A_262 = arith.constant 0 : i32
      %dma_start3A_263 = tpu.memref_slice %arg8[%dma_start3A_261, %dma_start3A_262] : memref<40x100xi32, #tpu.memory_space<vmem>> -> memref<1x100xi32, #tpu.memory_space<vmem>>
      %dma_start3A_264 = tpu.memref_squeeze %dma_start3A_263 : memref<1x100xi32, #tpu.memory_space<vmem>> -> memref<100xi32, #tpu.memory_space<vmem>>
      %dma_start3A_265 = arith.constant 0 : i32
      %dma_start3A_266 = arith.constant 0 : i32
      %dma_start3A_267 = tpu.memref_slice %arg12[%dma_start3A_265, %dma_start3A_266] : memref<10000x128xf32, #tpu.memory_space<vmem_shared>> -> memref<10000x128xf32, #tpu.memory_space<vmem_shared>>
      tpu.enqueue_indirect_dma source(%arg10 : memref<100x128xf32, #tpu.memory_space<vmem>>) target(%dma_start3A_267 : memref<10000x128xf32, #tpu.memory_space<vmem_shared>>) offsets(%dma_start3A_264 : memref<100xi32, #tpu.memory_space<vmem>>) semaphore(%arg17 : memref<!tpu.dma_semaphore, #tpu.memory_space<semaphore_mem>>) {add = true}
      %dma_wait3A_268 = arith.constant 0 : i32
      %dma_wait3A_269 = arith.constant 0 : i32
      %dma_wait3A_270 = tpu.memref_slice %arg8[%dma_wait3A_268, %dma_wait3A_269] : memref<40x100xi32, #tpu.memory_space<vmem>> -> memref<1x100xi32, #tpu.memory_space<vmem>>
      %dma_wait3A_271 = tpu.memref_squeeze %dma_wait3A_270 : memref<1x100xi32, #tpu.memory_space<vmem>> -> memref<100xi32, #tpu.memory_space<vmem>>
      %dma_wait3A_272 = arith.constant 0 : i32
      %dma_wait3A_273 = arith.constant 0 : i32
      %dma_wait3A_274 = tpu.memref_slice %arg12[%dma_wait3A_272, %dma_wait3A_273] : memref<10000x128xf32, #tpu.memory_space<vmem_shared>> -> memref<10000x128xf32, #tpu.memory_space<vmem_shared>>
      tpu.wait_indirect_dma semaphore(%arg16 : memref<!tpu.dma_semaphore, #tpu.memory_space<semaphore_mem>>) src(%arg9 : memref<100x128xf32, #tpu.memory_space<vmem>>) dst(%dma_wait3A_274 : memref<10000x128xf32, #tpu.memory_space<vmem_shared>>)
      %dma_wait3A_275 = arith.constant 0 : i32
      %dma_wait3A_276 = arith.constant 0 : i32
      %dma_wait3A_277 = tpu.memref_slice %arg8[%dma_wait3A_275, %dma_wait3A_276] : memref<40x100xi32, #tpu.memory_space<vmem>> -> memref<1x100xi32, #tpu.memory_space<vmem>>
      %dma_wait3A_278 = tpu.memref_squeeze %dma_wait3A_277 : memref<1x100xi32, #tpu.memory_space<vmem>> -> memref<100xi32, #tpu.memory_space<vmem>>
      %dma_wait3A_279 = arith.constant 0 : i32
      %dma_wait3A_280 = arith.constant 0 : i32
      %dma_wait3A_281 = tpu.memref_slice %arg12[%dma_wait3A_279, %dma_wait3A_280] : memref<10000x128xf32, #tpu.memory_space<vmem_shared>> -> memref<10000x128xf32, #tpu.memory_space<vmem_shared>>
      tpu.wait_indirect_dma semaphore(%arg17 : memref<!tpu.dma_semaphore, #tpu.memory_space<semaphore_mem>>) src(%arg10 : memref<100x128xf32, #tpu.memory_space<vmem>>) dst(%dma_wait3A_281 : memref<10000x128xf32, #tpu.memory_space<vmem_shared>>)
      %dma_start3A_282 = arith.constant 0 : i32
      %dma_start3A_283 = arith.constant 80 : i32
      %dma_start3A_284 = arith.constant 0 : i32
      %dma_start3A_285 = tpu.memref_slice %arg4[%dma_start3A_282, %arg1, %dma_start3A_283, %dma_start3A_284] : memref<2x16x200x100xi32, #tpu.memory_space<hbm>> -> memref<1x1x40x100xi32, #tpu.memory_space<hbm>>
      %dma_start3A_286 = tpu.memref_squeeze %dma_start3A_285 : memref<1x1x40x100xi32, #tpu.memory_space<hbm>> -> memref<40x100xi32, #tpu.memory_space<hbm>>
      %dma_start3A_287 = arith.constant 80 : i32
      %dma_start3A_288 = arith.constant 0 : i32
      %dma_start3A_289 = tpu.memref_slice %arg4[%dma_start3A_282, %arg1, %dma_start3A_287, %dma_start3A_288] : memref<2x16x200x100xi32, #tpu.memory_space<hbm>> -> memref<1x1x40x100xi32, #tpu.memory_space<hbm>>
      %dma_start3A_290 = tpu.memref_squeeze %dma_start3A_289 : memref<1x1x40x100xi32, #tpu.memory_space<hbm>> -> memref<40x100xi32, #tpu.memory_space<hbm>>
      tpu.enqueue_dma source(%dma_start3A_290 : memref<40x100xi32, #tpu.memory_space<hbm>>) target(%arg7 : memref<40x100xi32, #tpu.memory_space<vmem>>) target_semaphore(%arg13 : memref<!tpu.dma_semaphore, #tpu.memory_space<semaphore_mem>>)
      %dma_start3A_291 = arith.constant 1 : i32
      %dma_start3A_292 = arith.constant 80 : i32
      %dma_start3A_293 = arith.constant 0 : i32
      %dma_start3A_294 = tpu.memref_slice %arg4[%dma_start3A_291, %arg1, %dma_start3A_292, %dma_start3A_293] : memref<2x16x200x100xi32, #tpu.memory_space<hbm>> -> memref<1x1x40x100xi32, #tpu.memory_space<hbm>>
      %dma_start3A_295 = tpu.memref_squeeze %dma_start3A_294 : memref<1x1x40x100xi32, #tpu.memory_space<hbm>> -> memref<40x100xi32, #tpu.memory_space<hbm>>
      %dma_start3A_296 = arith.constant 80 : i32
      %dma_start3A_297 = arith.constant 0 : i32
      %dma_start3A_298 = tpu.memref_slice %arg4[%dma_start3A_291, %arg1, %dma_start3A_296, %dma_start3A_297] : memref<2x16x200x100xi32, #tpu.memory_space<hbm>> -> memref<1x1x40x100xi32, #tpu.memory_space<hbm>>
      %dma_start3A_299 = tpu.memref_squeeze %dma_start3A_298 : memref<1x1x40x100xi32, #tpu.memory_space<hbm>> -> memref<40x100xi32, #tpu.memory_space<hbm>>
      tpu.enqueue_dma source(%dma_start3A_299 : memref<40x100xi32, #tpu.memory_space<hbm>>) target(%arg8 : memref<40x100xi32, #tpu.memory_space<vmem>>) target_semaphore(%arg14 : memref<!tpu.dma_semaphore, #tpu.memory_space<semaphore_mem>>)
      %dma_wait3A_300 = arith.constant 0 : i32
      %dma_wait3A_301 = arith.constant 80 : i32
      %dma_wait3A_302 = arith.constant 0 : i32
      %dma_wait3A_303 = tpu.memref_slice %arg4[%dma_wait3A_300, %arg1, %dma_wait3A_301, %dma_wait3A_302] : memref<2x16x200x100xi32, #tpu.memory_space<hbm>> -> memref<1x1x40x100xi32, #tpu.memory_space<hbm>>
      %dma_wait3A_304 = tpu.memref_squeeze %dma_wait3A_303 : memref<1x1x40x100xi32, #tpu.memory_space<hbm>> -> memref<40x100xi32, #tpu.memory_space<hbm>>
      %dma_wait3A_305 = arith.constant 80 : i32
      %dma_wait3A_306 = arith.constant 0 : i32
      %dma_wait3A_307 = tpu.memref_slice %arg4[%dma_wait3A_300, %arg1, %dma_wait3A_305, %dma_wait3A_306] : memref<2x16x200x100xi32, #tpu.memory_space<hbm>> -> memref<1x1x40x100xi32, #tpu.memory_space<hbm>>
      %dma_wait3A_308 = tpu.memref_squeeze %dma_wait3A_307 : memref<1x1x40x100xi32, #tpu.memory_space<hbm>> -> memref<40x100xi32, #tpu.memory_space<hbm>>
      tpu.wait_dma2 semaphore(%arg13 : memref<!tpu.dma_semaphore, #tpu.memory_space<semaphore_mem>>) src(%dma_wait3A_308 : memref<40x100xi32, #tpu.memory_space<hbm>>) dst(%arg7 : memref<40x100xi32, #tpu.memory_space<vmem>>)
      %dma_wait3A_309 = arith.constant 1 : i32
      %dma_wait3A_310 = arith.constant 80 : i32
      %dma_wait3A_311 = arith.constant 0 : i32
      %dma_wait3A_312 = tpu.memref_slice %arg4[%dma_wait3A_309, %arg1, %dma_wait3A_310, %dma_wait3A_311] : memref<2x16x200x100xi32, #tpu.memory_space<hbm>> -> memref<1x1x40x100xi32, #tpu.memory_space<hbm>>
      %dma_wait3A_313 = tpu.memref_squeeze %dma_wait3A_312 : memref<1x1x40x100xi32, #tpu.memory_space<hbm>> -> memref<40x100xi32, #tpu.memory_space<hbm>>
      %dma_wait3A_314 = arith.constant 80 : i32
      %dma_wait3A_315 = arith.constant 0 : i32
      %dma_wait3A_316 = tpu.memref_slice %arg4[%dma_wait3A_309, %arg1, %dma_wait3A_314, %dma_wait3A_315] : memref<2x16x200x100xi32, #tpu.memory_space<hbm>> -> memref<1x1x40x100xi32, #tpu.memory_space<hbm>>
      %dma_wait3A_317 = tpu.memref_squeeze %dma_wait3A_316 : memref<1x1x40x100xi32, #tpu.memory_space<hbm>> -> memref<40x100xi32, #tpu.memory_space<hbm>>
      tpu.wait_dma2 semaphore(%arg14 : memref<!tpu.dma_semaphore, #tpu.memory_space<semaphore_mem>>) src(%dma_wait3A_317 : memref<40x100xi32, #tpu.memory_space<hbm>>) dst(%arg8 : memref<40x100xi32, #tpu.memory_space<vmem>>)
      %dma_start3A_318 = arith.constant 0 : i32
      %dma_start3A_319 = arith.constant 0 : i32
      %dma_start3A_320 = tpu.memref_slice %arg7[%dma_start3A_318, %dma_start3A_319] : memref<40x100xi32, #tpu.memory_space<vmem>> -> memref<1x100xi32, #tpu.memory_space<vmem>>
      %dma_start3A_321 = tpu.memref_squeeze %dma_start3A_320 : memref<1x100xi32, #tpu.memory_space<vmem>> -> memref<100xi32, #tpu.memory_space<vmem>>
      %dma_start3A_322 = arith.constant 0 : i32
      %dma_start3A_323 = arith.constant 0 : i32
      %dma_start3A_324 = tpu.memref_slice %arg2[%dma_start3A_322, %dma_start3A_323] : memref<10000x128xf32, #tpu.memory_space<hbm>> -> memref<10000x128xf32, #tpu.memory_space<hbm>>
      tpu.enqueue_indirect_dma source(%dma_start3A_324 : memref<10000x128xf32, #tpu.memory_space<hbm>>) target(%arg11 : memref<100x128xf32, #tpu.memory_space<vmem>>) offsets(%dma_start3A_321 : memref<100xi32, #tpu.memory_space<vmem>>) semaphore(%arg15 : memref<!tpu.dma_semaphore, #tpu.memory_space<semaphore_mem>>)
      %dma_start3A_325 = arith.constant 1 : i32
      %dma_start3A_326 = arith.constant 0 : i32
      %dma_start3A_327 = tpu.memref_slice %arg7[%dma_start3A_325, %dma_start3A_326] : memref<40x100xi32, #tpu.memory_space<vmem>> -> memref<1x100xi32, #tpu.memory_space<vmem>>
      %dma_start3A_328 = tpu.memref_squeeze %dma_start3A_327 : memref<1x100xi32, #tpu.memory_space<vmem>> -> memref<100xi32, #tpu.memory_space<vmem>>
      %dma_start3A_329 = arith.constant 0 : i32
      %dma_start3A_330 = arith.constant 0 : i32
      %dma_start3A_331 = tpu.memref_slice %arg2[%dma_start3A_329, %dma_start3A_330] : memref<10000x128xf32, #tpu.memory_space<hbm>> -> memref<10000x128xf32, #tpu.memory_space<hbm>>
      tpu.enqueue_indirect_dma source(%dma_start3A_331 : memref<10000x128xf32, #tpu.memory_space<hbm>>) target(%arg9 : memref<100x128xf32, #tpu.memory_space<vmem>>) offsets(%dma_start3A_328 : memref<100xi32, #tpu.memory_space<vmem>>) semaphore(%arg13 : memref<!tpu.dma_semaphore, #tpu.memory_space<semaphore_mem>>)
      %scan3A_332 = arith.constant 0 : i32
      %scan3A_333 = arith.constant 0 : i32
      %scan3A_334 = arith.constant 13 : i32
      %scan3A_335 = arith.addi %scan3A_333, %scan3A_334 : i32
      %scan3A_336 = arith.constant 1 : i32
      scf.for %scan3A_647 = %scan3A_333 to %scan3A_335 step %scan3A_336  : i32 {
        %mul3A = arith.constant 3 : i32
        %mul3A_648 = arith.muli %scan3A_647, %mul3A : i32
        %dma_wait3A_649 = arith.constant 0 : i32
        %dma_wait3A_650 = arith.constant 0 : i32
        %dma_wait3A_651 = tpu.memref_slice %arg7[%dma_wait3A_649, %dma_wait3A_650] : memref<40x100xi32, #tpu.memory_space<vmem>> -> memref<1x100xi32, #tpu.memory_space<vmem>>
        %dma_wait3A_652 = tpu.memref_squeeze %dma_wait3A_651 : memref<1x100xi32, #tpu.memory_space<vmem>> -> memref<100xi32, #tpu.memory_space<vmem>>
        %dma_wait3A_653 = arith.constant 0 : i32
        %dma_wait3A_654 = arith.constant 0 : i32
        %dma_wait3A_655 = tpu.memref_slice %arg2[%dma_wait3A_653, %dma_wait3A_654] : memref<10000x128xf32, #tpu.memory_space<hbm>> -> memref<10000x128xf32, #tpu.memory_space<hbm>>
        tpu.wait_indirect_dma semaphore(%arg15 : memref<!tpu.dma_semaphore, #tpu.memory_space<semaphore_mem>>) src(%dma_wait3A_655 : memref<10000x128xf32, #tpu.memory_space<hbm>>) dst(%arg11 : memref<100x128xf32, #tpu.memory_space<vmem>>)
        %add3A_656 = arith.constant 0 : i32
        %add3A_657 = arith.addi %mul3A_648, %add3A_656 : i32
        %dma_start3A_658 = arith.constant 0 : i32
        %dma_start3A_659 = tpu.memref_slice %arg8[%add3A_657, %dma_start3A_658] : memref<40x100xi32, #tpu.memory_space<vmem>> -> memref<1x100xi32, #tpu.memory_space<vmem>>
        %dma_start3A_660 = tpu.memref_squeeze %dma_start3A_659 : memref<1x100xi32, #tpu.memory_space<vmem>> -> memref<100xi32, #tpu.memory_space<vmem>>
        %dma_start3A_661 = arith.constant 0 : i32
        %dma_start3A_662 = arith.constant 0 : i32
        %dma_start3A_663 = tpu.memref_slice %arg12[%dma_start3A_661, %dma_start3A_662] : memref<10000x128xf32, #tpu.memory_space<vmem_shared>> -> memref<10000x128xf32, #tpu.memory_space<vmem_shared>>
        tpu.enqueue_indirect_dma source(%arg11 : memref<100x128xf32, #tpu.memory_space<vmem>>) target(%dma_start3A_663 : memref<10000x128xf32, #tpu.memory_space<vmem_shared>>) offsets(%dma_start3A_660 : memref<100xi32, #tpu.memory_space<vmem>>) semaphore(%arg18 : memref<!tpu.dma_semaphore, #tpu.memory_space<semaphore_mem>>) {add = true}
        %gt3A = arith.constant 0 : i32
        %gt3A_664 = arith.cmpi sgt, %scan3A_647, %gt3A : i32
        %convert_element_type3A_665 = arith.extui %gt3A_664 : i1 to i32
        %cond3A_666 = arith.constant 0 : i32
        %cond3A_667 = arith.cmpi ne, %convert_element_type3A_665, %cond3A_666 : i32
        scf.if %cond3A_667 {
          %dma_wait3A_745 = arith.constant 0 : i32
          %dma_wait3A_746 = arith.constant 0 : i32
          %dma_wait3A_747 = tpu.memref_slice %arg8[%dma_wait3A_745, %dma_wait3A_746] : memref<40x100xi32, #tpu.memory_space<vmem>> -> memref<1x100xi32, #tpu.memory_space<vmem>>
          %dma_wait3A_748 = tpu.memref_squeeze %dma_wait3A_747 : memref<1x100xi32, #tpu.memory_space<vmem>> -> memref<100xi32, #tpu.memory_space<vmem>>
          %dma_wait3A_749 = arith.constant 0 : i32
          %dma_wait3A_750 = arith.constant 0 : i32
          %dma_wait3A_751 = tpu.memref_slice %arg12[%dma_wait3A_749, %dma_wait3A_750] : memref<10000x128xf32, #tpu.memory_space<vmem_shared>> -> memref<10000x128xf32, #tpu.memory_space<vmem_shared>>
          tpu.wait_indirect_dma semaphore(%arg17 : memref<!tpu.dma_semaphore, #tpu.memory_space<semaphore_mem>>) src(%arg10 : memref<100x128xf32, #tpu.memory_space<vmem>>) dst(%dma_wait3A_751 : memref<10000x128xf32, #tpu.memory_space<vmem_shared>>)
        } else {
        }
        %add3A_668 = arith.constant 0 : i32
        %add3A_669 = arith.addi %mul3A_648, %add3A_668 : i32
        %add3A_670 = arith.constant 3 : i32
        %add3A_671 = arith.addi %add3A_669, %add3A_670 : i32
        %sub3A = arith.constant 1 : i32
        %sub3A_672 = arith.subi %add3A_671, %sub3A : i32
        %dma_start3A_673 = arith.constant 0 : i32
        %dma_start3A_674 = tpu.memref_slice %arg7[%sub3A_672, %dma_start3A_673] : memref<40x100xi32, #tpu.memory_space<vmem>> -> memref<1x100xi32, #tpu.memory_space<vmem>>
        %dma_start3A_675 = tpu.memref_squeeze %dma_start3A_674 : memref<1x100xi32, #tpu.memory_space<vmem>> -> memref<100xi32, #tpu.memory_space<vmem>>
        %dma_start3A_676 = arith.constant 0 : i32
        %dma_start3A_677 = arith.constant 0 : i32
        %dma_start3A_678 = tpu.memref_slice %arg2[%dma_start3A_676, %dma_start3A_677] : memref<10000x128xf32, #tpu.memory_space<hbm>> -> memref<10000x128xf32, #tpu.memory_space<hbm>>
        tpu.enqueue_indirect_dma source(%dma_start3A_678 : memref<10000x128xf32, #tpu.memory_space<hbm>>) target(%arg10 : memref<100x128xf32, #tpu.memory_space<vmem>>) offsets(%dma_start3A_675 : memref<100xi32, #tpu.memory_space<vmem>>) semaphore(%arg14 : memref<!tpu.dma_semaphore, #tpu.memory_space<semaphore_mem>>)
        %dma_wait3A_679 = arith.constant 0 : i32
        %dma_wait3A_680 = arith.constant 0 : i32
        %dma_wait3A_681 = tpu.memref_slice %arg7[%dma_wait3A_679, %dma_wait3A_680] : memref<40x100xi32, #tpu.memory_space<vmem>> -> memref<1x100xi32, #tpu.memory_space<vmem>>
        %dma_wait3A_682 = tpu.memref_squeeze %dma_wait3A_681 : memref<1x100xi32, #tpu.memory_space<vmem>> -> memref<100xi32, #tpu.memory_space<vmem>>
        %dma_wait3A_683 = arith.constant 0 : i32
        %dma_wait3A_684 = arith.constant 0 : i32
        %dma_wait3A_685 = tpu.memref_slice %arg2[%dma_wait3A_683, %dma_wait3A_684] : memref<10000x128xf32, #tpu.memory_space<hbm>> -> memref<10000x128xf32, #tpu.memory_space<hbm>>
        tpu.wait_indirect_dma semaphore(%arg13 : memref<!tpu.dma_semaphore, #tpu.memory_space<semaphore_mem>>) src(%dma_wait3A_685 : memref<10000x128xf32, #tpu.memory_space<hbm>>) dst(%arg9 : memref<100x128xf32, #tpu.memory_space<vmem>>)
        %add3A_686 = arith.constant 1 : i32
        %add3A_687 = arith.addi %mul3A_648, %add3A_686 : i32
        %dma_start3A_688 = arith.constant 0 : i32
        %dma_start3A_689 = tpu.memref_slice %arg8[%add3A_687, %dma_start3A_688] : memref<40x100xi32, #tpu.memory_space<vmem>> -> memref<1x100xi32, #tpu.memory_space<vmem>>
        %dma_start3A_690 = tpu.memref_squeeze %dma_start3A_689 : memref<1x100xi32, #tpu.memory_space<vmem>> -> memref<100xi32, #tpu.memory_space<vmem>>
        %dma_start3A_691 = arith.constant 0 : i32
        %dma_start3A_692 = arith.constant 0 : i32
        %dma_start3A_693 = tpu.memref_slice %arg12[%dma_start3A_691, %dma_start3A_692] : memref<10000x128xf32, #tpu.memory_space<vmem_shared>> -> memref<10000x128xf32, #tpu.memory_space<vmem_shared>>
        tpu.enqueue_indirect_dma source(%arg9 : memref<100x128xf32, #tpu.memory_space<vmem>>) target(%dma_start3A_693 : memref<10000x128xf32, #tpu.memory_space<vmem_shared>>) offsets(%dma_start3A_690 : memref<100xi32, #tpu.memory_space<vmem>>) semaphore(%arg16 : memref<!tpu.dma_semaphore, #tpu.memory_space<semaphore_mem>>) {add = true}
        %dma_wait3A_694 = arith.constant 0 : i32
        %dma_wait3A_695 = arith.constant 0 : i32
        %dma_wait3A_696 = tpu.memref_slice %arg8[%dma_wait3A_694, %dma_wait3A_695] : memref<40x100xi32, #tpu.memory_space<vmem>> -> memref<1x100xi32, #tpu.memory_space<vmem>>
        %dma_wait3A_697 = tpu.memref_squeeze %dma_wait3A_696 : memref<1x100xi32, #tpu.memory_space<vmem>> -> memref<100xi32, #tpu.memory_space<vmem>>
        %dma_wait3A_698 = arith.constant 0 : i32
        %dma_wait3A_699 = arith.constant 0 : i32
        %dma_wait3A_700 = tpu.memref_slice %arg12[%dma_wait3A_698, %dma_wait3A_699] : memref<10000x128xf32, #tpu.memory_space<vmem_shared>> -> memref<10000x128xf32, #tpu.memory_space<vmem_shared>>
        tpu.wait_indirect_dma semaphore(%arg18 : memref<!tpu.dma_semaphore, #tpu.memory_space<semaphore_mem>>) src(%arg11 : memref<100x128xf32, #tpu.memory_space<vmem>>) dst(%dma_wait3A_700 : memref<10000x128xf32, #tpu.memory_space<vmem_shared>>)
        %add3A_701 = arith.constant 1 : i32
        %add3A_702 = arith.addi %mul3A_648, %add3A_701 : i32
        %add3A_703 = arith.constant 3 : i32
        %add3A_704 = arith.addi %add3A_702, %add3A_703 : i32
        %sub3A_705 = arith.constant 1 : i32
        %sub3A_706 = arith.subi %add3A_704, %sub3A_705 : i32
        %lt3A_707 = arith.constant 40 : i32
        %lt3A_708 = arith.cmpi slt, %sub3A_706, %lt3A_707 : i32
        %convert_element_type3A_709 = arith.extui %lt3A_708 : i1 to i32
        %cond3A_710 = arith.constant 0 : i32
        %cond3A_711 = arith.cmpi ne, %convert_element_type3A_709, %cond3A_710 : i32
        scf.if %cond3A_711 {
          %add3A_745 = arith.constant 1 : i32
          %add3A_746 = arith.addi %mul3A_648, %add3A_745 : i32
          %add3A_747 = arith.constant 3 : i32
          %add3A_748 = arith.addi %add3A_746, %add3A_747 : i32
          %sub3A_749 = arith.constant 1 : i32
          %sub3A_750 = arith.subi %add3A_748, %sub3A_749 : i32
          %dma_start3A_751 = arith.constant 0 : i32
          %dma_start3A_752 = tpu.memref_slice %arg7[%sub3A_750, %dma_start3A_751] : memref<40x100xi32, #tpu.memory_space<vmem>> -> memref<1x100xi32, #tpu.memory_space<vmem>>
          %dma_start3A_753 = tpu.memref_squeeze %dma_start3A_752 : memref<1x100xi32, #tpu.memory_space<vmem>> -> memref<100xi32, #tpu.memory_space<vmem>>
          %dma_start3A_754 = arith.constant 0 : i32
          %dma_start3A_755 = arith.constant 0 : i32
          %dma_start3A_756 = tpu.memref_slice %arg2[%dma_start3A_754, %dma_start3A_755] : memref<10000x128xf32, #tpu.memory_space<hbm>> -> memref<10000x128xf32, #tpu.memory_space<hbm>>
          tpu.enqueue_indirect_dma source(%dma_start3A_756 : memref<10000x128xf32, #tpu.memory_space<hbm>>) target(%arg11 : memref<100x128xf32, #tpu.memory_space<vmem>>) offsets(%dma_start3A_753 : memref<100xi32, #tpu.memory_space<vmem>>) semaphore(%arg15 : memref<!tpu.dma_semaphore, #tpu.memory_space<semaphore_mem>>)
        } else {
        }
        %dma_wait3A_712 = arith.constant 0 : i32
        %dma_wait3A_713 = arith.constant 0 : i32
        %dma_wait3A_714 = tpu.memref_slice %arg7[%dma_wait3A_712, %dma_wait3A_713] : memref<40x100xi32, #tpu.memory_space<vmem>> -> memref<1x100xi32, #tpu.memory_space<vmem>>
        %dma_wait3A_715 = tpu.memref_squeeze %dma_wait3A_714 : memref<1x100xi32, #tpu.memory_space<vmem>> -> memref<100xi32, #tpu.memory_space<vmem>>
        %dma_wait3A_716 = arith.constant 0 : i32
        %dma_wait3A_717 = arith.constant 0 : i32
        %dma_wait3A_718 = tpu.memref_slice %arg2[%dma_wait3A_716, %dma_wait3A_717] : memref<10000x128xf32, #tpu.memory_space<hbm>> -> memref<10000x128xf32, #tpu.memory_space<hbm>>
        tpu.wait_indirect_dma semaphore(%arg14 : memref<!tpu.dma_semaphore, #tpu.memory_space<semaphore_mem>>) src(%dma_wait3A_718 : memref<10000x128xf32, #tpu.memory_space<hbm>>) dst(%arg10 : memref<100x128xf32, #tpu.memory_space<vmem>>)
        %add3A_719 = arith.constant 2 : i32
        %add3A_720 = arith.addi %mul3A_648, %add3A_719 : i32
        %dma_start3A_721 = arith.constant 0 : i32
        %dma_start3A_722 = tpu.memref_slice %arg8[%add3A_720, %dma_start3A_721] : memref<40x100xi32, #tpu.memory_space<vmem>> -> memref<1x100xi32, #tpu.memory_space<vmem>>
        %dma_start3A_723 = tpu.memref_squeeze %dma_start3A_722 : memref<1x100xi32, #tpu.memory_space<vmem>> -> memref<100xi32, #tpu.memory_space<vmem>>
        %dma_start3A_724 = arith.constant 0 : i32
        %dma_start3A_725 = arith.constant 0 : i32
        %dma_start3A_726 = tpu.memref_slice %arg12[%dma_start3A_724, %dma_start3A_725] : memref<10000x128xf32, #tpu.memory_space<vmem_shared>> -> memref<10000x128xf32, #tpu.memory_space<vmem_shared>>
        tpu.enqueue_indirect_dma source(%arg10 : memref<100x128xf32, #tpu.memory_space<vmem>>) target(%dma_start3A_726 : memref<10000x128xf32, #tpu.memory_space<vmem_shared>>) offsets(%dma_start3A_723 : memref<100xi32, #tpu.memory_space<vmem>>) semaphore(%arg17 : memref<!tpu.dma_semaphore, #tpu.memory_space<semaphore_mem>>) {add = true}
        %dma_wait3A_727 = arith.constant 0 : i32
        %dma_wait3A_728 = arith.constant 0 : i32
        %dma_wait3A_729 = tpu.memref_slice %arg8[%dma_wait3A_727, %dma_wait3A_728] : memref<40x100xi32, #tpu.memory_space<vmem>> -> memref<1x100xi32, #tpu.memory_space<vmem>>
        %dma_wait3A_730 = tpu.memref_squeeze %dma_wait3A_729 : memref<1x100xi32, #tpu.memory_space<vmem>> -> memref<100xi32, #tpu.memory_space<vmem>>
        %dma_wait3A_731 = arith.constant 0 : i32
        %dma_wait3A_732 = arith.constant 0 : i32
        %dma_wait3A_733 = tpu.memref_slice %arg12[%dma_wait3A_731, %dma_wait3A_732] : memref<10000x128xf32, #tpu.memory_space<vmem_shared>> -> memref<10000x128xf32, #tpu.memory_space<vmem_shared>>
        tpu.wait_indirect_dma semaphore(%arg16 : memref<!tpu.dma_semaphore, #tpu.memory_space<semaphore_mem>>) src(%arg9 : memref<100x128xf32, #tpu.memory_space<vmem>>) dst(%dma_wait3A_733 : memref<10000x128xf32, #tpu.memory_space<vmem_shared>>)
        %add3A_734 = arith.constant 2 : i32
        %add3A_735 = arith.addi %mul3A_648, %add3A_734 : i32
        %add3A_736 = arith.constant 3 : i32
        %add3A_737 = arith.addi %add3A_735, %add3A_736 : i32
        %sub3A_738 = arith.constant 1 : i32
        %sub3A_739 = arith.subi %add3A_737, %sub3A_738 : i32
        %lt3A_740 = arith.constant 40 : i32
        %lt3A_741 = arith.cmpi slt, %sub3A_739, %lt3A_740 : i32
        %convert_element_type3A_742 = arith.extui %lt3A_741 : i1 to i32
        %cond3A_743 = arith.constant 0 : i32
        %cond3A_744 = arith.cmpi ne, %convert_element_type3A_742, %cond3A_743 : i32
        scf.if %cond3A_744 {
          %add3A_745 = arith.constant 2 : i32
          %add3A_746 = arith.addi %mul3A_648, %add3A_745 : i32
          %add3A_747 = arith.constant 3 : i32
          %add3A_748 = arith.addi %add3A_746, %add3A_747 : i32
          %sub3A_749 = arith.constant 1 : i32
          %sub3A_750 = arith.subi %add3A_748, %sub3A_749 : i32
          %dma_start3A_751 = arith.constant 0 : i32
          %dma_start3A_752 = tpu.memref_slice %arg7[%sub3A_750, %dma_start3A_751] : memref<40x100xi32, #tpu.memory_space<vmem>> -> memref<1x100xi32, #tpu.memory_space<vmem>>
          %dma_start3A_753 = tpu.memref_squeeze %dma_start3A_752 : memref<1x100xi32, #tpu.memory_space<vmem>> -> memref<100xi32, #tpu.memory_space<vmem>>
          %dma_start3A_754 = arith.constant 0 : i32
          %dma_start3A_755 = arith.constant 0 : i32
          %dma_start3A_756 = tpu.memref_slice %arg2[%dma_start3A_754, %dma_start3A_755] : memref<10000x128xf32, #tpu.memory_space<hbm>> -> memref<10000x128xf32, #tpu.memory_space<hbm>>
          tpu.enqueue_indirect_dma source(%dma_start3A_756 : memref<10000x128xf32, #tpu.memory_space<hbm>>) target(%arg9 : memref<100x128xf32, #tpu.memory_space<vmem>>) offsets(%dma_start3A_753 : memref<100xi32, #tpu.memory_space<vmem>>) semaphore(%arg13 : memref<!tpu.dma_semaphore, #tpu.memory_space<semaphore_mem>>)
        } else {
        }
      }
      %scan3A_337 = arith.constant 13 : i32
      %dma_wait3A_338 = arith.constant 0 : i32
      %dma_wait3A_339 = arith.constant 0 : i32
      %dma_wait3A_340 = tpu.memref_slice %arg7[%dma_wait3A_338, %dma_wait3A_339] : memref<40x100xi32, #tpu.memory_space<vmem>> -> memref<1x100xi32, #tpu.memory_space<vmem>>
      %dma_wait3A_341 = tpu.memref_squeeze %dma_wait3A_340 : memref<1x100xi32, #tpu.memory_space<vmem>> -> memref<100xi32, #tpu.memory_space<vmem>>
      %dma_wait3A_342 = arith.constant 0 : i32
      %dma_wait3A_343 = arith.constant 0 : i32
      %dma_wait3A_344 = tpu.memref_slice %arg2[%dma_wait3A_342, %dma_wait3A_343] : memref<10000x128xf32, #tpu.memory_space<hbm>> -> memref<10000x128xf32, #tpu.memory_space<hbm>>
      tpu.wait_indirect_dma semaphore(%arg15 : memref<!tpu.dma_semaphore, #tpu.memory_space<semaphore_mem>>) src(%dma_wait3A_344 : memref<10000x128xf32, #tpu.memory_space<hbm>>) dst(%arg11 : memref<100x128xf32, #tpu.memory_space<vmem>>)
      %dma_start3A_345 = arith.constant 39 : i32
      %dma_start3A_346 = arith.constant 0 : i32
      %dma_start3A_347 = tpu.memref_slice %arg8[%dma_start3A_345, %dma_start3A_346] : memref<40x100xi32, #tpu.memory_space<vmem>> -> memref<1x100xi32, #tpu.memory_space<vmem>>
      %dma_start3A_348 = tpu.memref_squeeze %dma_start3A_347 : memref<1x100xi32, #tpu.memory_space<vmem>> -> memref<100xi32, #tpu.memory_space<vmem>>
      %dma_start3A_349 = arith.constant 0 : i32
      %dma_start3A_350 = arith.constant 0 : i32
      %dma_start3A_351 = tpu.memref_slice %arg12[%dma_start3A_349, %dma_start3A_350] : memref<10000x128xf32, #tpu.memory_space<vmem_shared>> -> memref<10000x128xf32, #tpu.memory_space<vmem_shared>>
      tpu.enqueue_indirect_dma source(%arg11 : memref<100x128xf32, #tpu.memory_space<vmem>>) target(%dma_start3A_351 : memref<10000x128xf32, #tpu.memory_space<vmem_shared>>) offsets(%dma_start3A_348 : memref<100xi32, #tpu.memory_space<vmem>>) semaphore(%arg18 : memref<!tpu.dma_semaphore, #tpu.memory_space<semaphore_mem>>) {add = true}
      %dma_wait3A_352 = arith.constant 0 : i32
      %dma_wait3A_353 = arith.constant 0 : i32
      %dma_wait3A_354 = tpu.memref_slice %arg8[%dma_wait3A_352, %dma_wait3A_353] : memref<40x100xi32, #tpu.memory_space<vmem>> -> memref<1x100xi32, #tpu.memory_space<vmem>>
      %dma_wait3A_355 = tpu.memref_squeeze %dma_wait3A_354 : memref<1x100xi32, #tpu.memory_space<vmem>> -> memref<100xi32, #tpu.memory_space<vmem>>
      %dma_wait3A_356 = arith.constant 0 : i32
      %dma_wait3A_357 = arith.constant 0 : i32
      %dma_wait3A_358 = tpu.memref_slice %arg12[%dma_wait3A_356, %dma_wait3A_357] : memref<10000x128xf32, #tpu.memory_space<vmem_shared>> -> memref<10000x128xf32, #tpu.memory_space<vmem_shared>>
      tpu.wait_indirect_dma semaphore(%arg17 : memref<!tpu.dma_semaphore, #tpu.memory_space<semaphore_mem>>) src(%arg10 : memref<100x128xf32, #tpu.memory_space<vmem>>) dst(%dma_wait3A_358 : memref<10000x128xf32, #tpu.memory_space<vmem_shared>>)
      %dma_wait3A_359 = arith.constant 0 : i32
      %dma_wait3A_360 = arith.constant 0 : i32
      %dma_wait3A_361 = tpu.memref_slice %arg8[%dma_wait3A_359, %dma_wait3A_360] : memref<40x100xi32, #tpu.memory_space<vmem>> -> memref<1x100xi32, #tpu.memory_space<vmem>>
      %dma_wait3A_362 = tpu.memref_squeeze %dma_wait3A_361 : memref<1x100xi32, #tpu.memory_space<vmem>> -> memref<100xi32, #tpu.memory_space<vmem>>
      %dma_wait3A_363 = arith.constant 0 : i32
      %dma_wait3A_364 = arith.constant 0 : i32
      %dma_wait3A_365 = tpu.memref_slice %arg12[%dma_wait3A_363, %dma_wait3A_364] : memref<10000x128xf32, #tpu.memory_space<vmem_shared>> -> memref<10000x128xf32, #tpu.memory_space<vmem_shared>>
      tpu.wait_indirect_dma semaphore(%arg18 : memref<!tpu.dma_semaphore, #tpu.memory_space<semaphore_mem>>) src(%arg11 : memref<100x128xf32, #tpu.memory_space<vmem>>) dst(%dma_wait3A_365 : memref<10000x128xf32, #tpu.memory_space<vmem_shared>>)
      %dma_start3A_366 = arith.constant 0 : i32
      %dma_start3A_367 = arith.constant 120 : i32
      %dma_start3A_368 = arith.constant 0 : i32
      %dma_start3A_369 = tpu.memref_slice %arg4[%dma_start3A_366, %arg1, %dma_start3A_367, %dma_start3A_368] : memref<2x16x200x100xi32, #tpu.memory_space<hbm>> -> memref<1x1x40x100xi32, #tpu.memory_space<hbm>>
      %dma_start3A_370 = tpu.memref_squeeze %dma_start3A_369 : memref<1x1x40x100xi32, #tpu.memory_space<hbm>> -> memref<40x100xi32, #tpu.memory_space<hbm>>
      %dma_start3A_371 = arith.constant 120 : i32
      %dma_start3A_372 = arith.constant 0 : i32
      %dma_start3A_373 = tpu.memref_slice %arg4[%dma_start3A_366, %arg1, %dma_start3A_371, %dma_start3A_372] : memref<2x16x200x100xi32, #tpu.memory_space<hbm>> -> memref<1x1x40x100xi32, #tpu.memory_space<hbm>>
      %dma_start3A_374 = tpu.memref_squeeze %dma_start3A_373 : memref<1x1x40x100xi32, #tpu.memory_space<hbm>> -> memref<40x100xi32, #tpu.memory_space<hbm>>
      tpu.enqueue_dma source(%dma_start3A_374 : memref<40x100xi32, #tpu.memory_space<hbm>>) target(%arg7 : memref<40x100xi32, #tpu.memory_space<vmem>>) target_semaphore(%arg13 : memref<!tpu.dma_semaphore, #tpu.memory_space<semaphore_mem>>)
      %dma_start3A_375 = arith.constant 1 : i32
      %dma_start3A_376 = arith.constant 120 : i32
      %dma_start3A_377 = arith.constant 0 : i32
      %dma_start3A_378 = tpu.memref_slice %arg4[%dma_start3A_375, %arg1, %dma_start3A_376, %dma_start3A_377] : memref<2x16x200x100xi32, #tpu.memory_space<hbm>> -> memref<1x1x40x100xi32, #tpu.memory_space<hbm>>
      %dma_start3A_379 = tpu.memref_squeeze %dma_start3A_378 : memref<1x1x40x100xi32, #tpu.memory_space<hbm>> -> memref<40x100xi32, #tpu.memory_space<hbm>>
      %dma_start3A_380 = arith.constant 120 : i32
      %dma_start3A_381 = arith.constant 0 : i32
      %dma_start3A_382 = tpu.memref_slice %arg4[%dma_start3A_375, %arg1, %dma_start3A_380, %dma_start3A_381] : memref<2x16x200x100xi32, #tpu.memory_space<hbm>> -> memref<1x1x40x100xi32, #tpu.memory_space<hbm>>
      %dma_start3A_383 = tpu.memref_squeeze %dma_start3A_382 : memref<1x1x40x100xi32, #tpu.memory_space<hbm>> -> memref<40x100xi32, #tpu.memory_space<hbm>>
      tpu.enqueue_dma source(%dma_start3A_383 : memref<40x100xi32, #tpu.memory_space<hbm>>) target(%arg8 : memref<40x100xi32, #tpu.memory_space<vmem>>) target_semaphore(%arg14 : memref<!tpu.dma_semaphore, #tpu.memory_space<semaphore_mem>>)
      %dma_wait3A_384 = arith.constant 0 : i32
      %dma_wait3A_385 = arith.constant 120 : i32
      %dma_wait3A_386 = arith.constant 0 : i32
      %dma_wait3A_387 = tpu.memref_slice %arg4[%dma_wait3A_384, %arg1, %dma_wait3A_385, %dma_wait3A_386] : memref<2x16x200x100xi32, #tpu.memory_space<hbm>> -> memref<1x1x40x100xi32, #tpu.memory_space<hbm>>
      %dma_wait3A_388 = tpu.memref_squeeze %dma_wait3A_387 : memref<1x1x40x100xi32, #tpu.memory_space<hbm>> -> memref<40x100xi32, #tpu.memory_space<hbm>>
      %dma_wait3A_389 = arith.constant 120 : i32
      %dma_wait3A_390 = arith.constant 0 : i32
      %dma_wait3A_391 = tpu.memref_slice %arg4[%dma_wait3A_384, %arg1, %dma_wait3A_389, %dma_wait3A_390] : memref<2x16x200x100xi32, #tpu.memory_space<hbm>> -> memref<1x1x40x100xi32, #tpu.memory_space<hbm>>
      %dma_wait3A_392 = tpu.memref_squeeze %dma_wait3A_391 : memref<1x1x40x100xi32, #tpu.memory_space<hbm>> -> memref<40x100xi32, #tpu.memory_space<hbm>>
      tpu.wait_dma2 semaphore(%arg13 : memref<!tpu.dma_semaphore, #tpu.memory_space<semaphore_mem>>) src(%dma_wait3A_392 : memref<40x100xi32, #tpu.memory_space<hbm>>) dst(%arg7 : memref<40x100xi32, #tpu.memory_space<vmem>>)
      %dma_wait3A_393 = arith.constant 1 : i32
      %dma_wait3A_394 = arith.constant 120 : i32
      %dma_wait3A_395 = arith.constant 0 : i32
      %dma_wait3A_396 = tpu.memref_slice %arg4[%dma_wait3A_393, %arg1, %dma_wait3A_394, %dma_wait3A_395] : memref<2x16x200x100xi32, #tpu.memory_space<hbm>> -> memref<1x1x40x100xi32, #tpu.memory_space<hbm>>
      %dma_wait3A_397 = tpu.memref_squeeze %dma_wait3A_396 : memref<1x1x40x100xi32, #tpu.memory_space<hbm>> -> memref<40x100xi32, #tpu.memory_space<hbm>>
      %dma_wait3A_398 = arith.constant 120 : i32
      %dma_wait3A_399 = arith.constant 0 : i32
      %dma_wait3A_400 = tpu.memref_slice %arg4[%dma_wait3A_393, %arg1, %dma_wait3A_398, %dma_wait3A_399] : memref<2x16x200x100xi32, #tpu.memory_space<hbm>> -> memref<1x1x40x100xi32, #tpu.memory_space<hbm>>
      %dma_wait3A_401 = tpu.memref_squeeze %dma_wait3A_400 : memref<1x1x40x100xi32, #tpu.memory_space<hbm>> -> memref<40x100xi32, #tpu.memory_space<hbm>>
      tpu.wait_dma2 semaphore(%arg14 : memref<!tpu.dma_semaphore, #tpu.memory_space<semaphore_mem>>) src(%dma_wait3A_401 : memref<40x100xi32, #tpu.memory_space<hbm>>) dst(%arg8 : memref<40x100xi32, #tpu.memory_space<vmem>>)
      %dma_start3A_402 = arith.constant 0 : i32
      %dma_start3A_403 = arith.constant 0 : i32
      %dma_start3A_404 = tpu.memref_slice %arg7[%dma_start3A_402, %dma_start3A_403] : memref<40x100xi32, #tpu.memory_space<vmem>> -> memref<1x100xi32, #tpu.memory_space<vmem>>
      %dma_start3A_405 = tpu.memref_squeeze %dma_start3A_404 : memref<1x100xi32, #tpu.memory_space<vmem>> -> memref<100xi32, #tpu.memory_space<vmem>>
      %dma_start3A_406 = arith.constant 0 : i32
      %dma_start3A_407 = arith.constant 0 : i32
      %dma_start3A_408 = tpu.memref_slice %arg2[%dma_start3A_406, %dma_start3A_407] : memref<10000x128xf32, #tpu.memory_space<hbm>> -> memref<10000x128xf32, #tpu.memory_space<hbm>>
      tpu.enqueue_indirect_dma source(%dma_start3A_408 : memref<10000x128xf32, #tpu.memory_space<hbm>>) target(%arg9 : memref<100x128xf32, #tpu.memory_space<vmem>>) offsets(%dma_start3A_405 : memref<100xi32, #tpu.memory_space<vmem>>) semaphore(%arg13 : memref<!tpu.dma_semaphore, #tpu.memory_space<semaphore_mem>>)
      %dma_start3A_409 = arith.constant 1 : i32
      %dma_start3A_410 = arith.constant 0 : i32
      %dma_start3A_411 = tpu.memref_slice %arg7[%dma_start3A_409, %dma_start3A_410] : memref<40x100xi32, #tpu.memory_space<vmem>> -> memref<1x100xi32, #tpu.memory_space<vmem>>
      %dma_start3A_412 = tpu.memref_squeeze %dma_start3A_411 : memref<1x100xi32, #tpu.memory_space<vmem>> -> memref<100xi32, #tpu.memory_space<vmem>>
      %dma_start3A_413 = arith.constant 0 : i32
      %dma_start3A_414 = arith.constant 0 : i32
      %dma_start3A_415 = tpu.memref_slice %arg2[%dma_start3A_413, %dma_start3A_414] : memref<10000x128xf32, #tpu.memory_space<hbm>> -> memref<10000x128xf32, #tpu.memory_space<hbm>>
      tpu.enqueue_indirect_dma source(%dma_start3A_415 : memref<10000x128xf32, #tpu.memory_space<hbm>>) target(%arg10 : memref<100x128xf32, #tpu.memory_space<vmem>>) offsets(%dma_start3A_412 : memref<100xi32, #tpu.memory_space<vmem>>) semaphore(%arg14 : memref<!tpu.dma_semaphore, #tpu.memory_space<semaphore_mem>>)
      %scan3A_416 = arith.constant 0 : i32
      %scan3A_417 = arith.constant 0 : i32
      %scan3A_418 = arith.constant 13 : i32
      %scan3A_419 = arith.addi %scan3A_417, %scan3A_418 : i32
      %scan3A_420 = arith.constant 1 : i32
      scf.for %scan3A_647 = %scan3A_417 to %scan3A_419 step %scan3A_420  : i32 {
        %mul3A = arith.constant 3 : i32
        %mul3A_648 = arith.muli %scan3A_647, %mul3A : i32
        %dma_wait3A_649 = arith.constant 0 : i32
        %dma_wait3A_650 = arith.constant 0 : i32
        %dma_wait3A_651 = tpu.memref_slice %arg7[%dma_wait3A_649, %dma_wait3A_650] : memref<40x100xi32, #tpu.memory_space<vmem>> -> memref<1x100xi32, #tpu.memory_space<vmem>>
        %dma_wait3A_652 = tpu.memref_squeeze %dma_wait3A_651 : memref<1x100xi32, #tpu.memory_space<vmem>> -> memref<100xi32, #tpu.memory_space<vmem>>
        %dma_wait3A_653 = arith.constant 0 : i32
        %dma_wait3A_654 = arith.constant 0 : i32
        %dma_wait3A_655 = tpu.memref_slice %arg2[%dma_wait3A_653, %dma_wait3A_654] : memref<10000x128xf32, #tpu.memory_space<hbm>> -> memref<10000x128xf32, #tpu.memory_space<hbm>>
        tpu.wait_indirect_dma semaphore(%arg13 : memref<!tpu.dma_semaphore, #tpu.memory_space<semaphore_mem>>) src(%dma_wait3A_655 : memref<10000x128xf32, #tpu.memory_space<hbm>>) dst(%arg9 : memref<100x128xf32, #tpu.memory_space<vmem>>)
        %add3A_656 = arith.constant 0 : i32
        %add3A_657 = arith.addi %mul3A_648, %add3A_656 : i32
        %dma_start3A_658 = arith.constant 0 : i32
        %dma_start3A_659 = tpu.memref_slice %arg8[%add3A_657, %dma_start3A_658] : memref<40x100xi32, #tpu.memory_space<vmem>> -> memref<1x100xi32, #tpu.memory_space<vmem>>
        %dma_start3A_660 = tpu.memref_squeeze %dma_start3A_659 : memref<1x100xi32, #tpu.memory_space<vmem>> -> memref<100xi32, #tpu.memory_space<vmem>>
        %dma_start3A_661 = arith.constant 0 : i32
        %dma_start3A_662 = arith.constant 0 : i32
        %dma_start3A_663 = tpu.memref_slice %arg12[%dma_start3A_661, %dma_start3A_662] : memref<10000x128xf32, #tpu.memory_space<vmem_shared>> -> memref<10000x128xf32, #tpu.memory_space<vmem_shared>>
        tpu.enqueue_indirect_dma source(%arg9 : memref<100x128xf32, #tpu.memory_space<vmem>>) target(%dma_start3A_663 : memref<10000x128xf32, #tpu.memory_space<vmem_shared>>) offsets(%dma_start3A_660 : memref<100xi32, #tpu.memory_space<vmem>>) semaphore(%arg16 : memref<!tpu.dma_semaphore, #tpu.memory_space<semaphore_mem>>) {add = true}
        %gt3A = arith.constant 0 : i32
        %gt3A_664 = arith.cmpi sgt, %scan3A_647, %gt3A : i32
        %convert_element_type3A_665 = arith.extui %gt3A_664 : i1 to i32
        %cond3A_666 = arith.constant 0 : i32
        %cond3A_667 = arith.cmpi ne, %convert_element_type3A_665, %cond3A_666 : i32
        scf.if %cond3A_667 {
          %dma_wait3A_745 = arith.constant 0 : i32
          %dma_wait3A_746 = arith.constant 0 : i32
          %dma_wait3A_747 = tpu.memref_slice %arg8[%dma_wait3A_745, %dma_wait3A_746] : memref<40x100xi32, #tpu.memory_space<vmem>> -> memref<1x100xi32, #tpu.memory_space<vmem>>
          %dma_wait3A_748 = tpu.memref_squeeze %dma_wait3A_747 : memref<1x100xi32, #tpu.memory_space<vmem>> -> memref<100xi32, #tpu.memory_space<vmem>>
          %dma_wait3A_749 = arith.constant 0 : i32
          %dma_wait3A_750 = arith.constant 0 : i32
          %dma_wait3A_751 = tpu.memref_slice %arg12[%dma_wait3A_749, %dma_wait3A_750] : memref<10000x128xf32, #tpu.memory_space<vmem_shared>> -> memref<10000x128xf32, #tpu.memory_space<vmem_shared>>
          tpu.wait_indirect_dma semaphore(%arg18 : memref<!tpu.dma_semaphore, #tpu.memory_space<semaphore_mem>>) src(%arg11 : memref<100x128xf32, #tpu.memory_space<vmem>>) dst(%dma_wait3A_751 : memref<10000x128xf32, #tpu.memory_space<vmem_shared>>)
        } else {
        }
        %add3A_668 = arith.constant 0 : i32
        %add3A_669 = arith.addi %mul3A_648, %add3A_668 : i32
        %add3A_670 = arith.constant 3 : i32
        %add3A_671 = arith.addi %add3A_669, %add3A_670 : i32
        %sub3A = arith.constant 1 : i32
        %sub3A_672 = arith.subi %add3A_671, %sub3A : i32
        %dma_start3A_673 = arith.constant 0 : i32
        %dma_start3A_674 = tpu.memref_slice %arg7[%sub3A_672, %dma_start3A_673] : memref<40x100xi32, #tpu.memory_space<vmem>> -> memref<1x100xi32, #tpu.memory_space<vmem>>
        %dma_start3A_675 = tpu.memref_squeeze %dma_start3A_674 : memref<1x100xi32, #tpu.memory_space<vmem>> -> memref<100xi32, #tpu.memory_space<vmem>>
        %dma_start3A_676 = arith.constant 0 : i32
        %dma_start3A_677 = arith.constant 0 : i32
        %dma_start3A_678 = tpu.memref_slice %arg2[%dma_start3A_676, %dma_start3A_677] : memref<10000x128xf32, #tpu.memory_space<hbm>> -> memref<10000x128xf32, #tpu.memory_space<hbm>>
        tpu.enqueue_indirect_dma source(%dma_start3A_678 : memref<10000x128xf32, #tpu.memory_space<hbm>>) target(%arg11 : memref<100x128xf32, #tpu.memory_space<vmem>>) offsets(%dma_start3A_675 : memref<100xi32, #tpu.memory_space<vmem>>) semaphore(%arg15 : memref<!tpu.dma_semaphore, #tpu.memory_space<semaphore_mem>>)
        %dma_wait3A_679 = arith.constant 0 : i32
        %dma_wait3A_680 = arith.constant 0 : i32
        %dma_wait3A_681 = tpu.memref_slice %arg7[%dma_wait3A_679, %dma_wait3A_680] : memref<40x100xi32, #tpu.memory_space<vmem>> -> memref<1x100xi32, #tpu.memory_space<vmem>>
        %dma_wait3A_682 = tpu.memref_squeeze %dma_wait3A_681 : memref<1x100xi32, #tpu.memory_space<vmem>> -> memref<100xi32, #tpu.memory_space<vmem>>
        %dma_wait3A_683 = arith.constant 0 : i32
        %dma_wait3A_684 = arith.constant 0 : i32
        %dma_wait3A_685 = tpu.memref_slice %arg2[%dma_wait3A_683, %dma_wait3A_684] : memref<10000x128xf32, #tpu.memory_space<hbm>> -> memref<10000x128xf32, #tpu.memory_space<hbm>>
        tpu.wait_indirect_dma semaphore(%arg14 : memref<!tpu.dma_semaphore, #tpu.memory_space<semaphore_mem>>) src(%dma_wait3A_685 : memref<10000x128xf32, #tpu.memory_space<hbm>>) dst(%arg10 : memref<100x128xf32, #tpu.memory_space<vmem>>)
        %add3A_686 = arith.constant 1 : i32
        %add3A_687 = arith.addi %mul3A_648, %add3A_686 : i32
        %dma_start3A_688 = arith.constant 0 : i32
        %dma_start3A_689 = tpu.memref_slice %arg8[%add3A_687, %dma_start3A_688] : memref<40x100xi32, #tpu.memory_space<vmem>> -> memref<1x100xi32, #tpu.memory_space<vmem>>
        %dma_start3A_690 = tpu.memref_squeeze %dma_start3A_689 : memref<1x100xi32, #tpu.memory_space<vmem>> -> memref<100xi32, #tpu.memory_space<vmem>>
        %dma_start3A_691 = arith.constant 0 : i32
        %dma_start3A_692 = arith.constant 0 : i32
        %dma_start3A_693 = tpu.memref_slice %arg12[%dma_start3A_691, %dma_start3A_692] : memref<10000x128xf32, #tpu.memory_space<vmem_shared>> -> memref<10000x128xf32, #tpu.memory_space<vmem_shared>>
        tpu.enqueue_indirect_dma source(%arg10 : memref<100x128xf32, #tpu.memory_space<vmem>>) target(%dma_start3A_693 : memref<10000x128xf32, #tpu.memory_space<vmem_shared>>) offsets(%dma_start3A_690 : memref<100xi32, #tpu.memory_space<vmem>>) semaphore(%arg17 : memref<!tpu.dma_semaphore, #tpu.memory_space<semaphore_mem>>) {add = true}
        %dma_wait3A_694 = arith.constant 0 : i32
        %dma_wait3A_695 = arith.constant 0 : i32
        %dma_wait3A_696 = tpu.memref_slice %arg8[%dma_wait3A_694, %dma_wait3A_695] : memref<40x100xi32, #tpu.memory_space<vmem>> -> memref<1x100xi32, #tpu.memory_space<vmem>>
        %dma_wait3A_697 = tpu.memref_squeeze %dma_wait3A_696 : memref<1x100xi32, #tpu.memory_space<vmem>> -> memref<100xi32, #tpu.memory_space<vmem>>
        %dma_wait3A_698 = arith.constant 0 : i32
        %dma_wait3A_699 = arith.constant 0 : i32
        %dma_wait3A_700 = tpu.memref_slice %arg12[%dma_wait3A_698, %dma_wait3A_699] : memref<10000x128xf32, #tpu.memory_space<vmem_shared>> -> memref<10000x128xf32, #tpu.memory_space<vmem_shared>>
        tpu.wait_indirect_dma semaphore(%arg16 : memref<!tpu.dma_semaphore, #tpu.memory_space<semaphore_mem>>) src(%arg9 : memref<100x128xf32, #tpu.memory_space<vmem>>) dst(%dma_wait3A_700 : memref<10000x128xf32, #tpu.memory_space<vmem_shared>>)
        %add3A_701 = arith.constant 1 : i32
        %add3A_702 = arith.addi %mul3A_648, %add3A_701 : i32
        %add3A_703 = arith.constant 3 : i32
        %add3A_704 = arith.addi %add3A_702, %add3A_703 : i32
        %sub3A_705 = arith.constant 1 : i32
        %sub3A_706 = arith.subi %add3A_704, %sub3A_705 : i32
        %lt3A_707 = arith.constant 40 : i32
        %lt3A_708 = arith.cmpi slt, %sub3A_706, %lt3A_707 : i32
        %convert_element_type3A_709 = arith.extui %lt3A_708 : i1 to i32
        %cond3A_710 = arith.constant 0 : i32
        %cond3A_711 = arith.cmpi ne, %convert_element_type3A_709, %cond3A_710 : i32
        scf.if %cond3A_711 {
          %add3A_745 = arith.constant 1 : i32
          %add3A_746 = arith.addi %mul3A_648, %add3A_745 : i32
          %add3A_747 = arith.constant 3 : i32
          %add3A_748 = arith.addi %add3A_746, %add3A_747 : i32
          %sub3A_749 = arith.constant 1 : i32
          %sub3A_750 = arith.subi %add3A_748, %sub3A_749 : i32
          %dma_start3A_751 = arith.constant 0 : i32
          %dma_start3A_752 = tpu.memref_slice %arg7[%sub3A_750, %dma_start3A_751] : memref<40x100xi32, #tpu.memory_space<vmem>> -> memref<1x100xi32, #tpu.memory_space<vmem>>
          %dma_start3A_753 = tpu.memref_squeeze %dma_start3A_752 : memref<1x100xi32, #tpu.memory_space<vmem>> -> memref<100xi32, #tpu.memory_space<vmem>>
          %dma_start3A_754 = arith.constant 0 : i32
          %dma_start3A_755 = arith.constant 0 : i32
          %dma_start3A_756 = tpu.memref_slice %arg2[%dma_start3A_754, %dma_start3A_755] : memref<10000x128xf32, #tpu.memory_space<hbm>> -> memref<10000x128xf32, #tpu.memory_space<hbm>>
          tpu.enqueue_indirect_dma source(%dma_start3A_756 : memref<10000x128xf32, #tpu.memory_space<hbm>>) target(%arg9 : memref<100x128xf32, #tpu.memory_space<vmem>>) offsets(%dma_start3A_753 : memref<100xi32, #tpu.memory_space<vmem>>) semaphore(%arg13 : memref<!tpu.dma_semaphore, #tpu.memory_space<semaphore_mem>>)
        } else {
        }
        %dma_wait3A_712 = arith.constant 0 : i32
        %dma_wait3A_713 = arith.constant 0 : i32
        %dma_wait3A_714 = tpu.memref_slice %arg7[%dma_wait3A_712, %dma_wait3A_713] : memref<40x100xi32, #tpu.memory_space<vmem>> -> memref<1x100xi32, #tpu.memory_space<vmem>>
        %dma_wait3A_715 = tpu.memref_squeeze %dma_wait3A_714 : memref<1x100xi32, #tpu.memory_space<vmem>> -> memref<100xi32, #tpu.memory_space<vmem>>
        %dma_wait3A_716 = arith.constant 0 : i32
        %dma_wait3A_717 = arith.constant 0 : i32
        %dma_wait3A_718 = tpu.memref_slice %arg2[%dma_wait3A_716, %dma_wait3A_717] : memref<10000x128xf32, #tpu.memory_space<hbm>> -> memref<10000x128xf32, #tpu.memory_space<hbm>>
        tpu.wait_indirect_dma semaphore(%arg15 : memref<!tpu.dma_semaphore, #tpu.memory_space<semaphore_mem>>) src(%dma_wait3A_718 : memref<10000x128xf32, #tpu.memory_space<hbm>>) dst(%arg11 : memref<100x128xf32, #tpu.memory_space<vmem>>)
        %add3A_719 = arith.constant 2 : i32
        %add3A_720 = arith.addi %mul3A_648, %add3A_719 : i32
        %dma_start3A_721 = arith.constant 0 : i32
        %dma_start3A_722 = tpu.memref_slice %arg8[%add3A_720, %dma_start3A_721] : memref<40x100xi32, #tpu.memory_space<vmem>> -> memref<1x100xi32, #tpu.memory_space<vmem>>
        %dma_start3A_723 = tpu.memref_squeeze %dma_start3A_722 : memref<1x100xi32, #tpu.memory_space<vmem>> -> memref<100xi32, #tpu.memory_space<vmem>>
        %dma_start3A_724 = arith.constant 0 : i32
        %dma_start3A_725 = arith.constant 0 : i32
        %dma_start3A_726 = tpu.memref_slice %arg12[%dma_start3A_724, %dma_start3A_725] : memref<10000x128xf32, #tpu.memory_space<vmem_shared>> -> memref<10000x128xf32, #tpu.memory_space<vmem_shared>>
        tpu.enqueue_indirect_dma source(%arg11 : memref<100x128xf32, #tpu.memory_space<vmem>>) target(%dma_start3A_726 : memref<10000x128xf32, #tpu.memory_space<vmem_shared>>) offsets(%dma_start3A_723 : memref<100xi32, #tpu.memory_space<vmem>>) semaphore(%arg18 : memref<!tpu.dma_semaphore, #tpu.memory_space<semaphore_mem>>) {add = true}
        %dma_wait3A_727 = arith.constant 0 : i32
        %dma_wait3A_728 = arith.constant 0 : i32
        %dma_wait3A_729 = tpu.memref_slice %arg8[%dma_wait3A_727, %dma_wait3A_728] : memref<40x100xi32, #tpu.memory_space<vmem>> -> memref<1x100xi32, #tpu.memory_space<vmem>>
        %dma_wait3A_730 = tpu.memref_squeeze %dma_wait3A_729 : memref<1x100xi32, #tpu.memory_space<vmem>> -> memref<100xi32, #tpu.memory_space<vmem>>
        %dma_wait3A_731 = arith.constant 0 : i32
        %dma_wait3A_732 = arith.constant 0 : i32
        %dma_wait3A_733 = tpu.memref_slice %arg12[%dma_wait3A_731, %dma_wait3A_732] : memref<10000x128xf32, #tpu.memory_space<vmem_shared>> -> memref<10000x128xf32, #tpu.memory_space<vmem_shared>>
        tpu.wait_indirect_dma semaphore(%arg17 : memref<!tpu.dma_semaphore, #tpu.memory_space<semaphore_mem>>) src(%arg10 : memref<100x128xf32, #tpu.memory_space<vmem>>) dst(%dma_wait3A_733 : memref<10000x128xf32, #tpu.memory_space<vmem_shared>>)
        %add3A_734 = arith.constant 2 : i32
        %add3A_735 = arith.addi %mul3A_648, %add3A_734 : i32
        %add3A_736 = arith.constant 3 : i32
        %add3A_737 = arith.addi %add3A_735, %add3A_736 : i32
        %sub3A_738 = arith.constant 1 : i32
        %sub3A_739 = arith.subi %add3A_737, %sub3A_738 : i32
        %lt3A_740 = arith.constant 40 : i32
        %lt3A_741 = arith.cmpi slt, %sub3A_739, %lt3A_740 : i32
        %convert_element_type3A_742 = arith.extui %lt3A_741 : i1 to i32
        %cond3A_743 = arith.constant 0 : i32
        %cond3A_744 = arith.cmpi ne, %convert_element_type3A_742, %cond3A_743 : i32
        scf.if %cond3A_744 {
          %add3A_745 = arith.constant 2 : i32
          %add3A_746 = arith.addi %mul3A_648, %add3A_745 : i32
          %add3A_747 = arith.constant 3 : i32
          %add3A_748 = arith.addi %add3A_746, %add3A_747 : i32
          %sub3A_749 = arith.constant 1 : i32
          %sub3A_750 = arith.subi %add3A_748, %sub3A_749 : i32
          %dma_start3A_751 = arith.constant 0 : i32
          %dma_start3A_752 = tpu.memref_slice %arg7[%sub3A_750, %dma_start3A_751] : memref<40x100xi32, #tpu.memory_space<vmem>> -> memref<1x100xi32, #tpu.memory_space<vmem>>
          %dma_start3A_753 = tpu.memref_squeeze %dma_start3A_752 : memref<1x100xi32, #tpu.memory_space<vmem>> -> memref<100xi32, #tpu.memory_space<vmem>>
          %dma_start3A_754 = arith.constant 0 : i32
          %dma_start3A_755 = arith.constant 0 : i32
          %dma_start3A_756 = tpu.memref_slice %arg2[%dma_start3A_754, %dma_start3A_755] : memref<10000x128xf32, #tpu.memory_space<hbm>> -> memref<10000x128xf32, #tpu.memory_space<hbm>>
          tpu.enqueue_indirect_dma source(%dma_start3A_756 : memref<10000x128xf32, #tpu.memory_space<hbm>>) target(%arg10 : memref<100x128xf32, #tpu.memory_space<vmem>>) offsets(%dma_start3A_753 : memref<100xi32, #tpu.memory_space<vmem>>) semaphore(%arg14 : memref<!tpu.dma_semaphore, #tpu.memory_space<semaphore_mem>>)
        } else {
        }
      }
      %scan3A_421 = arith.constant 13 : i32
      %dma_wait3A_422 = arith.constant 0 : i32
      %dma_wait3A_423 = arith.constant 0 : i32
      %dma_wait3A_424 = tpu.memref_slice %arg7[%dma_wait3A_422, %dma_wait3A_423] : memref<40x100xi32, #tpu.memory_space<vmem>> -> memref<1x100xi32, #tpu.memory_space<vmem>>
      %dma_wait3A_425 = tpu.memref_squeeze %dma_wait3A_424 : memref<1x100xi32, #tpu.memory_space<vmem>> -> memref<100xi32, #tpu.memory_space<vmem>>
      %dma_wait3A_426 = arith.constant 0 : i32
      %dma_wait3A_427 = arith.constant 0 : i32
      %dma_wait3A_428 = tpu.memref_slice %arg2[%dma_wait3A_426, %dma_wait3A_427] : memref<10000x128xf32, #tpu.memory_space<hbm>> -> memref<10000x128xf32, #tpu.memory_space<hbm>>
      tpu.wait_indirect_dma semaphore(%arg13 : memref<!tpu.dma_semaphore, #tpu.memory_space<semaphore_mem>>) src(%dma_wait3A_428 : memref<10000x128xf32, #tpu.memory_space<hbm>>) dst(%arg9 : memref<100x128xf32, #tpu.memory_space<vmem>>)
      %dma_start3A_429 = arith.constant 39 : i32
      %dma_start3A_430 = arith.constant 0 : i32
      %dma_start3A_431 = tpu.memref_slice %arg8[%dma_start3A_429, %dma_start3A_430] : memref<40x100xi32, #tpu.memory_space<vmem>> -> memref<1x100xi32, #tpu.memory_space<vmem>>
      %dma_start3A_432 = tpu.memref_squeeze %dma_start3A_431 : memref<1x100xi32, #tpu.memory_space<vmem>> -> memref<100xi32, #tpu.memory_space<vmem>>
      %dma_start3A_433 = arith.constant 0 : i32
      %dma_start3A_434 = arith.constant 0 : i32
      %dma_start3A_435 = tpu.memref_slice %arg12[%dma_start3A_433, %dma_start3A_434] : memref<10000x128xf32, #tpu.memory_space<vmem_shared>> -> memref<10000x128xf32, #tpu.memory_space<vmem_shared>>
      tpu.enqueue_indirect_dma source(%arg9 : memref<100x128xf32, #tpu.memory_space<vmem>>) target(%dma_start3A_435 : memref<10000x128xf32, #tpu.memory_space<vmem_shared>>) offsets(%dma_start3A_432 : memref<100xi32, #tpu.memory_space<vmem>>) semaphore(%arg16 : memref<!tpu.dma_semaphore, #tpu.memory_space<semaphore_mem>>) {add = true}
      %dma_wait3A_436 = arith.constant 0 : i32
      %dma_wait3A_437 = arith.constant 0 : i32
      %dma_wait3A_438 = tpu.memref_slice %arg8[%dma_wait3A_436, %dma_wait3A_437] : memref<40x100xi32, #tpu.memory_space<vmem>> -> memref<1x100xi32, #tpu.memory_space<vmem>>
      %dma_wait3A_439 = tpu.memref_squeeze %dma_wait3A_438 : memref<1x100xi32, #tpu.memory_space<vmem>> -> memref<100xi32, #tpu.memory_space<vmem>>
      %dma_wait3A_440 = arith.constant 0 : i32
      %dma_wait3A_441 = arith.constant 0 : i32
      %dma_wait3A_442 = tpu.memref_slice %arg12[%dma_wait3A_440, %dma_wait3A_441] : memref<10000x128xf32, #tpu.memory_space<vmem_shared>> -> memref<10000x128xf32, #tpu.memory_space<vmem_shared>>
      tpu.wait_indirect_dma semaphore(%arg18 : memref<!tpu.dma_semaphore, #tpu.memory_space<semaphore_mem>>) src(%arg11 : memref<100x128xf32, #tpu.memory_space<vmem>>) dst(%dma_wait3A_442 : memref<10000x128xf32, #tpu.memory_space<vmem_shared>>)
      %dma_wait3A_443 = arith.constant 0 : i32
      %dma_wait3A_444 = arith.constant 0 : i32
      %dma_wait3A_445 = tpu.memref_slice %arg8[%dma_wait3A_443, %dma_wait3A_444] : memref<40x100xi32, #tpu.memory_space<vmem>> -> memref<1x100xi32, #tpu.memory_space<vmem>>
      %dma_wait3A_446 = tpu.memref_squeeze %dma_wait3A_445 : memref<1x100xi32, #tpu.memory_space<vmem>> -> memref<100xi32, #tpu.memory_space<vmem>>
      %dma_wait3A_447 = arith.constant 0 : i32
      %dma_wait3A_448 = arith.constant 0 : i32
      %dma_wait3A_449 = tpu.memref_slice %arg12[%dma_wait3A_447, %dma_wait3A_448] : memref<10000x128xf32, #tpu.memory_space<vmem_shared>> -> memref<10000x128xf32, #tpu.memory_space<vmem_shared>>
      tpu.wait_indirect_dma semaphore(%arg16 : memref<!tpu.dma_semaphore, #tpu.memory_space<semaphore_mem>>) src(%arg9 : memref<100x128xf32, #tpu.memory_space<vmem>>) dst(%dma_wait3A_449 : memref<10000x128xf32, #tpu.memory_space<vmem_shared>>)
      %dma_start3A_450 = arith.constant 0 : i32
      %dma_start3A_451 = arith.constant 160 : i32
      %dma_start3A_452 = arith.constant 0 : i32
      %dma_start3A_453 = tpu.memref_slice %arg4[%dma_start3A_450, %arg1, %dma_start3A_451, %dma_start3A_452] : memref<2x16x200x100xi32, #tpu.memory_space<hbm>> -> memref<1x1x40x100xi32, #tpu.memory_space<hbm>>
      %dma_start3A_454 = tpu.memref_squeeze %dma_start3A_453 : memref<1x1x40x100xi32, #tpu.memory_space<hbm>> -> memref<40x100xi32, #tpu.memory_space<hbm>>
      %dma_start3A_455 = arith.constant 160 : i32
      %dma_start3A_456 = arith.constant 0 : i32
      %dma_start3A_457 = tpu.memref_slice %arg4[%dma_start3A_450, %arg1, %dma_start3A_455, %dma_start3A_456] : memref<2x16x200x100xi32, #tpu.memory_space<hbm>> -> memref<1x1x40x100xi32, #tpu.memory_space<hbm>>
      %dma_start3A_458 = tpu.memref_squeeze %dma_start3A_457 : memref<1x1x40x100xi32, #tpu.memory_space<hbm>> -> memref<40x100xi32, #tpu.memory_space<hbm>>
      tpu.enqueue_dma source(%dma_start3A_458 : memref<40x100xi32, #tpu.memory_space<hbm>>) target(%arg7 : memref<40x100xi32, #tpu.memory_space<vmem>>) target_semaphore(%arg13 : memref<!tpu.dma_semaphore, #tpu.memory_space<semaphore_mem>>)
      %dma_start3A_459 = arith.constant 1 : i32
      %dma_start3A_460 = arith.constant 160 : i32
      %dma_start3A_461 = arith.constant 0 : i32
      %dma_start3A_462 = tpu.memref_slice %arg4[%dma_start3A_459, %arg1, %dma_start3A_460, %dma_start3A_461] : memref<2x16x200x100xi32, #tpu.memory_space<hbm>> -> memref<1x1x40x100xi32, #tpu.memory_space<hbm>>
      %dma_start3A_463 = tpu.memref_squeeze %dma_start3A_462 : memref<1x1x40x100xi32, #tpu.memory_space<hbm>> -> memref<40x100xi32, #tpu.memory_space<hbm>>
      %dma_start3A_464 = arith.constant 160 : i32
      %dma_start3A_465 = arith.constant 0 : i32
      %dma_start3A_466 = tpu.memref_slice %arg4[%dma_start3A_459, %arg1, %dma_start3A_464, %dma_start3A_465] : memref<2x16x200x100xi32, #tpu.memory_space<hbm>> -> memref<1x1x40x100xi32, #tpu.memory_space<hbm>>
      %dma_start3A_467 = tpu.memref_squeeze %dma_start3A_466 : memref<1x1x40x100xi32, #tpu.memory_space<hbm>> -> memref<40x100xi32, #tpu.memory_space<hbm>>
      tpu.enqueue_dma source(%dma_start3A_467 : memref<40x100xi32, #tpu.memory_space<hbm>>) target(%arg8 : memref<40x100xi32, #tpu.memory_space<vmem>>) target_semaphore(%arg14 : memref<!tpu.dma_semaphore, #tpu.memory_space<semaphore_mem>>)
      %dma_wait3A_468 = arith.constant 0 : i32
      %dma_wait3A_469 = arith.constant 160 : i32
      %dma_wait3A_470 = arith.constant 0 : i32
      %dma_wait3A_471 = tpu.memref_slice %arg4[%dma_wait3A_468, %arg1, %dma_wait3A_469, %dma_wait3A_470] : memref<2x16x200x100xi32, #tpu.memory_space<hbm>> -> memref<1x1x40x100xi32, #tpu.memory_space<hbm>>
      %dma_wait3A_472 = tpu.memref_squeeze %dma_wait3A_471 : memref<1x1x40x100xi32, #tpu.memory_space<hbm>> -> memref<40x100xi32, #tpu.memory_space<hbm>>
      %dma_wait3A_473 = arith.constant 160 : i32
      %dma_wait3A_474 = arith.constant 0 : i32
      %dma_wait3A_475 = tpu.memref_slice %arg4[%dma_wait3A_468, %arg1, %dma_wait3A_473, %dma_wait3A_474] : memref<2x16x200x100xi32, #tpu.memory_space<hbm>> -> memref<1x1x40x100xi32, #tpu.memory_space<hbm>>
      %dma_wait3A_476 = tpu.memref_squeeze %dma_wait3A_475 : memref<1x1x40x100xi32, #tpu.memory_space<hbm>> -> memref<40x100xi32, #tpu.memory_space<hbm>>
      tpu.wait_dma2 semaphore(%arg13 : memref<!tpu.dma_semaphore, #tpu.memory_space<semaphore_mem>>) src(%dma_wait3A_476 : memref<40x100xi32, #tpu.memory_space<hbm>>) dst(%arg7 : memref<40x100xi32, #tpu.memory_space<vmem>>)
      %dma_wait3A_477 = arith.constant 1 : i32
      %dma_wait3A_478 = arith.constant 160 : i32
      %dma_wait3A_479 = arith.constant 0 : i32
      %dma_wait3A_480 = tpu.memref_slice %arg4[%dma_wait3A_477, %arg1, %dma_wait3A_478, %dma_wait3A_479] : memref<2x16x200x100xi32, #tpu.memory_space<hbm>> -> memref<1x1x40x100xi32, #tpu.memory_space<hbm>>
      %dma_wait3A_481 = tpu.memref_squeeze %dma_wait3A_480 : memref<1x1x40x100xi32, #tpu.memory_space<hbm>> -> memref<40x100xi32, #tpu.memory_space<hbm>>
      %dma_wait3A_482 = arith.constant 160 : i32
      %dma_wait3A_483 = arith.constant 0 : i32
      %dma_wait3A_484 = tpu.memref_slice %arg4[%dma_wait3A_477, %arg1, %dma_wait3A_482, %dma_wait3A_483] : memref<2x16x200x100xi32, #tpu.memory_space<hbm>> -> memref<1x1x40x100xi32, #tpu.memory_space<hbm>>
      %dma_wait3A_485 = tpu.memref_squeeze %dma_wait3A_484 : memref<1x1x40x100xi32, #tpu.memory_space<hbm>> -> memref<40x100xi32, #tpu.memory_space<hbm>>
      tpu.wait_dma2 semaphore(%arg14 : memref<!tpu.dma_semaphore, #tpu.memory_space<semaphore_mem>>) src(%dma_wait3A_485 : memref<40x100xi32, #tpu.memory_space<hbm>>) dst(%arg8 : memref<40x100xi32, #tpu.memory_space<vmem>>)
      %dma_start3A_486 = arith.constant 0 : i32
      %dma_start3A_487 = arith.constant 0 : i32
      %dma_start3A_488 = tpu.memref_slice %arg7[%dma_start3A_486, %dma_start3A_487] : memref<40x100xi32, #tpu.memory_space<vmem>> -> memref<1x100xi32, #tpu.memory_space<vmem>>
      %dma_start3A_489 = tpu.memref_squeeze %dma_start3A_488 : memref<1x100xi32, #tpu.memory_space<vmem>> -> memref<100xi32, #tpu.memory_space<vmem>>
      %dma_start3A_490 = arith.constant 0 : i32
      %dma_start3A_491 = arith.constant 0 : i32
      %dma_start3A_492 = tpu.memref_slice %arg2[%dma_start3A_490, %dma_start3A_491] : memref<10000x128xf32, #tpu.memory_space<hbm>> -> memref<10000x128xf32, #tpu.memory_space<hbm>>
      tpu.enqueue_indirect_dma source(%dma_start3A_492 : memref<10000x128xf32, #tpu.memory_space<hbm>>) target(%arg10 : memref<100x128xf32, #tpu.memory_space<vmem>>) offsets(%dma_start3A_489 : memref<100xi32, #tpu.memory_space<vmem>>) semaphore(%arg14 : memref<!tpu.dma_semaphore, #tpu.memory_space<semaphore_mem>>)
      %dma_start3A_493 = arith.constant 1 : i32
      %dma_start3A_494 = arith.constant 0 : i32
      %dma_start3A_495 = tpu.memref_slice %arg7[%dma_start3A_493, %dma_start3A_494] : memref<40x100xi32, #tpu.memory_space<vmem>> -> memref<1x100xi32, #tpu.memory_space<vmem>>
      %dma_start3A_496 = tpu.memref_squeeze %dma_start3A_495 : memref<1x100xi32, #tpu.memory_space<vmem>> -> memref<100xi32, #tpu.memory_space<vmem>>
      %dma_start3A_497 = arith.constant 0 : i32
      %dma_start3A_498 = arith.constant 0 : i32
      %dma_start3A_499 = tpu.memref_slice %arg2[%dma_start3A_497, %dma_start3A_498] : memref<10000x128xf32, #tpu.memory_space<hbm>> -> memref<10000x128xf32, #tpu.memory_space<hbm>>
      tpu.enqueue_indirect_dma source(%dma_start3A_499 : memref<10000x128xf32, #tpu.memory_space<hbm>>) target(%arg11 : memref<100x128xf32, #tpu.memory_space<vmem>>) offsets(%dma_start3A_496 : memref<100xi32, #tpu.memory_space<vmem>>) semaphore(%arg15 : memref<!tpu.dma_semaphore, #tpu.memory_space<semaphore_mem>>)
      %scan3A_500 = arith.constant 0 : i32
      %scan3A_501 = arith.constant 0 : i32
      %scan3A_502 = arith.constant 13 : i32
      %scan3A_503 = arith.addi %scan3A_501, %scan3A_502 : i32
      %scan3A_504 = arith.constant 1 : i32
      scf.for %scan3A_647 = %scan3A_501 to %scan3A_503 step %scan3A_504  : i32 {
        %mul3A = arith.constant 3 : i32
        %mul3A_648 = arith.muli %scan3A_647, %mul3A : i32
        %dma_wait3A_649 = arith.constant 0 : i32
        %dma_wait3A_650 = arith.constant 0 : i32
        %dma_wait3A_651 = tpu.memref_slice %arg7[%dma_wait3A_649, %dma_wait3A_650] : memref<40x100xi32, #tpu.memory_space<vmem>> -> memref<1x100xi32, #tpu.memory_space<vmem>>
        %dma_wait3A_652 = tpu.memref_squeeze %dma_wait3A_651 : memref<1x100xi32, #tpu.memory_space<vmem>> -> memref<100xi32, #tpu.memory_space<vmem>>
        %dma_wait3A_653 = arith.constant 0 : i32
        %dma_wait3A_654 = arith.constant 0 : i32
        %dma_wait3A_655 = tpu.memref_slice %arg2[%dma_wait3A_653, %dma_wait3A_654] : memref<10000x128xf32, #tpu.memory_space<hbm>> -> memref<10000x128xf32, #tpu.memory_space<hbm>>
        tpu.wait_indirect_dma semaphore(%arg14 : memref<!tpu.dma_semaphore, #tpu.memory_space<semaphore_mem>>) src(%dma_wait3A_655 : memref<10000x128xf32, #tpu.memory_space<hbm>>) dst(%arg10 : memref<100x128xf32, #tpu.memory_space<vmem>>)
        %add3A_656 = arith.constant 0 : i32
        %add3A_657 = arith.addi %mul3A_648, %add3A_656 : i32
        %dma_start3A_658 = arith.constant 0 : i32
        %dma_start3A_659 = tpu.memref_slice %arg8[%add3A_657, %dma_start3A_658] : memref<40x100xi32, #tpu.memory_space<vmem>> -> memref<1x100xi32, #tpu.memory_space<vmem>>
        %dma_start3A_660 = tpu.memref_squeeze %dma_start3A_659 : memref<1x100xi32, #tpu.memory_space<vmem>> -> memref<100xi32, #tpu.memory_space<vmem>>
        %dma_start3A_661 = arith.constant 0 : i32
        %dma_start3A_662 = arith.constant 0 : i32
        %dma_start3A_663 = tpu.memref_slice %arg12[%dma_start3A_661, %dma_start3A_662] : memref<10000x128xf32, #tpu.memory_space<vmem_shared>> -> memref<10000x128xf32, #tpu.memory_space<vmem_shared>>
        tpu.enqueue_indirect_dma source(%arg10 : memref<100x128xf32, #tpu.memory_space<vmem>>) target(%dma_start3A_663 : memref<10000x128xf32, #tpu.memory_space<vmem_shared>>) offsets(%dma_start3A_660 : memref<100xi32, #tpu.memory_space<vmem>>) semaphore(%arg17 : memref<!tpu.dma_semaphore, #tpu.memory_space<semaphore_mem>>) {add = true}
        %gt3A = arith.constant 0 : i32
        %gt3A_664 = arith.cmpi sgt, %scan3A_647, %gt3A : i32
        %convert_element_type3A_665 = arith.extui %gt3A_664 : i1 to i32
        %cond3A_666 = arith.constant 0 : i32
        %cond3A_667 = arith.cmpi ne, %convert_element_type3A_665, %cond3A_666 : i32
        scf.if %cond3A_667 {
          %dma_wait3A_745 = arith.constant 0 : i32
          %dma_wait3A_746 = arith.constant 0 : i32
          %dma_wait3A_747 = tpu.memref_slice %arg8[%dma_wait3A_745, %dma_wait3A_746] : memref<40x100xi32, #tpu.memory_space<vmem>> -> memref<1x100xi32, #tpu.memory_space<vmem>>
          %dma_wait3A_748 = tpu.memref_squeeze %dma_wait3A_747 : memref<1x100xi32, #tpu.memory_space<vmem>> -> memref<100xi32, #tpu.memory_space<vmem>>
          %dma_wait3A_749 = arith.constant 0 : i32
          %dma_wait3A_750 = arith.constant 0 : i32
          %dma_wait3A_751 = tpu.memref_slice %arg12[%dma_wait3A_749, %dma_wait3A_750] : memref<10000x128xf32, #tpu.memory_space<vmem_shared>> -> memref<10000x128xf32, #tpu.memory_space<vmem_shared>>
          tpu.wait_indirect_dma semaphore(%arg16 : memref<!tpu.dma_semaphore, #tpu.memory_space<semaphore_mem>>) src(%arg9 : memref<100x128xf32, #tpu.memory_space<vmem>>) dst(%dma_wait3A_751 : memref<10000x128xf32, #tpu.memory_space<vmem_shared>>)
        } else {
        }
        %add3A_668 = arith.constant 0 : i32
        %add3A_669 = arith.addi %mul3A_648, %add3A_668 : i32
        %add3A_670 = arith.constant 3 : i32
        %add3A_671 = arith.addi %add3A_669, %add3A_670 : i32
        %sub3A = arith.constant 1 : i32
        %sub3A_672 = arith.subi %add3A_671, %sub3A : i32
        %dma_start3A_673 = arith.constant 0 : i32
        %dma_start3A_674 = tpu.memref_slice %arg7[%sub3A_672, %dma_start3A_673] : memref<40x100xi32, #tpu.memory_space<vmem>> -> memref<1x100xi32, #tpu.memory_space<vmem>>
        %dma_start3A_675 = tpu.memref_squeeze %dma_start3A_674 : memref<1x100xi32, #tpu.memory_space<vmem>> -> memref<100xi32, #tpu.memory_space<vmem>>
        %dma_start3A_676 = arith.constant 0 : i32
        %dma_start3A_677 = arith.constant 0 : i32
        %dma_start3A_678 = tpu.memref_slice %arg2[%dma_start3A_676, %dma_start3A_677] : memref<10000x128xf32, #tpu.memory_space<hbm>> -> memref<10000x128xf32, #tpu.memory_space<hbm>>
        tpu.enqueue_indirect_dma source(%dma_start3A_678 : memref<10000x128xf32, #tpu.memory_space<hbm>>) target(%arg9 : memref<100x128xf32, #tpu.memory_space<vmem>>) offsets(%dma_start3A_675 : memref<100xi32, #tpu.memory_space<vmem>>) semaphore(%arg13 : memref<!tpu.dma_semaphore, #tpu.memory_space<semaphore_mem>>)
        %dma_wait3A_679 = arith.constant 0 : i32
        %dma_wait3A_680 = arith.constant 0 : i32
        %dma_wait3A_681 = tpu.memref_slice %arg7[%dma_wait3A_679, %dma_wait3A_680] : memref<40x100xi32, #tpu.memory_space<vmem>> -> memref<1x100xi32, #tpu.memory_space<vmem>>
        %dma_wait3A_682 = tpu.memref_squeeze %dma_wait3A_681 : memref<1x100xi32, #tpu.memory_space<vmem>> -> memref<100xi32, #tpu.memory_space<vmem>>
        %dma_wait3A_683 = arith.constant 0 : i32
        %dma_wait3A_684 = arith.constant 0 : i32
        %dma_wait3A_685 = tpu.memref_slice %arg2[%dma_wait3A_683, %dma_wait3A_684] : memref<10000x128xf32, #tpu.memory_space<hbm>> -> memref<10000x128xf32, #tpu.memory_space<hbm>>
        tpu.wait_indirect_dma semaphore(%arg15 : memref<!tpu.dma_semaphore, #tpu.memory_space<semaphore_mem>>) src(%dma_wait3A_685 : memref<10000x128xf32, #tpu.memory_space<hbm>>) dst(%arg11 : memref<100x128xf32, #tpu.memory_space<vmem>>)
        %add3A_686 = arith.constant 1 : i32
        %add3A_687 = arith.addi %mul3A_648, %add3A_686 : i32
        %dma_start3A_688 = arith.constant 0 : i32
        %dma_start3A_689 = tpu.memref_slice %arg8[%add3A_687, %dma_start3A_688] : memref<40x100xi32, #tpu.memory_space<vmem>> -> memref<1x100xi32, #tpu.memory_space<vmem>>
        %dma_start3A_690 = tpu.memref_squeeze %dma_start3A_689 : memref<1x100xi32, #tpu.memory_space<vmem>> -> memref<100xi32, #tpu.memory_space<vmem>>
        %dma_start3A_691 = arith.constant 0 : i32
        %dma_start3A_692 = arith.constant 0 : i32
        %dma_start3A_693 = tpu.memref_slice %arg12[%dma_start3A_691, %dma_start3A_692] : memref<10000x128xf32, #tpu.memory_space<vmem_shared>> -> memref<10000x128xf32, #tpu.memory_space<vmem_shared>>
        tpu.enqueue_indirect_dma source(%arg11 : memref<100x128xf32, #tpu.memory_space<vmem>>) target(%dma_start3A_693 : memref<10000x128xf32, #tpu.memory_space<vmem_shared>>) offsets(%dma_start3A_690 : memref<100xi32, #tpu.memory_space<vmem>>) semaphore(%arg18 : memref<!tpu.dma_semaphore, #tpu.memory_space<semaphore_mem>>) {add = true}
        %dma_wait3A_694 = arith.constant 0 : i32
        %dma_wait3A_695 = arith.constant 0 : i32
        %dma_wait3A_696 = tpu.memref_slice %arg8[%dma_wait3A_694, %dma_wait3A_695] : memref<40x100xi32, #tpu.memory_space<vmem>> -> memref<1x100xi32, #tpu.memory_space<vmem>>
        %dma_wait3A_697 = tpu.memref_squeeze %dma_wait3A_696 : memref<1x100xi32, #tpu.memory_space<vmem>> -> memref<100xi32, #tpu.memory_space<vmem>>
        %dma_wait3A_698 = arith.constant 0 : i32
        %dma_wait3A_699 = arith.constant 0 : i32
        %dma_wait3A_700 = tpu.memref_slice %arg12[%dma_wait3A_698, %dma_wait3A_699] : memref<10000x128xf32, #tpu.memory_space<vmem_shared>> -> memref<10000x128xf32, #tpu.memory_space<vmem_shared>>
        tpu.wait_indirect_dma semaphore(%arg17 : memref<!tpu.dma_semaphore, #tpu.memory_space<semaphore_mem>>) src(%arg10 : memref<100x128xf32, #tpu.memory_space<vmem>>) dst(%dma_wait3A_700 : memref<10000x128xf32, #tpu.memory_space<vmem_shared>>)
        %add3A_701 = arith.constant 1 : i32
        %add3A_702 = arith.addi %mul3A_648, %add3A_701 : i32
        %add3A_703 = arith.constant 3 : i32
        %add3A_704 = arith.addi %add3A_702, %add3A_703 : i32
        %sub3A_705 = arith.constant 1 : i32
        %sub3A_706 = arith.subi %add3A_704, %sub3A_705 : i32
        %lt3A_707 = arith.constant 40 : i32
        %lt3A_708 = arith.cmpi slt, %sub3A_706, %lt3A_707 : i32
        %convert_element_type3A_709 = arith.extui %lt3A_708 : i1 to i32
        %cond3A_710 = arith.constant 0 : i32
        %cond3A_711 = arith.cmpi ne, %convert_element_type3A_709, %cond3A_710 : i32
        scf.if %cond3A_711 {
          %add3A_745 = arith.constant 1 : i32
          %add3A_746 = arith.addi %mul3A_648, %add3A_745 : i32
          %add3A_747 = arith.constant 3 : i32
          %add3A_748 = arith.addi %add3A_746, %add3A_747 : i32
          %sub3A_749 = arith.constant 1 : i32
          %sub3A_750 = arith.subi %add3A_748, %sub3A_749 : i32
          %dma_start3A_751 = arith.constant 0 : i32
          %dma_start3A_752 = tpu.memref_slice %arg7[%sub3A_750, %dma_start3A_751] : memref<40x100xi32, #tpu.memory_space<vmem>> -> memref<1x100xi32, #tpu.memory_space<vmem>>
          %dma_start3A_753 = tpu.memref_squeeze %dma_start3A_752 : memref<1x100xi32, #tpu.memory_space<vmem>> -> memref<100xi32, #tpu.memory_space<vmem>>
          %dma_start3A_754 = arith.constant 0 : i32
          %dma_start3A_755 = arith.constant 0 : i32
          %dma_start3A_756 = tpu.memref_slice %arg2[%dma_start3A_754, %dma_start3A_755] : memref<10000x128xf32, #tpu.memory_space<hbm>> -> memref<10000x128xf32, #tpu.memory_space<hbm>>
          tpu.enqueue_indirect_dma source(%dma_start3A_756 : memref<10000x128xf32, #tpu.memory_space<hbm>>) target(%arg10 : memref<100x128xf32, #tpu.memory_space<vmem>>) offsets(%dma_start3A_753 : memref<100xi32, #tpu.memory_space<vmem>>) semaphore(%arg14 : memref<!tpu.dma_semaphore, #tpu.memory_space<semaphore_mem>>)
        } else {
        }
        %dma_wait3A_712 = arith.constant 0 : i32
        %dma_wait3A_713 = arith.constant 0 : i32
        %dma_wait3A_714 = tpu.memref_slice %arg7[%dma_wait3A_712, %dma_wait3A_713] : memref<40x100xi32, #tpu.memory_space<vmem>> -> memref<1x100xi32, #tpu.memory_space<vmem>>
        %dma_wait3A_715 = tpu.memref_squeeze %dma_wait3A_714 : memref<1x100xi32, #tpu.memory_space<vmem>> -> memref<100xi32, #tpu.memory_space<vmem>>
        %dma_wait3A_716 = arith.constant 0 : i32
        %dma_wait3A_717 = arith.constant 0 : i32
        %dma_wait3A_718 = tpu.memref_slice %arg2[%dma_wait3A_716, %dma_wait3A_717] : memref<10000x128xf32, #tpu.memory_space<hbm>> -> memref<10000x128xf32, #tpu.memory_space<hbm>>
        tpu.wait_indirect_dma semaphore(%arg13 : memref<!tpu.dma_semaphore, #tpu.memory_space<semaphore_mem>>) src(%dma_wait3A_718 : memref<10000x128xf32, #tpu.memory_space<hbm>>) dst(%arg9 : memref<100x128xf32, #tpu.memory_space<vmem>>)
        %add3A_719 = arith.constant 2 : i32
        %add3A_720 = arith.addi %mul3A_648, %add3A_719 : i32
        %dma_start3A_721 = arith.constant 0 : i32
        %dma_start3A_722 = tpu.memref_slice %arg8[%add3A_720, %dma_start3A_721] : memref<40x100xi32, #tpu.memory_space<vmem>> -> memref<1x100xi32, #tpu.memory_space<vmem>>
        %dma_start3A_723 = tpu.memref_squeeze %dma_start3A_722 : memref<1x100xi32, #tpu.memory_space<vmem>> -> memref<100xi32, #tpu.memory_space<vmem>>
        %dma_start3A_724 = arith.constant 0 : i32
        %dma_start3A_725 = arith.constant 0 : i32
        %dma_start3A_726 = tpu.memref_slice %arg12[%dma_start3A_724, %dma_start3A_725] : memref<10000x128xf32, #tpu.memory_space<vmem_shared>> -> memref<10000x128xf32, #tpu.memory_space<vmem_shared>>
        tpu.enqueue_indirect_dma source(%arg9 : memref<100x128xf32, #tpu.memory_space<vmem>>) target(%dma_start3A_726 : memref<10000x128xf32, #tpu.memory_space<vmem_shared>>) offsets(%dma_start3A_723 : memref<100xi32, #tpu.memory_space<vmem>>) semaphore(%arg16 : memref<!tpu.dma_semaphore, #tpu.memory_space<semaphore_mem>>) {add = true}
        %dma_wait3A_727 = arith.constant 0 : i32
        %dma_wait3A_728 = arith.constant 0 : i32
        %dma_wait3A_729 = tpu.memref_slice %arg8[%dma_wait3A_727, %dma_wait3A_728] : memref<40x100xi32, #tpu.memory_space<vmem>> -> memref<1x100xi32, #tpu.memory_space<vmem>>
        %dma_wait3A_730 = tpu.memref_squeeze %dma_wait3A_729 : memref<1x100xi32, #tpu.memory_space<vmem>> -> memref<100xi32, #tpu.memory_space<vmem>>
        %dma_wait3A_731 = arith.constant 0 : i32
        %dma_wait3A_732 = arith.constant 0 : i32
        %dma_wait3A_733 = tpu.memref_slice %arg12[%dma_wait3A_731, %dma_wait3A_732] : memref<10000x128xf32, #tpu.memory_space<vmem_shared>> -> memref<10000x128xf32, #tpu.memory_space<vmem_shared>>
        tpu.wait_indirect_dma semaphore(%arg18 : memref<!tpu.dma_semaphore, #tpu.memory_space<semaphore_mem>>) src(%arg11 : memref<100x128xf32, #tpu.memory_space<vmem>>) dst(%dma_wait3A_733 : memref<10000x128xf32, #tpu.memory_space<vmem_shared>>)
        %add3A_734 = arith.constant 2 : i32
        %add3A_735 = arith.addi %mul3A_648, %add3A_734 : i32
        %add3A_736 = arith.constant 3 : i32
        %add3A_737 = arith.addi %add3A_735, %add3A_736 : i32
        %sub3A_738 = arith.constant 1 : i32
        %sub3A_739 = arith.subi %add3A_737, %sub3A_738 : i32
        %lt3A_740 = arith.constant 40 : i32
        %lt3A_741 = arith.cmpi slt, %sub3A_739, %lt3A_740 : i32
        %convert_element_type3A_742 = arith.extui %lt3A_741 : i1 to i32
        %cond3A_743 = arith.constant 0 : i32
        %cond3A_744 = arith.cmpi ne, %convert_element_type3A_742, %cond3A_743 : i32
        scf.if %cond3A_744 {
          %add3A_745 = arith.constant 2 : i32
          %add3A_746 = arith.addi %mul3A_648, %add3A_745 : i32
          %add3A_747 = arith.constant 3 : i32
          %add3A_748 = arith.addi %add3A_746, %add3A_747 : i32
          %sub3A_749 = arith.constant 1 : i32
          %sub3A_750 = arith.subi %add3A_748, %sub3A_749 : i32
          %dma_start3A_751 = arith.constant 0 : i32
          %dma_start3A_752 = tpu.memref_slice %arg7[%sub3A_750, %dma_start3A_751] : memref<40x100xi32, #tpu.memory_space<vmem>> -> memref<1x100xi32, #tpu.memory_space<vmem>>
          %dma_start3A_753 = tpu.memref_squeeze %dma_start3A_752 : memref<1x100xi32, #tpu.memory_space<vmem>> -> memref<100xi32, #tpu.memory_space<vmem>>
          %dma_start3A_754 = arith.constant 0 : i32
          %dma_start3A_755 = arith.constant 0 : i32
          %dma_start3A_756 = tpu.memref_slice %arg2[%dma_start3A_754, %dma_start3A_755] : memref<10000x128xf32, #tpu.memory_space<hbm>> -> memref<10000x128xf32, #tpu.memory_space<hbm>>
          tpu.enqueue_indirect_dma source(%dma_start3A_756 : memref<10000x128xf32, #tpu.memory_space<hbm>>) target(%arg11 : memref<100x128xf32, #tpu.memory_space<vmem>>) offsets(%dma_start3A_753 : memref<100xi32, #tpu.memory_space<vmem>>) semaphore(%arg15 : memref<!tpu.dma_semaphore, #tpu.memory_space<semaphore_mem>>)
        } else {
        }
      }
      %scan3A_505 = arith.constant 13 : i32
      %dma_wait3A_506 = arith.constant 0 : i32
      %dma_wait3A_507 = arith.constant 0 : i32
      %dma_wait3A_508 = tpu.memref_slice %arg7[%dma_wait3A_506, %dma_wait3A_507] : memref<40x100xi32, #tpu.memory_space<vmem>> -> memref<1x100xi32, #tpu.memory_space<vmem>>
      %dma_wait3A_509 = tpu.memref_squeeze %dma_wait3A_508 : memref<1x100xi32, #tpu.memory_space<vmem>> -> memref<100xi32, #tpu.memory_space<vmem>>
      %dma_wait3A_510 = arith.constant 0 : i32
      %dma_wait3A_511 = arith.constant 0 : i32
      %dma_wait3A_512 = tpu.memref_slice %arg2[%dma_wait3A_510, %dma_wait3A_511] : memref<10000x128xf32, #tpu.memory_space<hbm>> -> memref<10000x128xf32, #tpu.memory_space<hbm>>
      tpu.wait_indirect_dma semaphore(%arg14 : memref<!tpu.dma_semaphore, #tpu.memory_space<semaphore_mem>>) src(%dma_wait3A_512 : memref<10000x128xf32, #tpu.memory_space<hbm>>) dst(%arg10 : memref<100x128xf32, #tpu.memory_space<vmem>>)
      %dma_start3A_513 = arith.constant 39 : i32
      %dma_start3A_514 = arith.constant 0 : i32
      %dma_start3A_515 = tpu.memref_slice %arg8[%dma_start3A_513, %dma_start3A_514] : memref<40x100xi32, #tpu.memory_space<vmem>> -> memref<1x100xi32, #tpu.memory_space<vmem>>
      %dma_start3A_516 = tpu.memref_squeeze %dma_start3A_515 : memref<1x100xi32, #tpu.memory_space<vmem>> -> memref<100xi32, #tpu.memory_space<vmem>>
      %dma_start3A_517 = arith.constant 0 : i32
      %dma_start3A_518 = arith.constant 0 : i32
      %dma_start3A_519 = tpu.memref_slice %arg12[%dma_start3A_517, %dma_start3A_518] : memref<10000x128xf32, #tpu.memory_space<vmem_shared>> -> memref<10000x128xf32, #tpu.memory_space<vmem_shared>>
      tpu.enqueue_indirect_dma source(%arg10 : memref<100x128xf32, #tpu.memory_space<vmem>>) target(%dma_start3A_519 : memref<10000x128xf32, #tpu.memory_space<vmem_shared>>) offsets(%dma_start3A_516 : memref<100xi32, #tpu.memory_space<vmem>>) semaphore(%arg17 : memref<!tpu.dma_semaphore, #tpu.memory_space<semaphore_mem>>) {add = true}
      %dma_wait3A_520 = arith.constant 0 : i32
      %dma_wait3A_521 = arith.constant 0 : i32
      %dma_wait3A_522 = tpu.memref_slice %arg8[%dma_wait3A_520, %dma_wait3A_521] : memref<40x100xi32, #tpu.memory_space<vmem>> -> memref<1x100xi32, #tpu.memory_space<vmem>>
      %dma_wait3A_523 = tpu.memref_squeeze %dma_wait3A_522 : memref<1x100xi32, #tpu.memory_space<vmem>> -> memref<100xi32, #tpu.memory_space<vmem>>
      %dma_wait3A_524 = arith.constant 0 : i32
      %dma_wait3A_525 = arith.constant 0 : i32
      %dma_wait3A_526 = tpu.memref_slice %arg12[%dma_wait3A_524, %dma_wait3A_525] : memref<10000x128xf32, #tpu.memory_space<vmem_shared>> -> memref<10000x128xf32, #tpu.memory_space<vmem_shared>>
      tpu.wait_indirect_dma semaphore(%arg16 : memref<!tpu.dma_semaphore, #tpu.memory_space<semaphore_mem>>) src(%arg9 : memref<100x128xf32, #tpu.memory_space<vmem>>) dst(%dma_wait3A_526 : memref<10000x128xf32, #tpu.memory_space<vmem_shared>>)
      %dma_wait3A_527 = arith.constant 0 : i32
      %dma_wait3A_528 = arith.constant 0 : i32
      %dma_wait3A_529 = tpu.memref_slice %arg8[%dma_wait3A_527, %dma_wait3A_528] : memref<40x100xi32, #tpu.memory_space<vmem>> -> memref<1x100xi32, #tpu.memory_space<vmem>>
      %dma_wait3A_530 = tpu.memref_squeeze %dma_wait3A_529 : memref<1x100xi32, #tpu.memory_space<vmem>> -> memref<100xi32, #tpu.memory_space<vmem>>
      %dma_wait3A_531 = arith.constant 0 : i32
      %dma_wait3A_532 = arith.constant 0 : i32
      %dma_wait3A_533 = tpu.memref_slice %arg12[%dma_wait3A_531, %dma_wait3A_532] : memref<10000x128xf32, #tpu.memory_space<vmem_shared>> -> memref<10000x128xf32, #tpu.memory_space<vmem_shared>>
      tpu.wait_indirect_dma semaphore(%arg17 : memref<!tpu.dma_semaphore, #tpu.memory_space<semaphore_mem>>) src(%arg10 : memref<100x128xf32, #tpu.memory_space<vmem>>) dst(%dma_wait3A_533 : memref<10000x128xf32, #tpu.memory_space<vmem_shared>>)
      %barrier3A_534 = arith.constant 0 : index
      tpu.barrier barrier_id(%barrier3A_534)
      %add3A_535 = arith.constant 0 : i32
      %add3A_536 = arith.addi %add3A_535, %arg1 : i32
      %lt3A_537 = arith.constant 125 : i32
      %lt3A_538 = arith.cmpi slt, %add3A_536, %lt3A_537 : i32
      %convert_element_type3A_539 = arith.extui %lt3A_538 : i1 to i32
      %cond3A_540 = arith.constant 0 : i32
      %cond3A_541 = arith.cmpi ne, %convert_element_type3A_539, %cond3A_540 : i32
      scf.if %cond3A_541 {
        %mul3A = arith.constant 80 : i32
        %mul3A_647 = arith.muli %add3A_536, %mul3A : i32
        %mul3A_648 = arith.constant 80 : i32
        %mul3A_649 = arith.muli %add3A_536, %mul3A_648 : i32
        %dma_start3A_650 = arith.constant 0 : i32
        %dma_start3A_651 = tpu.memref_slice %arg5[%mul3A_649, %dma_start3A_650] : memref<10000x128xf32, #tpu.memory_space<hbm>> -> memref<80x128xf32, #tpu.memory_space<hbm>>
        %dma_start3A_652 = arith.constant 0 : i32
        %dma_start3A_653 = tpu.memref_slice %arg12[%mul3A_647, %dma_start3A_652] : memref<10000x128xf32, #tpu.memory_space<vmem_shared>> -> memref<80x128xf32, #tpu.memory_space<vmem_shared>>
        tpu.enqueue_dma source(%dma_start3A_653 : memref<80x128xf32, #tpu.memory_space<vmem_shared>>) target(%dma_start3A_651 : memref<80x128xf32, #tpu.memory_space<hbm>>) target_semaphore(%arg13 : memref<!tpu.dma_semaphore, #tpu.memory_space<semaphore_mem>>)
      } else {
      }
      %add3A_542 = arith.constant 16 : i32
      %add3A_543 = arith.addi %add3A_542, %arg1 : i32
      %lt3A_544 = arith.constant 125 : i32
      %lt3A_545 = arith.cmpi slt, %add3A_543, %lt3A_544 : i32
      %convert_element_type3A_546 = arith.extui %lt3A_545 : i1 to i32
      %cond3A_547 = arith.constant 0 : i32
      %cond3A_548 = arith.cmpi ne, %convert_element_type3A_546, %cond3A_547 : i32
      scf.if %cond3A_548 {
        %mul3A = arith.constant 80 : i32
        %mul3A_647 = arith.muli %add3A_543, %mul3A : i32
        %mul3A_648 = arith.constant 80 : i32
        %mul3A_649 = arith.muli %add3A_543, %mul3A_648 : i32
        %dma_start3A_650 = arith.constant 0 : i32
        %dma_start3A_651 = tpu.memref_slice %arg5[%mul3A_649, %dma_start3A_650] : memref<10000x128xf32, #tpu.memory_space<hbm>> -> memref<80x128xf32, #tpu.memory_space<hbm>>
        %dma_start3A_652 = arith.constant 0 : i32
        %dma_start3A_653 = tpu.memref_slice %arg12[%mul3A_647, %dma_start3A_652] : memref<10000x128xf32, #tpu.memory_space<vmem_shared>> -> memref<80x128xf32, #tpu.memory_space<vmem_shared>>
        tpu.enqueue_dma source(%dma_start3A_653 : memref<80x128xf32, #tpu.memory_space<vmem_shared>>) target(%dma_start3A_651 : memref<80x128xf32, #tpu.memory_space<hbm>>) target_semaphore(%arg13 : memref<!tpu.dma_semaphore, #tpu.memory_space<semaphore_mem>>)
      } else {
      }
      %add3A_549 = arith.constant 32 : i32
      %add3A_550 = arith.addi %add3A_549, %arg1 : i32
      %lt3A_551 = arith.constant 125 : i32
      %lt3A_552 = arith.cmpi slt, %add3A_550, %lt3A_551 : i32
      %convert_element_type3A_553 = arith.extui %lt3A_552 : i1 to i32
      %cond3A_554 = arith.constant 0 : i32
      %cond3A_555 = arith.cmpi ne, %convert_element_type3A_553, %cond3A_554 : i32
      scf.if %cond3A_555 {
        %mul3A = arith.constant 80 : i32
        %mul3A_647 = arith.muli %add3A_550, %mul3A : i32
        %mul3A_648 = arith.constant 80 : i32
        %mul3A_649 = arith.muli %add3A_550, %mul3A_648 : i32
        %dma_start3A_650 = arith.constant 0 : i32
        %dma_start3A_651 = tpu.memref_slice %arg5[%mul3A_649, %dma_start3A_650] : memref<10000x128xf32, #tpu.memory_space<hbm>> -> memref<80x128xf32, #tpu.memory_space<hbm>>
        %dma_start3A_652 = arith.constant 0 : i32
        %dma_start3A_653 = tpu.memref_slice %arg12[%mul3A_647, %dma_start3A_652] : memref<10000x128xf32, #tpu.memory_space<vmem_shared>> -> memref<80x128xf32, #tpu.memory_space<vmem_shared>>
        tpu.enqueue_dma source(%dma_start3A_653 : memref<80x128xf32, #tpu.memory_space<vmem_shared>>) target(%dma_start3A_651 : memref<80x128xf32, #tpu.memory_space<hbm>>) target_semaphore(%arg13 : memref<!tpu.dma_semaphore, #tpu.memory_space<semaphore_mem>>)
      } else {
      }
      %add3A_556 = arith.constant 48 : i32
      %add3A_557 = arith.addi %add3A_556, %arg1 : i32
      %lt3A_558 = arith.constant 125 : i32
      %lt3A_559 = arith.cmpi slt, %add3A_557, %lt3A_558 : i32
      %convert_element_type3A_560 = arith.extui %lt3A_559 : i1 to i32
      %cond3A_561 = arith.constant 0 : i32
      %cond3A_562 = arith.cmpi ne, %convert_element_type3A_560, %cond3A_561 : i32
      scf.if %cond3A_562 {
        %mul3A = arith.constant 80 : i32
        %mul3A_647 = arith.muli %add3A_557, %mul3A : i32
        %mul3A_648 = arith.constant 80 : i32
        %mul3A_649 = arith.muli %add3A_557, %mul3A_648 : i32
        %dma_start3A_650 = arith.constant 0 : i32
        %dma_start3A_651 = tpu.memref_slice %arg5[%mul3A_649, %dma_start3A_650] : memref<10000x128xf32, #tpu.memory_space<hbm>> -> memref<80x128xf32, #tpu.memory_space<hbm>>
        %dma_start3A_652 = arith.constant 0 : i32
        %dma_start3A_653 = tpu.memref_slice %arg12[%mul3A_647, %dma_start3A_652] : memref<10000x128xf32, #tpu.memory_space<vmem_shared>> -> memref<80x128xf32, #tpu.memory_space<vmem_shared>>
        tpu.enqueue_dma source(%dma_start3A_653 : memref<80x128xf32, #tpu.memory_space<vmem_shared>>) target(%dma_start3A_651 : memref<80x128xf32, #tpu.memory_space<hbm>>) target_semaphore(%arg13 : memref<!tpu.dma_semaphore, #tpu.memory_space<semaphore_mem>>)
      } else {
      }
      %add3A_563 = arith.constant 64 : i32
      %add3A_564 = arith.addi %add3A_563, %arg1 : i32
      %lt3A_565 = arith.constant 125 : i32
      %lt3A_566 = arith.cmpi slt, %add3A_564, %lt3A_565 : i32
      %convert_element_type3A_567 = arith.extui %lt3A_566 : i1 to i32
      %cond3A_568 = arith.constant 0 : i32
      %cond3A_569 = arith.cmpi ne, %convert_element_type3A_567, %cond3A_568 : i32
      scf.if %cond3A_569 {
        %mul3A = arith.constant 80 : i32
        %mul3A_647 = arith.muli %add3A_564, %mul3A : i32
        %mul3A_648 = arith.constant 80 : i32
        %mul3A_649 = arith.muli %add3A_564, %mul3A_648 : i32
        %dma_start3A_650 = arith.constant 0 : i32
        %dma_start3A_651 = tpu.memref_slice %arg5[%mul3A_649, %dma_start3A_650] : memref<10000x128xf32, #tpu.memory_space<hbm>> -> memref<80x128xf32, #tpu.memory_space<hbm>>
        %dma_start3A_652 = arith.constant 0 : i32
        %dma_start3A_653 = tpu.memref_slice %arg12[%mul3A_647, %dma_start3A_652] : memref<10000x128xf32, #tpu.memory_space<vmem_shared>> -> memref<80x128xf32, #tpu.memory_space<vmem_shared>>
        tpu.enqueue_dma source(%dma_start3A_653 : memref<80x128xf32, #tpu.memory_space<vmem_shared>>) target(%dma_start3A_651 : memref<80x128xf32, #tpu.memory_space<hbm>>) target_semaphore(%arg13 : memref<!tpu.dma_semaphore, #tpu.memory_space<semaphore_mem>>)
      } else {
      }
      %add3A_570 = arith.constant 80 : i32
      %add3A_571 = arith.addi %add3A_570, %arg1 : i32
      %lt3A_572 = arith.constant 125 : i32
      %lt3A_573 = arith.cmpi slt, %add3A_571, %lt3A_572 : i32
      %convert_element_type3A_574 = arith.extui %lt3A_573 : i1 to i32
      %cond3A_575 = arith.constant 0 : i32
      %cond3A_576 = arith.cmpi ne, %convert_element_type3A_574, %cond3A_575 : i32
      scf.if %cond3A_576 {
        %mul3A = arith.constant 80 : i32
        %mul3A_647 = arith.muli %add3A_571, %mul3A : i32
        %mul3A_648 = arith.constant 80 : i32
        %mul3A_649 = arith.muli %add3A_571, %mul3A_648 : i32
        %dma_start3A_650 = arith.constant 0 : i32
        %dma_start3A_651 = tpu.memref_slice %arg5[%mul3A_649, %dma_start3A_650] : memref<10000x128xf32, #tpu.memory_space<hbm>> -> memref<80x128xf32, #tpu.memory_space<hbm>>
        %dma_start3A_652 = arith.constant 0 : i32
        %dma_start3A_653 = tpu.memref_slice %arg12[%mul3A_647, %dma_start3A_652] : memref<10000x128xf32, #tpu.memory_space<vmem_shared>> -> memref<80x128xf32, #tpu.memory_space<vmem_shared>>
        tpu.enqueue_dma source(%dma_start3A_653 : memref<80x128xf32, #tpu.memory_space<vmem_shared>>) target(%dma_start3A_651 : memref<80x128xf32, #tpu.memory_space<hbm>>) target_semaphore(%arg13 : memref<!tpu.dma_semaphore, #tpu.memory_space<semaphore_mem>>)
      } else {
      }
      %add3A_577 = arith.constant 96 : i32
      %add3A_578 = arith.addi %add3A_577, %arg1 : i32
      %lt3A_579 = arith.constant 125 : i32
      %lt3A_580 = arith.cmpi slt, %add3A_578, %lt3A_579 : i32
      %convert_element_type3A_581 = arith.extui %lt3A_580 : i1 to i32
      %cond3A_582 = arith.constant 0 : i32
      %cond3A_583 = arith.cmpi ne, %convert_element_type3A_581, %cond3A_582 : i32
      scf.if %cond3A_583 {
        %mul3A = arith.constant 80 : i32
        %mul3A_647 = arith.muli %add3A_578, %mul3A : i32
        %mul3A_648 = arith.constant 80 : i32
        %mul3A_649 = arith.muli %add3A_578, %mul3A_648 : i32
        %dma_start3A_650 = arith.constant 0 : i32
        %dma_start3A_651 = tpu.memref_slice %arg5[%mul3A_649, %dma_start3A_650] : memref<10000x128xf32, #tpu.memory_space<hbm>> -> memref<80x128xf32, #tpu.memory_space<hbm>>
        %dma_start3A_652 = arith.constant 0 : i32
        %dma_start3A_653 = tpu.memref_slice %arg12[%mul3A_647, %dma_start3A_652] : memref<10000x128xf32, #tpu.memory_space<vmem_shared>> -> memref<80x128xf32, #tpu.memory_space<vmem_shared>>
        tpu.enqueue_dma source(%dma_start3A_653 : memref<80x128xf32, #tpu.memory_space<vmem_shared>>) target(%dma_start3A_651 : memref<80x128xf32, #tpu.memory_space<hbm>>) target_semaphore(%arg13 : memref<!tpu.dma_semaphore, #tpu.memory_space<semaphore_mem>>)
      } else {
      }
      %add3A_584 = arith.constant 112 : i32
      %add3A_585 = arith.addi %add3A_584, %arg1 : i32
      %lt3A_586 = arith.constant 125 : i32
      %lt3A_587 = arith.cmpi slt, %add3A_585, %lt3A_586 : i32
      %convert_element_type3A_588 = arith.extui %lt3A_587 : i1 to i32
      %cond3A_589 = arith.constant 0 : i32
      %cond3A_590 = arith.cmpi ne, %convert_element_type3A_588, %cond3A_589 : i32
      scf.if %cond3A_590 {
        %mul3A = arith.constant 80 : i32
        %mul3A_647 = arith.muli %add3A_585, %mul3A : i32
        %mul3A_648 = arith.constant 80 : i32
        %mul3A_649 = arith.muli %add3A_585, %mul3A_648 : i32
        %dma_start3A_650 = arith.constant 0 : i32
        %dma_start3A_651 = tpu.memref_slice %arg5[%mul3A_649, %dma_start3A_650] : memref<10000x128xf32, #tpu.memory_space<hbm>> -> memref<80x128xf32, #tpu.memory_space<hbm>>
        %dma_start3A_652 = arith.constant 0 : i32
        %dma_start3A_653 = tpu.memref_slice %arg12[%mul3A_647, %dma_start3A_652] : memref<10000x128xf32, #tpu.memory_space<vmem_shared>> -> memref<80x128xf32, #tpu.memory_space<vmem_shared>>
        tpu.enqueue_dma source(%dma_start3A_653 : memref<80x128xf32, #tpu.memory_space<vmem_shared>>) target(%dma_start3A_651 : memref<80x128xf32, #tpu.memory_space<hbm>>) target_semaphore(%arg13 : memref<!tpu.dma_semaphore, #tpu.memory_space<semaphore_mem>>)
      } else {
      }
      %add3A_591 = arith.constant 0 : i32
      %add3A_592 = arith.addi %add3A_591, %arg1 : i32
      %lt3A_593 = arith.constant 125 : i32
      %lt3A_594 = arith.cmpi slt, %add3A_592, %lt3A_593 : i32
      %convert_element_type3A_595 = arith.extui %lt3A_594 : i1 to i32
      %cond3A_596 = arith.constant 0 : i32
      %cond3A_597 = arith.cmpi ne, %convert_element_type3A_595, %cond3A_596 : i32
      scf.if %cond3A_597 {
        %mul3A = arith.constant 80 : i32
        %mul3A_647 = arith.muli %add3A_592, %mul3A : i32
        %mul3A_648 = arith.constant 80 : i32
        %mul3A_649 = arith.muli %add3A_592, %mul3A_648 : i32
        %dma_wait3A_650 = arith.constant 0 : i32
        %dma_wait3A_651 = tpu.memref_slice %arg5[%mul3A_649, %dma_wait3A_650] : memref<10000x128xf32, #tpu.memory_space<hbm>> -> memref<80x128xf32, #tpu.memory_space<hbm>>
        %dma_wait3A_652 = arith.constant 0 : i32
        %dma_wait3A_653 = tpu.memref_slice %arg12[%mul3A_647, %dma_wait3A_652] : memref<10000x128xf32, #tpu.memory_space<vmem_shared>> -> memref<80x128xf32, #tpu.memory_space<vmem_shared>>
        tpu.wait_dma2 semaphore(%arg13 : memref<!tpu.dma_semaphore, #tpu.memory_space<semaphore_mem>>) src(%dma_wait3A_653 : memref<80x128xf32, #tpu.memory_space<vmem_shared>>) dst(%dma_wait3A_651 : memref<80x128xf32, #tpu.memory_space<hbm>>)
      } else {
      }
      %add3A_598 = arith.constant 16 : i32
      %add3A_599 = arith.addi %add3A_598, %arg1 : i32
      %lt3A_600 = arith.constant 125 : i32
      %lt3A_601 = arith.cmpi slt, %add3A_599, %lt3A_600 : i32
      %convert_element_type3A_602 = arith.extui %lt3A_601 : i1 to i32
      %cond3A_603 = arith.constant 0 : i32
      %cond3A_604 = arith.cmpi ne, %convert_element_type3A_602, %cond3A_603 : i32
      scf.if %cond3A_604 {
        %mul3A = arith.constant 80 : i32
        %mul3A_647 = arith.muli %add3A_599, %mul3A : i32
        %mul3A_648 = arith.constant 80 : i32
        %mul3A_649 = arith.muli %add3A_599, %mul3A_648 : i32
        %dma_wait3A_650 = arith.constant 0 : i32
        %dma_wait3A_651 = tpu.memref_slice %arg5[%mul3A_649, %dma_wait3A_650] : memref<10000x128xf32, #tpu.memory_space<hbm>> -> memref<80x128xf32, #tpu.memory_space<hbm>>
        %dma_wait3A_652 = arith.constant 0 : i32
        %dma_wait3A_653 = tpu.memref_slice %arg12[%mul3A_647, %dma_wait3A_652] : memref<10000x128xf32, #tpu.memory_space<vmem_shared>> -> memref<80x128xf32, #tpu.memory_space<vmem_shared>>
        tpu.wait_dma2 semaphore(%arg13 : memref<!tpu.dma_semaphore, #tpu.memory_space<semaphore_mem>>) src(%dma_wait3A_653 : memref<80x128xf32, #tpu.memory_space<vmem_shared>>) dst(%dma_wait3A_651 : memref<80x128xf32, #tpu.memory_space<hbm>>)
      } else {
      }
      %add3A_605 = arith.constant 32 : i32
      %add3A_606 = arith.addi %add3A_605, %arg1 : i32
      %lt3A_607 = arith.constant 125 : i32
      %lt3A_608 = arith.cmpi slt, %add3A_606, %lt3A_607 : i32
      %convert_element_type3A_609 = arith.extui %lt3A_608 : i1 to i32
      %cond3A_610 = arith.constant 0 : i32
      %cond3A_611 = arith.cmpi ne, %convert_element_type3A_609, %cond3A_610 : i32
      scf.if %cond3A_611 {
        %mul3A = arith.constant 80 : i32
        %mul3A_647 = arith.muli %add3A_606, %mul3A : i32
        %mul3A_648 = arith.constant 80 : i32
        %mul3A_649 = arith.muli %add3A_606, %mul3A_648 : i32
        %dma_wait3A_650 = arith.constant 0 : i32
        %dma_wait3A_651 = tpu.memref_slice %arg5[%mul3A_649, %dma_wait3A_650] : memref<10000x128xf32, #tpu.memory_space<hbm>> -> memref<80x128xf32, #tpu.memory_space<hbm>>
        %dma_wait3A_652 = arith.constant 0 : i32
        %dma_wait3A_653 = tpu.memref_slice %arg12[%mul3A_647, %dma_wait3A_652] : memref<10000x128xf32, #tpu.memory_space<vmem_shared>> -> memref<80x128xf32, #tpu.memory_space<vmem_shared>>
        tpu.wait_dma2 semaphore(%arg13 : memref<!tpu.dma_semaphore, #tpu.memory_space<semaphore_mem>>) src(%dma_wait3A_653 : memref<80x128xf32, #tpu.memory_space<vmem_shared>>) dst(%dma_wait3A_651 : memref<80x128xf32, #tpu.memory_space<hbm>>)
      } else {
      }
      %add3A_612 = arith.constant 48 : i32
      %add3A_613 = arith.addi %add3A_612, %arg1 : i32
      %lt3A_614 = arith.constant 125 : i32
      %lt3A_615 = arith.cmpi slt, %add3A_613, %lt3A_614 : i32
      %convert_element_type3A_616 = arith.extui %lt3A_615 : i1 to i32
      %cond3A_617 = arith.constant 0 : i32
      %cond3A_618 = arith.cmpi ne, %convert_element_type3A_616, %cond3A_617 : i32
      scf.if %cond3A_618 {
        %mul3A = arith.constant 80 : i32
        %mul3A_647 = arith.muli %add3A_613, %mul3A : i32
        %mul3A_648 = arith.constant 80 : i32
        %mul3A_649 = arith.muli %add3A_613, %mul3A_648 : i32
        %dma_wait3A_650 = arith.constant 0 : i32
        %dma_wait3A_651 = tpu.memref_slice %arg5[%mul3A_649, %dma_wait3A_650] : memref<10000x128xf32, #tpu.memory_space<hbm>> -> memref<80x128xf32, #tpu.memory_space<hbm>>
        %dma_wait3A_652 = arith.constant 0 : i32
        %dma_wait3A_653 = tpu.memref_slice %arg12[%mul3A_647, %dma_wait3A_652] : memref<10000x128xf32, #tpu.memory_space<vmem_shared>> -> memref<80x128xf32, #tpu.memory_space<vmem_shared>>
        tpu.wait_dma2 semaphore(%arg13 : memref<!tpu.dma_semaphore, #tpu.memory_space<semaphore_mem>>) src(%dma_wait3A_653 : memref<80x128xf32, #tpu.memory_space<vmem_shared>>) dst(%dma_wait3A_651 : memref<80x128xf32, #tpu.memory_space<hbm>>)
      } else {
      }
      %add3A_619 = arith.constant 64 : i32
      %add3A_620 = arith.addi %add3A_619, %arg1 : i32
      %lt3A_621 = arith.constant 125 : i32
      %lt3A_622 = arith.cmpi slt, %add3A_620, %lt3A_621 : i32
      %convert_element_type3A_623 = arith.extui %lt3A_622 : i1 to i32
      %cond3A_624 = arith.constant 0 : i32
      %cond3A_625 = arith.cmpi ne, %convert_element_type3A_623, %cond3A_624 : i32
      scf.if %cond3A_625 {
        %mul3A = arith.constant 80 : i32
        %mul3A_647 = arith.muli %add3A_620, %mul3A : i32
        %mul3A_648 = arith.constant 80 : i32
        %mul3A_649 = arith.muli %add3A_620, %mul3A_648 : i32
        %dma_wait3A_650 = arith.constant 0 : i32
        %dma_wait3A_651 = tpu.memref_slice %arg5[%mul3A_649, %dma_wait3A_650] : memref<10000x128xf32, #tpu.memory_space<hbm>> -> memref<80x128xf32, #tpu.memory_space<hbm>>
        %dma_wait3A_652 = arith.constant 0 : i32
        %dma_wait3A_653 = tpu.memref_slice %arg12[%mul3A_647, %dma_wait3A_652] : memref<10000x128xf32, #tpu.memory_space<vmem_shared>> -> memref<80x128xf32, #tpu.memory_space<vmem_shared>>
        tpu.wait_dma2 semaphore(%arg13 : memref<!tpu.dma_semaphore, #tpu.memory_space<semaphore_mem>>) src(%dma_wait3A_653 : memref<80x128xf32, #tpu.memory_space<vmem_shared>>) dst(%dma_wait3A_651 : memref<80x128xf32, #tpu.memory_space<hbm>>)
      } else {
      }
      %add3A_626 = arith.constant 80 : i32
      %add3A_627 = arith.addi %add3A_626, %arg1 : i32
      %lt3A_628 = arith.constant 125 : i32
      %lt3A_629 = arith.cmpi slt, %add3A_627, %lt3A_628 : i32
      %convert_element_type3A_630 = arith.extui %lt3A_629 : i1 to i32
      %cond3A_631 = arith.constant 0 : i32
      %cond3A_632 = arith.cmpi ne, %convert_element_type3A_630, %cond3A_631 : i32
      scf.if %cond3A_632 {
        %mul3A = arith.constant 80 : i32
        %mul3A_647 = arith.muli %add3A_627, %mul3A : i32
        %mul3A_648 = arith.constant 80 : i32
        %mul3A_649 = arith.muli %add3A_627, %mul3A_648 : i32
        %dma_wait3A_650 = arith.constant 0 : i32
        %dma_wait3A_651 = tpu.memref_slice %arg5[%mul3A_649, %dma_wait3A_650] : memref<10000x128xf32, #tpu.memory_space<hbm>> -> memref<80x128xf32, #tpu.memory_space<hbm>>
        %dma_wait3A_652 = arith.constant 0 : i32
        %dma_wait3A_653 = tpu.memref_slice %arg12[%mul3A_647, %dma_wait3A_652] : memref<10000x128xf32, #tpu.memory_space<vmem_shared>> -> memref<80x128xf32, #tpu.memory_space<vmem_shared>>
        tpu.wait_dma2 semaphore(%arg13 : memref<!tpu.dma_semaphore, #tpu.memory_space<semaphore_mem>>) src(%dma_wait3A_653 : memref<80x128xf32, #tpu.memory_space<vmem_shared>>) dst(%dma_wait3A_651 : memref<80x128xf32, #tpu.memory_space<hbm>>)
      } else {
      }
      %add3A_633 = arith.constant 96 : i32
      %add3A_634 = arith.addi %add3A_633, %arg1 : i32
      %lt3A_635 = arith.constant 125 : i32
      %lt3A_636 = arith.cmpi slt, %add3A_634, %lt3A_635 : i32
      %convert_element_type3A_637 = arith.extui %lt3A_636 : i1 to i32
      %cond3A_638 = arith.constant 0 : i32
      %cond3A_639 = arith.cmpi ne, %convert_element_type3A_637, %cond3A_638 : i32
      scf.if %cond3A_639 {
        %mul3A = arith.constant 80 : i32
        %mul3A_647 = arith.muli %add3A_634, %mul3A : i32
        %mul3A_648 = arith.constant 80 : i32
        %mul3A_649 = arith.muli %add3A_634, %mul3A_648 : i32
        %dma_wait3A_650 = arith.constant 0 : i32
        %dma_wait3A_651 = tpu.memref_slice %arg5[%mul3A_649, %dma_wait3A_650] : memref<10000x128xf32, #tpu.memory_space<hbm>> -> memref<80x128xf32, #tpu.memory_space<hbm>>
        %dma_wait3A_652 = arith.constant 0 : i32
        %dma_wait3A_653 = tpu.memref_slice %arg12[%mul3A_647, %dma_wait3A_652] : memref<10000x128xf32, #tpu.memory_space<vmem_shared>> -> memref<80x128xf32, #tpu.memory_space<vmem_shared>>
        tpu.wait_dma2 semaphore(%arg13 : memref<!tpu.dma_semaphore, #tpu.memory_space<semaphore_mem>>) src(%dma_wait3A_653 : memref<80x128xf32, #tpu.memory_space<vmem_shared>>) dst(%dma_wait3A_651 : memref<80x128xf32, #tpu.memory_space<hbm>>)
      } else {
      }
      %add3A_640 = arith.constant 112 : i32
      %add3A_641 = arith.addi %add3A_640, %arg1 : i32
      %lt3A_642 = arith.constant 125 : i32
      %lt3A_643 = arith.cmpi slt, %add3A_641, %lt3A_642 : i32
      %convert_element_type3A_644 = arith.extui %lt3A_643 : i1 to i32
      %cond3A_645 = arith.constant 0 : i32
      %cond3A_646 = arith.cmpi ne, %convert_element_type3A_644, %cond3A_645 : i32
      scf.if %cond3A_646 {
        %mul3A = arith.constant 80 : i32
        %mul3A_647 = arith.muli %add3A_641, %mul3A : i32
        %mul3A_648 = arith.constant 80 : i32
        %mul3A_649 = arith.muli %add3A_641, %mul3A_648 : i32
        %dma_wait3A_650 = arith.constant 0 : i32
        %dma_wait3A_651 = tpu.memref_slice %arg5[%mul3A_649, %dma_wait3A_650] : memref<10000x128xf32, #tpu.memory_space<hbm>> -> memref<80x128xf32, #tpu.memory_space<hbm>>
        %dma_wait3A_652 = arith.constant 0 : i32
        %dma_wait3A_653 = tpu.memref_slice %arg12[%mul3A_647, %dma_wait3A_652] : memref<10000x128xf32, #tpu.memory_space<vmem_shared>> -> memref<80x128xf32, #tpu.memory_space<vmem_shared>>
        tpu.wait_dma2 semaphore(%arg13 : memref<!tpu.dma_semaphore, #tpu.memory_space<semaphore_mem>>) src(%dma_wait3A_653 : memref<80x128xf32, #tpu.memory_space<vmem_shared>>) dst(%dma_wait3A_651 : memref<80x128xf32, #tpu.memory_space<hbm>>)
      } else {
      }
    } else {
    }
    %eq3A_2 = arith.constant 1 : i32
    %eq3A_3 = arith.cmpi eq, %arg0, %eq3A_2 : i32
    %convert_element_type3A_4 = arith.extui %eq3A_3 : i1 to i32
    %cond3A_5 = arith.constant 0 : i32
    %cond3A_6 = arith.cmpi ne, %convert_element_type3A_4, %cond3A_5 : i32
    scf.if %cond3A_6 {
      %add3A = arith.constant 0 : i32
      %add3A_7 = arith.addi %add3A, %arg1 : i32
      %lt3A = arith.constant 125 : i32
      %lt3A_8 = arith.cmpi slt, %add3A_7, %lt3A : i32
      %convert_element_type3A_9 = arith.extui %lt3A_8 : i1 to i32
      %cond3A_10 = arith.constant 0 : i32
      %cond3A_11 = arith.cmpi ne, %convert_element_type3A_9, %cond3A_10 : i32
      scf.if %cond3A_11 {
        %mul3A = arith.constant 80 : i32
        %mul3A_647 = arith.muli %add3A_7, %mul3A : i32
        %mul3A_648 = arith.constant 80 : i32
        %mul3A_649 = arith.muli %add3A_7, %mul3A_648 : i32
        %dma_start3A_650 = arith.constant 0 : i32
        %dma_start3A_651 = tpu.memref_slice %arg12[%mul3A_649, %dma_start3A_650] : memref<10000x128xf32, #tpu.memory_space<vmem_shared>> -> memref<80x128xf32, #tpu.memory_space<vmem_shared>>
        %dma_start3A_652 = arith.constant 0 : i32
        %dma_start3A_653 = tpu.memref_slice %arg3[%mul3A_647, %dma_start3A_652] : memref<10000x128xf32, #tpu.memory_space<hbm>> -> memref<80x128xf32, #tpu.memory_space<hbm>>
        tpu.enqueue_dma source(%dma_start3A_653 : memref<80x128xf32, #tpu.memory_space<hbm>>) target(%dma_start3A_651 : memref<80x128xf32, #tpu.memory_space<vmem_shared>>) target_semaphore(%arg19 : memref<!tpu.dma_semaphore, #tpu.memory_space<semaphore_mem>>)
      } else {
      }
      %add3A_12 = arith.constant 16 : i32
      %add3A_13 = arith.addi %add3A_12, %arg1 : i32
      %lt3A_14 = arith.constant 125 : i32
      %lt3A_15 = arith.cmpi slt, %add3A_13, %lt3A_14 : i32
      %convert_element_type3A_16 = arith.extui %lt3A_15 : i1 to i32
      %cond3A_17 = arith.constant 0 : i32
      %cond3A_18 = arith.cmpi ne, %convert_element_type3A_16, %cond3A_17 : i32
      scf.if %cond3A_18 {
        %mul3A = arith.constant 80 : i32
        %mul3A_647 = arith.muli %add3A_13, %mul3A : i32
        %mul3A_648 = arith.constant 80 : i32
        %mul3A_649 = arith.muli %add3A_13, %mul3A_648 : i32
        %dma_start3A_650 = arith.constant 0 : i32
        %dma_start3A_651 = tpu.memref_slice %arg12[%mul3A_649, %dma_start3A_650] : memref<10000x128xf32, #tpu.memory_space<vmem_shared>> -> memref<80x128xf32, #tpu.memory_space<vmem_shared>>
        %dma_start3A_652 = arith.constant 0 : i32
        %dma_start3A_653 = tpu.memref_slice %arg3[%mul3A_647, %dma_start3A_652] : memref<10000x128xf32, #tpu.memory_space<hbm>> -> memref<80x128xf32, #tpu.memory_space<hbm>>
        tpu.enqueue_dma source(%dma_start3A_653 : memref<80x128xf32, #tpu.memory_space<hbm>>) target(%dma_start3A_651 : memref<80x128xf32, #tpu.memory_space<vmem_shared>>) target_semaphore(%arg19 : memref<!tpu.dma_semaphore, #tpu.memory_space<semaphore_mem>>)
      } else {
      }
      %add3A_19 = arith.constant 32 : i32
      %add3A_20 = arith.addi %add3A_19, %arg1 : i32
      %lt3A_21 = arith.constant 125 : i32
      %lt3A_22 = arith.cmpi slt, %add3A_20, %lt3A_21 : i32
      %convert_element_type3A_23 = arith.extui %lt3A_22 : i1 to i32
      %cond3A_24 = arith.constant 0 : i32
      %cond3A_25 = arith.cmpi ne, %convert_element_type3A_23, %cond3A_24 : i32
      scf.if %cond3A_25 {
        %mul3A = arith.constant 80 : i32
        %mul3A_647 = arith.muli %add3A_20, %mul3A : i32
        %mul3A_648 = arith.constant 80 : i32
        %mul3A_649 = arith.muli %add3A_20, %mul3A_648 : i32
        %dma_start3A_650 = arith.constant 0 : i32
        %dma_start3A_651 = tpu.memref_slice %arg12[%mul3A_649, %dma_start3A_650] : memref<10000x128xf32, #tpu.memory_space<vmem_shared>> -> memref<80x128xf32, #tpu.memory_space<vmem_shared>>
        %dma_start3A_652 = arith.constant 0 : i32
        %dma_start3A_653 = tpu.memref_slice %arg3[%mul3A_647, %dma_start3A_652] : memref<10000x128xf32, #tpu.memory_space<hbm>> -> memref<80x128xf32, #tpu.memory_space<hbm>>
        tpu.enqueue_dma source(%dma_start3A_653 : memref<80x128xf32, #tpu.memory_space<hbm>>) target(%dma_start3A_651 : memref<80x128xf32, #tpu.memory_space<vmem_shared>>) target_semaphore(%arg19 : memref<!tpu.dma_semaphore, #tpu.memory_space<semaphore_mem>>)
      } else {
      }
      %add3A_26 = arith.constant 48 : i32
      %add3A_27 = arith.addi %add3A_26, %arg1 : i32
      %lt3A_28 = arith.constant 125 : i32
      %lt3A_29 = arith.cmpi slt, %add3A_27, %lt3A_28 : i32
      %convert_element_type3A_30 = arith.extui %lt3A_29 : i1 to i32
      %cond3A_31 = arith.constant 0 : i32
      %cond3A_32 = arith.cmpi ne, %convert_element_type3A_30, %cond3A_31 : i32
      scf.if %cond3A_32 {
        %mul3A = arith.constant 80 : i32
        %mul3A_647 = arith.muli %add3A_27, %mul3A : i32
        %mul3A_648 = arith.constant 80 : i32
        %mul3A_649 = arith.muli %add3A_27, %mul3A_648 : i32
        %dma_start3A_650 = arith.constant 0 : i32
        %dma_start3A_651 = tpu.memref_slice %arg12[%mul3A_649, %dma_start3A_650] : memref<10000x128xf32, #tpu.memory_space<vmem_shared>> -> memref<80x128xf32, #tpu.memory_space<vmem_shared>>
        %dma_start3A_652 = arith.constant 0 : i32
        %dma_start3A_653 = tpu.memref_slice %arg3[%mul3A_647, %dma_start3A_652] : memref<10000x128xf32, #tpu.memory_space<hbm>> -> memref<80x128xf32, #tpu.memory_space<hbm>>
        tpu.enqueue_dma source(%dma_start3A_653 : memref<80x128xf32, #tpu.memory_space<hbm>>) target(%dma_start3A_651 : memref<80x128xf32, #tpu.memory_space<vmem_shared>>) target_semaphore(%arg19 : memref<!tpu.dma_semaphore, #tpu.memory_space<semaphore_mem>>)
      } else {
      }
      %add3A_33 = arith.constant 64 : i32
      %add3A_34 = arith.addi %add3A_33, %arg1 : i32
      %lt3A_35 = arith.constant 125 : i32
      %lt3A_36 = arith.cmpi slt, %add3A_34, %lt3A_35 : i32
      %convert_element_type3A_37 = arith.extui %lt3A_36 : i1 to i32
      %cond3A_38 = arith.constant 0 : i32
      %cond3A_39 = arith.cmpi ne, %convert_element_type3A_37, %cond3A_38 : i32
      scf.if %cond3A_39 {
        %mul3A = arith.constant 80 : i32
        %mul3A_647 = arith.muli %add3A_34, %mul3A : i32
        %mul3A_648 = arith.constant 80 : i32
        %mul3A_649 = arith.muli %add3A_34, %mul3A_648 : i32
        %dma_start3A_650 = arith.constant 0 : i32
        %dma_start3A_651 = tpu.memref_slice %arg12[%mul3A_649, %dma_start3A_650] : memref<10000x128xf32, #tpu.memory_space<vmem_shared>> -> memref<80x128xf32, #tpu.memory_space<vmem_shared>>
        %dma_start3A_652 = arith.constant 0 : i32
        %dma_start3A_653 = tpu.memref_slice %arg3[%mul3A_647, %dma_start3A_652] : memref<10000x128xf32, #tpu.memory_space<hbm>> -> memref<80x128xf32, #tpu.memory_space<hbm>>
        tpu.enqueue_dma source(%dma_start3A_653 : memref<80x128xf32, #tpu.memory_space<hbm>>) target(%dma_start3A_651 : memref<80x128xf32, #tpu.memory_space<vmem_shared>>) target_semaphore(%arg19 : memref<!tpu.dma_semaphore, #tpu.memory_space<semaphore_mem>>)
      } else {
      }
      %add3A_40 = arith.constant 80 : i32
      %add3A_41 = arith.addi %add3A_40, %arg1 : i32
      %lt3A_42 = arith.constant 125 : i32
      %lt3A_43 = arith.cmpi slt, %add3A_41, %lt3A_42 : i32
      %convert_element_type3A_44 = arith.extui %lt3A_43 : i1 to i32
      %cond3A_45 = arith.constant 0 : i32
      %cond3A_46 = arith.cmpi ne, %convert_element_type3A_44, %cond3A_45 : i32
      scf.if %cond3A_46 {
        %mul3A = arith.constant 80 : i32
        %mul3A_647 = arith.muli %add3A_41, %mul3A : i32
        %mul3A_648 = arith.constant 80 : i32
        %mul3A_649 = arith.muli %add3A_41, %mul3A_648 : i32
        %dma_start3A_650 = arith.constant 0 : i32
        %dma_start3A_651 = tpu.memref_slice %arg12[%mul3A_649, %dma_start3A_650] : memref<10000x128xf32, #tpu.memory_space<vmem_shared>> -> memref<80x128xf32, #tpu.memory_space<vmem_shared>>
        %dma_start3A_652 = arith.constant 0 : i32
        %dma_start3A_653 = tpu.memref_slice %arg3[%mul3A_647, %dma_start3A_652] : memref<10000x128xf32, #tpu.memory_space<hbm>> -> memref<80x128xf32, #tpu.memory_space<hbm>>
        tpu.enqueue_dma source(%dma_start3A_653 : memref<80x128xf32, #tpu.memory_space<hbm>>) target(%dma_start3A_651 : memref<80x128xf32, #tpu.memory_space<vmem_shared>>) target_semaphore(%arg19 : memref<!tpu.dma_semaphore, #tpu.memory_space<semaphore_mem>>)
      } else {
      }
      %add3A_47 = arith.constant 96 : i32
      %add3A_48 = arith.addi %add3A_47, %arg1 : i32
      %lt3A_49 = arith.constant 125 : i32
      %lt3A_50 = arith.cmpi slt, %add3A_48, %lt3A_49 : i32
      %convert_element_type3A_51 = arith.extui %lt3A_50 : i1 to i32
      %cond3A_52 = arith.constant 0 : i32
      %cond3A_53 = arith.cmpi ne, %convert_element_type3A_51, %cond3A_52 : i32
      scf.if %cond3A_53 {
        %mul3A = arith.constant 80 : i32
        %mul3A_647 = arith.muli %add3A_48, %mul3A : i32
        %mul3A_648 = arith.constant 80 : i32
        %mul3A_649 = arith.muli %add3A_48, %mul3A_648 : i32
        %dma_start3A_650 = arith.constant 0 : i32
        %dma_start3A_651 = tpu.memref_slice %arg12[%mul3A_649, %dma_start3A_650] : memref<10000x128xf32, #tpu.memory_space<vmem_shared>> -> memref<80x128xf32, #tpu.memory_space<vmem_shared>>
        %dma_start3A_652 = arith.constant 0 : i32
        %dma_start3A_653 = tpu.memref_slice %arg3[%mul3A_647, %dma_start3A_652] : memref<10000x128xf32, #tpu.memory_space<hbm>> -> memref<80x128xf32, #tpu.memory_space<hbm>>
        tpu.enqueue_dma source(%dma_start3A_653 : memref<80x128xf32, #tpu.memory_space<hbm>>) target(%dma_start3A_651 : memref<80x128xf32, #tpu.memory_space<vmem_shared>>) target_semaphore(%arg19 : memref<!tpu.dma_semaphore, #tpu.memory_space<semaphore_mem>>)
      } else {
      }
      %add3A_54 = arith.constant 112 : i32
      %add3A_55 = arith.addi %add3A_54, %arg1 : i32
      %lt3A_56 = arith.constant 125 : i32
      %lt3A_57 = arith.cmpi slt, %add3A_55, %lt3A_56 : i32
      %convert_element_type3A_58 = arith.extui %lt3A_57 : i1 to i32
      %cond3A_59 = arith.constant 0 : i32
      %cond3A_60 = arith.cmpi ne, %convert_element_type3A_58, %cond3A_59 : i32
      scf.if %cond3A_60 {
        %mul3A = arith.constant 80 : i32
        %mul3A_647 = arith.muli %add3A_55, %mul3A : i32
        %mul3A_648 = arith.constant 80 : i32
        %mul3A_649 = arith.muli %add3A_55, %mul3A_648 : i32
        %dma_start3A_650 = arith.constant 0 : i32
        %dma_start3A_651 = tpu.memref_slice %arg12[%mul3A_649, %dma_start3A_650] : memref<10000x128xf32, #tpu.memory_space<vmem_shared>> -> memref<80x128xf32, #tpu.memory_space<vmem_shared>>
        %dma_start3A_652 = arith.constant 0 : i32
        %dma_start3A_653 = tpu.memref_slice %arg3[%mul3A_647, %dma_start3A_652] : memref<10000x128xf32, #tpu.memory_space<hbm>> -> memref<80x128xf32, #tpu.memory_space<hbm>>
        tpu.enqueue_dma source(%dma_start3A_653 : memref<80x128xf32, #tpu.memory_space<hbm>>) target(%dma_start3A_651 : memref<80x128xf32, #tpu.memory_space<vmem_shared>>) target_semaphore(%arg19 : memref<!tpu.dma_semaphore, #tpu.memory_space<semaphore_mem>>)
      } else {
      }
      %dma_start3A = arith.constant 0 : i32
      %dma_start3A_61 = arith.constant 0 : i32
      %dma_start3A_62 = arith.constant 0 : i32
      %dma_start3A_63 = tpu.memref_slice %arg4[%dma_start3A, %arg1, %dma_start3A_61, %dma_start3A_62] : memref<2x16x200x100xi32, #tpu.memory_space<hbm>> -> memref<1x1x40x100xi32, #tpu.memory_space<hbm>>
      %dma_start3A_64 = tpu.memref_squeeze %dma_start3A_63 : memref<1x1x40x100xi32, #tpu.memory_space<hbm>> -> memref<40x100xi32, #tpu.memory_space<hbm>>
      %dma_start3A_65 = arith.constant 0 : i32
      %dma_start3A_66 = arith.constant 0 : i32
      %dma_start3A_67 = tpu.memref_slice %arg4[%dma_start3A, %arg1, %dma_start3A_65, %dma_start3A_66] : memref<2x16x200x100xi32, #tpu.memory_space<hbm>> -> memref<1x1x40x100xi32, #tpu.memory_space<hbm>>
      %dma_start3A_68 = tpu.memref_squeeze %dma_start3A_67 : memref<1x1x40x100xi32, #tpu.memory_space<hbm>> -> memref<40x100xi32, #tpu.memory_space<hbm>>
      tpu.enqueue_dma source(%dma_start3A_68 : memref<40x100xi32, #tpu.memory_space<hbm>>) target(%arg7 : memref<40x100xi32, #tpu.memory_space<vmem>>) target_semaphore(%arg13 : memref<!tpu.dma_semaphore, #tpu.memory_space<semaphore_mem>>)
      %dma_start3A_69 = arith.constant 1 : i32
      %dma_start3A_70 = arith.constant 0 : i32
      %dma_start3A_71 = arith.constant 0 : i32
      %dma_start3A_72 = tpu.memref_slice %arg4[%dma_start3A_69, %arg1, %dma_start3A_70, %dma_start3A_71] : memref<2x16x200x100xi32, #tpu.memory_space<hbm>> -> memref<1x1x40x100xi32, #tpu.memory_space<hbm>>
      %dma_start3A_73 = tpu.memref_squeeze %dma_start3A_72 : memref<1x1x40x100xi32, #tpu.memory_space<hbm>> -> memref<40x100xi32, #tpu.memory_space<hbm>>
      %dma_start3A_74 = arith.constant 0 : i32
      %dma_start3A_75 = arith.constant 0 : i32
      %dma_start3A_76 = tpu.memref_slice %arg4[%dma_start3A_69, %arg1, %dma_start3A_74, %dma_start3A_75] : memref<2x16x200x100xi32, #tpu.memory_space<hbm>> -> memref<1x1x40x100xi32, #tpu.memory_space<hbm>>
      %dma_start3A_77 = tpu.memref_squeeze %dma_start3A_76 : memref<1x1x40x100xi32, #tpu.memory_space<hbm>> -> memref<40x100xi32, #tpu.memory_space<hbm>>
      tpu.enqueue_dma source(%dma_start3A_77 : memref<40x100xi32, #tpu.memory_space<hbm>>) target(%arg8 : memref<40x100xi32, #tpu.memory_space<vmem>>) target_semaphore(%arg14 : memref<!tpu.dma_semaphore, #tpu.memory_space<semaphore_mem>>)
      %dma_wait3A = arith.constant 0 : i32
      %dma_wait3A_78 = arith.constant 0 : i32
      %dma_wait3A_79 = arith.constant 0 : i32
      %dma_wait3A_80 = tpu.memref_slice %arg4[%dma_wait3A, %arg1, %dma_wait3A_78, %dma_wait3A_79] : memref<2x16x200x100xi32, #tpu.memory_space<hbm>> -> memref<1x1x40x100xi32, #tpu.memory_space<hbm>>
      %dma_wait3A_81 = tpu.memref_squeeze %dma_wait3A_80 : memref<1x1x40x100xi32, #tpu.memory_space<hbm>> -> memref<40x100xi32, #tpu.memory_space<hbm>>
      %dma_wait3A_82 = arith.constant 0 : i32
      %dma_wait3A_83 = arith.constant 0 : i32
      %dma_wait3A_84 = tpu.memref_slice %arg4[%dma_wait3A, %arg1, %dma_wait3A_82, %dma_wait3A_83] : memref<2x16x200x100xi32, #tpu.memory_space<hbm>> -> memref<1x1x40x100xi32, #tpu.memory_space<hbm>>
      %dma_wait3A_85 = tpu.memref_squeeze %dma_wait3A_84 : memref<1x1x40x100xi32, #tpu.memory_space<hbm>> -> memref<40x100xi32, #tpu.memory_space<hbm>>
      tpu.wait_dma2 semaphore(%arg13 : memref<!tpu.dma_semaphore, #tpu.memory_space<semaphore_mem>>) src(%dma_wait3A_85 : memref<40x100xi32, #tpu.memory_space<hbm>>) dst(%arg7 : memref<40x100xi32, #tpu.memory_space<vmem>>)
      %dma_wait3A_86 = arith.constant 1 : i32
      %dma_wait3A_87 = arith.constant 0 : i32
      %dma_wait3A_88 = arith.constant 0 : i32
      %dma_wait3A_89 = tpu.memref_slice %arg4[%dma_wait3A_86, %arg1, %dma_wait3A_87, %dma_wait3A_88] : memref<2x16x200x100xi32, #tpu.memory_space<hbm>> -> memref<1x1x40x100xi32, #tpu.memory_space<hbm>>
      %dma_wait3A_90 = tpu.memref_squeeze %dma_wait3A_89 : memref<1x1x40x100xi32, #tpu.memory_space<hbm>> -> memref<40x100xi32, #tpu.memory_space<hbm>>
      %dma_wait3A_91 = arith.constant 0 : i32
      %dma_wait3A_92 = arith.constant 0 : i32
      %dma_wait3A_93 = tpu.memref_slice %arg4[%dma_wait3A_86, %arg1, %dma_wait3A_91, %dma_wait3A_92] : memref<2x16x200x100xi32, #tpu.memory_space<hbm>> -> memref<1x1x40x100xi32, #tpu.memory_space<hbm>>
      %dma_wait3A_94 = tpu.memref_squeeze %dma_wait3A_93 : memref<1x1x40x100xi32, #tpu.memory_space<hbm>> -> memref<40x100xi32, #tpu.memory_space<hbm>>
      tpu.wait_dma2 semaphore(%arg14 : memref<!tpu.dma_semaphore, #tpu.memory_space<semaphore_mem>>) src(%dma_wait3A_94 : memref<40x100xi32, #tpu.memory_space<hbm>>) dst(%arg8 : memref<40x100xi32, #tpu.memory_space<vmem>>)
      %dma_start3A_95 = arith.constant 0 : i32
      %dma_start3A_96 = arith.constant 0 : i32
      %dma_start3A_97 = tpu.memref_slice %arg7[%dma_start3A_95, %dma_start3A_96] : memref<40x100xi32, #tpu.memory_space<vmem>> -> memref<1x100xi32, #tpu.memory_space<vmem>>
      %dma_start3A_98 = tpu.memref_squeeze %dma_start3A_97 : memref<1x100xi32, #tpu.memory_space<vmem>> -> memref<100xi32, #tpu.memory_space<vmem>>
      %dma_start3A_99 = arith.constant 0 : i32
      %dma_start3A_100 = arith.constant 0 : i32
      %dma_start3A_101 = tpu.memref_slice %arg3[%dma_start3A_99, %dma_start3A_100] : memref<10000x128xf32, #tpu.memory_space<hbm>> -> memref<10000x128xf32, #tpu.memory_space<hbm>>
      tpu.enqueue_indirect_dma source(%dma_start3A_101 : memref<10000x128xf32, #tpu.memory_space<hbm>>) target(%arg9 : memref<100x128xf32, #tpu.memory_space<vmem>>) offsets(%dma_start3A_98 : memref<100xi32, #tpu.memory_space<vmem>>) semaphore(%arg13 : memref<!tpu.dma_semaphore, #tpu.memory_space<semaphore_mem>>)
      %dma_start3A_102 = arith.constant 1 : i32
      %dma_start3A_103 = arith.constant 0 : i32
      %dma_start3A_104 = tpu.memref_slice %arg7[%dma_start3A_102, %dma_start3A_103] : memref<40x100xi32, #tpu.memory_space<vmem>> -> memref<1x100xi32, #tpu.memory_space<vmem>>
      %dma_start3A_105 = tpu.memref_squeeze %dma_start3A_104 : memref<1x100xi32, #tpu.memory_space<vmem>> -> memref<100xi32, #tpu.memory_space<vmem>>
      %dma_start3A_106 = arith.constant 0 : i32
      %dma_start3A_107 = arith.constant 0 : i32
      %dma_start3A_108 = tpu.memref_slice %arg3[%dma_start3A_106, %dma_start3A_107] : memref<10000x128xf32, #tpu.memory_space<hbm>> -> memref<10000x128xf32, #tpu.memory_space<hbm>>
      tpu.enqueue_indirect_dma source(%dma_start3A_108 : memref<10000x128xf32, #tpu.memory_space<hbm>>) target(%arg10 : memref<100x128xf32, #tpu.memory_space<vmem>>) offsets(%dma_start3A_105 : memref<100xi32, #tpu.memory_space<vmem>>) semaphore(%arg14 : memref<!tpu.dma_semaphore, #tpu.memory_space<semaphore_mem>>)
      %add3A_109 = arith.constant 0 : i32
      %add3A_110 = arith.addi %add3A_109, %arg1 : i32
      %lt3A_111 = arith.constant 125 : i32
      %lt3A_112 = arith.cmpi slt, %add3A_110, %lt3A_111 : i32
      %convert_element_type3A_113 = arith.extui %lt3A_112 : i1 to i32
      %cond3A_114 = arith.constant 0 : i32
      %cond3A_115 = arith.cmpi ne, %convert_element_type3A_113, %cond3A_114 : i32
      scf.if %cond3A_115 {
        %mul3A = arith.constant 80 : i32
        %mul3A_647 = arith.muli %add3A_110, %mul3A : i32
        %mul3A_648 = arith.constant 80 : i32
        %mul3A_649 = arith.muli %add3A_110, %mul3A_648 : i32
        %dma_wait3A_650 = arith.constant 0 : i32
        %dma_wait3A_651 = tpu.memref_slice %arg12[%mul3A_649, %dma_wait3A_650] : memref<10000x128xf32, #tpu.memory_space<vmem_shared>> -> memref<80x128xf32, #tpu.memory_space<vmem_shared>>
        %dma_wait3A_652 = arith.constant 0 : i32
        %dma_wait3A_653 = tpu.memref_slice %arg3[%mul3A_647, %dma_wait3A_652] : memref<10000x128xf32, #tpu.memory_space<hbm>> -> memref<80x128xf32, #tpu.memory_space<hbm>>
        tpu.wait_dma2 semaphore(%arg19 : memref<!tpu.dma_semaphore, #tpu.memory_space<semaphore_mem>>) src(%dma_wait3A_653 : memref<80x128xf32, #tpu.memory_space<hbm>>) dst(%dma_wait3A_651 : memref<80x128xf32, #tpu.memory_space<vmem_shared>>)
      } else {
      }
      %add3A_116 = arith.constant 16 : i32
      %add3A_117 = arith.addi %add3A_116, %arg1 : i32
      %lt3A_118 = arith.constant 125 : i32
      %lt3A_119 = arith.cmpi slt, %add3A_117, %lt3A_118 : i32
      %convert_element_type3A_120 = arith.extui %lt3A_119 : i1 to i32
      %cond3A_121 = arith.constant 0 : i32
      %cond3A_122 = arith.cmpi ne, %convert_element_type3A_120, %cond3A_121 : i32
      scf.if %cond3A_122 {
        %mul3A = arith.constant 80 : i32
        %mul3A_647 = arith.muli %add3A_117, %mul3A : i32
        %mul3A_648 = arith.constant 80 : i32
        %mul3A_649 = arith.muli %add3A_117, %mul3A_648 : i32
        %dma_wait3A_650 = arith.constant 0 : i32
        %dma_wait3A_651 = tpu.memref_slice %arg12[%mul3A_649, %dma_wait3A_650] : memref<10000x128xf32, #tpu.memory_space<vmem_shared>> -> memref<80x128xf32, #tpu.memory_space<vmem_shared>>
        %dma_wait3A_652 = arith.constant 0 : i32
        %dma_wait3A_653 = tpu.memref_slice %arg3[%mul3A_647, %dma_wait3A_652] : memref<10000x128xf32, #tpu.memory_space<hbm>> -> memref<80x128xf32, #tpu.memory_space<hbm>>
        tpu.wait_dma2 semaphore(%arg19 : memref<!tpu.dma_semaphore, #tpu.memory_space<semaphore_mem>>) src(%dma_wait3A_653 : memref<80x128xf32, #tpu.memory_space<hbm>>) dst(%dma_wait3A_651 : memref<80x128xf32, #tpu.memory_space<vmem_shared>>)
      } else {
      }
      %add3A_123 = arith.constant 32 : i32
      %add3A_124 = arith.addi %add3A_123, %arg1 : i32
      %lt3A_125 = arith.constant 125 : i32
      %lt3A_126 = arith.cmpi slt, %add3A_124, %lt3A_125 : i32
      %convert_element_type3A_127 = arith.extui %lt3A_126 : i1 to i32
      %cond3A_128 = arith.constant 0 : i32
      %cond3A_129 = arith.cmpi ne, %convert_element_type3A_127, %cond3A_128 : i32
      scf.if %cond3A_129 {
        %mul3A = arith.constant 80 : i32
        %mul3A_647 = arith.muli %add3A_124, %mul3A : i32
        %mul3A_648 = arith.constant 80 : i32
        %mul3A_649 = arith.muli %add3A_124, %mul3A_648 : i32
        %dma_wait3A_650 = arith.constant 0 : i32
        %dma_wait3A_651 = tpu.memref_slice %arg12[%mul3A_649, %dma_wait3A_650] : memref<10000x128xf32, #tpu.memory_space<vmem_shared>> -> memref<80x128xf32, #tpu.memory_space<vmem_shared>>
        %dma_wait3A_652 = arith.constant 0 : i32
        %dma_wait3A_653 = tpu.memref_slice %arg3[%mul3A_647, %dma_wait3A_652] : memref<10000x128xf32, #tpu.memory_space<hbm>> -> memref<80x128xf32, #tpu.memory_space<hbm>>
        tpu.wait_dma2 semaphore(%arg19 : memref<!tpu.dma_semaphore, #tpu.memory_space<semaphore_mem>>) src(%dma_wait3A_653 : memref<80x128xf32, #tpu.memory_space<hbm>>) dst(%dma_wait3A_651 : memref<80x128xf32, #tpu.memory_space<vmem_shared>>)
      } else {
      }
      %add3A_130 = arith.constant 48 : i32
      %add3A_131 = arith.addi %add3A_130, %arg1 : i32
      %lt3A_132 = arith.constant 125 : i32
      %lt3A_133 = arith.cmpi slt, %add3A_131, %lt3A_132 : i32
      %convert_element_type3A_134 = arith.extui %lt3A_133 : i1 to i32
      %cond3A_135 = arith.constant 0 : i32
      %cond3A_136 = arith.cmpi ne, %convert_element_type3A_134, %cond3A_135 : i32
      scf.if %cond3A_136 {
        %mul3A = arith.constant 80 : i32
        %mul3A_647 = arith.muli %add3A_131, %mul3A : i32
        %mul3A_648 = arith.constant 80 : i32
        %mul3A_649 = arith.muli %add3A_131, %mul3A_648 : i32
        %dma_wait3A_650 = arith.constant 0 : i32
        %dma_wait3A_651 = tpu.memref_slice %arg12[%mul3A_649, %dma_wait3A_650] : memref<10000x128xf32, #tpu.memory_space<vmem_shared>> -> memref<80x128xf32, #tpu.memory_space<vmem_shared>>
        %dma_wait3A_652 = arith.constant 0 : i32
        %dma_wait3A_653 = tpu.memref_slice %arg3[%mul3A_647, %dma_wait3A_652] : memref<10000x128xf32, #tpu.memory_space<hbm>> -> memref<80x128xf32, #tpu.memory_space<hbm>>
        tpu.wait_dma2 semaphore(%arg19 : memref<!tpu.dma_semaphore, #tpu.memory_space<semaphore_mem>>) src(%dma_wait3A_653 : memref<80x128xf32, #tpu.memory_space<hbm>>) dst(%dma_wait3A_651 : memref<80x128xf32, #tpu.memory_space<vmem_shared>>)
      } else {
      }
      %add3A_137 = arith.constant 64 : i32
      %add3A_138 = arith.addi %add3A_137, %arg1 : i32
      %lt3A_139 = arith.constant 125 : i32
      %lt3A_140 = arith.cmpi slt, %add3A_138, %lt3A_139 : i32
      %convert_element_type3A_141 = arith.extui %lt3A_140 : i1 to i32
      %cond3A_142 = arith.constant 0 : i32
      %cond3A_143 = arith.cmpi ne, %convert_element_type3A_141, %cond3A_142 : i32
      scf.if %cond3A_143 {
        %mul3A = arith.constant 80 : i32
        %mul3A_647 = arith.muli %add3A_138, %mul3A : i32
        %mul3A_648 = arith.constant 80 : i32
        %mul3A_649 = arith.muli %add3A_138, %mul3A_648 : i32
        %dma_wait3A_650 = arith.constant 0 : i32
        %dma_wait3A_651 = tpu.memref_slice %arg12[%mul3A_649, %dma_wait3A_650] : memref<10000x128xf32, #tpu.memory_space<vmem_shared>> -> memref<80x128xf32, #tpu.memory_space<vmem_shared>>
        %dma_wait3A_652 = arith.constant 0 : i32
        %dma_wait3A_653 = tpu.memref_slice %arg3[%mul3A_647, %dma_wait3A_652] : memref<10000x128xf32, #tpu.memory_space<hbm>> -> memref<80x128xf32, #tpu.memory_space<hbm>>
        tpu.wait_dma2 semaphore(%arg19 : memref<!tpu.dma_semaphore, #tpu.memory_space<semaphore_mem>>) src(%dma_wait3A_653 : memref<80x128xf32, #tpu.memory_space<hbm>>) dst(%dma_wait3A_651 : memref<80x128xf32, #tpu.memory_space<vmem_shared>>)
      } else {
      }
      %add3A_144 = arith.constant 80 : i32
      %add3A_145 = arith.addi %add3A_144, %arg1 : i32
      %lt3A_146 = arith.constant 125 : i32
      %lt3A_147 = arith.cmpi slt, %add3A_145, %lt3A_146 : i32
      %convert_element_type3A_148 = arith.extui %lt3A_147 : i1 to i32
      %cond3A_149 = arith.constant 0 : i32
      %cond3A_150 = arith.cmpi ne, %convert_element_type3A_148, %cond3A_149 : i32
      scf.if %cond3A_150 {
        %mul3A = arith.constant 80 : i32
        %mul3A_647 = arith.muli %add3A_145, %mul3A : i32
        %mul3A_648 = arith.constant 80 : i32
        %mul3A_649 = arith.muli %add3A_145, %mul3A_648 : i32
        %dma_wait3A_650 = arith.constant 0 : i32
        %dma_wait3A_651 = tpu.memref_slice %arg12[%mul3A_649, %dma_wait3A_650] : memref<10000x128xf32, #tpu.memory_space<vmem_shared>> -> memref<80x128xf32, #tpu.memory_space<vmem_shared>>
        %dma_wait3A_652 = arith.constant 0 : i32
        %dma_wait3A_653 = tpu.memref_slice %arg3[%mul3A_647, %dma_wait3A_652] : memref<10000x128xf32, #tpu.memory_space<hbm>> -> memref<80x128xf32, #tpu.memory_space<hbm>>
        tpu.wait_dma2 semaphore(%arg19 : memref<!tpu.dma_semaphore, #tpu.memory_space<semaphore_mem>>) src(%dma_wait3A_653 : memref<80x128xf32, #tpu.memory_space<hbm>>) dst(%dma_wait3A_651 : memref<80x128xf32, #tpu.memory_space<vmem_shared>>)
      } else {
      }
      %add3A_151 = arith.constant 96 : i32
      %add3A_152 = arith.addi %add3A_151, %arg1 : i32
      %lt3A_153 = arith.constant 125 : i32
      %lt3A_154 = arith.cmpi slt, %add3A_152, %lt3A_153 : i32
      %convert_element_type3A_155 = arith.extui %lt3A_154 : i1 to i32
      %cond3A_156 = arith.constant 0 : i32
      %cond3A_157 = arith.cmpi ne, %convert_element_type3A_155, %cond3A_156 : i32
      scf.if %cond3A_157 {
        %mul3A = arith.constant 80 : i32
        %mul3A_647 = arith.muli %add3A_152, %mul3A : i32
        %mul3A_648 = arith.constant 80 : i32
        %mul3A_649 = arith.muli %add3A_152, %mul3A_648 : i32
        %dma_wait3A_650 = arith.constant 0 : i32
        %dma_wait3A_651 = tpu.memref_slice %arg12[%mul3A_649, %dma_wait3A_650] : memref<10000x128xf32, #tpu.memory_space<vmem_shared>> -> memref<80x128xf32, #tpu.memory_space<vmem_shared>>
        %dma_wait3A_652 = arith.constant 0 : i32
        %dma_wait3A_653 = tpu.memref_slice %arg3[%mul3A_647, %dma_wait3A_652] : memref<10000x128xf32, #tpu.memory_space<hbm>> -> memref<80x128xf32, #tpu.memory_space<hbm>>
        tpu.wait_dma2 semaphore(%arg19 : memref<!tpu.dma_semaphore, #tpu.memory_space<semaphore_mem>>) src(%dma_wait3A_653 : memref<80x128xf32, #tpu.memory_space<hbm>>) dst(%dma_wait3A_651 : memref<80x128xf32, #tpu.memory_space<vmem_shared>>)
      } else {
      }
      %add3A_158 = arith.constant 112 : i32
      %add3A_159 = arith.addi %add3A_158, %arg1 : i32
      %lt3A_160 = arith.constant 125 : i32
      %lt3A_161 = arith.cmpi slt, %add3A_159, %lt3A_160 : i32
      %convert_element_type3A_162 = arith.extui %lt3A_161 : i1 to i32
      %cond3A_163 = arith.constant 0 : i32
      %cond3A_164 = arith.cmpi ne, %convert_element_type3A_162, %cond3A_163 : i32
      scf.if %cond3A_164 {
        %mul3A = arith.constant 80 : i32
        %mul3A_647 = arith.muli %add3A_159, %mul3A : i32
        %mul3A_648 = arith.constant 80 : i32
        %mul3A_649 = arith.muli %add3A_159, %mul3A_648 : i32
        %dma_wait3A_650 = arith.constant 0 : i32
        %dma_wait3A_651 = tpu.memref_slice %arg12[%mul3A_649, %dma_wait3A_650] : memref<10000x128xf32, #tpu.memory_space<vmem_shared>> -> memref<80x128xf32, #tpu.memory_space<vmem_shared>>
        %dma_wait3A_652 = arith.constant 0 : i32
        %dma_wait3A_653 = tpu.memref_slice %arg3[%mul3A_647, %dma_wait3A_652] : memref<10000x128xf32, #tpu.memory_space<hbm>> -> memref<80x128xf32, #tpu.memory_space<hbm>>
        tpu.wait_dma2 semaphore(%arg19 : memref<!tpu.dma_semaphore, #tpu.memory_space<semaphore_mem>>) src(%dma_wait3A_653 : memref<80x128xf32, #tpu.memory_space<hbm>>) dst(%dma_wait3A_651 : memref<80x128xf32, #tpu.memory_space<vmem_shared>>)
      } else {
      }
      %barrier3A = arith.constant 0 : index
      tpu.barrier barrier_id(%barrier3A)
      %scan3A = arith.constant 0 : i32
      %scan3A_165 = arith.constant 0 : i32
      %scan3A_166 = arith.constant 13 : i32
      %scan3A_167 = arith.addi %scan3A_165, %scan3A_166 : i32
      %scan3A_168 = arith.constant 1 : i32
      scf.for %scan3A_647 = %scan3A_165 to %scan3A_167 step %scan3A_168  : i32 {
        %mul3A = arith.constant 3 : i32
        %mul3A_648 = arith.muli %scan3A_647, %mul3A : i32
        %dma_wait3A_649 = arith.constant 0 : i32
        %dma_wait3A_650 = arith.constant 0 : i32
        %dma_wait3A_651 = tpu.memref_slice %arg7[%dma_wait3A_649, %dma_wait3A_650] : memref<40x100xi32, #tpu.memory_space<vmem>> -> memref<1x100xi32, #tpu.memory_space<vmem>>
        %dma_wait3A_652 = tpu.memref_squeeze %dma_wait3A_651 : memref<1x100xi32, #tpu.memory_space<vmem>> -> memref<100xi32, #tpu.memory_space<vmem>>
        %dma_wait3A_653 = arith.constant 0 : i32
        %dma_wait3A_654 = arith.constant 0 : i32
        %dma_wait3A_655 = tpu.memref_slice %arg3[%dma_wait3A_653, %dma_wait3A_654] : memref<10000x128xf32, #tpu.memory_space<hbm>> -> memref<10000x128xf32, #tpu.memory_space<hbm>>
        tpu.wait_indirect_dma semaphore(%arg13 : memref<!tpu.dma_semaphore, #tpu.memory_space<semaphore_mem>>) src(%dma_wait3A_655 : memref<10000x128xf32, #tpu.memory_space<hbm>>) dst(%arg9 : memref<100x128xf32, #tpu.memory_space<vmem>>)
        %add3A_656 = arith.constant 0 : i32
        %add3A_657 = arith.addi %mul3A_648, %add3A_656 : i32
        %dma_start3A_658 = arith.constant 0 : i32
        %dma_start3A_659 = tpu.memref_slice %arg8[%add3A_657, %dma_start3A_658] : memref<40x100xi32, #tpu.memory_space<vmem>> -> memref<1x100xi32, #tpu.memory_space<vmem>>
        %dma_start3A_660 = tpu.memref_squeeze %dma_start3A_659 : memref<1x100xi32, #tpu.memory_space<vmem>> -> memref<100xi32, #tpu.memory_space<vmem>>
        %dma_start3A_661 = arith.constant 0 : i32
        %dma_start3A_662 = arith.constant 0 : i32
        %dma_start3A_663 = tpu.memref_slice %arg12[%dma_start3A_661, %dma_start3A_662] : memref<10000x128xf32, #tpu.memory_space<vmem_shared>> -> memref<10000x128xf32, #tpu.memory_space<vmem_shared>>
        tpu.enqueue_indirect_dma source(%arg9 : memref<100x128xf32, #tpu.memory_space<vmem>>) target(%dma_start3A_663 : memref<10000x128xf32, #tpu.memory_space<vmem_shared>>) offsets(%dma_start3A_660 : memref<100xi32, #tpu.memory_space<vmem>>) semaphore(%arg16 : memref<!tpu.dma_semaphore, #tpu.memory_space<semaphore_mem>>) {add = true}
        %gt3A = arith.constant 0 : i32
        %gt3A_664 = arith.cmpi sgt, %scan3A_647, %gt3A : i32
        %convert_element_type3A_665 = arith.extui %gt3A_664 : i1 to i32
        %cond3A_666 = arith.constant 0 : i32
        %cond3A_667 = arith.cmpi ne, %convert_element_type3A_665, %cond3A_666 : i32
        scf.if %cond3A_667 {
          %dma_wait3A_745 = arith.constant 0 : i32
          %dma_wait3A_746 = arith.constant 0 : i32
          %dma_wait3A_747 = tpu.memref_slice %arg8[%dma_wait3A_745, %dma_wait3A_746] : memref<40x100xi32, #tpu.memory_space<vmem>> -> memref<1x100xi32, #tpu.memory_space<vmem>>
          %dma_wait3A_748 = tpu.memref_squeeze %dma_wait3A_747 : memref<1x100xi32, #tpu.memory_space<vmem>> -> memref<100xi32, #tpu.memory_space<vmem>>
          %dma_wait3A_749 = arith.constant 0 : i32
          %dma_wait3A_750 = arith.constant 0 : i32
          %dma_wait3A_751 = tpu.memref_slice %arg12[%dma_wait3A_749, %dma_wait3A_750] : memref<10000x128xf32, #tpu.memory_space<vmem_shared>> -> memref<10000x128xf32, #tpu.memory_space<vmem_shared>>
          tpu.wait_indirect_dma semaphore(%arg18 : memref<!tpu.dma_semaphore, #tpu.memory_space<semaphore_mem>>) src(%arg11 : memref<100x128xf32, #tpu.memory_space<vmem>>) dst(%dma_wait3A_751 : memref<10000x128xf32, #tpu.memory_space<vmem_shared>>)
        } else {
        }
        %add3A_668 = arith.constant 0 : i32
        %add3A_669 = arith.addi %mul3A_648, %add3A_668 : i32
        %add3A_670 = arith.constant 3 : i32
        %add3A_671 = arith.addi %add3A_669, %add3A_670 : i32
        %sub3A = arith.constant 1 : i32
        %sub3A_672 = arith.subi %add3A_671, %sub3A : i32
        %dma_start3A_673 = arith.constant 0 : i32
        %dma_start3A_674 = tpu.memref_slice %arg7[%sub3A_672, %dma_start3A_673] : memref<40x100xi32, #tpu.memory_space<vmem>> -> memref<1x100xi32, #tpu.memory_space<vmem>>
        %dma_start3A_675 = tpu.memref_squeeze %dma_start3A_674 : memref<1x100xi32, #tpu.memory_space<vmem>> -> memref<100xi32, #tpu.memory_space<vmem>>
        %dma_start3A_676 = arith.constant 0 : i32
        %dma_start3A_677 = arith.constant 0 : i32
        %dma_start3A_678 = tpu.memref_slice %arg3[%dma_start3A_676, %dma_start3A_677] : memref<10000x128xf32, #tpu.memory_space<hbm>> -> memref<10000x128xf32, #tpu.memory_space<hbm>>
        tpu.enqueue_indirect_dma source(%dma_start3A_678 : memref<10000x128xf32, #tpu.memory_space<hbm>>) target(%arg11 : memref<100x128xf32, #tpu.memory_space<vmem>>) offsets(%dma_start3A_675 : memref<100xi32, #tpu.memory_space<vmem>>) semaphore(%arg15 : memref<!tpu.dma_semaphore, #tpu.memory_space<semaphore_mem>>)
        %dma_wait3A_679 = arith.constant 0 : i32
        %dma_wait3A_680 = arith.constant 0 : i32
        %dma_wait3A_681 = tpu.memref_slice %arg7[%dma_wait3A_679, %dma_wait3A_680] : memref<40x100xi32, #tpu.memory_space<vmem>> -> memref<1x100xi32, #tpu.memory_space<vmem>>
        %dma_wait3A_682 = tpu.memref_squeeze %dma_wait3A_681 : memref<1x100xi32, #tpu.memory_space<vmem>> -> memref<100xi32, #tpu.memory_space<vmem>>
        %dma_wait3A_683 = arith.constant 0 : i32
        %dma_wait3A_684 = arith.constant 0 : i32
        %dma_wait3A_685 = tpu.memref_slice %arg3[%dma_wait3A_683, %dma_wait3A_684] : memref<10000x128xf32, #tpu.memory_space<hbm>> -> memref<10000x128xf32, #tpu.memory_space<hbm>>
        tpu.wait_indirect_dma semaphore(%arg14 : memref<!tpu.dma_semaphore, #tpu.memory_space<semaphore_mem>>) src(%dma_wait3A_685 : memref<10000x128xf32, #tpu.memory_space<hbm>>) dst(%arg10 : memref<100x128xf32, #tpu.memory_space<vmem>>)
        %add3A_686 = arith.constant 1 : i32
        %add3A_687 = arith.addi %mul3A_648, %add3A_686 : i32
        %dma_start3A_688 = arith.constant 0 : i32
        %dma_start3A_689 = tpu.memref_slice %arg8[%add3A_687, %dma_start3A_688] : memref<40x100xi32, #tpu.memory_space<vmem>> -> memref<1x100xi32, #tpu.memory_space<vmem>>
        %dma_start3A_690 = tpu.memref_squeeze %dma_start3A_689 : memref<1x100xi32, #tpu.memory_space<vmem>> -> memref<100xi32, #tpu.memory_space<vmem>>
        %dma_start3A_691 = arith.constant 0 : i32
        %dma_start3A_692 = arith.constant 0 : i32
        %dma_start3A_693 = tpu.memref_slice %arg12[%dma_start3A_691, %dma_start3A_692] : memref<10000x128xf32, #tpu.memory_space<vmem_shared>> -> memref<10000x128xf32, #tpu.memory_space<vmem_shared>>
        tpu.enqueue_indirect_dma source(%arg10 : memref<100x128xf32, #tpu.memory_space<vmem>>) target(%dma_start3A_693 : memref<10000x128xf32, #tpu.memory_space<vmem_shared>>) offsets(%dma_start3A_690 : memref<100xi32, #tpu.memory_space<vmem>>) semaphore(%arg17 : memref<!tpu.dma_semaphore, #tpu.memory_space<semaphore_mem>>) {add = true}
        %dma_wait3A_694 = arith.constant 0 : i32
        %dma_wait3A_695 = arith.constant 0 : i32
        %dma_wait3A_696 = tpu.memref_slice %arg8[%dma_wait3A_694, %dma_wait3A_695] : memref<40x100xi32, #tpu.memory_space<vmem>> -> memref<1x100xi32, #tpu.memory_space<vmem>>
        %dma_wait3A_697 = tpu.memref_squeeze %dma_wait3A_696 : memref<1x100xi32, #tpu.memory_space<vmem>> -> memref<100xi32, #tpu.memory_space<vmem>>
        %dma_wait3A_698 = arith.constant 0 : i32
        %dma_wait3A_699 = arith.constant 0 : i32
        %dma_wait3A_700 = tpu.memref_slice %arg12[%dma_wait3A_698, %dma_wait3A_699] : memref<10000x128xf32, #tpu.memory_space<vmem_shared>> -> memref<10000x128xf32, #tpu.memory_space<vmem_shared>>
        tpu.wait_indirect_dma semaphore(%arg16 : memref<!tpu.dma_semaphore, #tpu.memory_space<semaphore_mem>>) src(%arg9 : memref<100x128xf32, #tpu.memory_space<vmem>>) dst(%dma_wait3A_700 : memref<10000x128xf32, #tpu.memory_space<vmem_shared>>)
        %add3A_701 = arith.constant 1 : i32
        %add3A_702 = arith.addi %mul3A_648, %add3A_701 : i32
        %add3A_703 = arith.constant 3 : i32
        %add3A_704 = arith.addi %add3A_702, %add3A_703 : i32
        %sub3A_705 = arith.constant 1 : i32
        %sub3A_706 = arith.subi %add3A_704, %sub3A_705 : i32
        %lt3A_707 = arith.constant 40 : i32
        %lt3A_708 = arith.cmpi slt, %sub3A_706, %lt3A_707 : i32
        %convert_element_type3A_709 = arith.extui %lt3A_708 : i1 to i32
        %cond3A_710 = arith.constant 0 : i32
        %cond3A_711 = arith.cmpi ne, %convert_element_type3A_709, %cond3A_710 : i32
        scf.if %cond3A_711 {
          %add3A_745 = arith.constant 1 : i32
          %add3A_746 = arith.addi %mul3A_648, %add3A_745 : i32
          %add3A_747 = arith.constant 3 : i32
          %add3A_748 = arith.addi %add3A_746, %add3A_747 : i32
          %sub3A_749 = arith.constant 1 : i32
          %sub3A_750 = arith.subi %add3A_748, %sub3A_749 : i32
          %dma_start3A_751 = arith.constant 0 : i32
          %dma_start3A_752 = tpu.memref_slice %arg7[%sub3A_750, %dma_start3A_751] : memref<40x100xi32, #tpu.memory_space<vmem>> -> memref<1x100xi32, #tpu.memory_space<vmem>>
          %dma_start3A_753 = tpu.memref_squeeze %dma_start3A_752 : memref<1x100xi32, #tpu.memory_space<vmem>> -> memref<100xi32, #tpu.memory_space<vmem>>
          %dma_start3A_754 = arith.constant 0 : i32
          %dma_start3A_755 = arith.constant 0 : i32
          %dma_start3A_756 = tpu.memref_slice %arg3[%dma_start3A_754, %dma_start3A_755] : memref<10000x128xf32, #tpu.memory_space<hbm>> -> memref<10000x128xf32, #tpu.memory_space<hbm>>
          tpu.enqueue_indirect_dma source(%dma_start3A_756 : memref<10000x128xf32, #tpu.memory_space<hbm>>) target(%arg9 : memref<100x128xf32, #tpu.memory_space<vmem>>) offsets(%dma_start3A_753 : memref<100xi32, #tpu.memory_space<vmem>>) semaphore(%arg13 : memref<!tpu.dma_semaphore, #tpu.memory_space<semaphore_mem>>)
        } else {
        }
        %dma_wait3A_712 = arith.constant 0 : i32
        %dma_wait3A_713 = arith.constant 0 : i32
        %dma_wait3A_714 = tpu.memref_slice %arg7[%dma_wait3A_712, %dma_wait3A_713] : memref<40x100xi32, #tpu.memory_space<vmem>> -> memref<1x100xi32, #tpu.memory_space<vmem>>
        %dma_wait3A_715 = tpu.memref_squeeze %dma_wait3A_714 : memref<1x100xi32, #tpu.memory_space<vmem>> -> memref<100xi32, #tpu.memory_space<vmem>>
        %dma_wait3A_716 = arith.constant 0 : i32
        %dma_wait3A_717 = arith.constant 0 : i32
        %dma_wait3A_718 = tpu.memref_slice %arg3[%dma_wait3A_716, %dma_wait3A_717] : memref<10000x128xf32, #tpu.memory_space<hbm>> -> memref<10000x128xf32, #tpu.memory_space<hbm>>
        tpu.wait_indirect_dma semaphore(%arg15 : memref<!tpu.dma_semaphore, #tpu.memory_space<semaphore_mem>>) src(%dma_wait3A_718 : memref<10000x128xf32, #tpu.memory_space<hbm>>) dst(%arg11 : memref<100x128xf32, #tpu.memory_space<vmem>>)
        %add3A_719 = arith.constant 2 : i32
        %add3A_720 = arith.addi %mul3A_648, %add3A_719 : i32
        %dma_start3A_721 = arith.constant 0 : i32
        %dma_start3A_722 = tpu.memref_slice %arg8[%add3A_720, %dma_start3A_721] : memref<40x100xi32, #tpu.memory_space<vmem>> -> memref<1x100xi32, #tpu.memory_space<vmem>>
        %dma_start3A_723 = tpu.memref_squeeze %dma_start3A_722 : memref<1x100xi32, #tpu.memory_space<vmem>> -> memref<100xi32, #tpu.memory_space<vmem>>
        %dma_start3A_724 = arith.constant 0 : i32
        %dma_start3A_725 = arith.constant 0 : i32
        %dma_start3A_726 = tpu.memref_slice %arg12[%dma_start3A_724, %dma_start3A_725] : memref<10000x128xf32, #tpu.memory_space<vmem_shared>> -> memref<10000x128xf32, #tpu.memory_space<vmem_shared>>
        tpu.enqueue_indirect_dma source(%arg11 : memref<100x128xf32, #tpu.memory_space<vmem>>) target(%dma_start3A_726 : memref<10000x128xf32, #tpu.memory_space<vmem_shared>>) offsets(%dma_start3A_723 : memref<100xi32, #tpu.memory_space<vmem>>) semaphore(%arg18 : memref<!tpu.dma_semaphore, #tpu.memory_space<semaphore_mem>>) {add = true}
        %dma_wait3A_727 = arith.constant 0 : i32
        %dma_wait3A_728 = arith.constant 0 : i32
        %dma_wait3A_729 = tpu.memref_slice %arg8[%dma_wait3A_727, %dma_wait3A_728] : memref<40x100xi32, #tpu.memory_space<vmem>> -> memref<1x100xi32, #tpu.memory_space<vmem>>
        %dma_wait3A_730 = tpu.memref_squeeze %dma_wait3A_729 : memref<1x100xi32, #tpu.memory_space<vmem>> -> memref<100xi32, #tpu.memory_space<vmem>>
        %dma_wait3A_731 = arith.constant 0 : i32
        %dma_wait3A_732 = arith.constant 0 : i32
        %dma_wait3A_733 = tpu.memref_slice %arg12[%dma_wait3A_731, %dma_wait3A_732] : memref<10000x128xf32, #tpu.memory_space<vmem_shared>> -> memref<10000x128xf32, #tpu.memory_space<vmem_shared>>
        tpu.wait_indirect_dma semaphore(%arg17 : memref<!tpu.dma_semaphore, #tpu.memory_space<semaphore_mem>>) src(%arg10 : memref<100x128xf32, #tpu.memory_space<vmem>>) dst(%dma_wait3A_733 : memref<10000x128xf32, #tpu.memory_space<vmem_shared>>)
        %add3A_734 = arith.constant 2 : i32
        %add3A_735 = arith.addi %mul3A_648, %add3A_734 : i32
        %add3A_736 = arith.constant 3 : i32
        %add3A_737 = arith.addi %add3A_735, %add3A_736 : i32
        %sub3A_738 = arith.constant 1 : i32
        %sub3A_739 = arith.subi %add3A_737, %sub3A_738 : i32
        %lt3A_740 = arith.constant 40 : i32
        %lt3A_741 = arith.cmpi slt, %sub3A_739, %lt3A_740 : i32
        %convert_element_type3A_742 = arith.extui %lt3A_741 : i1 to i32
        %cond3A_743 = arith.constant 0 : i32
        %cond3A_744 = arith.cmpi ne, %convert_element_type3A_742, %cond3A_743 : i32
        scf.if %cond3A_744 {
          %add3A_745 = arith.constant 2 : i32
          %add3A_746 = arith.addi %mul3A_648, %add3A_745 : i32
          %add3A_747 = arith.constant 3 : i32
          %add3A_748 = arith.addi %add3A_746, %add3A_747 : i32
          %sub3A_749 = arith.constant 1 : i32
          %sub3A_750 = arith.subi %add3A_748, %sub3A_749 : i32
          %dma_start3A_751 = arith.constant 0 : i32
          %dma_start3A_752 = tpu.memref_slice %arg7[%sub3A_750, %dma_start3A_751] : memref<40x100xi32, #tpu.memory_space<vmem>> -> memref<1x100xi32, #tpu.memory_space<vmem>>
          %dma_start3A_753 = tpu.memref_squeeze %dma_start3A_752 : memref<1x100xi32, #tpu.memory_space<vmem>> -> memref<100xi32, #tpu.memory_space<vmem>>
          %dma_start3A_754 = arith.constant 0 : i32
          %dma_start3A_755 = arith.constant 0 : i32
          %dma_start3A_756 = tpu.memref_slice %arg3[%dma_start3A_754, %dma_start3A_755] : memref<10000x128xf32, #tpu.memory_space<hbm>> -> memref<10000x128xf32, #tpu.memory_space<hbm>>
          tpu.enqueue_indirect_dma source(%dma_start3A_756 : memref<10000x128xf32, #tpu.memory_space<hbm>>) target(%arg10 : memref<100x128xf32, #tpu.memory_space<vmem>>) offsets(%dma_start3A_753 : memref<100xi32, #tpu.memory_space<vmem>>) semaphore(%arg14 : memref<!tpu.dma_semaphore, #tpu.memory_space<semaphore_mem>>)
        } else {
        }
      }
      %scan3A_169 = arith.constant 13 : i32
      %dma_wait3A_170 = arith.constant 0 : i32
      %dma_wait3A_171 = arith.constant 0 : i32
      %dma_wait3A_172 = tpu.memref_slice %arg7[%dma_wait3A_170, %dma_wait3A_171] : memref<40x100xi32, #tpu.memory_space<vmem>> -> memref<1x100xi32, #tpu.memory_space<vmem>>
      %dma_wait3A_173 = tpu.memref_squeeze %dma_wait3A_172 : memref<1x100xi32, #tpu.memory_space<vmem>> -> memref<100xi32, #tpu.memory_space<vmem>>
      %dma_wait3A_174 = arith.constant 0 : i32
      %dma_wait3A_175 = arith.constant 0 : i32
      %dma_wait3A_176 = tpu.memref_slice %arg3[%dma_wait3A_174, %dma_wait3A_175] : memref<10000x128xf32, #tpu.memory_space<hbm>> -> memref<10000x128xf32, #tpu.memory_space<hbm>>
      tpu.wait_indirect_dma semaphore(%arg13 : memref<!tpu.dma_semaphore, #tpu.memory_space<semaphore_mem>>) src(%dma_wait3A_176 : memref<10000x128xf32, #tpu.memory_space<hbm>>) dst(%arg9 : memref<100x128xf32, #tpu.memory_space<vmem>>)
      %dma_start3A_177 = arith.constant 39 : i32
      %dma_start3A_178 = arith.constant 0 : i32
      %dma_start3A_179 = tpu.memref_slice %arg8[%dma_start3A_177, %dma_start3A_178] : memref<40x100xi32, #tpu.memory_space<vmem>> -> memref<1x100xi32, #tpu.memory_space<vmem>>
      %dma_start3A_180 = tpu.memref_squeeze %dma_start3A_179 : memref<1x100xi32, #tpu.memory_space<vmem>> -> memref<100xi32, #tpu.memory_space<vmem>>
      %dma_start3A_181 = arith.constant 0 : i32
      %dma_start3A_182 = arith.constant 0 : i32
      %dma_start3A_183 = tpu.memref_slice %arg12[%dma_start3A_181, %dma_start3A_182] : memref<10000x128xf32, #tpu.memory_space<vmem_shared>> -> memref<10000x128xf32, #tpu.memory_space<vmem_shared>>
      tpu.enqueue_indirect_dma source(%arg9 : memref<100x128xf32, #tpu.memory_space<vmem>>) target(%dma_start3A_183 : memref<10000x128xf32, #tpu.memory_space<vmem_shared>>) offsets(%dma_start3A_180 : memref<100xi32, #tpu.memory_space<vmem>>) semaphore(%arg16 : memref<!tpu.dma_semaphore, #tpu.memory_space<semaphore_mem>>) {add = true}
      %dma_wait3A_184 = arith.constant 0 : i32
      %dma_wait3A_185 = arith.constant 0 : i32
      %dma_wait3A_186 = tpu.memref_slice %arg8[%dma_wait3A_184, %dma_wait3A_185] : memref<40x100xi32, #tpu.memory_space<vmem>> -> memref<1x100xi32, #tpu.memory_space<vmem>>
      %dma_wait3A_187 = tpu.memref_squeeze %dma_wait3A_186 : memref<1x100xi32, #tpu.memory_space<vmem>> -> memref<100xi32, #tpu.memory_space<vmem>>
      %dma_wait3A_188 = arith.constant 0 : i32
      %dma_wait3A_189 = arith.constant 0 : i32
      %dma_wait3A_190 = tpu.memref_slice %arg12[%dma_wait3A_188, %dma_wait3A_189] : memref<10000x128xf32, #tpu.memory_space<vmem_shared>> -> memref<10000x128xf32, #tpu.memory_space<vmem_shared>>
      tpu.wait_indirect_dma semaphore(%arg18 : memref<!tpu.dma_semaphore, #tpu.memory_space<semaphore_mem>>) src(%arg11 : memref<100x128xf32, #tpu.memory_space<vmem>>) dst(%dma_wait3A_190 : memref<10000x128xf32, #tpu.memory_space<vmem_shared>>)
      %dma_wait3A_191 = arith.constant 0 : i32
      %dma_wait3A_192 = arith.constant 0 : i32
      %dma_wait3A_193 = tpu.memref_slice %arg8[%dma_wait3A_191, %dma_wait3A_192] : memref<40x100xi32, #tpu.memory_space<vmem>> -> memref<1x100xi32, #tpu.memory_space<vmem>>
      %dma_wait3A_194 = tpu.memref_squeeze %dma_wait3A_193 : memref<1x100xi32, #tpu.memory_space<vmem>> -> memref<100xi32, #tpu.memory_space<vmem>>
      %dma_wait3A_195 = arith.constant 0 : i32
      %dma_wait3A_196 = arith.constant 0 : i32
      %dma_wait3A_197 = tpu.memref_slice %arg12[%dma_wait3A_195, %dma_wait3A_196] : memref<10000x128xf32, #tpu.memory_space<vmem_shared>> -> memref<10000x128xf32, #tpu.memory_space<vmem_shared>>
      tpu.wait_indirect_dma semaphore(%arg16 : memref<!tpu.dma_semaphore, #tpu.memory_space<semaphore_mem>>) src(%arg9 : memref<100x128xf32, #tpu.memory_space<vmem>>) dst(%dma_wait3A_197 : memref<10000x128xf32, #tpu.memory_space<vmem_shared>>)
      %dma_start3A_198 = arith.constant 0 : i32
      %dma_start3A_199 = arith.constant 40 : i32
      %dma_start3A_200 = arith.constant 0 : i32
      %dma_start3A_201 = tpu.memref_slice %arg4[%dma_start3A_198, %arg1, %dma_start3A_199, %dma_start3A_200] : memref<2x16x200x100xi32, #tpu.memory_space<hbm>> -> memref<1x1x40x100xi32, #tpu.memory_space<hbm>>
      %dma_start3A_202 = tpu.memref_squeeze %dma_start3A_201 : memref<1x1x40x100xi32, #tpu.memory_space<hbm>> -> memref<40x100xi32, #tpu.memory_space<hbm>>
      %dma_start3A_203 = arith.constant 40 : i32
      %dma_start3A_204 = arith.constant 0 : i32
      %dma_start3A_205 = tpu.memref_slice %arg4[%dma_start3A_198, %arg1, %dma_start3A_203, %dma_start3A_204] : memref<2x16x200x100xi32, #tpu.memory_space<hbm>> -> memref<1x1x40x100xi32, #tpu.memory_space<hbm>>
      %dma_start3A_206 = tpu.memref_squeeze %dma_start3A_205 : memref<1x1x40x100xi32, #tpu.memory_space<hbm>> -> memref<40x100xi32, #tpu.memory_space<hbm>>
      tpu.enqueue_dma source(%dma_start3A_206 : memref<40x100xi32, #tpu.memory_space<hbm>>) target(%arg7 : memref<40x100xi32, #tpu.memory_space<vmem>>) target_semaphore(%arg13 : memref<!tpu.dma_semaphore, #tpu.memory_space<semaphore_mem>>)
      %dma_start3A_207 = arith.constant 1 : i32
      %dma_start3A_208 = arith.constant 40 : i32
      %dma_start3A_209 = arith.constant 0 : i32
      %dma_start3A_210 = tpu.memref_slice %arg4[%dma_start3A_207, %arg1, %dma_start3A_208, %dma_start3A_209] : memref<2x16x200x100xi32, #tpu.memory_space<hbm>> -> memref<1x1x40x100xi32, #tpu.memory_space<hbm>>
      %dma_start3A_211 = tpu.memref_squeeze %dma_start3A_210 : memref<1x1x40x100xi32, #tpu.memory_space<hbm>> -> memref<40x100xi32, #tpu.memory_space<hbm>>
      %dma_start3A_212 = arith.constant 40 : i32
      %dma_start3A_213 = arith.constant 0 : i32
      %dma_start3A_214 = tpu.memref_slice %arg4[%dma_start3A_207, %arg1, %dma_start3A_212, %dma_start3A_213] : memref<2x16x200x100xi32, #tpu.memory_space<hbm>> -> memref<1x1x40x100xi32, #tpu.memory_space<hbm>>
      %dma_start3A_215 = tpu.memref_squeeze %dma_start3A_214 : memref<1x1x40x100xi32, #tpu.memory_space<hbm>> -> memref<40x100xi32, #tpu.memory_space<hbm>>
      tpu.enqueue_dma source(%dma_start3A_215 : memref<40x100xi32, #tpu.memory_space<hbm>>) target(%arg8 : memref<40x100xi32, #tpu.memory_space<vmem>>) target_semaphore(%arg14 : memref<!tpu.dma_semaphore, #tpu.memory_space<semaphore_mem>>)
      %dma_wait3A_216 = arith.constant 0 : i32
      %dma_wait3A_217 = arith.constant 40 : i32
      %dma_wait3A_218 = arith.constant 0 : i32
      %dma_wait3A_219 = tpu.memref_slice %arg4[%dma_wait3A_216, %arg1, %dma_wait3A_217, %dma_wait3A_218] : memref<2x16x200x100xi32, #tpu.memory_space<hbm>> -> memref<1x1x40x100xi32, #tpu.memory_space<hbm>>
      %dma_wait3A_220 = tpu.memref_squeeze %dma_wait3A_219 : memref<1x1x40x100xi32, #tpu.memory_space<hbm>> -> memref<40x100xi32, #tpu.memory_space<hbm>>
      %dma_wait3A_221 = arith.constant 40 : i32
      %dma_wait3A_222 = arith.constant 0 : i32
      %dma_wait3A_223 = tpu.memref_slice %arg4[%dma_wait3A_216, %arg1, %dma_wait3A_221, %dma_wait3A_222] : memref<2x16x200x100xi32, #tpu.memory_space<hbm>> -> memref<1x1x40x100xi32, #tpu.memory_space<hbm>>
      %dma_wait3A_224 = tpu.memref_squeeze %dma_wait3A_223 : memref<1x1x40x100xi32, #tpu.memory_space<hbm>> -> memref<40x100xi32, #tpu.memory_space<hbm>>
      tpu.wait_dma2 semaphore(%arg13 : memref<!tpu.dma_semaphore, #tpu.memory_space<semaphore_mem>>) src(%dma_wait3A_224 : memref<40x100xi32, #tpu.memory_space<hbm>>) dst(%arg7 : memref<40x100xi32, #tpu.memory_space<vmem>>)
      %dma_wait3A_225 = arith.constant 1 : i32
      %dma_wait3A_226 = arith.constant 40 : i32
      %dma_wait3A_227 = arith.constant 0 : i32
      %dma_wait3A_228 = tpu.memref_slice %arg4[%dma_wait3A_225, %arg1, %dma_wait3A_226, %dma_wait3A_227] : memref<2x16x200x100xi32, #tpu.memory_space<hbm>> -> memref<1x1x40x100xi32, #tpu.memory_space<hbm>>
      %dma_wait3A_229 = tpu.memref_squeeze %dma_wait3A_228 : memref<1x1x40x100xi32, #tpu.memory_space<hbm>> -> memref<40x100xi32, #tpu.memory_space<hbm>>
      %dma_wait3A_230 = arith.constant 40 : i32
      %dma_wait3A_231 = arith.constant 0 : i32
      %dma_wait3A_232 = tpu.memref_slice %arg4[%dma_wait3A_225, %arg1, %dma_wait3A_230, %dma_wait3A_231] : memref<2x16x200x100xi32, #tpu.memory_space<hbm>> -> memref<1x1x40x100xi32, #tpu.memory_space<hbm>>
      %dma_wait3A_233 = tpu.memref_squeeze %dma_wait3A_232 : memref<1x1x40x100xi32, #tpu.memory_space<hbm>> -> memref<40x100xi32, #tpu.memory_space<hbm>>
      tpu.wait_dma2 semaphore(%arg14 : memref<!tpu.dma_semaphore, #tpu.memory_space<semaphore_mem>>) src(%dma_wait3A_233 : memref<40x100xi32, #tpu.memory_space<hbm>>) dst(%arg8 : memref<40x100xi32, #tpu.memory_space<vmem>>)
      %dma_start3A_234 = arith.constant 0 : i32
      %dma_start3A_235 = arith.constant 0 : i32
      %dma_start3A_236 = tpu.memref_slice %arg7[%dma_start3A_234, %dma_start3A_235] : memref<40x100xi32, #tpu.memory_space<vmem>> -> memref<1x100xi32, #tpu.memory_space<vmem>>
      %dma_start3A_237 = tpu.memref_squeeze %dma_start3A_236 : memref<1x100xi32, #tpu.memory_space<vmem>> -> memref<100xi32, #tpu.memory_space<vmem>>
      %dma_start3A_238 = arith.constant 0 : i32
      %dma_start3A_239 = arith.constant 0 : i32
      %dma_start3A_240 = tpu.memref_slice %arg3[%dma_start3A_238, %dma_start3A_239] : memref<10000x128xf32, #tpu.memory_space<hbm>> -> memref<10000x128xf32, #tpu.memory_space<hbm>>
      tpu.enqueue_indirect_dma source(%dma_start3A_240 : memref<10000x128xf32, #tpu.memory_space<hbm>>) target(%arg10 : memref<100x128xf32, #tpu.memory_space<vmem>>) offsets(%dma_start3A_237 : memref<100xi32, #tpu.memory_space<vmem>>) semaphore(%arg14 : memref<!tpu.dma_semaphore, #tpu.memory_space<semaphore_mem>>)
      %dma_start3A_241 = arith.constant 1 : i32
      %dma_start3A_242 = arith.constant 0 : i32
      %dma_start3A_243 = tpu.memref_slice %arg7[%dma_start3A_241, %dma_start3A_242] : memref<40x100xi32, #tpu.memory_space<vmem>> -> memref<1x100xi32, #tpu.memory_space<vmem>>
      %dma_start3A_244 = tpu.memref_squeeze %dma_start3A_243 : memref<1x100xi32, #tpu.memory_space<vmem>> -> memref<100xi32, #tpu.memory_space<vmem>>
      %dma_start3A_245 = arith.constant 0 : i32
      %dma_start3A_246 = arith.constant 0 : i32
      %dma_start3A_247 = tpu.memref_slice %arg3[%dma_start3A_245, %dma_start3A_246] : memref<10000x128xf32, #tpu.memory_space<hbm>> -> memref<10000x128xf32, #tpu.memory_space<hbm>>
      tpu.enqueue_indirect_dma source(%dma_start3A_247 : memref<10000x128xf32, #tpu.memory_space<hbm>>) target(%arg11 : memref<100x128xf32, #tpu.memory_space<vmem>>) offsets(%dma_start3A_244 : memref<100xi32, #tpu.memory_space<vmem>>) semaphore(%arg15 : memref<!tpu.dma_semaphore, #tpu.memory_space<semaphore_mem>>)
      %scan3A_248 = arith.constant 0 : i32
      %scan3A_249 = arith.constant 0 : i32
      %scan3A_250 = arith.constant 13 : i32
      %scan3A_251 = arith.addi %scan3A_249, %scan3A_250 : i32
      %scan3A_252 = arith.constant 1 : i32
      scf.for %scan3A_647 = %scan3A_249 to %scan3A_251 step %scan3A_252  : i32 {
        %mul3A = arith.constant 3 : i32
        %mul3A_648 = arith.muli %scan3A_647, %mul3A : i32
        %dma_wait3A_649 = arith.constant 0 : i32
        %dma_wait3A_650 = arith.constant 0 : i32
        %dma_wait3A_651 = tpu.memref_slice %arg7[%dma_wait3A_649, %dma_wait3A_650] : memref<40x100xi32, #tpu.memory_space<vmem>> -> memref<1x100xi32, #tpu.memory_space<vmem>>
        %dma_wait3A_652 = tpu.memref_squeeze %dma_wait3A_651 : memref<1x100xi32, #tpu.memory_space<vmem>> -> memref<100xi32, #tpu.memory_space<vmem>>
        %dma_wait3A_653 = arith.constant 0 : i32
        %dma_wait3A_654 = arith.constant 0 : i32
        %dma_wait3A_655 = tpu.memref_slice %arg3[%dma_wait3A_653, %dma_wait3A_654] : memref<10000x128xf32, #tpu.memory_space<hbm>> -> memref<10000x128xf32, #tpu.memory_space<hbm>>
        tpu.wait_indirect_dma semaphore(%arg14 : memref<!tpu.dma_semaphore, #tpu.memory_space<semaphore_mem>>) src(%dma_wait3A_655 : memref<10000x128xf32, #tpu.memory_space<hbm>>) dst(%arg10 : memref<100x128xf32, #tpu.memory_space<vmem>>)
        %add3A_656 = arith.constant 0 : i32
        %add3A_657 = arith.addi %mul3A_648, %add3A_656 : i32
        %dma_start3A_658 = arith.constant 0 : i32
        %dma_start3A_659 = tpu.memref_slice %arg8[%add3A_657, %dma_start3A_658] : memref<40x100xi32, #tpu.memory_space<vmem>> -> memref<1x100xi32, #tpu.memory_space<vmem>>
        %dma_start3A_660 = tpu.memref_squeeze %dma_start3A_659 : memref<1x100xi32, #tpu.memory_space<vmem>> -> memref<100xi32, #tpu.memory_space<vmem>>
        %dma_start3A_661 = arith.constant 0 : i32
        %dma_start3A_662 = arith.constant 0 : i32
        %dma_start3A_663 = tpu.memref_slice %arg12[%dma_start3A_661, %dma_start3A_662] : memref<10000x128xf32, #tpu.memory_space<vmem_shared>> -> memref<10000x128xf32, #tpu.memory_space<vmem_shared>>
        tpu.enqueue_indirect_dma source(%arg10 : memref<100x128xf32, #tpu.memory_space<vmem>>) target(%dma_start3A_663 : memref<10000x128xf32, #tpu.memory_space<vmem_shared>>) offsets(%dma_start3A_660 : memref<100xi32, #tpu.memory_space<vmem>>) semaphore(%arg17 : memref<!tpu.dma_semaphore, #tpu.memory_space<semaphore_mem>>) {add = true}
        %gt3A = arith.constant 0 : i32
        %gt3A_664 = arith.cmpi sgt, %scan3A_647, %gt3A : i32
        %convert_element_type3A_665 = arith.extui %gt3A_664 : i1 to i32
        %cond3A_666 = arith.constant 0 : i32
        %cond3A_667 = arith.cmpi ne, %convert_element_type3A_665, %cond3A_666 : i32
        scf.if %cond3A_667 {
          %dma_wait3A_745 = arith.constant 0 : i32
          %dma_wait3A_746 = arith.constant 0 : i32
          %dma_wait3A_747 = tpu.memref_slice %arg8[%dma_wait3A_745, %dma_wait3A_746] : memref<40x100xi32, #tpu.memory_space<vmem>> -> memref<1x100xi32, #tpu.memory_space<vmem>>
          %dma_wait3A_748 = tpu.memref_squeeze %dma_wait3A_747 : memref<1x100xi32, #tpu.memory_space<vmem>> -> memref<100xi32, #tpu.memory_space<vmem>>
          %dma_wait3A_749 = arith.constant 0 : i32
          %dma_wait3A_750 = arith.constant 0 : i32
          %dma_wait3A_751 = tpu.memref_slice %arg12[%dma_wait3A_749, %dma_wait3A_750] : memref<10000x128xf32, #tpu.memory_space<vmem_shared>> -> memref<10000x128xf32, #tpu.memory_space<vmem_shared>>
          tpu.wait_indirect_dma semaphore(%arg16 : memref<!tpu.dma_semaphore, #tpu.memory_space<semaphore_mem>>) src(%arg9 : memref<100x128xf32, #tpu.memory_space<vmem>>) dst(%dma_wait3A_751 : memref<10000x128xf32, #tpu.memory_space<vmem_shared>>)
        } else {
        }
        %add3A_668 = arith.constant 0 : i32
        %add3A_669 = arith.addi %mul3A_648, %add3A_668 : i32
        %add3A_670 = arith.constant 3 : i32
        %add3A_671 = arith.addi %add3A_669, %add3A_670 : i32
        %sub3A = arith.constant 1 : i32
        %sub3A_672 = arith.subi %add3A_671, %sub3A : i32
        %dma_start3A_673 = arith.constant 0 : i32
        %dma_start3A_674 = tpu.memref_slice %arg7[%sub3A_672, %dma_start3A_673] : memref<40x100xi32, #tpu.memory_space<vmem>> -> memref<1x100xi32, #tpu.memory_space<vmem>>
        %dma_start3A_675 = tpu.memref_squeeze %dma_start3A_674 : memref<1x100xi32, #tpu.memory_space<vmem>> -> memref<100xi32, #tpu.memory_space<vmem>>
        %dma_start3A_676 = arith.constant 0 : i32
        %dma_start3A_677 = arith.constant 0 : i32
        %dma_start3A_678 = tpu.memref_slice %arg3[%dma_start3A_676, %dma_start3A_677] : memref<10000x128xf32, #tpu.memory_space<hbm>> -> memref<10000x128xf32, #tpu.memory_space<hbm>>
        tpu.enqueue_indirect_dma source(%dma_start3A_678 : memref<10000x128xf32, #tpu.memory_space<hbm>>) target(%arg9 : memref<100x128xf32, #tpu.memory_space<vmem>>) offsets(%dma_start3A_675 : memref<100xi32, #tpu.memory_space<vmem>>) semaphore(%arg13 : memref<!tpu.dma_semaphore, #tpu.memory_space<semaphore_mem>>)
        %dma_wait3A_679 = arith.constant 0 : i32
        %dma_wait3A_680 = arith.constant 0 : i32
        %dma_wait3A_681 = tpu.memref_slice %arg7[%dma_wait3A_679, %dma_wait3A_680] : memref<40x100xi32, #tpu.memory_space<vmem>> -> memref<1x100xi32, #tpu.memory_space<vmem>>
        %dma_wait3A_682 = tpu.memref_squeeze %dma_wait3A_681 : memref<1x100xi32, #tpu.memory_space<vmem>> -> memref<100xi32, #tpu.memory_space<vmem>>
        %dma_wait3A_683 = arith.constant 0 : i32
        %dma_wait3A_684 = arith.constant 0 : i32
        %dma_wait3A_685 = tpu.memref_slice %arg3[%dma_wait3A_683, %dma_wait3A_684] : memref<10000x128xf32, #tpu.memory_space<hbm>> -> memref<10000x128xf32, #tpu.memory_space<hbm>>
        tpu.wait_indirect_dma semaphore(%arg15 : memref<!tpu.dma_semaphore, #tpu.memory_space<semaphore_mem>>) src(%dma_wait3A_685 : memref<10000x128xf32, #tpu.memory_space<hbm>>) dst(%arg11 : memref<100x128xf32, #tpu.memory_space<vmem>>)
        %add3A_686 = arith.constant 1 : i32
        %add3A_687 = arith.addi %mul3A_648, %add3A_686 : i32
        %dma_start3A_688 = arith.constant 0 : i32
        %dma_start3A_689 = tpu.memref_slice %arg8[%add3A_687, %dma_start3A_688] : memref<40x100xi32, #tpu.memory_space<vmem>> -> memref<1x100xi32, #tpu.memory_space<vmem>>
        %dma_start3A_690 = tpu.memref_squeeze %dma_start3A_689 : memref<1x100xi32, #tpu.memory_space<vmem>> -> memref<100xi32, #tpu.memory_space<vmem>>
        %dma_start3A_691 = arith.constant 0 : i32
        %dma_start3A_692 = arith.constant 0 : i32
        %dma_start3A_693 = tpu.memref_slice %arg12[%dma_start3A_691, %dma_start3A_692] : memref<10000x128xf32, #tpu.memory_space<vmem_shared>> -> memref<10000x128xf32, #tpu.memory_space<vmem_shared>>
        tpu.enqueue_indirect_dma source(%arg11 : memref<100x128xf32, #tpu.memory_space<vmem>>) target(%dma_start3A_693 : memref<10000x128xf32, #tpu.memory_space<vmem_shared>>) offsets(%dma_start3A_690 : memref<100xi32, #tpu.memory_space<vmem>>) semaphore(%arg18 : memref<!tpu.dma_semaphore, #tpu.memory_space<semaphore_mem>>) {add = true}
        %dma_wait3A_694 = arith.constant 0 : i32
        %dma_wait3A_695 = arith.constant 0 : i32
        %dma_wait3A_696 = tpu.memref_slice %arg8[%dma_wait3A_694, %dma_wait3A_695] : memref<40x100xi32, #tpu.memory_space<vmem>> -> memref<1x100xi32, #tpu.memory_space<vmem>>
        %dma_wait3A_697 = tpu.memref_squeeze %dma_wait3A_696 : memref<1x100xi32, #tpu.memory_space<vmem>> -> memref<100xi32, #tpu.memory_space<vmem>>
        %dma_wait3A_698 = arith.constant 0 : i32
        %dma_wait3A_699 = arith.constant 0 : i32
        %dma_wait3A_700 = tpu.memref_slice %arg12[%dma_wait3A_698, %dma_wait3A_699] : memref<10000x128xf32, #tpu.memory_space<vmem_shared>> -> memref<10000x128xf32, #tpu.memory_space<vmem_shared>>
        tpu.wait_indirect_dma semaphore(%arg17 : memref<!tpu.dma_semaphore, #tpu.memory_space<semaphore_mem>>) src(%arg10 : memref<100x128xf32, #tpu.memory_space<vmem>>) dst(%dma_wait3A_700 : memref<10000x128xf32, #tpu.memory_space<vmem_shared>>)
        %add3A_701 = arith.constant 1 : i32
        %add3A_702 = arith.addi %mul3A_648, %add3A_701 : i32
        %add3A_703 = arith.constant 3 : i32
        %add3A_704 = arith.addi %add3A_702, %add3A_703 : i32
        %sub3A_705 = arith.constant 1 : i32
        %sub3A_706 = arith.subi %add3A_704, %sub3A_705 : i32
        %lt3A_707 = arith.constant 40 : i32
        %lt3A_708 = arith.cmpi slt, %sub3A_706, %lt3A_707 : i32
        %convert_element_type3A_709 = arith.extui %lt3A_708 : i1 to i32
        %cond3A_710 = arith.constant 0 : i32
        %cond3A_711 = arith.cmpi ne, %convert_element_type3A_709, %cond3A_710 : i32
        scf.if %cond3A_711 {
          %add3A_745 = arith.constant 1 : i32
          %add3A_746 = arith.addi %mul3A_648, %add3A_745 : i32
          %add3A_747 = arith.constant 3 : i32
          %add3A_748 = arith.addi %add3A_746, %add3A_747 : i32
          %sub3A_749 = arith.constant 1 : i32
          %sub3A_750 = arith.subi %add3A_748, %sub3A_749 : i32
          %dma_start3A_751 = arith.constant 0 : i32
          %dma_start3A_752 = tpu.memref_slice %arg7[%sub3A_750, %dma_start3A_751] : memref<40x100xi32, #tpu.memory_space<vmem>> -> memref<1x100xi32, #tpu.memory_space<vmem>>
          %dma_start3A_753 = tpu.memref_squeeze %dma_start3A_752 : memref<1x100xi32, #tpu.memory_space<vmem>> -> memref<100xi32, #tpu.memory_space<vmem>>
          %dma_start3A_754 = arith.constant 0 : i32
          %dma_start3A_755 = arith.constant 0 : i32
          %dma_start3A_756 = tpu.memref_slice %arg3[%dma_start3A_754, %dma_start3A_755] : memref<10000x128xf32, #tpu.memory_space<hbm>> -> memref<10000x128xf32, #tpu.memory_space<hbm>>
          tpu.enqueue_indirect_dma source(%dma_start3A_756 : memref<10000x128xf32, #tpu.memory_space<hbm>>) target(%arg10 : memref<100x128xf32, #tpu.memory_space<vmem>>) offsets(%dma_start3A_753 : memref<100xi32, #tpu.memory_space<vmem>>) semaphore(%arg14 : memref<!tpu.dma_semaphore, #tpu.memory_space<semaphore_mem>>)
        } else {
        }
        %dma_wait3A_712 = arith.constant 0 : i32
        %dma_wait3A_713 = arith.constant 0 : i32
        %dma_wait3A_714 = tpu.memref_slice %arg7[%dma_wait3A_712, %dma_wait3A_713] : memref<40x100xi32, #tpu.memory_space<vmem>> -> memref<1x100xi32, #tpu.memory_space<vmem>>
        %dma_wait3A_715 = tpu.memref_squeeze %dma_wait3A_714 : memref<1x100xi32, #tpu.memory_space<vmem>> -> memref<100xi32, #tpu.memory_space<vmem>>
        %dma_wait3A_716 = arith.constant 0 : i32
        %dma_wait3A_717 = arith.constant 0 : i32
        %dma_wait3A_718 = tpu.memref_slice %arg3[%dma_wait3A_716, %dma_wait3A_717] : memref<10000x128xf32, #tpu.memory_space<hbm>> -> memref<10000x128xf32, #tpu.memory_space<hbm>>
        tpu.wait_indirect_dma semaphore(%arg13 : memref<!tpu.dma_semaphore, #tpu.memory_space<semaphore_mem>>) src(%dma_wait3A_718 : memref<10000x128xf32, #tpu.memory_space<hbm>>) dst(%arg9 : memref<100x128xf32, #tpu.memory_space<vmem>>)
        %add3A_719 = arith.constant 2 : i32
        %add3A_720 = arith.addi %mul3A_648, %add3A_719 : i32
        %dma_start3A_721 = arith.constant 0 : i32
        %dma_start3A_722 = tpu.memref_slice %arg8[%add3A_720, %dma_start3A_721] : memref<40x100xi32, #tpu.memory_space<vmem>> -> memref<1x100xi32, #tpu.memory_space<vmem>>
        %dma_start3A_723 = tpu.memref_squeeze %dma_start3A_722 : memref<1x100xi32, #tpu.memory_space<vmem>> -> memref<100xi32, #tpu.memory_space<vmem>>
        %dma_start3A_724 = arith.constant 0 : i32
        %dma_start3A_725 = arith.constant 0 : i32
        %dma_start3A_726 = tpu.memref_slice %arg12[%dma_start3A_724, %dma_start3A_725] : memref<10000x128xf32, #tpu.memory_space<vmem_shared>> -> memref<10000x128xf32, #tpu.memory_space<vmem_shared>>
        tpu.enqueue_indirect_dma source(%arg9 : memref<100x128xf32, #tpu.memory_space<vmem>>) target(%dma_start3A_726 : memref<10000x128xf32, #tpu.memory_space<vmem_shared>>) offsets(%dma_start3A_723 : memref<100xi32, #tpu.memory_space<vmem>>) semaphore(%arg16 : memref<!tpu.dma_semaphore, #tpu.memory_space<semaphore_mem>>) {add = true}
        %dma_wait3A_727 = arith.constant 0 : i32
        %dma_wait3A_728 = arith.constant 0 : i32
        %dma_wait3A_729 = tpu.memref_slice %arg8[%dma_wait3A_727, %dma_wait3A_728] : memref<40x100xi32, #tpu.memory_space<vmem>> -> memref<1x100xi32, #tpu.memory_space<vmem>>
        %dma_wait3A_730 = tpu.memref_squeeze %dma_wait3A_729 : memref<1x100xi32, #tpu.memory_space<vmem>> -> memref<100xi32, #tpu.memory_space<vmem>>
        %dma_wait3A_731 = arith.constant 0 : i32
        %dma_wait3A_732 = arith.constant 0 : i32
        %dma_wait3A_733 = tpu.memref_slice %arg12[%dma_wait3A_731, %dma_wait3A_732] : memref<10000x128xf32, #tpu.memory_space<vmem_shared>> -> memref<10000x128xf32, #tpu.memory_space<vmem_shared>>
        tpu.wait_indirect_dma semaphore(%arg18 : memref<!tpu.dma_semaphore, #tpu.memory_space<semaphore_mem>>) src(%arg11 : memref<100x128xf32, #tpu.memory_space<vmem>>) dst(%dma_wait3A_733 : memref<10000x128xf32, #tpu.memory_space<vmem_shared>>)
        %add3A_734 = arith.constant 2 : i32
        %add3A_735 = arith.addi %mul3A_648, %add3A_734 : i32
        %add3A_736 = arith.constant 3 : i32
        %add3A_737 = arith.addi %add3A_735, %add3A_736 : i32
        %sub3A_738 = arith.constant 1 : i32
        %sub3A_739 = arith.subi %add3A_737, %sub3A_738 : i32
        %lt3A_740 = arith.constant 40 : i32
        %lt3A_741 = arith.cmpi slt, %sub3A_739, %lt3A_740 : i32
        %convert_element_type3A_742 = arith.extui %lt3A_741 : i1 to i32
        %cond3A_743 = arith.constant 0 : i32
        %cond3A_744 = arith.cmpi ne, %convert_element_type3A_742, %cond3A_743 : i32
        scf.if %cond3A_744 {
          %add3A_745 = arith.constant 2 : i32
          %add3A_746 = arith.addi %mul3A_648, %add3A_745 : i32
          %add3A_747 = arith.constant 3 : i32
          %add3A_748 = arith.addi %add3A_746, %add3A_747 : i32
          %sub3A_749 = arith.constant 1 : i32
          %sub3A_750 = arith.subi %add3A_748, %sub3A_749 : i32
          %dma_start3A_751 = arith.constant 0 : i32
          %dma_start3A_752 = tpu.memref_slice %arg7[%sub3A_750, %dma_start3A_751] : memref<40x100xi32, #tpu.memory_space<vmem>> -> memref<1x100xi32, #tpu.memory_space<vmem>>
          %dma_start3A_753 = tpu.memref_squeeze %dma_start3A_752 : memref<1x100xi32, #tpu.memory_space<vmem>> -> memref<100xi32, #tpu.memory_space<vmem>>
          %dma_start3A_754 = arith.constant 0 : i32
          %dma_start3A_755 = arith.constant 0 : i32
          %dma_start3A_756 = tpu.memref_slice %arg3[%dma_start3A_754, %dma_start3A_755] : memref<10000x128xf32, #tpu.memory_space<hbm>> -> memref<10000x128xf32, #tpu.memory_space<hbm>>
          tpu.enqueue_indirect_dma source(%dma_start3A_756 : memref<10000x128xf32, #tpu.memory_space<hbm>>) target(%arg11 : memref<100x128xf32, #tpu.memory_space<vmem>>) offsets(%dma_start3A_753 : memref<100xi32, #tpu.memory_space<vmem>>) semaphore(%arg15 : memref<!tpu.dma_semaphore, #tpu.memory_space<semaphore_mem>>)
        } else {
        }
      }
      %scan3A_253 = arith.constant 13 : i32
      %dma_wait3A_254 = arith.constant 0 : i32
      %dma_wait3A_255 = arith.constant 0 : i32
      %dma_wait3A_256 = tpu.memref_slice %arg7[%dma_wait3A_254, %dma_wait3A_255] : memref<40x100xi32, #tpu.memory_space<vmem>> -> memref<1x100xi32, #tpu.memory_space<vmem>>
      %dma_wait3A_257 = tpu.memref_squeeze %dma_wait3A_256 : memref<1x100xi32, #tpu.memory_space<vmem>> -> memref<100xi32, #tpu.memory_space<vmem>>
      %dma_wait3A_258 = arith.constant 0 : i32
      %dma_wait3A_259 = arith.constant 0 : i32
      %dma_wait3A_260 = tpu.memref_slice %arg3[%dma_wait3A_258, %dma_wait3A_259] : memref<10000x128xf32, #tpu.memory_space<hbm>> -> memref<10000x128xf32, #tpu.memory_space<hbm>>
      tpu.wait_indirect_dma semaphore(%arg14 : memref<!tpu.dma_semaphore, #tpu.memory_space<semaphore_mem>>) src(%dma_wait3A_260 : memref<10000x128xf32, #tpu.memory_space<hbm>>) dst(%arg10 : memref<100x128xf32, #tpu.memory_space<vmem>>)
      %dma_start3A_261 = arith.constant 39 : i32
      %dma_start3A_262 = arith.constant 0 : i32
      %dma_start3A_263 = tpu.memref_slice %arg8[%dma_start3A_261, %dma_start3A_262] : memref<40x100xi32, #tpu.memory_space<vmem>> -> memref<1x100xi32, #tpu.memory_space<vmem>>
      %dma_start3A_264 = tpu.memref_squeeze %dma_start3A_263 : memref<1x100xi32, #tpu.memory_space<vmem>> -> memref<100xi32, #tpu.memory_space<vmem>>
      %dma_start3A_265 = arith.constant 0 : i32
      %dma_start3A_266 = arith.constant 0 : i32
      %dma_start3A_267 = tpu.memref_slice %arg12[%dma_start3A_265, %dma_start3A_266] : memref<10000x128xf32, #tpu.memory_space<vmem_shared>> -> memref<10000x128xf32, #tpu.memory_space<vmem_shared>>
      tpu.enqueue_indirect_dma source(%arg10 : memref<100x128xf32, #tpu.memory_space<vmem>>) target(%dma_start3A_267 : memref<10000x128xf32, #tpu.memory_space<vmem_shared>>) offsets(%dma_start3A_264 : memref<100xi32, #tpu.memory_space<vmem>>) semaphore(%arg17 : memref<!tpu.dma_semaphore, #tpu.memory_space<semaphore_mem>>) {add = true}
      %dma_wait3A_268 = arith.constant 0 : i32
      %dma_wait3A_269 = arith.constant 0 : i32
      %dma_wait3A_270 = tpu.memref_slice %arg8[%dma_wait3A_268, %dma_wait3A_269] : memref<40x100xi32, #tpu.memory_space<vmem>> -> memref<1x100xi32, #tpu.memory_space<vmem>>
      %dma_wait3A_271 = tpu.memref_squeeze %dma_wait3A_270 : memref<1x100xi32, #tpu.memory_space<vmem>> -> memref<100xi32, #tpu.memory_space<vmem>>
      %dma_wait3A_272 = arith.constant 0 : i32
      %dma_wait3A_273 = arith.constant 0 : i32
      %dma_wait3A_274 = tpu.memref_slice %arg12[%dma_wait3A_272, %dma_wait3A_273] : memref<10000x128xf32, #tpu.memory_space<vmem_shared>> -> memref<10000x128xf32, #tpu.memory_space<vmem_shared>>
      tpu.wait_indirect_dma semaphore(%arg16 : memref<!tpu.dma_semaphore, #tpu.memory_space<semaphore_mem>>) src(%arg9 : memref<100x128xf32, #tpu.memory_space<vmem>>) dst(%dma_wait3A_274 : memref<10000x128xf32, #tpu.memory_space<vmem_shared>>)
      %dma_wait3A_275 = arith.constant 0 : i32
      %dma_wait3A_276 = arith.constant 0 : i32
      %dma_wait3A_277 = tpu.memref_slice %arg8[%dma_wait3A_275, %dma_wait3A_276] : memref<40x100xi32, #tpu.memory_space<vmem>> -> memref<1x100xi32, #tpu.memory_space<vmem>>
      %dma_wait3A_278 = tpu.memref_squeeze %dma_wait3A_277 : memref<1x100xi32, #tpu.memory_space<vmem>> -> memref<100xi32, #tpu.memory_space<vmem>>
      %dma_wait3A_279 = arith.constant 0 : i32
      %dma_wait3A_280 = arith.constant 0 : i32
      %dma_wait3A_281 = tpu.memref_slice %arg12[%dma_wait3A_279, %dma_wait3A_280] : memref<10000x128xf32, #tpu.memory_space<vmem_shared>> -> memref<10000x128xf32, #tpu.memory_space<vmem_shared>>
      tpu.wait_indirect_dma semaphore(%arg17 : memref<!tpu.dma_semaphore, #tpu.memory_space<semaphore_mem>>) src(%arg10 : memref<100x128xf32, #tpu.memory_space<vmem>>) dst(%dma_wait3A_281 : memref<10000x128xf32, #tpu.memory_space<vmem_shared>>)
      %dma_start3A_282 = arith.constant 0 : i32
      %dma_start3A_283 = arith.constant 80 : i32
      %dma_start3A_284 = arith.constant 0 : i32
      %dma_start3A_285 = tpu.memref_slice %arg4[%dma_start3A_282, %arg1, %dma_start3A_283, %dma_start3A_284] : memref<2x16x200x100xi32, #tpu.memory_space<hbm>> -> memref<1x1x40x100xi32, #tpu.memory_space<hbm>>
      %dma_start3A_286 = tpu.memref_squeeze %dma_start3A_285 : memref<1x1x40x100xi32, #tpu.memory_space<hbm>> -> memref<40x100xi32, #tpu.memory_space<hbm>>
      %dma_start3A_287 = arith.constant 80 : i32
      %dma_start3A_288 = arith.constant 0 : i32
      %dma_start3A_289 = tpu.memref_slice %arg4[%dma_start3A_282, %arg1, %dma_start3A_287, %dma_start3A_288] : memref<2x16x200x100xi32, #tpu.memory_space<hbm>> -> memref<1x1x40x100xi32, #tpu.memory_space<hbm>>
      %dma_start3A_290 = tpu.memref_squeeze %dma_start3A_289 : memref<1x1x40x100xi32, #tpu.memory_space<hbm>> -> memref<40x100xi32, #tpu.memory_space<hbm>>
      tpu.enqueue_dma source(%dma_start3A_290 : memref<40x100xi32, #tpu.memory_space<hbm>>) target(%arg7 : memref<40x100xi32, #tpu.memory_space<vmem>>) target_semaphore(%arg13 : memref<!tpu.dma_semaphore, #tpu.memory_space<semaphore_mem>>)
      %dma_start3A_291 = arith.constant 1 : i32
      %dma_start3A_292 = arith.constant 80 : i32
      %dma_start3A_293 = arith.constant 0 : i32
      %dma_start3A_294 = tpu.memref_slice %arg4[%dma_start3A_291, %arg1, %dma_start3A_292, %dma_start3A_293] : memref<2x16x200x100xi32, #tpu.memory_space<hbm>> -> memref<1x1x40x100xi32, #tpu.memory_space<hbm>>
      %dma_start3A_295 = tpu.memref_squeeze %dma_start3A_294 : memref<1x1x40x100xi32, #tpu.memory_space<hbm>> -> memref<40x100xi32, #tpu.memory_space<hbm>>
      %dma_start3A_296 = arith.constant 80 : i32
      %dma_start3A_297 = arith.constant 0 : i32
      %dma_start3A_298 = tpu.memref_slice %arg4[%dma_start3A_291, %arg1, %dma_start3A_296, %dma_start3A_297] : memref<2x16x200x100xi32, #tpu.memory_space<hbm>> -> memref<1x1x40x100xi32, #tpu.memory_space<hbm>>
      %dma_start3A_299 = tpu.memref_squeeze %dma_start3A_298 : memref<1x1x40x100xi32, #tpu.memory_space<hbm>> -> memref<40x100xi32, #tpu.memory_space<hbm>>
      tpu.enqueue_dma source(%dma_start3A_299 : memref<40x100xi32, #tpu.memory_space<hbm>>) target(%arg8 : memref<40x100xi32, #tpu.memory_space<vmem>>) target_semaphore(%arg14 : memref<!tpu.dma_semaphore, #tpu.memory_space<semaphore_mem>>)
      %dma_wait3A_300 = arith.constant 0 : i32
      %dma_wait3A_301 = arith.constant 80 : i32
      %dma_wait3A_302 = arith.constant 0 : i32
      %dma_wait3A_303 = tpu.memref_slice %arg4[%dma_wait3A_300, %arg1, %dma_wait3A_301, %dma_wait3A_302] : memref<2x16x200x100xi32, #tpu.memory_space<hbm>> -> memref<1x1x40x100xi32, #tpu.memory_space<hbm>>
      %dma_wait3A_304 = tpu.memref_squeeze %dma_wait3A_303 : memref<1x1x40x100xi32, #tpu.memory_space<hbm>> -> memref<40x100xi32, #tpu.memory_space<hbm>>
      %dma_wait3A_305 = arith.constant 80 : i32
      %dma_wait3A_306 = arith.constant 0 : i32
      %dma_wait3A_307 = tpu.memref_slice %arg4[%dma_wait3A_300, %arg1, %dma_wait3A_305, %dma_wait3A_306] : memref<2x16x200x100xi32, #tpu.memory_space<hbm>> -> memref<1x1x40x100xi32, #tpu.memory_space<hbm>>
      %dma_wait3A_308 = tpu.memref_squeeze %dma_wait3A_307 : memref<1x1x40x100xi32, #tpu.memory_space<hbm>> -> memref<40x100xi32, #tpu.memory_space<hbm>>
      tpu.wait_dma2 semaphore(%arg13 : memref<!tpu.dma_semaphore, #tpu.memory_space<semaphore_mem>>) src(%dma_wait3A_308 : memref<40x100xi32, #tpu.memory_space<hbm>>) dst(%arg7 : memref<40x100xi32, #tpu.memory_space<vmem>>)
      %dma_wait3A_309 = arith.constant 1 : i32
      %dma_wait3A_310 = arith.constant 80 : i32
      %dma_wait3A_311 = arith.constant 0 : i32
      %dma_wait3A_312 = tpu.memref_slice %arg4[%dma_wait3A_309, %arg1, %dma_wait3A_310, %dma_wait3A_311] : memref<2x16x200x100xi32, #tpu.memory_space<hbm>> -> memref<1x1x40x100xi32, #tpu.memory_space<hbm>>
      %dma_wait3A_313 = tpu.memref_squeeze %dma_wait3A_312 : memref<1x1x40x100xi32, #tpu.memory_space<hbm>> -> memref<40x100xi32, #tpu.memory_space<hbm>>
      %dma_wait3A_314 = arith.constant 80 : i32
      %dma_wait3A_315 = arith.constant 0 : i32
      %dma_wait3A_316 = tpu.memref_slice %arg4[%dma_wait3A_309, %arg1, %dma_wait3A_314, %dma_wait3A_315] : memref<2x16x200x100xi32, #tpu.memory_space<hbm>> -> memref<1x1x40x100xi32, #tpu.memory_space<hbm>>
      %dma_wait3A_317 = tpu.memref_squeeze %dma_wait3A_316 : memref<1x1x40x100xi32, #tpu.memory_space<hbm>> -> memref<40x100xi32, #tpu.memory_space<hbm>>
      tpu.wait_dma2 semaphore(%arg14 : memref<!tpu.dma_semaphore, #tpu.memory_space<semaphore_mem>>) src(%dma_wait3A_317 : memref<40x100xi32, #tpu.memory_space<hbm>>) dst(%arg8 : memref<40x100xi32, #tpu.memory_space<vmem>>)
      %dma_start3A_318 = arith.constant 0 : i32
      %dma_start3A_319 = arith.constant 0 : i32
      %dma_start3A_320 = tpu.memref_slice %arg7[%dma_start3A_318, %dma_start3A_319] : memref<40x100xi32, #tpu.memory_space<vmem>> -> memref<1x100xi32, #tpu.memory_space<vmem>>
      %dma_start3A_321 = tpu.memref_squeeze %dma_start3A_320 : memref<1x100xi32, #tpu.memory_space<vmem>> -> memref<100xi32, #tpu.memory_space<vmem>>
      %dma_start3A_322 = arith.constant 0 : i32
      %dma_start3A_323 = arith.constant 0 : i32
      %dma_start3A_324 = tpu.memref_slice %arg3[%dma_start3A_322, %dma_start3A_323] : memref<10000x128xf32, #tpu.memory_space<hbm>> -> memref<10000x128xf32, #tpu.memory_space<hbm>>
      tpu.enqueue_indirect_dma source(%dma_start3A_324 : memref<10000x128xf32, #tpu.memory_space<hbm>>) target(%arg11 : memref<100x128xf32, #tpu.memory_space<vmem>>) offsets(%dma_start3A_321 : memref<100xi32, #tpu.memory_space<vmem>>) semaphore(%arg15 : memref<!tpu.dma_semaphore, #tpu.memory_space<semaphore_mem>>)
      %dma_start3A_325 = arith.constant 1 : i32
      %dma_start3A_326 = arith.constant 0 : i32
      %dma_start3A_327 = tpu.memref_slice %arg7[%dma_start3A_325, %dma_start3A_326] : memref<40x100xi32, #tpu.memory_space<vmem>> -> memref<1x100xi32, #tpu.memory_space<vmem>>
      %dma_start3A_328 = tpu.memref_squeeze %dma_start3A_327 : memref<1x100xi32, #tpu.memory_space<vmem>> -> memref<100xi32, #tpu.memory_space<vmem>>
      %dma_start3A_329 = arith.constant 0 : i32
      %dma_start3A_330 = arith.constant 0 : i32
      %dma_start3A_331 = tpu.memref_slice %arg3[%dma_start3A_329, %dma_start3A_330] : memref<10000x128xf32, #tpu.memory_space<hbm>> -> memref<10000x128xf32, #tpu.memory_space<hbm>>
      tpu.enqueue_indirect_dma source(%dma_start3A_331 : memref<10000x128xf32, #tpu.memory_space<hbm>>) target(%arg9 : memref<100x128xf32, #tpu.memory_space<vmem>>) offsets(%dma_start3A_328 : memref<100xi32, #tpu.memory_space<vmem>>) semaphore(%arg13 : memref<!tpu.dma_semaphore, #tpu.memory_space<semaphore_mem>>)
      %scan3A_332 = arith.constant 0 : i32
      %scan3A_333 = arith.constant 0 : i32
      %scan3A_334 = arith.constant 13 : i32
      %scan3A_335 = arith.addi %scan3A_333, %scan3A_334 : i32
      %scan3A_336 = arith.constant 1 : i32
      scf.for %scan3A_647 = %scan3A_333 to %scan3A_335 step %scan3A_336  : i32 {
        %mul3A = arith.constant 3 : i32
        %mul3A_648 = arith.muli %scan3A_647, %mul3A : i32
        %dma_wait3A_649 = arith.constant 0 : i32
        %dma_wait3A_650 = arith.constant 0 : i32
        %dma_wait3A_651 = tpu.memref_slice %arg7[%dma_wait3A_649, %dma_wait3A_650] : memref<40x100xi32, #tpu.memory_space<vmem>> -> memref<1x100xi32, #tpu.memory_space<vmem>>
        %dma_wait3A_652 = tpu.memref_squeeze %dma_wait3A_651 : memref<1x100xi32, #tpu.memory_space<vmem>> -> memref<100xi32, #tpu.memory_space<vmem>>
        %dma_wait3A_653 = arith.constant 0 : i32
        %dma_wait3A_654 = arith.constant 0 : i32
        %dma_wait3A_655 = tpu.memref_slice %arg3[%dma_wait3A_653, %dma_wait3A_654] : memref<10000x128xf32, #tpu.memory_space<hbm>> -> memref<10000x128xf32, #tpu.memory_space<hbm>>
        tpu.wait_indirect_dma semaphore(%arg15 : memref<!tpu.dma_semaphore, #tpu.memory_space<semaphore_mem>>) src(%dma_wait3A_655 : memref<10000x128xf32, #tpu.memory_space<hbm>>) dst(%arg11 : memref<100x128xf32, #tpu.memory_space<vmem>>)
        %add3A_656 = arith.constant 0 : i32
        %add3A_657 = arith.addi %mul3A_648, %add3A_656 : i32
        %dma_start3A_658 = arith.constant 0 : i32
        %dma_start3A_659 = tpu.memref_slice %arg8[%add3A_657, %dma_start3A_658] : memref<40x100xi32, #tpu.memory_space<vmem>> -> memref<1x100xi32, #tpu.memory_space<vmem>>
        %dma_start3A_660 = tpu.memref_squeeze %dma_start3A_659 : memref<1x100xi32, #tpu.memory_space<vmem>> -> memref<100xi32, #tpu.memory_space<vmem>>
        %dma_start3A_661 = arith.constant 0 : i32
        %dma_start3A_662 = arith.constant 0 : i32
        %dma_start3A_663 = tpu.memref_slice %arg12[%dma_start3A_661, %dma_start3A_662] : memref<10000x128xf32, #tpu.memory_space<vmem_shared>> -> memref<10000x128xf32, #tpu.memory_space<vmem_shared>>
        tpu.enqueue_indirect_dma source(%arg11 : memref<100x128xf32, #tpu.memory_space<vmem>>) target(%dma_start3A_663 : memref<10000x128xf32, #tpu.memory_space<vmem_shared>>) offsets(%dma_start3A_660 : memref<100xi32, #tpu.memory_space<vmem>>) semaphore(%arg18 : memref<!tpu.dma_semaphore, #tpu.memory_space<semaphore_mem>>) {add = true}
        %gt3A = arith.constant 0 : i32
        %gt3A_664 = arith.cmpi sgt, %scan3A_647, %gt3A : i32
        %convert_element_type3A_665 = arith.extui %gt3A_664 : i1 to i32
        %cond3A_666 = arith.constant 0 : i32
        %cond3A_667 = arith.cmpi ne, %convert_element_type3A_665, %cond3A_666 : i32
        scf.if %cond3A_667 {
          %dma_wait3A_745 = arith.constant 0 : i32
          %dma_wait3A_746 = arith.constant 0 : i32
          %dma_wait3A_747 = tpu.memref_slice %arg8[%dma_wait3A_745, %dma_wait3A_746] : memref<40x100xi32, #tpu.memory_space<vmem>> -> memref<1x100xi32, #tpu.memory_space<vmem>>
          %dma_wait3A_748 = tpu.memref_squeeze %dma_wait3A_747 : memref<1x100xi32, #tpu.memory_space<vmem>> -> memref<100xi32, #tpu.memory_space<vmem>>
          %dma_wait3A_749 = arith.constant 0 : i32
          %dma_wait3A_750 = arith.constant 0 : i32
          %dma_wait3A_751 = tpu.memref_slice %arg12[%dma_wait3A_749, %dma_wait3A_750] : memref<10000x128xf32, #tpu.memory_space<vmem_shared>> -> memref<10000x128xf32, #tpu.memory_space<vmem_shared>>
          tpu.wait_indirect_dma semaphore(%arg17 : memref<!tpu.dma_semaphore, #tpu.memory_space<semaphore_mem>>) src(%arg10 : memref<100x128xf32, #tpu.memory_space<vmem>>) dst(%dma_wait3A_751 : memref<10000x128xf32, #tpu.memory_space<vmem_shared>>)
        } else {
        }
        %add3A_668 = arith.constant 0 : i32
        %add3A_669 = arith.addi %mul3A_648, %add3A_668 : i32
        %add3A_670 = arith.constant 3 : i32
        %add3A_671 = arith.addi %add3A_669, %add3A_670 : i32
        %sub3A = arith.constant 1 : i32
        %sub3A_672 = arith.subi %add3A_671, %sub3A : i32
        %dma_start3A_673 = arith.constant 0 : i32
        %dma_start3A_674 = tpu.memref_slice %arg7[%sub3A_672, %dma_start3A_673] : memref<40x100xi32, #tpu.memory_space<vmem>> -> memref<1x100xi32, #tpu.memory_space<vmem>>
        %dma_start3A_675 = tpu.memref_squeeze %dma_start3A_674 : memref<1x100xi32, #tpu.memory_space<vmem>> -> memref<100xi32, #tpu.memory_space<vmem>>
        %dma_start3A_676 = arith.constant 0 : i32
        %dma_start3A_677 = arith.constant 0 : i32
        %dma_start3A_678 = tpu.memref_slice %arg3[%dma_start3A_676, %dma_start3A_677] : memref<10000x128xf32, #tpu.memory_space<hbm>> -> memref<10000x128xf32, #tpu.memory_space<hbm>>
        tpu.enqueue_indirect_dma source(%dma_start3A_678 : memref<10000x128xf32, #tpu.memory_space<hbm>>) target(%arg10 : memref<100x128xf32, #tpu.memory_space<vmem>>) offsets(%dma_start3A_675 : memref<100xi32, #tpu.memory_space<vmem>>) semaphore(%arg14 : memref<!tpu.dma_semaphore, #tpu.memory_space<semaphore_mem>>)
        %dma_wait3A_679 = arith.constant 0 : i32
        %dma_wait3A_680 = arith.constant 0 : i32
        %dma_wait3A_681 = tpu.memref_slice %arg7[%dma_wait3A_679, %dma_wait3A_680] : memref<40x100xi32, #tpu.memory_space<vmem>> -> memref<1x100xi32, #tpu.memory_space<vmem>>
        %dma_wait3A_682 = tpu.memref_squeeze %dma_wait3A_681 : memref<1x100xi32, #tpu.memory_space<vmem>> -> memref<100xi32, #tpu.memory_space<vmem>>
        %dma_wait3A_683 = arith.constant 0 : i32
        %dma_wait3A_684 = arith.constant 0 : i32
        %dma_wait3A_685 = tpu.memref_slice %arg3[%dma_wait3A_683, %dma_wait3A_684] : memref<10000x128xf32, #tpu.memory_space<hbm>> -> memref<10000x128xf32, #tpu.memory_space<hbm>>
        tpu.wait_indirect_dma semaphore(%arg13 : memref<!tpu.dma_semaphore, #tpu.memory_space<semaphore_mem>>) src(%dma_wait3A_685 : memref<10000x128xf32, #tpu.memory_space<hbm>>) dst(%arg9 : memref<100x128xf32, #tpu.memory_space<vmem>>)
        %add3A_686 = arith.constant 1 : i32
        %add3A_687 = arith.addi %mul3A_648, %add3A_686 : i32
        %dma_start3A_688 = arith.constant 0 : i32
        %dma_start3A_689 = tpu.memref_slice %arg8[%add3A_687, %dma_start3A_688] : memref<40x100xi32, #tpu.memory_space<vmem>> -> memref<1x100xi32, #tpu.memory_space<vmem>>
        %dma_start3A_690 = tpu.memref_squeeze %dma_start3A_689 : memref<1x100xi32, #tpu.memory_space<vmem>> -> memref<100xi32, #tpu.memory_space<vmem>>
        %dma_start3A_691 = arith.constant 0 : i32
        %dma_start3A_692 = arith.constant 0 : i32
        %dma_start3A_693 = tpu.memref_slice %arg12[%dma_start3A_691, %dma_start3A_692] : memref<10000x128xf32, #tpu.memory_space<vmem_shared>> -> memref<10000x128xf32, #tpu.memory_space<vmem_shared>>
        tpu.enqueue_indirect_dma source(%arg9 : memref<100x128xf32, #tpu.memory_space<vmem>>) target(%dma_start3A_693 : memref<10000x128xf32, #tpu.memory_space<vmem_shared>>) offsets(%dma_start3A_690 : memref<100xi32, #tpu.memory_space<vmem>>) semaphore(%arg16 : memref<!tpu.dma_semaphore, #tpu.memory_space<semaphore_mem>>) {add = true}
        %dma_wait3A_694 = arith.constant 0 : i32
        %dma_wait3A_695 = arith.constant 0 : i32
        %dma_wait3A_696 = tpu.memref_slice %arg8[%dma_wait3A_694, %dma_wait3A_695] : memref<40x100xi32, #tpu.memory_space<vmem>> -> memref<1x100xi32, #tpu.memory_space<vmem>>
        %dma_wait3A_697 = tpu.memref_squeeze %dma_wait3A_696 : memref<1x100xi32, #tpu.memory_space<vmem>> -> memref<100xi32, #tpu.memory_space<vmem>>
        %dma_wait3A_698 = arith.constant 0 : i32
        %dma_wait3A_699 = arith.constant 0 : i32
        %dma_wait3A_700 = tpu.memref_slice %arg12[%dma_wait3A_698, %dma_wait3A_699] : memref<10000x128xf32, #tpu.memory_space<vmem_shared>> -> memref<10000x128xf32, #tpu.memory_space<vmem_shared>>
        tpu.wait_indirect_dma semaphore(%arg18 : memref<!tpu.dma_semaphore, #tpu.memory_space<semaphore_mem>>) src(%arg11 : memref<100x128xf32, #tpu.memory_space<vmem>>) dst(%dma_wait3A_700 : memref<10000x128xf32, #tpu.memory_space<vmem_shared>>)
        %add3A_701 = arith.constant 1 : i32
        %add3A_702 = arith.addi %mul3A_648, %add3A_701 : i32
        %add3A_703 = arith.constant 3 : i32
        %add3A_704 = arith.addi %add3A_702, %add3A_703 : i32
        %sub3A_705 = arith.constant 1 : i32
        %sub3A_706 = arith.subi %add3A_704, %sub3A_705 : i32
        %lt3A_707 = arith.constant 40 : i32
        %lt3A_708 = arith.cmpi slt, %sub3A_706, %lt3A_707 : i32
        %convert_element_type3A_709 = arith.extui %lt3A_708 : i1 to i32
        %cond3A_710 = arith.constant 0 : i32
        %cond3A_711 = arith.cmpi ne, %convert_element_type3A_709, %cond3A_710 : i32
        scf.if %cond3A_711 {
          %add3A_745 = arith.constant 1 : i32
          %add3A_746 = arith.addi %mul3A_648, %add3A_745 : i32
          %add3A_747 = arith.constant 3 : i32
          %add3A_748 = arith.addi %add3A_746, %add3A_747 : i32
          %sub3A_749 = arith.constant 1 : i32
          %sub3A_750 = arith.subi %add3A_748, %sub3A_749 : i32
          %dma_start3A_751 = arith.constant 0 : i32
          %dma_start3A_752 = tpu.memref_slice %arg7[%sub3A_750, %dma_start3A_751] : memref<40x100xi32, #tpu.memory_space<vmem>> -> memref<1x100xi32, #tpu.memory_space<vmem>>
          %dma_start3A_753 = tpu.memref_squeeze %dma_start3A_752 : memref<1x100xi32, #tpu.memory_space<vmem>> -> memref<100xi32, #tpu.memory_space<vmem>>
          %dma_start3A_754 = arith.constant 0 : i32
          %dma_start3A_755 = arith.constant 0 : i32
          %dma_start3A_756 = tpu.memref_slice %arg3[%dma_start3A_754, %dma_start3A_755] : memref<10000x128xf32, #tpu.memory_space<hbm>> -> memref<10000x128xf32, #tpu.memory_space<hbm>>
          tpu.enqueue_indirect_dma source(%dma_start3A_756 : memref<10000x128xf32, #tpu.memory_space<hbm>>) target(%arg11 : memref<100x128xf32, #tpu.memory_space<vmem>>) offsets(%dma_start3A_753 : memref<100xi32, #tpu.memory_space<vmem>>) semaphore(%arg15 : memref<!tpu.dma_semaphore, #tpu.memory_space<semaphore_mem>>)
        } else {
        }
        %dma_wait3A_712 = arith.constant 0 : i32
        %dma_wait3A_713 = arith.constant 0 : i32
        %dma_wait3A_714 = tpu.memref_slice %arg7[%dma_wait3A_712, %dma_wait3A_713] : memref<40x100xi32, #tpu.memory_space<vmem>> -> memref<1x100xi32, #tpu.memory_space<vmem>>
        %dma_wait3A_715 = tpu.memref_squeeze %dma_wait3A_714 : memref<1x100xi32, #tpu.memory_space<vmem>> -> memref<100xi32, #tpu.memory_space<vmem>>
        %dma_wait3A_716 = arith.constant 0 : i32
        %dma_wait3A_717 = arith.constant 0 : i32
        %dma_wait3A_718 = tpu.memref_slice %arg3[%dma_wait3A_716, %dma_wait3A_717] : memref<10000x128xf32, #tpu.memory_space<hbm>> -> memref<10000x128xf32, #tpu.memory_space<hbm>>
        tpu.wait_indirect_dma semaphore(%arg14 : memref<!tpu.dma_semaphore, #tpu.memory_space<semaphore_mem>>) src(%dma_wait3A_718 : memref<10000x128xf32, #tpu.memory_space<hbm>>) dst(%arg10 : memref<100x128xf32, #tpu.memory_space<vmem>>)
        %add3A_719 = arith.constant 2 : i32
        %add3A_720 = arith.addi %mul3A_648, %add3A_719 : i32
        %dma_start3A_721 = arith.constant 0 : i32
        %dma_start3A_722 = tpu.memref_slice %arg8[%add3A_720, %dma_start3A_721] : memref<40x100xi32, #tpu.memory_space<vmem>> -> memref<1x100xi32, #tpu.memory_space<vmem>>
        %dma_start3A_723 = tpu.memref_squeeze %dma_start3A_722 : memref<1x100xi32, #tpu.memory_space<vmem>> -> memref<100xi32, #tpu.memory_space<vmem>>
        %dma_start3A_724 = arith.constant 0 : i32
        %dma_start3A_725 = arith.constant 0 : i32
        %dma_start3A_726 = tpu.memref_slice %arg12[%dma_start3A_724, %dma_start3A_725] : memref<10000x128xf32, #tpu.memory_space<vmem_shared>> -> memref<10000x128xf32, #tpu.memory_space<vmem_shared>>
        tpu.enqueue_indirect_dma source(%arg10 : memref<100x128xf32, #tpu.memory_space<vmem>>) target(%dma_start3A_726 : memref<10000x128xf32, #tpu.memory_space<vmem_shared>>) offsets(%dma_start3A_723 : memref<100xi32, #tpu.memory_space<vmem>>) semaphore(%arg17 : memref<!tpu.dma_semaphore, #tpu.memory_space<semaphore_mem>>) {add = true}
        %dma_wait3A_727 = arith.constant 0 : i32
        %dma_wait3A_728 = arith.constant 0 : i32
        %dma_wait3A_729 = tpu.memref_slice %arg8[%dma_wait3A_727, %dma_wait3A_728] : memref<40x100xi32, #tpu.memory_space<vmem>> -> memref<1x100xi32, #tpu.memory_space<vmem>>
        %dma_wait3A_730 = tpu.memref_squeeze %dma_wait3A_729 : memref<1x100xi32, #tpu.memory_space<vmem>> -> memref<100xi32, #tpu.memory_space<vmem>>
        %dma_wait3A_731 = arith.constant 0 : i32
        %dma_wait3A_732 = arith.constant 0 : i32
        %dma_wait3A_733 = tpu.memref_slice %arg12[%dma_wait3A_731, %dma_wait3A_732] : memref<10000x128xf32, #tpu.memory_space<vmem_shared>> -> memref<10000x128xf32, #tpu.memory_space<vmem_shared>>
        tpu.wait_indirect_dma semaphore(%arg16 : memref<!tpu.dma_semaphore, #tpu.memory_space<semaphore_mem>>) src(%arg9 : memref<100x128xf32, #tpu.memory_space<vmem>>) dst(%dma_wait3A_733 : memref<10000x128xf32, #tpu.memory_space<vmem_shared>>)
        %add3A_734 = arith.constant 2 : i32
        %add3A_735 = arith.addi %mul3A_648, %add3A_734 : i32
        %add3A_736 = arith.constant 3 : i32
        %add3A_737 = arith.addi %add3A_735, %add3A_736 : i32
        %sub3A_738 = arith.constant 1 : i32
        %sub3A_739 = arith.subi %add3A_737, %sub3A_738 : i32
        %lt3A_740 = arith.constant 40 : i32
        %lt3A_741 = arith.cmpi slt, %sub3A_739, %lt3A_740 : i32
        %convert_element_type3A_742 = arith.extui %lt3A_741 : i1 to i32
        %cond3A_743 = arith.constant 0 : i32
        %cond3A_744 = arith.cmpi ne, %convert_element_type3A_742, %cond3A_743 : i32
        scf.if %cond3A_744 {
          %add3A_745 = arith.constant 2 : i32
          %add3A_746 = arith.addi %mul3A_648, %add3A_745 : i32
          %add3A_747 = arith.constant 3 : i32
          %add3A_748 = arith.addi %add3A_746, %add3A_747 : i32
          %sub3A_749 = arith.constant 1 : i32
          %sub3A_750 = arith.subi %add3A_748, %sub3A_749 : i32
          %dma_start3A_751 = arith.constant 0 : i32
          %dma_start3A_752 = tpu.memref_slice %arg7[%sub3A_750, %dma_start3A_751] : memref<40x100xi32, #tpu.memory_space<vmem>> -> memref<1x100xi32, #tpu.memory_space<vmem>>
          %dma_start3A_753 = tpu.memref_squeeze %dma_start3A_752 : memref<1x100xi32, #tpu.memory_space<vmem>> -> memref<100xi32, #tpu.memory_space<vmem>>
          %dma_start3A_754 = arith.constant 0 : i32
          %dma_start3A_755 = arith.constant 0 : i32
          %dma_start3A_756 = tpu.memref_slice %arg3[%dma_start3A_754, %dma_start3A_755] : memref<10000x128xf32, #tpu.memory_space<hbm>> -> memref<10000x128xf32, #tpu.memory_space<hbm>>
          tpu.enqueue_indirect_dma source(%dma_start3A_756 : memref<10000x128xf32, #tpu.memory_space<hbm>>) target(%arg9 : memref<100x128xf32, #tpu.memory_space<vmem>>) offsets(%dma_start3A_753 : memref<100xi32, #tpu.memory_space<vmem>>) semaphore(%arg13 : memref<!tpu.dma_semaphore, #tpu.memory_space<semaphore_mem>>)
        } else {
        }
      }
      %scan3A_337 = arith.constant 13 : i32
      %dma_wait3A_338 = arith.constant 0 : i32
      %dma_wait3A_339 = arith.constant 0 : i32
      %dma_wait3A_340 = tpu.memref_slice %arg7[%dma_wait3A_338, %dma_wait3A_339] : memref<40x100xi32, #tpu.memory_space<vmem>> -> memref<1x100xi32, #tpu.memory_space<vmem>>
      %dma_wait3A_341 = tpu.memref_squeeze %dma_wait3A_340 : memref<1x100xi32, #tpu.memory_space<vmem>> -> memref<100xi32, #tpu.memory_space<vmem>>
      %dma_wait3A_342 = arith.constant 0 : i32
      %dma_wait3A_343 = arith.constant 0 : i32
      %dma_wait3A_344 = tpu.memref_slice %arg3[%dma_wait3A_342, %dma_wait3A_343] : memref<10000x128xf32, #tpu.memory_space<hbm>> -> memref<10000x128xf32, #tpu.memory_space<hbm>>
      tpu.wait_indirect_dma semaphore(%arg15 : memref<!tpu.dma_semaphore, #tpu.memory_space<semaphore_mem>>) src(%dma_wait3A_344 : memref<10000x128xf32, #tpu.memory_space<hbm>>) dst(%arg11 : memref<100x128xf32, #tpu.memory_space<vmem>>)
      %dma_start3A_345 = arith.constant 39 : i32
      %dma_start3A_346 = arith.constant 0 : i32
      %dma_start3A_347 = tpu.memref_slice %arg8[%dma_start3A_345, %dma_start3A_346] : memref<40x100xi32, #tpu.memory_space<vmem>> -> memref<1x100xi32, #tpu.memory_space<vmem>>
      %dma_start3A_348 = tpu.memref_squeeze %dma_start3A_347 : memref<1x100xi32, #tpu.memory_space<vmem>> -> memref<100xi32, #tpu.memory_space<vmem>>
      %dma_start3A_349 = arith.constant 0 : i32
      %dma_start3A_350 = arith.constant 0 : i32
      %dma_start3A_351 = tpu.memref_slice %arg12[%dma_start3A_349, %dma_start3A_350] : memref<10000x128xf32, #tpu.memory_space<vmem_shared>> -> memref<10000x128xf32, #tpu.memory_space<vmem_shared>>
      tpu.enqueue_indirect_dma source(%arg11 : memref<100x128xf32, #tpu.memory_space<vmem>>) target(%dma_start3A_351 : memref<10000x128xf32, #tpu.memory_space<vmem_shared>>) offsets(%dma_start3A_348 : memref<100xi32, #tpu.memory_space<vmem>>) semaphore(%arg18 : memref<!tpu.dma_semaphore, #tpu.memory_space<semaphore_mem>>) {add = true}
      %dma_wait3A_352 = arith.constant 0 : i32
      %dma_wait3A_353 = arith.constant 0 : i32
      %dma_wait3A_354 = tpu.memref_slice %arg8[%dma_wait3A_352, %dma_wait3A_353] : memref<40x100xi32, #tpu.memory_space<vmem>> -> memref<1x100xi32, #tpu.memory_space<vmem>>
      %dma_wait3A_355 = tpu.memref_squeeze %dma_wait3A_354 : memref<1x100xi32, #tpu.memory_space<vmem>> -> memref<100xi32, #tpu.memory_space<vmem>>
      %dma_wait3A_356 = arith.constant 0 : i32
      %dma_wait3A_357 = arith.constant 0 : i32
      %dma_wait3A_358 = tpu.memref_slice %arg12[%dma_wait3A_356, %dma_wait3A_357] : memref<10000x128xf32, #tpu.memory_space<vmem_shared>> -> memref<10000x128xf32, #tpu.memory_space<vmem_shared>>
      tpu.wait_indirect_dma semaphore(%arg17 : memref<!tpu.dma_semaphore, #tpu.memory_space<semaphore_mem>>) src(%arg10 : memref<100x128xf32, #tpu.memory_space<vmem>>) dst(%dma_wait3A_358 : memref<10000x128xf32, #tpu.memory_space<vmem_shared>>)
      %dma_wait3A_359 = arith.constant 0 : i32
      %dma_wait3A_360 = arith.constant 0 : i32
      %dma_wait3A_361 = tpu.memref_slice %arg8[%dma_wait3A_359, %dma_wait3A_360] : memref<40x100xi32, #tpu.memory_space<vmem>> -> memref<1x100xi32, #tpu.memory_space<vmem>>
      %dma_wait3A_362 = tpu.memref_squeeze %dma_wait3A_361 : memref<1x100xi32, #tpu.memory_space<vmem>> -> memref<100xi32, #tpu.memory_space<vmem>>
      %dma_wait3A_363 = arith.constant 0 : i32
      %dma_wait3A_364 = arith.constant 0 : i32
      %dma_wait3A_365 = tpu.memref_slice %arg12[%dma_wait3A_363, %dma_wait3A_364] : memref<10000x128xf32, #tpu.memory_space<vmem_shared>> -> memref<10000x128xf32, #tpu.memory_space<vmem_shared>>
      tpu.wait_indirect_dma semaphore(%arg18 : memref<!tpu.dma_semaphore, #tpu.memory_space<semaphore_mem>>) src(%arg11 : memref<100x128xf32, #tpu.memory_space<vmem>>) dst(%dma_wait3A_365 : memref<10000x128xf32, #tpu.memory_space<vmem_shared>>)
      %dma_start3A_366 = arith.constant 0 : i32
      %dma_start3A_367 = arith.constant 120 : i32
      %dma_start3A_368 = arith.constant 0 : i32
      %dma_start3A_369 = tpu.memref_slice %arg4[%dma_start3A_366, %arg1, %dma_start3A_367, %dma_start3A_368] : memref<2x16x200x100xi32, #tpu.memory_space<hbm>> -> memref<1x1x40x100xi32, #tpu.memory_space<hbm>>
      %dma_start3A_370 = tpu.memref_squeeze %dma_start3A_369 : memref<1x1x40x100xi32, #tpu.memory_space<hbm>> -> memref<40x100xi32, #tpu.memory_space<hbm>>
      %dma_start3A_371 = arith.constant 120 : i32
      %dma_start3A_372 = arith.constant 0 : i32
      %dma_start3A_373 = tpu.memref_slice %arg4[%dma_start3A_366, %arg1, %dma_start3A_371, %dma_start3A_372] : memref<2x16x200x100xi32, #tpu.memory_space<hbm>> -> memref<1x1x40x100xi32, #tpu.memory_space<hbm>>
      %dma_start3A_374 = tpu.memref_squeeze %dma_start3A_373 : memref<1x1x40x100xi32, #tpu.memory_space<hbm>> -> memref<40x100xi32, #tpu.memory_space<hbm>>
      tpu.enqueue_dma source(%dma_start3A_374 : memref<40x100xi32, #tpu.memory_space<hbm>>) target(%arg7 : memref<40x100xi32, #tpu.memory_space<vmem>>) target_semaphore(%arg13 : memref<!tpu.dma_semaphore, #tpu.memory_space<semaphore_mem>>)
      %dma_start3A_375 = arith.constant 1 : i32
      %dma_start3A_376 = arith.constant 120 : i32
      %dma_start3A_377 = arith.constant 0 : i32
      %dma_start3A_378 = tpu.memref_slice %arg4[%dma_start3A_375, %arg1, %dma_start3A_376, %dma_start3A_377] : memref<2x16x200x100xi32, #tpu.memory_space<hbm>> -> memref<1x1x40x100xi32, #tpu.memory_space<hbm>>
      %dma_start3A_379 = tpu.memref_squeeze %dma_start3A_378 : memref<1x1x40x100xi32, #tpu.memory_space<hbm>> -> memref<40x100xi32, #tpu.memory_space<hbm>>
      %dma_start3A_380 = arith.constant 120 : i32
      %dma_start3A_381 = arith.constant 0 : i32
      %dma_start3A_382 = tpu.memref_slice %arg4[%dma_start3A_375, %arg1, %dma_start3A_380, %dma_start3A_381] : memref<2x16x200x100xi32, #tpu.memory_space<hbm>> -> memref<1x1x40x100xi32, #tpu.memory_space<hbm>>
      %dma_start3A_383 = tpu.memref_squeeze %dma_start3A_382 : memref<1x1x40x100xi32, #tpu.memory_space<hbm>> -> memref<40x100xi32, #tpu.memory_space<hbm>>
      tpu.enqueue_dma source(%dma_start3A_383 : memref<40x100xi32, #tpu.memory_space<hbm>>) target(%arg8 : memref<40x100xi32, #tpu.memory_space<vmem>>) target_semaphore(%arg14 : memref<!tpu.dma_semaphore, #tpu.memory_space<semaphore_mem>>)
      %dma_wait3A_384 = arith.constant 0 : i32
      %dma_wait3A_385 = arith.constant 120 : i32
      %dma_wait3A_386 = arith.constant 0 : i32
      %dma_wait3A_387 = tpu.memref_slice %arg4[%dma_wait3A_384, %arg1, %dma_wait3A_385, %dma_wait3A_386] : memref<2x16x200x100xi32, #tpu.memory_space<hbm>> -> memref<1x1x40x100xi32, #tpu.memory_space<hbm>>
      %dma_wait3A_388 = tpu.memref_squeeze %dma_wait3A_387 : memref<1x1x40x100xi32, #tpu.memory_space<hbm>> -> memref<40x100xi32, #tpu.memory_space<hbm>>
      %dma_wait3A_389 = arith.constant 120 : i32
      %dma_wait3A_390 = arith.constant 0 : i32
      %dma_wait3A_391 = tpu.memref_slice %arg4[%dma_wait3A_384, %arg1, %dma_wait3A_389, %dma_wait3A_390] : memref<2x16x200x100xi32, #tpu.memory_space<hbm>> -> memref<1x1x40x100xi32, #tpu.memory_space<hbm>>
      %dma_wait3A_392 = tpu.memref_squeeze %dma_wait3A_391 : memref<1x1x40x100xi32, #tpu.memory_space<hbm>> -> memref<40x100xi32, #tpu.memory_space<hbm>>
      tpu.wait_dma2 semaphore(%arg13 : memref<!tpu.dma_semaphore, #tpu.memory_space<semaphore_mem>>) src(%dma_wait3A_392 : memref<40x100xi32, #tpu.memory_space<hbm>>) dst(%arg7 : memref<40x100xi32, #tpu.memory_space<vmem>>)
      %dma_wait3A_393 = arith.constant 1 : i32
      %dma_wait3A_394 = arith.constant 120 : i32
      %dma_wait3A_395 = arith.constant 0 : i32
      %dma_wait3A_396 = tpu.memref_slice %arg4[%dma_wait3A_393, %arg1, %dma_wait3A_394, %dma_wait3A_395] : memref<2x16x200x100xi32, #tpu.memory_space<hbm>> -> memref<1x1x40x100xi32, #tpu.memory_space<hbm>>
      %dma_wait3A_397 = tpu.memref_squeeze %dma_wait3A_396 : memref<1x1x40x100xi32, #tpu.memory_space<hbm>> -> memref<40x100xi32, #tpu.memory_space<hbm>>
      %dma_wait3A_398 = arith.constant 120 : i32
      %dma_wait3A_399 = arith.constant 0 : i32
      %dma_wait3A_400 = tpu.memref_slice %arg4[%dma_wait3A_393, %arg1, %dma_wait3A_398, %dma_wait3A_399] : memref<2x16x200x100xi32, #tpu.memory_space<hbm>> -> memref<1x1x40x100xi32, #tpu.memory_space<hbm>>
      %dma_wait3A_401 = tpu.memref_squeeze %dma_wait3A_400 : memref<1x1x40x100xi32, #tpu.memory_space<hbm>> -> memref<40x100xi32, #tpu.memory_space<hbm>>
      tpu.wait_dma2 semaphore(%arg14 : memref<!tpu.dma_semaphore, #tpu.memory_space<semaphore_mem>>) src(%dma_wait3A_401 : memref<40x100xi32, #tpu.memory_space<hbm>>) dst(%arg8 : memref<40x100xi32, #tpu.memory_space<vmem>>)
      %dma_start3A_402 = arith.constant 0 : i32
      %dma_start3A_403 = arith.constant 0 : i32
      %dma_start3A_404 = tpu.memref_slice %arg7[%dma_start3A_402, %dma_start3A_403] : memref<40x100xi32, #tpu.memory_space<vmem>> -> memref<1x100xi32, #tpu.memory_space<vmem>>
      %dma_start3A_405 = tpu.memref_squeeze %dma_start3A_404 : memref<1x100xi32, #tpu.memory_space<vmem>> -> memref<100xi32, #tpu.memory_space<vmem>>
      %dma_start3A_406 = arith.constant 0 : i32
      %dma_start3A_407 = arith.constant 0 : i32
      %dma_start3A_408 = tpu.memref_slice %arg3[%dma_start3A_406, %dma_start3A_407] : memref<10000x128xf32, #tpu.memory_space<hbm>> -> memref<10000x128xf32, #tpu.memory_space<hbm>>
      tpu.enqueue_indirect_dma source(%dma_start3A_408 : memref<10000x128xf32, #tpu.memory_space<hbm>>) target(%arg9 : memref<100x128xf32, #tpu.memory_space<vmem>>) offsets(%dma_start3A_405 : memref<100xi32, #tpu.memory_space<vmem>>) semaphore(%arg13 : memref<!tpu.dma_semaphore, #tpu.memory_space<semaphore_mem>>)
      %dma_start3A_409 = arith.constant 1 : i32
      %dma_start3A_410 = arith.constant 0 : i32
      %dma_start3A_411 = tpu.memref_slice %arg7[%dma_start3A_409, %dma_start3A_410] : memref<40x100xi32, #tpu.memory_space<vmem>> -> memref<1x100xi32, #tpu.memory_space<vmem>>
      %dma_start3A_412 = tpu.memref_squeeze %dma_start3A_411 : memref<1x100xi32, #tpu.memory_space<vmem>> -> memref<100xi32, #tpu.memory_space<vmem>>
      %dma_start3A_413 = arith.constant 0 : i32
      %dma_start3A_414 = arith.constant 0 : i32
      %dma_start3A_415 = tpu.memref_slice %arg3[%dma_start3A_413, %dma_start3A_414] : memref<10000x128xf32, #tpu.memory_space<hbm>> -> memref<10000x128xf32, #tpu.memory_space<hbm>>
      tpu.enqueue_indirect_dma source(%dma_start3A_415 : memref<10000x128xf32, #tpu.memory_space<hbm>>) target(%arg10 : memref<100x128xf32, #tpu.memory_space<vmem>>) offsets(%dma_start3A_412 : memref<100xi32, #tpu.memory_space<vmem>>) semaphore(%arg14 : memref<!tpu.dma_semaphore, #tpu.memory_space<semaphore_mem>>)
      %scan3A_416 = arith.constant 0 : i32
      %scan3A_417 = arith.constant 0 : i32
      %scan3A_418 = arith.constant 13 : i32
      %scan3A_419 = arith.addi %scan3A_417, %scan3A_418 : i32
      %scan3A_420 = arith.constant 1 : i32
      scf.for %scan3A_647 = %scan3A_417 to %scan3A_419 step %scan3A_420  : i32 {
        %mul3A = arith.constant 3 : i32
        %mul3A_648 = arith.muli %scan3A_647, %mul3A : i32
        %dma_wait3A_649 = arith.constant 0 : i32
        %dma_wait3A_650 = arith.constant 0 : i32
        %dma_wait3A_651 = tpu.memref_slice %arg7[%dma_wait3A_649, %dma_wait3A_650] : memref<40x100xi32, #tpu.memory_space<vmem>> -> memref<1x100xi32, #tpu.memory_space<vmem>>
        %dma_wait3A_652 = tpu.memref_squeeze %dma_wait3A_651 : memref<1x100xi32, #tpu.memory_space<vmem>> -> memref<100xi32, #tpu.memory_space<vmem>>
        %dma_wait3A_653 = arith.constant 0 : i32
        %dma_wait3A_654 = arith.constant 0 : i32
        %dma_wait3A_655 = tpu.memref_slice %arg3[%dma_wait3A_653, %dma_wait3A_654] : memref<10000x128xf32, #tpu.memory_space<hbm>> -> memref<10000x128xf32, #tpu.memory_space<hbm>>
        tpu.wait_indirect_dma semaphore(%arg13 : memref<!tpu.dma_semaphore, #tpu.memory_space<semaphore_mem>>) src(%dma_wait3A_655 : memref<10000x128xf32, #tpu.memory_space<hbm>>) dst(%arg9 : memref<100x128xf32, #tpu.memory_space<vmem>>)
        %add3A_656 = arith.constant 0 : i32
        %add3A_657 = arith.addi %mul3A_648, %add3A_656 : i32
        %dma_start3A_658 = arith.constant 0 : i32
        %dma_start3A_659 = tpu.memref_slice %arg8[%add3A_657, %dma_start3A_658] : memref<40x100xi32, #tpu.memory_space<vmem>> -> memref<1x100xi32, #tpu.memory_space<vmem>>
        %dma_start3A_660 = tpu.memref_squeeze %dma_start3A_659 : memref<1x100xi32, #tpu.memory_space<vmem>> -> memref<100xi32, #tpu.memory_space<vmem>>
        %dma_start3A_661 = arith.constant 0 : i32
        %dma_start3A_662 = arith.constant 0 : i32
        %dma_start3A_663 = tpu.memref_slice %arg12[%dma_start3A_661, %dma_start3A_662] : memref<10000x128xf32, #tpu.memory_space<vmem_shared>> -> memref<10000x128xf32, #tpu.memory_space<vmem_shared>>
        tpu.enqueue_indirect_dma source(%arg9 : memref<100x128xf32, #tpu.memory_space<vmem>>) target(%dma_start3A_663 : memref<10000x128xf32, #tpu.memory_space<vmem_shared>>) offsets(%dma_start3A_660 : memref<100xi32, #tpu.memory_space<vmem>>) semaphore(%arg16 : memref<!tpu.dma_semaphore, #tpu.memory_space<semaphore_mem>>) {add = true}
        %gt3A = arith.constant 0 : i32
        %gt3A_664 = arith.cmpi sgt, %scan3A_647, %gt3A : i32
        %convert_element_type3A_665 = arith.extui %gt3A_664 : i1 to i32
        %cond3A_666 = arith.constant 0 : i32
        %cond3A_667 = arith.cmpi ne, %convert_element_type3A_665, %cond3A_666 : i32
        scf.if %cond3A_667 {
          %dma_wait3A_745 = arith.constant 0 : i32
          %dma_wait3A_746 = arith.constant 0 : i32
          %dma_wait3A_747 = tpu.memref_slice %arg8[%dma_wait3A_745, %dma_wait3A_746] : memref<40x100xi32, #tpu.memory_space<vmem>> -> memref<1x100xi32, #tpu.memory_space<vmem>>
          %dma_wait3A_748 = tpu.memref_squeeze %dma_wait3A_747 : memref<1x100xi32, #tpu.memory_space<vmem>> -> memref<100xi32, #tpu.memory_space<vmem>>
          %dma_wait3A_749 = arith.constant 0 : i32
          %dma_wait3A_750 = arith.constant 0 : i32
          %dma_wait3A_751 = tpu.memref_slice %arg12[%dma_wait3A_749, %dma_wait3A_750] : memref<10000x128xf32, #tpu.memory_space<vmem_shared>> -> memref<10000x128xf32, #tpu.memory_space<vmem_shared>>
          tpu.wait_indirect_dma semaphore(%arg18 : memref<!tpu.dma_semaphore, #tpu.memory_space<semaphore_mem>>) src(%arg11 : memref<100x128xf32, #tpu.memory_space<vmem>>) dst(%dma_wait3A_751 : memref<10000x128xf32, #tpu.memory_space<vmem_shared>>)
        } else {
        }
        %add3A_668 = arith.constant 0 : i32
        %add3A_669 = arith.addi %mul3A_648, %add3A_668 : i32
        %add3A_670 = arith.constant 3 : i32
        %add3A_671 = arith.addi %add3A_669, %add3A_670 : i32
        %sub3A = arith.constant 1 : i32
        %sub3A_672 = arith.subi %add3A_671, %sub3A : i32
        %dma_start3A_673 = arith.constant 0 : i32
        %dma_start3A_674 = tpu.memref_slice %arg7[%sub3A_672, %dma_start3A_673] : memref<40x100xi32, #tpu.memory_space<vmem>> -> memref<1x100xi32, #tpu.memory_space<vmem>>
        %dma_start3A_675 = tpu.memref_squeeze %dma_start3A_674 : memref<1x100xi32, #tpu.memory_space<vmem>> -> memref<100xi32, #tpu.memory_space<vmem>>
        %dma_start3A_676 = arith.constant 0 : i32
        %dma_start3A_677 = arith.constant 0 : i32
        %dma_start3A_678 = tpu.memref_slice %arg3[%dma_start3A_676, %dma_start3A_677] : memref<10000x128xf32, #tpu.memory_space<hbm>> -> memref<10000x128xf32, #tpu.memory_space<hbm>>
        tpu.enqueue_indirect_dma source(%dma_start3A_678 : memref<10000x128xf32, #tpu.memory_space<hbm>>) target(%arg11 : memref<100x128xf32, #tpu.memory_space<vmem>>) offsets(%dma_start3A_675 : memref<100xi32, #tpu.memory_space<vmem>>) semaphore(%arg15 : memref<!tpu.dma_semaphore, #tpu.memory_space<semaphore_mem>>)
        %dma_wait3A_679 = arith.constant 0 : i32
        %dma_wait3A_680 = arith.constant 0 : i32
        %dma_wait3A_681 = tpu.memref_slice %arg7[%dma_wait3A_679, %dma_wait3A_680] : memref<40x100xi32, #tpu.memory_space<vmem>> -> memref<1x100xi32, #tpu.memory_space<vmem>>
        %dma_wait3A_682 = tpu.memref_squeeze %dma_wait3A_681 : memref<1x100xi32, #tpu.memory_space<vmem>> -> memref<100xi32, #tpu.memory_space<vmem>>
        %dma_wait3A_683 = arith.constant 0 : i32
        %dma_wait3A_684 = arith.constant 0 : i32
        %dma_wait3A_685 = tpu.memref_slice %arg3[%dma_wait3A_683, %dma_wait3A_684] : memref<10000x128xf32, #tpu.memory_space<hbm>> -> memref<10000x128xf32, #tpu.memory_space<hbm>>
        tpu.wait_indirect_dma semaphore(%arg14 : memref<!tpu.dma_semaphore, #tpu.memory_space<semaphore_mem>>) src(%dma_wait3A_685 : memref<10000x128xf32, #tpu.memory_space<hbm>>) dst(%arg10 : memref<100x128xf32, #tpu.memory_space<vmem>>)
        %add3A_686 = arith.constant 1 : i32
        %add3A_687 = arith.addi %mul3A_648, %add3A_686 : i32
        %dma_start3A_688 = arith.constant 0 : i32
        %dma_start3A_689 = tpu.memref_slice %arg8[%add3A_687, %dma_start3A_688] : memref<40x100xi32, #tpu.memory_space<vmem>> -> memref<1x100xi32, #tpu.memory_space<vmem>>
        %dma_start3A_690 = tpu.memref_squeeze %dma_start3A_689 : memref<1x100xi32, #tpu.memory_space<vmem>> -> memref<100xi32, #tpu.memory_space<vmem>>
        %dma_start3A_691 = arith.constant 0 : i32
        %dma_start3A_692 = arith.constant 0 : i32
        %dma_start3A_693 = tpu.memref_slice %arg12[%dma_start3A_691, %dma_start3A_692] : memref<10000x128xf32, #tpu.memory_space<vmem_shared>> -> memref<10000x128xf32, #tpu.memory_space<vmem_shared>>
        tpu.enqueue_indirect_dma source(%arg10 : memref<100x128xf32, #tpu.memory_space<vmem>>) target(%dma_start3A_693 : memref<10000x128xf32, #tpu.memory_space<vmem_shared>>) offsets(%dma_start3A_690 : memref<100xi32, #tpu.memory_space<vmem>>) semaphore(%arg17 : memref<!tpu.dma_semaphore, #tpu.memory_space<semaphore_mem>>) {add = true}
        %dma_wait3A_694 = arith.constant 0 : i32
        %dma_wait3A_695 = arith.constant 0 : i32
        %dma_wait3A_696 = tpu.memref_slice %arg8[%dma_wait3A_694, %dma_wait3A_695] : memref<40x100xi32, #tpu.memory_space<vmem>> -> memref<1x100xi32, #tpu.memory_space<vmem>>
        %dma_wait3A_697 = tpu.memref_squeeze %dma_wait3A_696 : memref<1x100xi32, #tpu.memory_space<vmem>> -> memref<100xi32, #tpu.memory_space<vmem>>
        %dma_wait3A_698 = arith.constant 0 : i32
        %dma_wait3A_699 = arith.constant 0 : i32
        %dma_wait3A_700 = tpu.memref_slice %arg12[%dma_wait3A_698, %dma_wait3A_699] : memref<10000x128xf32, #tpu.memory_space<vmem_shared>> -> memref<10000x128xf32, #tpu.memory_space<vmem_shared>>
        tpu.wait_indirect_dma semaphore(%arg16 : memref<!tpu.dma_semaphore, #tpu.memory_space<semaphore_mem>>) src(%arg9 : memref<100x128xf32, #tpu.memory_space<vmem>>) dst(%dma_wait3A_700 : memref<10000x128xf32, #tpu.memory_space<vmem_shared>>)
        %add3A_701 = arith.constant 1 : i32
        %add3A_702 = arith.addi %mul3A_648, %add3A_701 : i32
        %add3A_703 = arith.constant 3 : i32
        %add3A_704 = arith.addi %add3A_702, %add3A_703 : i32
        %sub3A_705 = arith.constant 1 : i32
        %sub3A_706 = arith.subi %add3A_704, %sub3A_705 : i32
        %lt3A_707 = arith.constant 40 : i32
        %lt3A_708 = arith.cmpi slt, %sub3A_706, %lt3A_707 : i32
        %convert_element_type3A_709 = arith.extui %lt3A_708 : i1 to i32
        %cond3A_710 = arith.constant 0 : i32
        %cond3A_711 = arith.cmpi ne, %convert_element_type3A_709, %cond3A_710 : i32
        scf.if %cond3A_711 {
          %add3A_745 = arith.constant 1 : i32
          %add3A_746 = arith.addi %mul3A_648, %add3A_745 : i32
          %add3A_747 = arith.constant 3 : i32
          %add3A_748 = arith.addi %add3A_746, %add3A_747 : i32
          %sub3A_749 = arith.constant 1 : i32
          %sub3A_750 = arith.subi %add3A_748, %sub3A_749 : i32
          %dma_start3A_751 = arith.constant 0 : i32
          %dma_start3A_752 = tpu.memref_slice %arg7[%sub3A_750, %dma_start3A_751] : memref<40x100xi32, #tpu.memory_space<vmem>> -> memref<1x100xi32, #tpu.memory_space<vmem>>
          %dma_start3A_753 = tpu.memref_squeeze %dma_start3A_752 : memref<1x100xi32, #tpu.memory_space<vmem>> -> memref<100xi32, #tpu.memory_space<vmem>>
          %dma_start3A_754 = arith.constant 0 : i32
          %dma_start3A_755 = arith.constant 0 : i32
          %dma_start3A_756 = tpu.memref_slice %arg3[%dma_start3A_754, %dma_start3A_755] : memref<10000x128xf32, #tpu.memory_space<hbm>> -> memref<10000x128xf32, #tpu.memory_space<hbm>>
          tpu.enqueue_indirect_dma source(%dma_start3A_756 : memref<10000x128xf32, #tpu.memory_space<hbm>>) target(%arg9 : memref<100x128xf32, #tpu.memory_space<vmem>>) offsets(%dma_start3A_753 : memref<100xi32, #tpu.memory_space<vmem>>) semaphore(%arg13 : memref<!tpu.dma_semaphore, #tpu.memory_space<semaphore_mem>>)
        } else {
        }
        %dma_wait3A_712 = arith.constant 0 : i32
        %dma_wait3A_713 = arith.constant 0 : i32
        %dma_wait3A_714 = tpu.memref_slice %arg7[%dma_wait3A_712, %dma_wait3A_713] : memref<40x100xi32, #tpu.memory_space<vmem>> -> memref<1x100xi32, #tpu.memory_space<vmem>>
        %dma_wait3A_715 = tpu.memref_squeeze %dma_wait3A_714 : memref<1x100xi32, #tpu.memory_space<vmem>> -> memref<100xi32, #tpu.memory_space<vmem>>
        %dma_wait3A_716 = arith.constant 0 : i32
        %dma_wait3A_717 = arith.constant 0 : i32
        %dma_wait3A_718 = tpu.memref_slice %arg3[%dma_wait3A_716, %dma_wait3A_717] : memref<10000x128xf32, #tpu.memory_space<hbm>> -> memref<10000x128xf32, #tpu.memory_space<hbm>>
        tpu.wait_indirect_dma semaphore(%arg15 : memref<!tpu.dma_semaphore, #tpu.memory_space<semaphore_mem>>) src(%dma_wait3A_718 : memref<10000x128xf32, #tpu.memory_space<hbm>>) dst(%arg11 : memref<100x128xf32, #tpu.memory_space<vmem>>)
        %add3A_719 = arith.constant 2 : i32
        %add3A_720 = arith.addi %mul3A_648, %add3A_719 : i32
        %dma_start3A_721 = arith.constant 0 : i32
        %dma_start3A_722 = tpu.memref_slice %arg8[%add3A_720, %dma_start3A_721] : memref<40x100xi32, #tpu.memory_space<vmem>> -> memref<1x100xi32, #tpu.memory_space<vmem>>
        %dma_start3A_723 = tpu.memref_squeeze %dma_start3A_722 : memref<1x100xi32, #tpu.memory_space<vmem>> -> memref<100xi32, #tpu.memory_space<vmem>>
        %dma_start3A_724 = arith.constant 0 : i32
        %dma_start3A_725 = arith.constant 0 : i32
        %dma_start3A_726 = tpu.memref_slice %arg12[%dma_start3A_724, %dma_start3A_725] : memref<10000x128xf32, #tpu.memory_space<vmem_shared>> -> memref<10000x128xf32, #tpu.memory_space<vmem_shared>>
        tpu.enqueue_indirect_dma source(%arg11 : memref<100x128xf32, #tpu.memory_space<vmem>>) target(%dma_start3A_726 : memref<10000x128xf32, #tpu.memory_space<vmem_shared>>) offsets(%dma_start3A_723 : memref<100xi32, #tpu.memory_space<vmem>>) semaphore(%arg18 : memref<!tpu.dma_semaphore, #tpu.memory_space<semaphore_mem>>) {add = true}
        %dma_wait3A_727 = arith.constant 0 : i32
        %dma_wait3A_728 = arith.constant 0 : i32
        %dma_wait3A_729 = tpu.memref_slice %arg8[%dma_wait3A_727, %dma_wait3A_728] : memref<40x100xi32, #tpu.memory_space<vmem>> -> memref<1x100xi32, #tpu.memory_space<vmem>>
        %dma_wait3A_730 = tpu.memref_squeeze %dma_wait3A_729 : memref<1x100xi32, #tpu.memory_space<vmem>> -> memref<100xi32, #tpu.memory_space<vmem>>
        %dma_wait3A_731 = arith.constant 0 : i32
        %dma_wait3A_732 = arith.constant 0 : i32
        %dma_wait3A_733 = tpu.memref_slice %arg12[%dma_wait3A_731, %dma_wait3A_732] : memref<10000x128xf32, #tpu.memory_space<vmem_shared>> -> memref<10000x128xf32, #tpu.memory_space<vmem_shared>>
        tpu.wait_indirect_dma semaphore(%arg17 : memref<!tpu.dma_semaphore, #tpu.memory_space<semaphore_mem>>) src(%arg10 : memref<100x128xf32, #tpu.memory_space<vmem>>) dst(%dma_wait3A_733 : memref<10000x128xf32, #tpu.memory_space<vmem_shared>>)
        %add3A_734 = arith.constant 2 : i32
        %add3A_735 = arith.addi %mul3A_648, %add3A_734 : i32
        %add3A_736 = arith.constant 3 : i32
        %add3A_737 = arith.addi %add3A_735, %add3A_736 : i32
        %sub3A_738 = arith.constant 1 : i32
        %sub3A_739 = arith.subi %add3A_737, %sub3A_738 : i32
        %lt3A_740 = arith.constant 40 : i32
        %lt3A_741 = arith.cmpi slt, %sub3A_739, %lt3A_740 : i32
        %convert_element_type3A_742 = arith.extui %lt3A_741 : i1 to i32
        %cond3A_743 = arith.constant 0 : i32
        %cond3A_744 = arith.cmpi ne, %convert_element_type3A_742, %cond3A_743 : i32
        scf.if %cond3A_744 {
          %add3A_745 = arith.constant 2 : i32
          %add3A_746 = arith.addi %mul3A_648, %add3A_745 : i32
          %add3A_747 = arith.constant 3 : i32
          %add3A_748 = arith.addi %add3A_746, %add3A_747 : i32
          %sub3A_749 = arith.constant 1 : i32
          %sub3A_750 = arith.subi %add3A_748, %sub3A_749 : i32
          %dma_start3A_751 = arith.constant 0 : i32
          %dma_start3A_752 = tpu.memref_slice %arg7[%sub3A_750, %dma_start3A_751] : memref<40x100xi32, #tpu.memory_space<vmem>> -> memref<1x100xi32, #tpu.memory_space<vmem>>
          %dma_start3A_753 = tpu.memref_squeeze %dma_start3A_752 : memref<1x100xi32, #tpu.memory_space<vmem>> -> memref<100xi32, #tpu.memory_space<vmem>>
          %dma_start3A_754 = arith.constant 0 : i32
          %dma_start3A_755 = arith.constant 0 : i32
          %dma_start3A_756 = tpu.memref_slice %arg3[%dma_start3A_754, %dma_start3A_755] : memref<10000x128xf32, #tpu.memory_space<hbm>> -> memref<10000x128xf32, #tpu.memory_space<hbm>>
          tpu.enqueue_indirect_dma source(%dma_start3A_756 : memref<10000x128xf32, #tpu.memory_space<hbm>>) target(%arg10 : memref<100x128xf32, #tpu.memory_space<vmem>>) offsets(%dma_start3A_753 : memref<100xi32, #tpu.memory_space<vmem>>) semaphore(%arg14 : memref<!tpu.dma_semaphore, #tpu.memory_space<semaphore_mem>>)
        } else {
        }
      }
      %scan3A_421 = arith.constant 13 : i32
      %dma_wait3A_422 = arith.constant 0 : i32
      %dma_wait3A_423 = arith.constant 0 : i32
      %dma_wait3A_424 = tpu.memref_slice %arg7[%dma_wait3A_422, %dma_wait3A_423] : memref<40x100xi32, #tpu.memory_space<vmem>> -> memref<1x100xi32, #tpu.memory_space<vmem>>
      %dma_wait3A_425 = tpu.memref_squeeze %dma_wait3A_424 : memref<1x100xi32, #tpu.memory_space<vmem>> -> memref<100xi32, #tpu.memory_space<vmem>>
      %dma_wait3A_426 = arith.constant 0 : i32
      %dma_wait3A_427 = arith.constant 0 : i32
      %dma_wait3A_428 = tpu.memref_slice %arg3[%dma_wait3A_426, %dma_wait3A_427] : memref<10000x128xf32, #tpu.memory_space<hbm>> -> memref<10000x128xf32, #tpu.memory_space<hbm>>
      tpu.wait_indirect_dma semaphore(%arg13 : memref<!tpu.dma_semaphore, #tpu.memory_space<semaphore_mem>>) src(%dma_wait3A_428 : memref<10000x128xf32, #tpu.memory_space<hbm>>) dst(%arg9 : memref<100x128xf32, #tpu.memory_space<vmem>>)
      %dma_start3A_429 = arith.constant 39 : i32
      %dma_start3A_430 = arith.constant 0 : i32
      %dma_start3A_431 = tpu.memref_slice %arg8[%dma_start3A_429, %dma_start3A_430] : memref<40x100xi32, #tpu.memory_space<vmem>> -> memref<1x100xi32, #tpu.memory_space<vmem>>
      %dma_start3A_432 = tpu.memref_squeeze %dma_start3A_431 : memref<1x100xi32, #tpu.memory_space<vmem>> -> memref<100xi32, #tpu.memory_space<vmem>>
      %dma_start3A_433 = arith.constant 0 : i32
      %dma_start3A_434 = arith.constant 0 : i32
      %dma_start3A_435 = tpu.memref_slice %arg12[%dma_start3A_433, %dma_start3A_434] : memref<10000x128xf32, #tpu.memory_space<vmem_shared>> -> memref<10000x128xf32, #tpu.memory_space<vmem_shared>>
      tpu.enqueue_indirect_dma source(%arg9 : memref<100x128xf32, #tpu.memory_space<vmem>>) target(%dma_start3A_435 : memref<10000x128xf32, #tpu.memory_space<vmem_shared>>) offsets(%dma_start3A_432 : memref<100xi32, #tpu.memory_space<vmem>>) semaphore(%arg16 : memref<!tpu.dma_semaphore, #tpu.memory_space<semaphore_mem>>) {add = true}
      %dma_wait3A_436 = arith.constant 0 : i32
      %dma_wait3A_437 = arith.constant 0 : i32
      %dma_wait3A_438 = tpu.memref_slice %arg8[%dma_wait3A_436, %dma_wait3A_437] : memref<40x100xi32, #tpu.memory_space<vmem>> -> memref<1x100xi32, #tpu.memory_space<vmem>>
      %dma_wait3A_439 = tpu.memref_squeeze %dma_wait3A_438 : memref<1x100xi32, #tpu.memory_space<vmem>> -> memref<100xi32, #tpu.memory_space<vmem>>
      %dma_wait3A_440 = arith.constant 0 : i32
      %dma_wait3A_441 = arith.constant 0 : i32
      %dma_wait3A_442 = tpu.memref_slice %arg12[%dma_wait3A_440, %dma_wait3A_441] : memref<10000x128xf32, #tpu.memory_space<vmem_shared>> -> memref<10000x128xf32, #tpu.memory_space<vmem_shared>>
      tpu.wait_indirect_dma semaphore(%arg18 : memref<!tpu.dma_semaphore, #tpu.memory_space<semaphore_mem>>) src(%arg11 : memref<100x128xf32, #tpu.memory_space<vmem>>) dst(%dma_wait3A_442 : memref<10000x128xf32, #tpu.memory_space<vmem_shared>>)
      %dma_wait3A_443 = arith.constant 0 : i32
      %dma_wait3A_444 = arith.constant 0 : i32
      %dma_wait3A_445 = tpu.memref_slice %arg8[%dma_wait3A_443, %dma_wait3A_444] : memref<40x100xi32, #tpu.memory_space<vmem>> -> memref<1x100xi32, #tpu.memory_space<vmem>>
      %dma_wait3A_446 = tpu.memref_squeeze %dma_wait3A_445 : memref<1x100xi32, #tpu.memory_space<vmem>> -> memref<100xi32, #tpu.memory_space<vmem>>
      %dma_wait3A_447 = arith.constant 0 : i32
      %dma_wait3A_448 = arith.constant 0 : i32
      %dma_wait3A_449 = tpu.memref_slice %arg12[%dma_wait3A_447, %dma_wait3A_448] : memref<10000x128xf32, #tpu.memory_space<vmem_shared>> -> memref<10000x128xf32, #tpu.memory_space<vmem_shared>>
      tpu.wait_indirect_dma semaphore(%arg16 : memref<!tpu.dma_semaphore, #tpu.memory_space<semaphore_mem>>) src(%arg9 : memref<100x128xf32, #tpu.memory_space<vmem>>) dst(%dma_wait3A_449 : memref<10000x128xf32, #tpu.memory_space<vmem_shared>>)
      %dma_start3A_450 = arith.constant 0 : i32
      %dma_start3A_451 = arith.constant 160 : i32
      %dma_start3A_452 = arith.constant 0 : i32
      %dma_start3A_453 = tpu.memref_slice %arg4[%dma_start3A_450, %arg1, %dma_start3A_451, %dma_start3A_452] : memref<2x16x200x100xi32, #tpu.memory_space<hbm>> -> memref<1x1x40x100xi32, #tpu.memory_space<hbm>>
      %dma_start3A_454 = tpu.memref_squeeze %dma_start3A_453 : memref<1x1x40x100xi32, #tpu.memory_space<hbm>> -> memref<40x100xi32, #tpu.memory_space<hbm>>
      %dma_start3A_455 = arith.constant 160 : i32
      %dma_start3A_456 = arith.constant 0 : i32
      %dma_start3A_457 = tpu.memref_slice %arg4[%dma_start3A_450, %arg1, %dma_start3A_455, %dma_start3A_456] : memref<2x16x200x100xi32, #tpu.memory_space<hbm>> -> memref<1x1x40x100xi32, #tpu.memory_space<hbm>>
      %dma_start3A_458 = tpu.memref_squeeze %dma_start3A_457 : memref<1x1x40x100xi32, #tpu.memory_space<hbm>> -> memref<40x100xi32, #tpu.memory_space<hbm>>
      tpu.enqueue_dma source(%dma_start3A_458 : memref<40x100xi32, #tpu.memory_space<hbm>>) target(%arg7 : memref<40x100xi32, #tpu.memory_space<vmem>>) target_semaphore(%arg13 : memref<!tpu.dma_semaphore, #tpu.memory_space<semaphore_mem>>)
      %dma_start3A_459 = arith.constant 1 : i32
      %dma_start3A_460 = arith.constant 160 : i32
      %dma_start3A_461 = arith.constant 0 : i32
      %dma_start3A_462 = tpu.memref_slice %arg4[%dma_start3A_459, %arg1, %dma_start3A_460, %dma_start3A_461] : memref<2x16x200x100xi32, #tpu.memory_space<hbm>> -> memref<1x1x40x100xi32, #tpu.memory_space<hbm>>
      %dma_start3A_463 = tpu.memref_squeeze %dma_start3A_462 : memref<1x1x40x100xi32, #tpu.memory_space<hbm>> -> memref<40x100xi32, #tpu.memory_space<hbm>>
      %dma_start3A_464 = arith.constant 160 : i32
      %dma_start3A_465 = arith.constant 0 : i32
      %dma_start3A_466 = tpu.memref_slice %arg4[%dma_start3A_459, %arg1, %dma_start3A_464, %dma_start3A_465] : memref<2x16x200x100xi32, #tpu.memory_space<hbm>> -> memref<1x1x40x100xi32, #tpu.memory_space<hbm>>
      %dma_start3A_467 = tpu.memref_squeeze %dma_start3A_466 : memref<1x1x40x100xi32, #tpu.memory_space<hbm>> -> memref<40x100xi32, #tpu.memory_space<hbm>>
      tpu.enqueue_dma source(%dma_start3A_467 : memref<40x100xi32, #tpu.memory_space<hbm>>) target(%arg8 : memref<40x100xi32, #tpu.memory_space<vmem>>) target_semaphore(%arg14 : memref<!tpu.dma_semaphore, #tpu.memory_space<semaphore_mem>>)
      %dma_wait3A_468 = arith.constant 0 : i32
      %dma_wait3A_469 = arith.constant 160 : i32
      %dma_wait3A_470 = arith.constant 0 : i32
      %dma_wait3A_471 = tpu.memref_slice %arg4[%dma_wait3A_468, %arg1, %dma_wait3A_469, %dma_wait3A_470] : memref<2x16x200x100xi32, #tpu.memory_space<hbm>> -> memref<1x1x40x100xi32, #tpu.memory_space<hbm>>
      %dma_wait3A_472 = tpu.memref_squeeze %dma_wait3A_471 : memref<1x1x40x100xi32, #tpu.memory_space<hbm>> -> memref<40x100xi32, #tpu.memory_space<hbm>>
      %dma_wait3A_473 = arith.constant 160 : i32
      %dma_wait3A_474 = arith.constant 0 : i32
      %dma_wait3A_475 = tpu.memref_slice %arg4[%dma_wait3A_468, %arg1, %dma_wait3A_473, %dma_wait3A_474] : memref<2x16x200x100xi32, #tpu.memory_space<hbm>> -> memref<1x1x40x100xi32, #tpu.memory_space<hbm>>
      %dma_wait3A_476 = tpu.memref_squeeze %dma_wait3A_475 : memref<1x1x40x100xi32, #tpu.memory_space<hbm>> -> memref<40x100xi32, #tpu.memory_space<hbm>>
      tpu.wait_dma2 semaphore(%arg13 : memref<!tpu.dma_semaphore, #tpu.memory_space<semaphore_mem>>) src(%dma_wait3A_476 : memref<40x100xi32, #tpu.memory_space<hbm>>) dst(%arg7 : memref<40x100xi32, #tpu.memory_space<vmem>>)
      %dma_wait3A_477 = arith.constant 1 : i32
      %dma_wait3A_478 = arith.constant 160 : i32
      %dma_wait3A_479 = arith.constant 0 : i32
      %dma_wait3A_480 = tpu.memref_slice %arg4[%dma_wait3A_477, %arg1, %dma_wait3A_478, %dma_wait3A_479] : memref<2x16x200x100xi32, #tpu.memory_space<hbm>> -> memref<1x1x40x100xi32, #tpu.memory_space<hbm>>
      %dma_wait3A_481 = tpu.memref_squeeze %dma_wait3A_480 : memref<1x1x40x100xi32, #tpu.memory_space<hbm>> -> memref<40x100xi32, #tpu.memory_space<hbm>>
      %dma_wait3A_482 = arith.constant 160 : i32
      %dma_wait3A_483 = arith.constant 0 : i32
      %dma_wait3A_484 = tpu.memref_slice %arg4[%dma_wait3A_477, %arg1, %dma_wait3A_482, %dma_wait3A_483] : memref<2x16x200x100xi32, #tpu.memory_space<hbm>> -> memref<1x1x40x100xi32, #tpu.memory_space<hbm>>
      %dma_wait3A_485 = tpu.memref_squeeze %dma_wait3A_484 : memref<1x1x40x100xi32, #tpu.memory_space<hbm>> -> memref<40x100xi32, #tpu.memory_space<hbm>>
      tpu.wait_dma2 semaphore(%arg14 : memref<!tpu.dma_semaphore, #tpu.memory_space<semaphore_mem>>) src(%dma_wait3A_485 : memref<40x100xi32, #tpu.memory_space<hbm>>) dst(%arg8 : memref<40x100xi32, #tpu.memory_space<vmem>>)
      %dma_start3A_486 = arith.constant 0 : i32
      %dma_start3A_487 = arith.constant 0 : i32
      %dma_start3A_488 = tpu.memref_slice %arg7[%dma_start3A_486, %dma_start3A_487] : memref<40x100xi32, #tpu.memory_space<vmem>> -> memref<1x100xi32, #tpu.memory_space<vmem>>
      %dma_start3A_489 = tpu.memref_squeeze %dma_start3A_488 : memref<1x100xi32, #tpu.memory_space<vmem>> -> memref<100xi32, #tpu.memory_space<vmem>>
      %dma_start3A_490 = arith.constant 0 : i32
      %dma_start3A_491 = arith.constant 0 : i32
      %dma_start3A_492 = tpu.memref_slice %arg3[%dma_start3A_490, %dma_start3A_491] : memref<10000x128xf32, #tpu.memory_space<hbm>> -> memref<10000x128xf32, #tpu.memory_space<hbm>>
      tpu.enqueue_indirect_dma source(%dma_start3A_492 : memref<10000x128xf32, #tpu.memory_space<hbm>>) target(%arg10 : memref<100x128xf32, #tpu.memory_space<vmem>>) offsets(%dma_start3A_489 : memref<100xi32, #tpu.memory_space<vmem>>) semaphore(%arg14 : memref<!tpu.dma_semaphore, #tpu.memory_space<semaphore_mem>>)
      %dma_start3A_493 = arith.constant 1 : i32
      %dma_start3A_494 = arith.constant 0 : i32
      %dma_start3A_495 = tpu.memref_slice %arg7[%dma_start3A_493, %dma_start3A_494] : memref<40x100xi32, #tpu.memory_space<vmem>> -> memref<1x100xi32, #tpu.memory_space<vmem>>
      %dma_start3A_496 = tpu.memref_squeeze %dma_start3A_495 : memref<1x100xi32, #tpu.memory_space<vmem>> -> memref<100xi32, #tpu.memory_space<vmem>>
      %dma_start3A_497 = arith.constant 0 : i32
      %dma_start3A_498 = arith.constant 0 : i32
      %dma_start3A_499 = tpu.memref_slice %arg3[%dma_start3A_497, %dma_start3A_498] : memref<10000x128xf32, #tpu.memory_space<hbm>> -> memref<10000x128xf32, #tpu.memory_space<hbm>>
      tpu.enqueue_indirect_dma source(%dma_start3A_499 : memref<10000x128xf32, #tpu.memory_space<hbm>>) target(%arg11 : memref<100x128xf32, #tpu.memory_space<vmem>>) offsets(%dma_start3A_496 : memref<100xi32, #tpu.memory_space<vmem>>) semaphore(%arg15 : memref<!tpu.dma_semaphore, #tpu.memory_space<semaphore_mem>>)
      %scan3A_500 = arith.constant 0 : i32
      %scan3A_501 = arith.constant 0 : i32
      %scan3A_502 = arith.constant 13 : i32
      %scan3A_503 = arith.addi %scan3A_501, %scan3A_502 : i32
      %scan3A_504 = arith.constant 1 : i32
      scf.for %scan3A_647 = %scan3A_501 to %scan3A_503 step %scan3A_504  : i32 {
        %mul3A = arith.constant 3 : i32
        %mul3A_648 = arith.muli %scan3A_647, %mul3A : i32
        %dma_wait3A_649 = arith.constant 0 : i32
        %dma_wait3A_650 = arith.constant 0 : i32
        %dma_wait3A_651 = tpu.memref_slice %arg7[%dma_wait3A_649, %dma_wait3A_650] : memref<40x100xi32, #tpu.memory_space<vmem>> -> memref<1x100xi32, #tpu.memory_space<vmem>>
        %dma_wait3A_652 = tpu.memref_squeeze %dma_wait3A_651 : memref<1x100xi32, #tpu.memory_space<vmem>> -> memref<100xi32, #tpu.memory_space<vmem>>
        %dma_wait3A_653 = arith.constant 0 : i32
        %dma_wait3A_654 = arith.constant 0 : i32
        %dma_wait3A_655 = tpu.memref_slice %arg3[%dma_wait3A_653, %dma_wait3A_654] : memref<10000x128xf32, #tpu.memory_space<hbm>> -> memref<10000x128xf32, #tpu.memory_space<hbm>>
        tpu.wait_indirect_dma semaphore(%arg14 : memref<!tpu.dma_semaphore, #tpu.memory_space<semaphore_mem>>) src(%dma_wait3A_655 : memref<10000x128xf32, #tpu.memory_space<hbm>>) dst(%arg10 : memref<100x128xf32, #tpu.memory_space<vmem>>)
        %add3A_656 = arith.constant 0 : i32
        %add3A_657 = arith.addi %mul3A_648, %add3A_656 : i32
        %dma_start3A_658 = arith.constant 0 : i32
        %dma_start3A_659 = tpu.memref_slice %arg8[%add3A_657, %dma_start3A_658] : memref<40x100xi32, #tpu.memory_space<vmem>> -> memref<1x100xi32, #tpu.memory_space<vmem>>
        %dma_start3A_660 = tpu.memref_squeeze %dma_start3A_659 : memref<1x100xi32, #tpu.memory_space<vmem>> -> memref<100xi32, #tpu.memory_space<vmem>>
        %dma_start3A_661 = arith.constant 0 : i32
        %dma_start3A_662 = arith.constant 0 : i32
        %dma_start3A_663 = tpu.memref_slice %arg12[%dma_start3A_661, %dma_start3A_662] : memref<10000x128xf32, #tpu.memory_space<vmem_shared>> -> memref<10000x128xf32, #tpu.memory_space<vmem_shared>>
        tpu.enqueue_indirect_dma source(%arg10 : memref<100x128xf32, #tpu.memory_space<vmem>>) target(%dma_start3A_663 : memref<10000x128xf32, #tpu.memory_space<vmem_shared>>) offsets(%dma_start3A_660 : memref<100xi32, #tpu.memory_space<vmem>>) semaphore(%arg17 : memref<!tpu.dma_semaphore, #tpu.memory_space<semaphore_mem>>) {add = true}
        %gt3A = arith.constant 0 : i32
        %gt3A_664 = arith.cmpi sgt, %scan3A_647, %gt3A : i32
        %convert_element_type3A_665 = arith.extui %gt3A_664 : i1 to i32
        %cond3A_666 = arith.constant 0 : i32
        %cond3A_667 = arith.cmpi ne, %convert_element_type3A_665, %cond3A_666 : i32
        scf.if %cond3A_667 {
          %dma_wait3A_745 = arith.constant 0 : i32
          %dma_wait3A_746 = arith.constant 0 : i32
          %dma_wait3A_747 = tpu.memref_slice %arg8[%dma_wait3A_745, %dma_wait3A_746] : memref<40x100xi32, #tpu.memory_space<vmem>> -> memref<1x100xi32, #tpu.memory_space<vmem>>
          %dma_wait3A_748 = tpu.memref_squeeze %dma_wait3A_747 : memref<1x100xi32, #tpu.memory_space<vmem>> -> memref<100xi32, #tpu.memory_space<vmem>>
          %dma_wait3A_749 = arith.constant 0 : i32
          %dma_wait3A_750 = arith.constant 0 : i32
          %dma_wait3A_751 = tpu.memref_slice %arg12[%dma_wait3A_749, %dma_wait3A_750] : memref<10000x128xf32, #tpu.memory_space<vmem_shared>> -> memref<10000x128xf32, #tpu.memory_space<vmem_shared>>
          tpu.wait_indirect_dma semaphore(%arg16 : memref<!tpu.dma_semaphore, #tpu.memory_space<semaphore_mem>>) src(%arg9 : memref<100x128xf32, #tpu.memory_space<vmem>>) dst(%dma_wait3A_751 : memref<10000x128xf32, #tpu.memory_space<vmem_shared>>)
        } else {
        }
        %add3A_668 = arith.constant 0 : i32
        %add3A_669 = arith.addi %mul3A_648, %add3A_668 : i32
        %add3A_670 = arith.constant 3 : i32
        %add3A_671 = arith.addi %add3A_669, %add3A_670 : i32
        %sub3A = arith.constant 1 : i32
        %sub3A_672 = arith.subi %add3A_671, %sub3A : i32
        %dma_start3A_673 = arith.constant 0 : i32
        %dma_start3A_674 = tpu.memref_slice %arg7[%sub3A_672, %dma_start3A_673] : memref<40x100xi32, #tpu.memory_space<vmem>> -> memref<1x100xi32, #tpu.memory_space<vmem>>
        %dma_start3A_675 = tpu.memref_squeeze %dma_start3A_674 : memref<1x100xi32, #tpu.memory_space<vmem>> -> memref<100xi32, #tpu.memory_space<vmem>>
        %dma_start3A_676 = arith.constant 0 : i32
        %dma_start3A_677 = arith.constant 0 : i32
        %dma_start3A_678 = tpu.memref_slice %arg3[%dma_start3A_676, %dma_start3A_677] : memref<10000x128xf32, #tpu.memory_space<hbm>> -> memref<10000x128xf32, #tpu.memory_space<hbm>>
        tpu.enqueue_indirect_dma source(%dma_start3A_678 : memref<10000x128xf32, #tpu.memory_space<hbm>>) target(%arg9 : memref<100x128xf32, #tpu.memory_space<vmem>>) offsets(%dma_start3A_675 : memref<100xi32, #tpu.memory_space<vmem>>) semaphore(%arg13 : memref<!tpu.dma_semaphore, #tpu.memory_space<semaphore_mem>>)
        %dma_wait3A_679 = arith.constant 0 : i32
        %dma_wait3A_680 = arith.constant 0 : i32
        %dma_wait3A_681 = tpu.memref_slice %arg7[%dma_wait3A_679, %dma_wait3A_680] : memref<40x100xi32, #tpu.memory_space<vmem>> -> memref<1x100xi32, #tpu.memory_space<vmem>>
        %dma_wait3A_682 = tpu.memref_squeeze %dma_wait3A_681 : memref<1x100xi32, #tpu.memory_space<vmem>> -> memref<100xi32, #tpu.memory_space<vmem>>
        %dma_wait3A_683 = arith.constant 0 : i32
        %dma_wait3A_684 = arith.constant 0 : i32
        %dma_wait3A_685 = tpu.memref_slice %arg3[%dma_wait3A_683, %dma_wait3A_684] : memref<10000x128xf32, #tpu.memory_space<hbm>> -> memref<10000x128xf32, #tpu.memory_space<hbm>>
        tpu.wait_indirect_dma semaphore(%arg15 : memref<!tpu.dma_semaphore, #tpu.memory_space<semaphore_mem>>) src(%dma_wait3A_685 : memref<10000x128xf32, #tpu.memory_space<hbm>>) dst(%arg11 : memref<100x128xf32, #tpu.memory_space<vmem>>)
        %add3A_686 = arith.constant 1 : i32
        %add3A_687 = arith.addi %mul3A_648, %add3A_686 : i32
        %dma_start3A_688 = arith.constant 0 : i32
        %dma_start3A_689 = tpu.memref_slice %arg8[%add3A_687, %dma_start3A_688] : memref<40x100xi32, #tpu.memory_space<vmem>> -> memref<1x100xi32, #tpu.memory_space<vmem>>
        %dma_start3A_690 = tpu.memref_squeeze %dma_start3A_689 : memref<1x100xi32, #tpu.memory_space<vmem>> -> memref<100xi32, #tpu.memory_space<vmem>>
        %dma_start3A_691 = arith.constant 0 : i32
        %dma_start3A_692 = arith.constant 0 : i32
        %dma_start3A_693 = tpu.memref_slice %arg12[%dma_start3A_691, %dma_start3A_692] : memref<10000x128xf32, #tpu.memory_space<vmem_shared>> -> memref<10000x128xf32, #tpu.memory_space<vmem_shared>>
        tpu.enqueue_indirect_dma source(%arg11 : memref<100x128xf32, #tpu.memory_space<vmem>>) target(%dma_start3A_693 : memref<10000x128xf32, #tpu.memory_space<vmem_shared>>) offsets(%dma_start3A_690 : memref<100xi32, #tpu.memory_space<vmem>>) semaphore(%arg18 : memref<!tpu.dma_semaphore, #tpu.memory_space<semaphore_mem>>) {add = true}
        %dma_wait3A_694 = arith.constant 0 : i32
        %dma_wait3A_695 = arith.constant 0 : i32
        %dma_wait3A_696 = tpu.memref_slice %arg8[%dma_wait3A_694, %dma_wait3A_695] : memref<40x100xi32, #tpu.memory_space<vmem>> -> memref<1x100xi32, #tpu.memory_space<vmem>>
        %dma_wait3A_697 = tpu.memref_squeeze %dma_wait3A_696 : memref<1x100xi32, #tpu.memory_space<vmem>> -> memref<100xi32, #tpu.memory_space<vmem>>
        %dma_wait3A_698 = arith.constant 0 : i32
        %dma_wait3A_699 = arith.constant 0 : i32
        %dma_wait3A_700 = tpu.memref_slice %arg12[%dma_wait3A_698, %dma_wait3A_699] : memref<10000x128xf32, #tpu.memory_space<vmem_shared>> -> memref<10000x128xf32, #tpu.memory_space<vmem_shared>>
        tpu.wait_indirect_dma semaphore(%arg17 : memref<!tpu.dma_semaphore, #tpu.memory_space<semaphore_mem>>) src(%arg10 : memref<100x128xf32, #tpu.memory_space<vmem>>) dst(%dma_wait3A_700 : memref<10000x128xf32, #tpu.memory_space<vmem_shared>>)
        %add3A_701 = arith.constant 1 : i32
        %add3A_702 = arith.addi %mul3A_648, %add3A_701 : i32
        %add3A_703 = arith.constant 3 : i32
        %add3A_704 = arith.addi %add3A_702, %add3A_703 : i32
        %sub3A_705 = arith.constant 1 : i32
        %sub3A_706 = arith.subi %add3A_704, %sub3A_705 : i32
        %lt3A_707 = arith.constant 40 : i32
        %lt3A_708 = arith.cmpi slt, %sub3A_706, %lt3A_707 : i32
        %convert_element_type3A_709 = arith.extui %lt3A_708 : i1 to i32
        %cond3A_710 = arith.constant 0 : i32
        %cond3A_711 = arith.cmpi ne, %convert_element_type3A_709, %cond3A_710 : i32
        scf.if %cond3A_711 {
          %add3A_745 = arith.constant 1 : i32
          %add3A_746 = arith.addi %mul3A_648, %add3A_745 : i32
          %add3A_747 = arith.constant 3 : i32
          %add3A_748 = arith.addi %add3A_746, %add3A_747 : i32
          %sub3A_749 = arith.constant 1 : i32
          %sub3A_750 = arith.subi %add3A_748, %sub3A_749 : i32
          %dma_start3A_751 = arith.constant 0 : i32
          %dma_start3A_752 = tpu.memref_slice %arg7[%sub3A_750, %dma_start3A_751] : memref<40x100xi32, #tpu.memory_space<vmem>> -> memref<1x100xi32, #tpu.memory_space<vmem>>
          %dma_start3A_753 = tpu.memref_squeeze %dma_start3A_752 : memref<1x100xi32, #tpu.memory_space<vmem>> -> memref<100xi32, #tpu.memory_space<vmem>>
          %dma_start3A_754 = arith.constant 0 : i32
          %dma_start3A_755 = arith.constant 0 : i32
          %dma_start3A_756 = tpu.memref_slice %arg3[%dma_start3A_754, %dma_start3A_755] : memref<10000x128xf32, #tpu.memory_space<hbm>> -> memref<10000x128xf32, #tpu.memory_space<hbm>>
          tpu.enqueue_indirect_dma source(%dma_start3A_756 : memref<10000x128xf32, #tpu.memory_space<hbm>>) target(%arg10 : memref<100x128xf32, #tpu.memory_space<vmem>>) offsets(%dma_start3A_753 : memref<100xi32, #tpu.memory_space<vmem>>) semaphore(%arg14 : memref<!tpu.dma_semaphore, #tpu.memory_space<semaphore_mem>>)
        } else {
        }
        %dma_wait3A_712 = arith.constant 0 : i32
        %dma_wait3A_713 = arith.constant 0 : i32
        %dma_wait3A_714 = tpu.memref_slice %arg7[%dma_wait3A_712, %dma_wait3A_713] : memref<40x100xi32, #tpu.memory_space<vmem>> -> memref<1x100xi32, #tpu.memory_space<vmem>>
        %dma_wait3A_715 = tpu.memref_squeeze %dma_wait3A_714 : memref<1x100xi32, #tpu.memory_space<vmem>> -> memref<100xi32, #tpu.memory_space<vmem>>
        %dma_wait3A_716 = arith.constant 0 : i32
        %dma_wait3A_717 = arith.constant 0 : i32
        %dma_wait3A_718 = tpu.memref_slice %arg3[%dma_wait3A_716, %dma_wait3A_717] : memref<10000x128xf32, #tpu.memory_space<hbm>> -> memref<10000x128xf32, #tpu.memory_space<hbm>>
        tpu.wait_indirect_dma semaphore(%arg13 : memref<!tpu.dma_semaphore, #tpu.memory_space<semaphore_mem>>) src(%dma_wait3A_718 : memref<10000x128xf32, #tpu.memory_space<hbm>>) dst(%arg9 : memref<100x128xf32, #tpu.memory_space<vmem>>)
        %add3A_719 = arith.constant 2 : i32
        %add3A_720 = arith.addi %mul3A_648, %add3A_719 : i32
        %dma_start3A_721 = arith.constant 0 : i32
        %dma_start3A_722 = tpu.memref_slice %arg8[%add3A_720, %dma_start3A_721] : memref<40x100xi32, #tpu.memory_space<vmem>> -> memref<1x100xi32, #tpu.memory_space<vmem>>
        %dma_start3A_723 = tpu.memref_squeeze %dma_start3A_722 : memref<1x100xi32, #tpu.memory_space<vmem>> -> memref<100xi32, #tpu.memory_space<vmem>>
        %dma_start3A_724 = arith.constant 0 : i32
        %dma_start3A_725 = arith.constant 0 : i32
        %dma_start3A_726 = tpu.memref_slice %arg12[%dma_start3A_724, %dma_start3A_725] : memref<10000x128xf32, #tpu.memory_space<vmem_shared>> -> memref<10000x128xf32, #tpu.memory_space<vmem_shared>>
        tpu.enqueue_indirect_dma source(%arg9 : memref<100x128xf32, #tpu.memory_space<vmem>>) target(%dma_start3A_726 : memref<10000x128xf32, #tpu.memory_space<vmem_shared>>) offsets(%dma_start3A_723 : memref<100xi32, #tpu.memory_space<vmem>>) semaphore(%arg16 : memref<!tpu.dma_semaphore, #tpu.memory_space<semaphore_mem>>) {add = true}
        %dma_wait3A_727 = arith.constant 0 : i32
        %dma_wait3A_728 = arith.constant 0 : i32
        %dma_wait3A_729 = tpu.memref_slice %arg8[%dma_wait3A_727, %dma_wait3A_728] : memref<40x100xi32, #tpu.memory_space<vmem>> -> memref<1x100xi32, #tpu.memory_space<vmem>>
        %dma_wait3A_730 = tpu.memref_squeeze %dma_wait3A_729 : memref<1x100xi32, #tpu.memory_space<vmem>> -> memref<100xi32, #tpu.memory_space<vmem>>
        %dma_wait3A_731 = arith.constant 0 : i32
        %dma_wait3A_732 = arith.constant 0 : i32
        %dma_wait3A_733 = tpu.memref_slice %arg12[%dma_wait3A_731, %dma_wait3A_732] : memref<10000x128xf32, #tpu.memory_space<vmem_shared>> -> memref<10000x128xf32, #tpu.memory_space<vmem_shared>>
        tpu.wait_indirect_dma semaphore(%arg18 : memref<!tpu.dma_semaphore, #tpu.memory_space<semaphore_mem>>) src(%arg11 : memref<100x128xf32, #tpu.memory_space<vmem>>) dst(%dma_wait3A_733 : memref<10000x128xf32, #tpu.memory_space<vmem_shared>>)
        %add3A_734 = arith.constant 2 : i32
        %add3A_735 = arith.addi %mul3A_648, %add3A_734 : i32
        %add3A_736 = arith.constant 3 : i32
        %add3A_737 = arith.addi %add3A_735, %add3A_736 : i32
        %sub3A_738 = arith.constant 1 : i32
        %sub3A_739 = arith.subi %add3A_737, %sub3A_738 : i32
        %lt3A_740 = arith.constant 40 : i32
        %lt3A_741 = arith.cmpi slt, %sub3A_739, %lt3A_740 : i32
        %convert_element_type3A_742 = arith.extui %lt3A_741 : i1 to i32
        %cond3A_743 = arith.constant 0 : i32
        %cond3A_744 = arith.cmpi ne, %convert_element_type3A_742, %cond3A_743 : i32
        scf.if %cond3A_744 {
          %add3A_745 = arith.constant 2 : i32
          %add3A_746 = arith.addi %mul3A_648, %add3A_745 : i32
          %add3A_747 = arith.constant 3 : i32
          %add3A_748 = arith.addi %add3A_746, %add3A_747 : i32
          %sub3A_749 = arith.constant 1 : i32
          %sub3A_750 = arith.subi %add3A_748, %sub3A_749 : i32
          %dma_start3A_751 = arith.constant 0 : i32
          %dma_start3A_752 = tpu.memref_slice %arg7[%sub3A_750, %dma_start3A_751] : memref<40x100xi32, #tpu.memory_space<vmem>> -> memref<1x100xi32, #tpu.memory_space<vmem>>
          %dma_start3A_753 = tpu.memref_squeeze %dma_start3A_752 : memref<1x100xi32, #tpu.memory_space<vmem>> -> memref<100xi32, #tpu.memory_space<vmem>>
          %dma_start3A_754 = arith.constant 0 : i32
          %dma_start3A_755 = arith.constant 0 : i32
          %dma_start3A_756 = tpu.memref_slice %arg3[%dma_start3A_754, %dma_start3A_755] : memref<10000x128xf32, #tpu.memory_space<hbm>> -> memref<10000x128xf32, #tpu.memory_space<hbm>>
          tpu.enqueue_indirect_dma source(%dma_start3A_756 : memref<10000x128xf32, #tpu.memory_space<hbm>>) target(%arg11 : memref<100x128xf32, #tpu.memory_space<vmem>>) offsets(%dma_start3A_753 : memref<100xi32, #tpu.memory_space<vmem>>) semaphore(%arg15 : memref<!tpu.dma_semaphore, #tpu.memory_space<semaphore_mem>>)
        } else {
        }
      }
      %scan3A_505 = arith.constant 13 : i32
      %dma_wait3A_506 = arith.constant 0 : i32
      %dma_wait3A_507 = arith.constant 0 : i32
      %dma_wait3A_508 = tpu.memref_slice %arg7[%dma_wait3A_506, %dma_wait3A_507] : memref<40x100xi32, #tpu.memory_space<vmem>> -> memref<1x100xi32, #tpu.memory_space<vmem>>
      %dma_wait3A_509 = tpu.memref_squeeze %dma_wait3A_508 : memref<1x100xi32, #tpu.memory_space<vmem>> -> memref<100xi32, #tpu.memory_space<vmem>>
      %dma_wait3A_510 = arith.constant 0 : i32
      %dma_wait3A_511 = arith.constant 0 : i32
      %dma_wait3A_512 = tpu.memref_slice %arg3[%dma_wait3A_510, %dma_wait3A_511] : memref<10000x128xf32, #tpu.memory_space<hbm>> -> memref<10000x128xf32, #tpu.memory_space<hbm>>
      tpu.wait_indirect_dma semaphore(%arg14 : memref<!tpu.dma_semaphore, #tpu.memory_space<semaphore_mem>>) src(%dma_wait3A_512 : memref<10000x128xf32, #tpu.memory_space<hbm>>) dst(%arg10 : memref<100x128xf32, #tpu.memory_space<vmem>>)
      %dma_start3A_513 = arith.constant 39 : i32
      %dma_start3A_514 = arith.constant 0 : i32
      %dma_start3A_515 = tpu.memref_slice %arg8[%dma_start3A_513, %dma_start3A_514] : memref<40x100xi32, #tpu.memory_space<vmem>> -> memref<1x100xi32, #tpu.memory_space<vmem>>
      %dma_start3A_516 = tpu.memref_squeeze %dma_start3A_515 : memref<1x100xi32, #tpu.memory_space<vmem>> -> memref<100xi32, #tpu.memory_space<vmem>>
      %dma_start3A_517 = arith.constant 0 : i32
      %dma_start3A_518 = arith.constant 0 : i32
      %dma_start3A_519 = tpu.memref_slice %arg12[%dma_start3A_517, %dma_start3A_518] : memref<10000x128xf32, #tpu.memory_space<vmem_shared>> -> memref<10000x128xf32, #tpu.memory_space<vmem_shared>>
      tpu.enqueue_indirect_dma source(%arg10 : memref<100x128xf32, #tpu.memory_space<vmem>>) target(%dma_start3A_519 : memref<10000x128xf32, #tpu.memory_space<vmem_shared>>) offsets(%dma_start3A_516 : memref<100xi32, #tpu.memory_space<vmem>>) semaphore(%arg17 : memref<!tpu.dma_semaphore, #tpu.memory_space<semaphore_mem>>) {add = true}
      %dma_wait3A_520 = arith.constant 0 : i32
      %dma_wait3A_521 = arith.constant 0 : i32
      %dma_wait3A_522 = tpu.memref_slice %arg8[%dma_wait3A_520, %dma_wait3A_521] : memref<40x100xi32, #tpu.memory_space<vmem>> -> memref<1x100xi32, #tpu.memory_space<vmem>>
      %dma_wait3A_523 = tpu.memref_squeeze %dma_wait3A_522 : memref<1x100xi32, #tpu.memory_space<vmem>> -> memref<100xi32, #tpu.memory_space<vmem>>
      %dma_wait3A_524 = arith.constant 0 : i32
      %dma_wait3A_525 = arith.constant 0 : i32
      %dma_wait3A_526 = tpu.memref_slice %arg12[%dma_wait3A_524, %dma_wait3A_525] : memref<10000x128xf32, #tpu.memory_space<vmem_shared>> -> memref<10000x128xf32, #tpu.memory_space<vmem_shared>>
      tpu.wait_indirect_dma semaphore(%arg16 : memref<!tpu.dma_semaphore, #tpu.memory_space<semaphore_mem>>) src(%arg9 : memref<100x128xf32, #tpu.memory_space<vmem>>) dst(%dma_wait3A_526 : memref<10000x128xf32, #tpu.memory_space<vmem_shared>>)
      %dma_wait3A_527 = arith.constant 0 : i32
      %dma_wait3A_528 = arith.constant 0 : i32
      %dma_wait3A_529 = tpu.memref_slice %arg8[%dma_wait3A_527, %dma_wait3A_528] : memref<40x100xi32, #tpu.memory_space<vmem>> -> memref<1x100xi32, #tpu.memory_space<vmem>>
      %dma_wait3A_530 = tpu.memref_squeeze %dma_wait3A_529 : memref<1x100xi32, #tpu.memory_space<vmem>> -> memref<100xi32, #tpu.memory_space<vmem>>
      %dma_wait3A_531 = arith.constant 0 : i32
      %dma_wait3A_532 = arith.constant 0 : i32
      %dma_wait3A_533 = tpu.memref_slice %arg12[%dma_wait3A_531, %dma_wait3A_532] : memref<10000x128xf32, #tpu.memory_space<vmem_shared>> -> memref<10000x128xf32, #tpu.memory_space<vmem_shared>>
      tpu.wait_indirect_dma semaphore(%arg17 : memref<!tpu.dma_semaphore, #tpu.memory_space<semaphore_mem>>) src(%arg10 : memref<100x128xf32, #tpu.memory_space<vmem>>) dst(%dma_wait3A_533 : memref<10000x128xf32, #tpu.memory_space<vmem_shared>>)
      %barrier3A_534 = arith.constant 0 : index
      tpu.barrier barrier_id(%barrier3A_534)
      %add3A_535 = arith.constant 0 : i32
      %add3A_536 = arith.addi %add3A_535, %arg1 : i32
      %lt3A_537 = arith.constant 125 : i32
      %lt3A_538 = arith.cmpi slt, %add3A_536, %lt3A_537 : i32
      %convert_element_type3A_539 = arith.extui %lt3A_538 : i1 to i32
      %cond3A_540 = arith.constant 0 : i32
      %cond3A_541 = arith.cmpi ne, %convert_element_type3A_539, %cond3A_540 : i32
      scf.if %cond3A_541 {
        %mul3A = arith.constant 80 : i32
        %mul3A_647 = arith.muli %add3A_536, %mul3A : i32
        %mul3A_648 = arith.constant 80 : i32
        %mul3A_649 = arith.muli %add3A_536, %mul3A_648 : i32
        %dma_start3A_650 = arith.constant 0 : i32
        %dma_start3A_651 = tpu.memref_slice %arg6[%mul3A_649, %dma_start3A_650] : memref<10000x128xf32, #tpu.memory_space<hbm>> -> memref<80x128xf32, #tpu.memory_space<hbm>>
        %dma_start3A_652 = arith.constant 0 : i32
        %dma_start3A_653 = tpu.memref_slice %arg12[%mul3A_647, %dma_start3A_652] : memref<10000x128xf32, #tpu.memory_space<vmem_shared>> -> memref<80x128xf32, #tpu.memory_space<vmem_shared>>
        tpu.enqueue_dma source(%dma_start3A_653 : memref<80x128xf32, #tpu.memory_space<vmem_shared>>) target(%dma_start3A_651 : memref<80x128xf32, #tpu.memory_space<hbm>>) target_semaphore(%arg13 : memref<!tpu.dma_semaphore, #tpu.memory_space<semaphore_mem>>)
      } else {
      }
      %add3A_542 = arith.constant 16 : i32
      %add3A_543 = arith.addi %add3A_542, %arg1 : i32
      %lt3A_544 = arith.constant 125 : i32
      %lt3A_545 = arith.cmpi slt, %add3A_543, %lt3A_544 : i32
      %convert_element_type3A_546 = arith.extui %lt3A_545 : i1 to i32
      %cond3A_547 = arith.constant 0 : i32
      %cond3A_548 = arith.cmpi ne, %convert_element_type3A_546, %cond3A_547 : i32
      scf.if %cond3A_548 {
        %mul3A = arith.constant 80 : i32
        %mul3A_647 = arith.muli %add3A_543, %mul3A : i32
        %mul3A_648 = arith.constant 80 : i32
        %mul3A_649 = arith.muli %add3A_543, %mul3A_648 : i32
        %dma_start3A_650 = arith.constant 0 : i32
        %dma_start3A_651 = tpu.memref_slice %arg6[%mul3A_649, %dma_start3A_650] : memref<10000x128xf32, #tpu.memory_space<hbm>> -> memref<80x128xf32, #tpu.memory_space<hbm>>
        %dma_start3A_652 = arith.constant 0 : i32
        %dma_start3A_653 = tpu.memref_slice %arg12[%mul3A_647, %dma_start3A_652] : memref<10000x128xf32, #tpu.memory_space<vmem_shared>> -> memref<80x128xf32, #tpu.memory_space<vmem_shared>>
        tpu.enqueue_dma source(%dma_start3A_653 : memref<80x128xf32, #tpu.memory_space<vmem_shared>>) target(%dma_start3A_651 : memref<80x128xf32, #tpu.memory_space<hbm>>) target_semaphore(%arg13 : memref<!tpu.dma_semaphore, #tpu.memory_space<semaphore_mem>>)
      } else {
      }
      %add3A_549 = arith.constant 32 : i32
      %add3A_550 = arith.addi %add3A_549, %arg1 : i32
      %lt3A_551 = arith.constant 125 : i32
      %lt3A_552 = arith.cmpi slt, %add3A_550, %lt3A_551 : i32
      %convert_element_type3A_553 = arith.extui %lt3A_552 : i1 to i32
      %cond3A_554 = arith.constant 0 : i32
      %cond3A_555 = arith.cmpi ne, %convert_element_type3A_553, %cond3A_554 : i32
      scf.if %cond3A_555 {
        %mul3A = arith.constant 80 : i32
        %mul3A_647 = arith.muli %add3A_550, %mul3A : i32
        %mul3A_648 = arith.constant 80 : i32
        %mul3A_649 = arith.muli %add3A_550, %mul3A_648 : i32
        %dma_start3A_650 = arith.constant 0 : i32
        %dma_start3A_651 = tpu.memref_slice %arg6[%mul3A_649, %dma_start3A_650] : memref<10000x128xf32, #tpu.memory_space<hbm>> -> memref<80x128xf32, #tpu.memory_space<hbm>>
        %dma_start3A_652 = arith.constant 0 : i32
        %dma_start3A_653 = tpu.memref_slice %arg12[%mul3A_647, %dma_start3A_652] : memref<10000x128xf32, #tpu.memory_space<vmem_shared>> -> memref<80x128xf32, #tpu.memory_space<vmem_shared>>
        tpu.enqueue_dma source(%dma_start3A_653 : memref<80x128xf32, #tpu.memory_space<vmem_shared>>) target(%dma_start3A_651 : memref<80x128xf32, #tpu.memory_space<hbm>>) target_semaphore(%arg13 : memref<!tpu.dma_semaphore, #tpu.memory_space<semaphore_mem>>)
      } else {
      }
      %add3A_556 = arith.constant 48 : i32
      %add3A_557 = arith.addi %add3A_556, %arg1 : i32
      %lt3A_558 = arith.constant 125 : i32
      %lt3A_559 = arith.cmpi slt, %add3A_557, %lt3A_558 : i32
      %convert_element_type3A_560 = arith.extui %lt3A_559 : i1 to i32
      %cond3A_561 = arith.constant 0 : i32
      %cond3A_562 = arith.cmpi ne, %convert_element_type3A_560, %cond3A_561 : i32
      scf.if %cond3A_562 {
        %mul3A = arith.constant 80 : i32
        %mul3A_647 = arith.muli %add3A_557, %mul3A : i32
        %mul3A_648 = arith.constant 80 : i32
        %mul3A_649 = arith.muli %add3A_557, %mul3A_648 : i32
        %dma_start3A_650 = arith.constant 0 : i32
        %dma_start3A_651 = tpu.memref_slice %arg6[%mul3A_649, %dma_start3A_650] : memref<10000x128xf32, #tpu.memory_space<hbm>> -> memref<80x128xf32, #tpu.memory_space<hbm>>
        %dma_start3A_652 = arith.constant 0 : i32
        %dma_start3A_653 = tpu.memref_slice %arg12[%mul3A_647, %dma_start3A_652] : memref<10000x128xf32, #tpu.memory_space<vmem_shared>> -> memref<80x128xf32, #tpu.memory_space<vmem_shared>>
        tpu.enqueue_dma source(%dma_start3A_653 : memref<80x128xf32, #tpu.memory_space<vmem_shared>>) target(%dma_start3A_651 : memref<80x128xf32, #tpu.memory_space<hbm>>) target_semaphore(%arg13 : memref<!tpu.dma_semaphore, #tpu.memory_space<semaphore_mem>>)
      } else {
      }
      %add3A_563 = arith.constant 64 : i32
      %add3A_564 = arith.addi %add3A_563, %arg1 : i32
      %lt3A_565 = arith.constant 125 : i32
      %lt3A_566 = arith.cmpi slt, %add3A_564, %lt3A_565 : i32
      %convert_element_type3A_567 = arith.extui %lt3A_566 : i1 to i32
      %cond3A_568 = arith.constant 0 : i32
      %cond3A_569 = arith.cmpi ne, %convert_element_type3A_567, %cond3A_568 : i32
      scf.if %cond3A_569 {
        %mul3A = arith.constant 80 : i32
        %mul3A_647 = arith.muli %add3A_564, %mul3A : i32
        %mul3A_648 = arith.constant 80 : i32
        %mul3A_649 = arith.muli %add3A_564, %mul3A_648 : i32
        %dma_start3A_650 = arith.constant 0 : i32
        %dma_start3A_651 = tpu.memref_slice %arg6[%mul3A_649, %dma_start3A_650] : memref<10000x128xf32, #tpu.memory_space<hbm>> -> memref<80x128xf32, #tpu.memory_space<hbm>>
        %dma_start3A_652 = arith.constant 0 : i32
        %dma_start3A_653 = tpu.memref_slice %arg12[%mul3A_647, %dma_start3A_652] : memref<10000x128xf32, #tpu.memory_space<vmem_shared>> -> memref<80x128xf32, #tpu.memory_space<vmem_shared>>
        tpu.enqueue_dma source(%dma_start3A_653 : memref<80x128xf32, #tpu.memory_space<vmem_shared>>) target(%dma_start3A_651 : memref<80x128xf32, #tpu.memory_space<hbm>>) target_semaphore(%arg13 : memref<!tpu.dma_semaphore, #tpu.memory_space<semaphore_mem>>)
      } else {
      }
      %add3A_570 = arith.constant 80 : i32
      %add3A_571 = arith.addi %add3A_570, %arg1 : i32
      %lt3A_572 = arith.constant 125 : i32
      %lt3A_573 = arith.cmpi slt, %add3A_571, %lt3A_572 : i32
      %convert_element_type3A_574 = arith.extui %lt3A_573 : i1 to i32
      %cond3A_575 = arith.constant 0 : i32
      %cond3A_576 = arith.cmpi ne, %convert_element_type3A_574, %cond3A_575 : i32
      scf.if %cond3A_576 {
        %mul3A = arith.constant 80 : i32
        %mul3A_647 = arith.muli %add3A_571, %mul3A : i32
        %mul3A_648 = arith.constant 80 : i32
        %mul3A_649 = arith.muli %add3A_571, %mul3A_648 : i32
        %dma_start3A_650 = arith.constant 0 : i32
        %dma_start3A_651 = tpu.memref_slice %arg6[%mul3A_649, %dma_start3A_650] : memref<10000x128xf32, #tpu.memory_space<hbm>> -> memref<80x128xf32, #tpu.memory_space<hbm>>
        %dma_start3A_652 = arith.constant 0 : i32
        %dma_start3A_653 = tpu.memref_slice %arg12[%mul3A_647, %dma_start3A_652] : memref<10000x128xf32, #tpu.memory_space<vmem_shared>> -> memref<80x128xf32, #tpu.memory_space<vmem_shared>>
        tpu.enqueue_dma source(%dma_start3A_653 : memref<80x128xf32, #tpu.memory_space<vmem_shared>>) target(%dma_start3A_651 : memref<80x128xf32, #tpu.memory_space<hbm>>) target_semaphore(%arg13 : memref<!tpu.dma_semaphore, #tpu.memory_space<semaphore_mem>>)
      } else {
      }
      %add3A_577 = arith.constant 96 : i32
      %add3A_578 = arith.addi %add3A_577, %arg1 : i32
      %lt3A_579 = arith.constant 125 : i32
      %lt3A_580 = arith.cmpi slt, %add3A_578, %lt3A_579 : i32
      %convert_element_type3A_581 = arith.extui %lt3A_580 : i1 to i32
      %cond3A_582 = arith.constant 0 : i32
      %cond3A_583 = arith.cmpi ne, %convert_element_type3A_581, %cond3A_582 : i32
      scf.if %cond3A_583 {
        %mul3A = arith.constant 80 : i32
        %mul3A_647 = arith.muli %add3A_578, %mul3A : i32
        %mul3A_648 = arith.constant 80 : i32
        %mul3A_649 = arith.muli %add3A_578, %mul3A_648 : i32
        %dma_start3A_650 = arith.constant 0 : i32
        %dma_start3A_651 = tpu.memref_slice %arg6[%mul3A_649, %dma_start3A_650] : memref<10000x128xf32, #tpu.memory_space<hbm>> -> memref<80x128xf32, #tpu.memory_space<hbm>>
        %dma_start3A_652 = arith.constant 0 : i32
        %dma_start3A_653 = tpu.memref_slice %arg12[%mul3A_647, %dma_start3A_652] : memref<10000x128xf32, #tpu.memory_space<vmem_shared>> -> memref<80x128xf32, #tpu.memory_space<vmem_shared>>
        tpu.enqueue_dma source(%dma_start3A_653 : memref<80x128xf32, #tpu.memory_space<vmem_shared>>) target(%dma_start3A_651 : memref<80x128xf32, #tpu.memory_space<hbm>>) target_semaphore(%arg13 : memref<!tpu.dma_semaphore, #tpu.memory_space<semaphore_mem>>)
      } else {
      }
      %add3A_584 = arith.constant 112 : i32
      %add3A_585 = arith.addi %add3A_584, %arg1 : i32
      %lt3A_586 = arith.constant 125 : i32
      %lt3A_587 = arith.cmpi slt, %add3A_585, %lt3A_586 : i32
      %convert_element_type3A_588 = arith.extui %lt3A_587 : i1 to i32
      %cond3A_589 = arith.constant 0 : i32
      %cond3A_590 = arith.cmpi ne, %convert_element_type3A_588, %cond3A_589 : i32
      scf.if %cond3A_590 {
        %mul3A = arith.constant 80 : i32
        %mul3A_647 = arith.muli %add3A_585, %mul3A : i32
        %mul3A_648 = arith.constant 80 : i32
        %mul3A_649 = arith.muli %add3A_585, %mul3A_648 : i32
        %dma_start3A_650 = arith.constant 0 : i32
        %dma_start3A_651 = tpu.memref_slice %arg6[%mul3A_649, %dma_start3A_650] : memref<10000x128xf32, #tpu.memory_space<hbm>> -> memref<80x128xf32, #tpu.memory_space<hbm>>
        %dma_start3A_652 = arith.constant 0 : i32
        %dma_start3A_653 = tpu.memref_slice %arg12[%mul3A_647, %dma_start3A_652] : memref<10000x128xf32, #tpu.memory_space<vmem_shared>> -> memref<80x128xf32, #tpu.memory_space<vmem_shared>>
        tpu.enqueue_dma source(%dma_start3A_653 : memref<80x128xf32, #tpu.memory_space<vmem_shared>>) target(%dma_start3A_651 : memref<80x128xf32, #tpu.memory_space<hbm>>) target_semaphore(%arg13 : memref<!tpu.dma_semaphore, #tpu.memory_space<semaphore_mem>>)
      } else {
      }
      %add3A_591 = arith.constant 0 : i32
      %add3A_592 = arith.addi %add3A_591, %arg1 : i32
      %lt3A_593 = arith.constant 125 : i32
      %lt3A_594 = arith.cmpi slt, %add3A_592, %lt3A_593 : i32
      %convert_element_type3A_595 = arith.extui %lt3A_594 : i1 to i32
      %cond3A_596 = arith.constant 0 : i32
      %cond3A_597 = arith.cmpi ne, %convert_element_type3A_595, %cond3A_596 : i32
      scf.if %cond3A_597 {
        %mul3A = arith.constant 80 : i32
        %mul3A_647 = arith.muli %add3A_592, %mul3A : i32
        %mul3A_648 = arith.constant 80 : i32
        %mul3A_649 = arith.muli %add3A_592, %mul3A_648 : i32
        %dma_wait3A_650 = arith.constant 0 : i32
        %dma_wait3A_651 = tpu.memref_slice %arg6[%mul3A_649, %dma_wait3A_650] : memref<10000x128xf32, #tpu.memory_space<hbm>> -> memref<80x128xf32, #tpu.memory_space<hbm>>
        %dma_wait3A_652 = arith.constant 0 : i32
        %dma_wait3A_653 = tpu.memref_slice %arg12[%mul3A_647, %dma_wait3A_652] : memref<10000x128xf32, #tpu.memory_space<vmem_shared>> -> memref<80x128xf32, #tpu.memory_space<vmem_shared>>
        tpu.wait_dma2 semaphore(%arg13 : memref<!tpu.dma_semaphore, #tpu.memory_space<semaphore_mem>>) src(%dma_wait3A_653 : memref<80x128xf32, #tpu.memory_space<vmem_shared>>) dst(%dma_wait3A_651 : memref<80x128xf32, #tpu.memory_space<hbm>>)
      } else {
      }
      %add3A_598 = arith.constant 16 : i32
      %add3A_599 = arith.addi %add3A_598, %arg1 : i32
      %lt3A_600 = arith.constant 125 : i32
      %lt3A_601 = arith.cmpi slt, %add3A_599, %lt3A_600 : i32
      %convert_element_type3A_602 = arith.extui %lt3A_601 : i1 to i32
      %cond3A_603 = arith.constant 0 : i32
      %cond3A_604 = arith.cmpi ne, %convert_element_type3A_602, %cond3A_603 : i32
      scf.if %cond3A_604 {
        %mul3A = arith.constant 80 : i32
        %mul3A_647 = arith.muli %add3A_599, %mul3A : i32
        %mul3A_648 = arith.constant 80 : i32
        %mul3A_649 = arith.muli %add3A_599, %mul3A_648 : i32
        %dma_wait3A_650 = arith.constant 0 : i32
        %dma_wait3A_651 = tpu.memref_slice %arg6[%mul3A_649, %dma_wait3A_650] : memref<10000x128xf32, #tpu.memory_space<hbm>> -> memref<80x128xf32, #tpu.memory_space<hbm>>
        %dma_wait3A_652 = arith.constant 0 : i32
        %dma_wait3A_653 = tpu.memref_slice %arg12[%mul3A_647, %dma_wait3A_652] : memref<10000x128xf32, #tpu.memory_space<vmem_shared>> -> memref<80x128xf32, #tpu.memory_space<vmem_shared>>
        tpu.wait_dma2 semaphore(%arg13 : memref<!tpu.dma_semaphore, #tpu.memory_space<semaphore_mem>>) src(%dma_wait3A_653 : memref<80x128xf32, #tpu.memory_space<vmem_shared>>) dst(%dma_wait3A_651 : memref<80x128xf32, #tpu.memory_space<hbm>>)
      } else {
      }
      %add3A_605 = arith.constant 32 : i32
      %add3A_606 = arith.addi %add3A_605, %arg1 : i32
      %lt3A_607 = arith.constant 125 : i32
      %lt3A_608 = arith.cmpi slt, %add3A_606, %lt3A_607 : i32
      %convert_element_type3A_609 = arith.extui %lt3A_608 : i1 to i32
      %cond3A_610 = arith.constant 0 : i32
      %cond3A_611 = arith.cmpi ne, %convert_element_type3A_609, %cond3A_610 : i32
      scf.if %cond3A_611 {
        %mul3A = arith.constant 80 : i32
        %mul3A_647 = arith.muli %add3A_606, %mul3A : i32
        %mul3A_648 = arith.constant 80 : i32
        %mul3A_649 = arith.muli %add3A_606, %mul3A_648 : i32
        %dma_wait3A_650 = arith.constant 0 : i32
        %dma_wait3A_651 = tpu.memref_slice %arg6[%mul3A_649, %dma_wait3A_650] : memref<10000x128xf32, #tpu.memory_space<hbm>> -> memref<80x128xf32, #tpu.memory_space<hbm>>
        %dma_wait3A_652 = arith.constant 0 : i32
        %dma_wait3A_653 = tpu.memref_slice %arg12[%mul3A_647, %dma_wait3A_652] : memref<10000x128xf32, #tpu.memory_space<vmem_shared>> -> memref<80x128xf32, #tpu.memory_space<vmem_shared>>
        tpu.wait_dma2 semaphore(%arg13 : memref<!tpu.dma_semaphore, #tpu.memory_space<semaphore_mem>>) src(%dma_wait3A_653 : memref<80x128xf32, #tpu.memory_space<vmem_shared>>) dst(%dma_wait3A_651 : memref<80x128xf32, #tpu.memory_space<hbm>>)
      } else {
      }
      %add3A_612 = arith.constant 48 : i32
      %add3A_613 = arith.addi %add3A_612, %arg1 : i32
      %lt3A_614 = arith.constant 125 : i32
      %lt3A_615 = arith.cmpi slt, %add3A_613, %lt3A_614 : i32
      %convert_element_type3A_616 = arith.extui %lt3A_615 : i1 to i32
      %cond3A_617 = arith.constant 0 : i32
      %cond3A_618 = arith.cmpi ne, %convert_element_type3A_616, %cond3A_617 : i32
      scf.if %cond3A_618 {
        %mul3A = arith.constant 80 : i32
        %mul3A_647 = arith.muli %add3A_613, %mul3A : i32
        %mul3A_648 = arith.constant 80 : i32
        %mul3A_649 = arith.muli %add3A_613, %mul3A_648 : i32
        %dma_wait3A_650 = arith.constant 0 : i32
        %dma_wait3A_651 = tpu.memref_slice %arg6[%mul3A_649, %dma_wait3A_650] : memref<10000x128xf32, #tpu.memory_space<hbm>> -> memref<80x128xf32, #tpu.memory_space<hbm>>
        %dma_wait3A_652 = arith.constant 0 : i32
        %dma_wait3A_653 = tpu.memref_slice %arg12[%mul3A_647, %dma_wait3A_652] : memref<10000x128xf32, #tpu.memory_space<vmem_shared>> -> memref<80x128xf32, #tpu.memory_space<vmem_shared>>
        tpu.wait_dma2 semaphore(%arg13 : memref<!tpu.dma_semaphore, #tpu.memory_space<semaphore_mem>>) src(%dma_wait3A_653 : memref<80x128xf32, #tpu.memory_space<vmem_shared>>) dst(%dma_wait3A_651 : memref<80x128xf32, #tpu.memory_space<hbm>>)
      } else {
      }
      %add3A_619 = arith.constant 64 : i32
      %add3A_620 = arith.addi %add3A_619, %arg1 : i32
      %lt3A_621 = arith.constant 125 : i32
      %lt3A_622 = arith.cmpi slt, %add3A_620, %lt3A_621 : i32
      %convert_element_type3A_623 = arith.extui %lt3A_622 : i1 to i32
      %cond3A_624 = arith.constant 0 : i32
      %cond3A_625 = arith.cmpi ne, %convert_element_type3A_623, %cond3A_624 : i32
      scf.if %cond3A_625 {
        %mul3A = arith.constant 80 : i32
        %mul3A_647 = arith.muli %add3A_620, %mul3A : i32
        %mul3A_648 = arith.constant 80 : i32
        %mul3A_649 = arith.muli %add3A_620, %mul3A_648 : i32
        %dma_wait3A_650 = arith.constant 0 : i32
        %dma_wait3A_651 = tpu.memref_slice %arg6[%mul3A_649, %dma_wait3A_650] : memref<10000x128xf32, #tpu.memory_space<hbm>> -> memref<80x128xf32, #tpu.memory_space<hbm>>
        %dma_wait3A_652 = arith.constant 0 : i32
        %dma_wait3A_653 = tpu.memref_slice %arg12[%mul3A_647, %dma_wait3A_652] : memref<10000x128xf32, #tpu.memory_space<vmem_shared>> -> memref<80x128xf32, #tpu.memory_space<vmem_shared>>
        tpu.wait_dma2 semaphore(%arg13 : memref<!tpu.dma_semaphore, #tpu.memory_space<semaphore_mem>>) src(%dma_wait3A_653 : memref<80x128xf32, #tpu.memory_space<vmem_shared>>) dst(%dma_wait3A_651 : memref<80x128xf32, #tpu.memory_space<hbm>>)
      } else {
      }
      %add3A_626 = arith.constant 80 : i32
      %add3A_627 = arith.addi %add3A_626, %arg1 : i32
      %lt3A_628 = arith.constant 125 : i32
      %lt3A_629 = arith.cmpi slt, %add3A_627, %lt3A_628 : i32
      %convert_element_type3A_630 = arith.extui %lt3A_629 : i1 to i32
      %cond3A_631 = arith.constant 0 : i32
      %cond3A_632 = arith.cmpi ne, %convert_element_type3A_630, %cond3A_631 : i32
      scf.if %cond3A_632 {
        %mul3A = arith.constant 80 : i32
        %mul3A_647 = arith.muli %add3A_627, %mul3A : i32
        %mul3A_648 = arith.constant 80 : i32
        %mul3A_649 = arith.muli %add3A_627, %mul3A_648 : i32
        %dma_wait3A_650 = arith.constant 0 : i32
        %dma_wait3A_651 = tpu.memref_slice %arg6[%mul3A_649, %dma_wait3A_650] : memref<10000x128xf32, #tpu.memory_space<hbm>> -> memref<80x128xf32, #tpu.memory_space<hbm>>
        %dma_wait3A_652 = arith.constant 0 : i32
        %dma_wait3A_653 = tpu.memref_slice %arg12[%mul3A_647, %dma_wait3A_652] : memref<10000x128xf32, #tpu.memory_space<vmem_shared>> -> memref<80x128xf32, #tpu.memory_space<vmem_shared>>
        tpu.wait_dma2 semaphore(%arg13 : memref<!tpu.dma_semaphore, #tpu.memory_space<semaphore_mem>>) src(%dma_wait3A_653 : memref<80x128xf32, #tpu.memory_space<vmem_shared>>) dst(%dma_wait3A_651 : memref<80x128xf32, #tpu.memory_space<hbm>>)
      } else {
      }
      %add3A_633 = arith.constant 96 : i32
      %add3A_634 = arith.addi %add3A_633, %arg1 : i32
      %lt3A_635 = arith.constant 125 : i32
      %lt3A_636 = arith.cmpi slt, %add3A_634, %lt3A_635 : i32
      %convert_element_type3A_637 = arith.extui %lt3A_636 : i1 to i32
      %cond3A_638 = arith.constant 0 : i32
      %cond3A_639 = arith.cmpi ne, %convert_element_type3A_637, %cond3A_638 : i32
      scf.if %cond3A_639 {
        %mul3A = arith.constant 80 : i32
        %mul3A_647 = arith.muli %add3A_634, %mul3A : i32
        %mul3A_648 = arith.constant 80 : i32
        %mul3A_649 = arith.muli %add3A_634, %mul3A_648 : i32
        %dma_wait3A_650 = arith.constant 0 : i32
        %dma_wait3A_651 = tpu.memref_slice %arg6[%mul3A_649, %dma_wait3A_650] : memref<10000x128xf32, #tpu.memory_space<hbm>> -> memref<80x128xf32, #tpu.memory_space<hbm>>
        %dma_wait3A_652 = arith.constant 0 : i32
        %dma_wait3A_653 = tpu.memref_slice %arg12[%mul3A_647, %dma_wait3A_652] : memref<10000x128xf32, #tpu.memory_space<vmem_shared>> -> memref<80x128xf32, #tpu.memory_space<vmem_shared>>
        tpu.wait_dma2 semaphore(%arg13 : memref<!tpu.dma_semaphore, #tpu.memory_space<semaphore_mem>>) src(%dma_wait3A_653 : memref<80x128xf32, #tpu.memory_space<vmem_shared>>) dst(%dma_wait3A_651 : memref<80x128xf32, #tpu.memory_space<hbm>>)
      } else {
      }
      %add3A_640 = arith.constant 112 : i32
      %add3A_641 = arith.addi %add3A_640, %arg1 : i32
      %lt3A_642 = arith.constant 125 : i32
      %lt3A_643 = arith.cmpi slt, %add3A_641, %lt3A_642 : i32
      %convert_element_type3A_644 = arith.extui %lt3A_643 : i1 to i32
      %cond3A_645 = arith.constant 0 : i32
      %cond3A_646 = arith.cmpi ne, %convert_element_type3A_644, %cond3A_645 : i32
      scf.if %cond3A_646 {
        %mul3A = arith.constant 80 : i32
        %mul3A_647 = arith.muli %add3A_641, %mul3A : i32
        %mul3A_648 = arith.constant 80 : i32
        %mul3A_649 = arith.muli %add3A_641, %mul3A_648 : i32
        %dma_wait3A_650 = arith.constant 0 : i32
        %dma_wait3A_651 = tpu.memref_slice %arg6[%mul3A_649, %dma_wait3A_650] : memref<10000x128xf32, #tpu.memory_space<hbm>> -> memref<80x128xf32, #tpu.memory_space<hbm>>
        %dma_wait3A_652 = arith.constant 0 : i32
        %dma_wait3A_653 = tpu.memref_slice %arg12[%mul3A_647, %dma_wait3A_652] : memref<10000x128xf32, #tpu.memory_space<vmem_shared>> -> memref<80x128xf32, #tpu.memory_space<vmem_shared>>
        tpu.wait_dma2 semaphore(%arg13 : memref<!tpu.dma_semaphore, #tpu.memory_space<semaphore_mem>>) src(%dma_wait3A_653 : memref<80x128xf32, #tpu.memory_space<vmem_shared>>) dst(%dma_wait3A_651 : memref<80x128xf32, #tpu.memory_space<hbm>>)
      } else {
      }
    } else {
    }
    return
  }
}

#map = affine_map<(d0, d1) -> (0, 0)>
module attributes {stable_mosaic.version = 14 : i64} {
  func.func @_deg_kernel(%arg0: i32, %arg1: i32, %arg2: memref<2x320000xi32, #tpu.memory_space<hbm>>, %arg3: memref<32x10000xf32, #tpu.memory_space<hbm>>, %arg4: memref<2x10240xi32, #tpu.memory_space<vmem>>, %arg5: memref<10000xf32, #tpu.memory_space<vmem>>) attributes {dimension_semantics = [#tpu.dimension_semantics<core_parallel>, #tpu.dimension_semantics<subcore_parallel>], iteration_bounds = array<i64: 2, 16>, scalar_prefetch = 0 : i64, scratch_operands = 2 : i64, tpu.core_type = #tpu.core_type<sc_vector_subcore>, window_params = [{transform_indices = #map}, {transform_indices = #map}]} {
    %mul3A = arith.constant 2 : i32
    %mul3A_0 = arith.muli %arg1, %mul3A : i32
    %add3A = arith.addi %mul3A_0, %arg0 : i32
    %broadcast_in_dim3A = arith.constant 0.000000e+00 : f32
    %broadcast_in_dim3A_1 = vector.broadcast %broadcast_in_dim3A : f32 to vector<16xf32>
    %scan3A = arith.constant 0 : i32
    %scan3A_2 = arith.constant 0 : i32
    %scan3A_3 = arith.constant 625 : i32
    %scan3A_4 = arith.addi %scan3A_2, %scan3A_3 : i32
    %scan3A_5 = arith.constant 1 : i32
    scf.for %scan3A_15 = %scan3A_2 to %scan3A_4 step %scan3A_5  : i32 {
      %mul3A_16 = arith.constant 16 : i32
      %mul3A_17 = arith.muli %scan3A_15, %mul3A_16 : i32
      %swap3A = arith.index_cast %mul3A_17 : i32 to index
      %swap3A_18 = tpu.vector_load %arg5[%swap3A] {strides = array<i32>} : memref<10000xf32, #tpu.memory_space<vmem>>, vector<16xf32>,
      tpu.vector_store %arg5[%swap3A], %broadcast_in_dim3A_1 {strides = array<i32>} : memref<10000xf32, #tpu.memory_space<vmem>>, vector<16xf32>,
    }
    %scan3A_6 = arith.constant 625 : i32
    %broadcast_in_dim3A_7 = arith.constant 1.000000e+00 : f32
    %broadcast_in_dim3A_8 = vector.broadcast %broadcast_in_dim3A_7 : f32 to vector<16xf32>
    %lt3A = arith.constant 31 : i32
    %lt3A_9 = arith.cmpi slt, %add3A, %lt3A : i32
    %convert_element_type3A = arith.extui %lt3A_9 : i1 to i32
    %cond3A = arith.constant 0 : i32
    %cond3A_10 = arith.cmpi ne, %convert_element_type3A, %cond3A : i32
    scf.if %cond3A_10 {
      %mul3A_15 = arith.constant 10240 : i32
      %mul3A_16 = arith.muli %add3A, %mul3A_15 : i32
      "tpu.region"() ({
        %run_scoped3A = tpu.sem_alloc : memref<!tpu.dma_semaphore, #tpu.memory_space<semaphore_mem>>
        %dma_start3A = arith.constant 0 : i32
        %dma_start3A_23 = tpu.memref_slice %arg2[%dma_start3A, %mul3A_16] : memref<2x320000xi32, #tpu.memory_space<hbm>> -> memref<2x10240xi32, #tpu.memory_space<hbm>>
        %dma_start3A_24 = arith.constant 0 : i32
        %dma_start3A_25 = tpu.memref_slice %arg2[%dma_start3A_24, %mul3A_16] : memref<2x320000xi32, #tpu.memory_space<hbm>> -> memref<2x10240xi32, #tpu.memory_space<hbm>>
        tpu.enqueue_dma source(%dma_start3A_25 : memref<2x10240xi32, #tpu.memory_space<hbm>>) target(%arg4 : memref<2x10240xi32, #tpu.memory_space<vmem>>) target_semaphore(%run_scoped3A : memref<!tpu.dma_semaphore, #tpu.memory_space<semaphore_mem>>)
        %dma_wait3A = arith.constant 0 : i32
        %dma_wait3A_26 = tpu.memref_slice %arg2[%dma_wait3A, %mul3A_16] : memref<2x320000xi32, #tpu.memory_space<hbm>> -> memref<2x10240xi32, #tpu.memory_space<hbm>>
        %dma_wait3A_27 = arith.constant 0 : i32
        %dma_wait3A_28 = tpu.memref_slice %arg2[%dma_wait3A_27, %mul3A_16] : memref<2x320000xi32, #tpu.memory_space<hbm>> -> memref<2x10240xi32, #tpu.memory_space<hbm>>
        tpu.wait_dma2 semaphore(%run_scoped3A : memref<!tpu.dma_semaphore, #tpu.memory_space<semaphore_mem>>) src(%dma_wait3A_28 : memref<2x10240xi32, #tpu.memory_space<hbm>>) dst(%arg4 : memref<2x10240xi32, #tpu.memory_space<vmem>>)
        tpu.yield
      }) : () -> ()
      %scan3A_17 = arith.constant 0 : i32
      %scan3A_18 = arith.constant 0 : i32
      %scan3A_19 = arith.constant 640 : i32
      %scan3A_20 = arith.addi %scan3A_18, %scan3A_19 : i32
      %scan3A_21 = arith.constant 1 : i32
      scf.for %scan3A_23 = %scan3A_18 to %scan3A_20 step %scan3A_21  : i32 {
        %mul3A_24 = arith.constant 16 : i32
        %mul3A_25 = arith.muli %scan3A_23, %mul3A_24 : i32
        %get3A = arith.constant 1 : i32
        %get3A_26 = arith.index_cast %get3A : i32 to index
        %get3A_27 = arith.index_cast %mul3A_25 : i32 to index
        %get3A_28 = tpu.vector_load %arg4[%get3A_26, %get3A_27] {strides = array<i32>} : memref<2x10240xi32, #tpu.memory_space<vmem>>, vector<16xi32>,
        tpu.vector_store_idx %arg5[%get3A_28], %broadcast_in_dim3A_8 {add = true} : memref<10000xf32, #tpu.memory_space<vmem>>[vector<16xi32>], vector<16xf32>,
      }
      %scan3A_22 = arith.constant 640 : i32
    } else {
    }
    %eq3A = arith.constant 31 : i32
    %eq3A_11 = arith.cmpi eq, %add3A, %eq3A : i32
    %convert_element_type3A_12 = arith.extui %eq3A_11 : i1 to i32
    %cond3A_13 = arith.constant 0 : i32
    %cond3A_14 = arith.cmpi ne, %convert_element_type3A_12, %cond3A_13 : i32
    scf.if %cond3A_14 {
      "tpu.region"() ({
        %run_scoped3A = tpu.sem_alloc : memref<!tpu.dma_semaphore, #tpu.memory_space<semaphore_mem>>
        %dma_start3A = arith.constant 0 : i32
        %dma_start3A_21 = arith.constant 0 : i32
        %dma_start3A_22 = tpu.memref_slice %arg4[%dma_start3A, %dma_start3A_21] : memref<2x10240xi32, #tpu.memory_space<vmem>> -> memref<2x2560xi32, #tpu.memory_space<vmem>>
        %dma_start3A_23 = arith.constant 0 : i32
        %dma_start3A_24 = arith.constant 317440 : i32
        %dma_start3A_25 = tpu.memref_slice %arg2[%dma_start3A_23, %dma_start3A_24] : memref<2x320000xi32, #tpu.memory_space<hbm>> -> memref<2x2560xi32, #tpu.memory_space<hbm>>
        %dma_start3A_26 = arith.constant 0 : i32
        %dma_start3A_27 = arith.constant 0 : i32
        %dma_start3A_28 = tpu.memref_slice %arg4[%dma_start3A_26, %dma_start3A_27] : memref<2x10240xi32, #tpu.memory_space<vmem>> -> memref<2x2560xi32, #tpu.memory_space<vmem>>
        %dma_start3A_29 = arith.constant 0 : i32
        %dma_start3A_30 = arith.constant 317440 : i32
        %dma_start3A_31 = tpu.memref_slice %arg2[%dma_start3A_29, %dma_start3A_30] : memref<2x320000xi32, #tpu.memory_space<hbm>> -> memref<2x2560xi32, #tpu.memory_space<hbm>>
        tpu.enqueue_dma source(%dma_start3A_31 : memref<2x2560xi32, #tpu.memory_space<hbm>>) target(%dma_start3A_28 : memref<2x2560xi32, #tpu.memory_space<vmem>>) target_semaphore(%run_scoped3A : memref<!tpu.dma_semaphore, #tpu.memory_space<semaphore_mem>>)
        %dma_wait3A = arith.constant 0 : i32
        %dma_wait3A_32 = arith.constant 0 : i32
        %dma_wait3A_33 = tpu.memref_slice %arg4[%dma_wait3A, %dma_wait3A_32] : memref<2x10240xi32, #tpu.memory_space<vmem>> -> memref<2x2560xi32, #tpu.memory_space<vmem>>
        %dma_wait3A_34 = arith.constant 0 : i32
        %dma_wait3A_35 = arith.constant 317440 : i32
        %dma_wait3A_36 = tpu.memref_slice %arg2[%dma_wait3A_34, %dma_wait3A_35] : memref<2x320000xi32, #tpu.memory_space<hbm>> -> memref<2x2560xi32, #tpu.memory_space<hbm>>
        %dma_wait3A_37 = arith.constant 0 : i32
        %dma_wait3A_38 = arith.constant 0 : i32
        %dma_wait3A_39 = tpu.memref_slice %arg4[%dma_wait3A_37, %dma_wait3A_38] : memref<2x10240xi32, #tpu.memory_space<vmem>> -> memref<2x2560xi32, #tpu.memory_space<vmem>>
        %dma_wait3A_40 = arith.constant 0 : i32
        %dma_wait3A_41 = arith.constant 317440 : i32
        %dma_wait3A_42 = tpu.memref_slice %arg2[%dma_wait3A_40, %dma_wait3A_41] : memref<2x320000xi32, #tpu.memory_space<hbm>> -> memref<2x2560xi32, #tpu.memory_space<hbm>>
        tpu.wait_dma2 semaphore(%run_scoped3A : memref<!tpu.dma_semaphore, #tpu.memory_space<semaphore_mem>>) src(%dma_wait3A_42 : memref<2x2560xi32, #tpu.memory_space<hbm>>) dst(%dma_wait3A_39 : memref<2x2560xi32, #tpu.memory_space<vmem>>)
        tpu.yield
      }) : () -> ()
      %scan3A_15 = arith.constant 0 : i32
      %scan3A_16 = arith.constant 0 : i32
      %scan3A_17 = arith.constant 160 : i32
      %scan3A_18 = arith.addi %scan3A_16, %scan3A_17 : i32
      %scan3A_19 = arith.constant 1 : i32
      scf.for %scan3A_21 = %scan3A_16 to %scan3A_18 step %scan3A_19  : i32 {
        %mul3A_22 = arith.constant 16 : i32
        %mul3A_23 = arith.muli %scan3A_21, %mul3A_22 : i32
        %get3A = arith.constant 1 : i32
        %get3A_24 = arith.index_cast %get3A : i32 to index
        %get3A_25 = arith.index_cast %mul3A_23 : i32 to index
        %get3A_26 = tpu.vector_load %arg4[%get3A_24, %get3A_25] {strides = array<i32>} : memref<2x10240xi32, #tpu.memory_space<vmem>>, vector<16xi32>,
        tpu.vector_store_idx %arg5[%get3A_26], %broadcast_in_dim3A_8 {add = true} : memref<10000xf32, #tpu.memory_space<vmem>>[vector<16xi32>], vector<16xf32>,
      }
      %scan3A_20 = arith.constant 160 : i32
    } else {
    }
    "tpu.region"() ({
      %run_scoped3A = tpu.sem_alloc : memref<!tpu.dma_semaphore, #tpu.memory_space<semaphore_mem>>
      %dma_start3A = arith.constant 0 : i32
      %dma_start3A_15 = tpu.memref_slice %arg3[%add3A, %dma_start3A] : memref<32x10000xf32, #tpu.memory_space<hbm>> -> memref<1x10000xf32, #tpu.memory_space<hbm>>
      %dma_start3A_16 = tpu.memref_squeeze %dma_start3A_15 : memref<1x10000xf32, #tpu.memory_space<hbm>> -> memref<10000xf32, #tpu.memory_space<hbm>>
      %dma_start3A_17 = arith.constant 0 : i32
      %dma_start3A_18 = tpu.memref_slice %arg3[%add3A, %dma_start3A_17] : memref<32x10000xf32, #tpu.memory_space<hbm>> -> memref<1x10000xf32, #tpu.memory_space<hbm>>
      %dma_start3A_19 = tpu.memref_squeeze %dma_start3A_18 : memref<1x10000xf32, #tpu.memory_space<hbm>> -> memref<10000xf32, #tpu.memory_space<hbm>>
      tpu.enqueue_dma source(%arg5 : memref<10000xf32, #tpu.memory_space<vmem>>) target(%dma_start3A_19 : memref<10000xf32, #tpu.memory_space<hbm>>) target_semaphore(%run_scoped3A : memref<!tpu.dma_semaphore, #tpu.memory_space<semaphore_mem>>)
      %dma_wait3A = arith.constant 0 : i32
      %dma_wait3A_20 = tpu.memref_slice %arg3[%add3A, %dma_wait3A] : memref<32x10000xf32, #tpu.memory_space<hbm>> -> memref<1x10000xf32, #tpu.memory_space<hbm>>
      %dma_wait3A_21 = tpu.memref_squeeze %dma_wait3A_20 : memref<1x10000xf32, #tpu.memory_space<hbm>> -> memref<10000xf32, #tpu.memory_space<hbm>>
      %dma_wait3A_22 = arith.constant 0 : i32
      %dma_wait3A_23 = tpu.memref_slice %arg3[%add3A, %dma_wait3A_22] : memref<32x10000xf32, #tpu.memory_space<hbm>> -> memref<1x10000xf32, #tpu.memory_space<hbm>>
      %dma_wait3A_24 = tpu.memref_squeeze %dma_wait3A_23 : memref<1x10000xf32, #tpu.memory_space<hbm>> -> memref<10000xf32, #tpu.memory_space<hbm>>
      tpu.wait_dma2 semaphore(%run_scoped3A : memref<!tpu.dma_semaphore, #tpu.memory_space<semaphore_mem>>) src(%arg5 : memref<10000xf32, #tpu.memory_space<vmem>>) dst(%dma_wait3A_24 : memref<10000xf32, #tpu.memory_space<hbm>>)
      tpu.yield
    }) : () -> ()
    return
  }
}

module attributes {stable_mosaic.version = 14 : i64} {
  func.func @_front_body(%arg0: memref<10000x128xf32, #tpu.memory_space<vmem>>, %arg1: memref<128x128xf32, #tpu.memory_space<vmem>>, %arg2: memref<128x128xf32, #tpu.memory_space<vmem>>, %arg3: memref<32x10000xf32, #tpu.memory_space<vmem>>, %arg4: memref<10000x128xf32, #tpu.memory_space<vmem>>, %arg5: memref<10000x128xf32, #tpu.memory_space<vmem>>) attributes {dimension_semantics = [], scalar_prefetch = 0 : i64, scratch_operands = 0 : i64, tpu.core_type = #tpu.core_type<tc>} {
    %get3A = arith.constant 0 : index
    %get3A_0 = arith.constant 0 : index
    %get3A_1 = vector.load %arg3[%get3A, %get3A_0] : memref<32x10000xf32, #tpu.memory_space<vmem>>, vector<32x10000xf32>
    %broadcast_in_dim3A = arith.constant 1.000000e+00 : f32
    %broadcast_in_dim3A_2 = vector.broadcast %broadcast_in_dim3A : f32 to vector<32x1xf32>
    %dot_general3A = arith.constant dense<0.000000e+00> : vector<10000x1xf32>
    %dot_general3A_3 = tpu.matmul %get3A_1, %broadcast_in_dim3A_2, %dot_general3A {dimension_numbers = #tpu.dot_dimension_numbers<[0], [0], [1], [1], [0, 1, 1, 1], [], []>, transpose_lhs_hint = false} : vector<32x10000xf32>, vector<32x1xf32>, vector<10000x1xf32> -> vector<10000x1xf32>
    %add3A = arith.constant 1.000000e+00 : f32
    %add3A_4 = vector.broadcast %add3A : f32 to vector<10000x1xf32>
    %add3A_5 = arith.addf %dot_general3A_3, %add3A_4 : vector<10000x1xf32>
    %rsqrt3A = math.rsqrt %add3A_5 : vector<10000x1xf32>
    %get3A_6 = arith.constant 0 : index
    %get3A_7 = arith.constant 0 : index
    %get3A_8 = vector.load %arg0[%get3A_6, %get3A_7] : memref<10000x128xf32, #tpu.memory_space<vmem>>, vector<10000x128xf32>
    %get3A_9 = arith.constant 0 : index
    %get3A_10 = arith.constant 0 : index
    %get3A_11 = vector.load %arg1[%get3A_9, %get3A_10] : memref<128x128xf32, #tpu.memory_space<vmem>>, vector<128x128xf32>
    %dot_general3A_12 = arith.constant dense<0.000000e+00> : vector<10000x128xf32>
    %dot_general3A_13 = tpu.matmul %get3A_8, %get3A_11, %dot_general3A_12 {dimension_numbers = #tpu.dot_dimension_numbers<[1], [0], [0], [1], [0, 0, 1, 1], [], []>, transpose_lhs_hint = false} : vector<10000x128xf32>, vector<128x128xf32>, vector<10000x128xf32> -> vector<10000x128xf32>
    %mul3A = vector.broadcast %rsqrt3A : vector<10000x1xf32> to vector<10000x128xf32>
    %mul3A_14 = arith.mulf %dot_general3A_13, %mul3A : vector<10000x128xf32>
    %swap3A = arith.constant 0 : index
    %swap3A_15 = arith.constant 0 : index
    %swap3A_16 = vector.load %arg4[%swap3A, %swap3A_15] : memref<10000x128xf32, #tpu.memory_space<vmem>>, vector<10000x128xf32>
    tpu.vector_store %arg4[%swap3A, %swap3A_15], %mul3A_14 {strides = array<i32>} : memref<10000x128xf32, #tpu.memory_space<vmem>>, vector<10000x128xf32>,
    %get3A_17 = arith.constant 0 : index
    %get3A_18 = arith.constant 0 : index
    %get3A_19 = vector.load %arg2[%get3A_17, %get3A_18] : memref<128x128xf32, #tpu.memory_space<vmem>>, vector<128x128xf32>
    %dot_general3A_20 = arith.constant dense<0.000000e+00> : vector<10000x128xf32>
    %dot_general3A_21 = tpu.matmul %get3A_8, %get3A_19, %dot_general3A_20 {dimension_numbers = #tpu.dot_dimension_numbers<[1], [0], [0], [1], [0, 0, 1, 1], [], []>, transpose_lhs_hint = false} : vector<10000x128xf32>, vector<128x128xf32>, vector<10000x128xf32> -> vector<10000x128xf32>
    %mul3A_22 = vector.broadcast %rsqrt3A : vector<10000x1xf32> to vector<10000x128xf32>
    %mul3A_23 = arith.mulf %dot_general3A_21, %mul3A_22 : vector<10000x128xf32>
    %swap3A_24 = arith.constant 0 : index
    %swap3A_25 = arith.constant 0 : index
    %swap3A_26 = vector.load %arg5[%swap3A_24, %swap3A_25] : memref<10000x128xf32, #tpu.memory_space<vmem>>, vector<10000x128xf32>
    tpu.vector_store %arg5[%swap3A_24, %swap3A_25], %mul3A_23 {strides = array<i32>} : memref<10000x128xf32, #tpu.memory_space<vmem>>, vector<10000x128xf32>,
    return
  }
}

module attributes {stable_mosaic.version = 14 : i64} {
  func.func @_epi_body(%arg0: memref<10000x128xf32, #tpu.memory_space<vmem>>, %arg1: memref<10000x128xf32, #tpu.memory_space<vmem>>, %arg2: memref<32x10000xf32, #tpu.memory_space<vmem>>, %arg3: memref<10000x128xf32, #tpu.memory_space<vmem>>, %arg4: memref<128xf32, #tpu.memory_space<vmem>>, %arg5: memref<128x32xf32, #tpu.memory_space<vmem>>, %arg6: memref<32xf32, #tpu.memory_space<vmem>>, %arg7: memref<32x32xf32, #tpu.memory_space<vmem>>, %arg8: memref<32xf32, #tpu.memory_space<vmem>>, %arg9: memref<32x2xf32, #tpu.memory_space<vmem>>, %arg10: memref<2xf32, #tpu.memory_space<vmem>>, %arg11: memref<128xf32, #tpu.memory_space<vmem>>, %arg12: memref<128x32xf32, #tpu.memory_space<vmem>>, %arg13: memref<32xf32, #tpu.memory_space<vmem>>, %arg14: memref<32x32xf32, #tpu.memory_space<vmem>>, %arg15: memref<32xf32, #tpu.memory_space<vmem>>, %arg16: memref<32x2xf32, #tpu.memory_space<vmem>>, %arg17: memref<2xf32, #tpu.memory_space<vmem>>, %arg18: memref<10000xf32, #tpu.memory_space<vmem>>, %arg19: memref<10000xf32, #tpu.memory_space<vmem>>, %arg20: memref<1x2xf32, #tpu.memory_space<vmem>>) attributes {dimension_semantics = [], scalar_prefetch = 0 : i64, scratch_operands = 0 : i64, tpu.core_type = #tpu.core_type<tc>} {
    %get3A = arith.constant 0 : index
    %get3A_0 = arith.constant 0 : index
    %get3A_1 = vector.load %arg2[%get3A, %get3A_0] : memref<32x10000xf32, #tpu.memory_space<vmem>>, vector<32x10000xf32>
    %broadcast_in_dim3A = arith.constant 1.000000e+00 : f32
    %broadcast_in_dim3A_2 = vector.broadcast %broadcast_in_dim3A : f32 to vector<32x1xf32>
    %dot_general3A = arith.constant dense<0.000000e+00> : vector<10000x1xf32>
    %dot_general3A_3 = tpu.matmul %get3A_1, %broadcast_in_dim3A_2, %dot_general3A {dimension_numbers = #tpu.dot_dimension_numbers<[0], [0], [1], [1], [0, 1, 1, 1], [], []>, transpose_lhs_hint = false} : vector<32x10000xf32>, vector<32x1xf32>, vector<10000x1xf32> -> vector<10000x1xf32>
    %add3A = arith.constant 1.000000e+00 : f32
    %add3A_4 = vector.broadcast %add3A : f32 to vector<10000x1xf32>
    %add3A_5 = arith.addf %dot_general3A_3, %add3A_4 : vector<10000x1xf32>
    %rsqrt3A = math.rsqrt %add3A_5 : vector<10000x1xf32>
    %get3A_6 = arith.constant 0 : index
    %get3A_7 = arith.constant 0 : index
    %get3A_8 = vector.load %arg3[%get3A_6, %get3A_7] : memref<10000x128xf32, #tpu.memory_space<vmem>>, vector<10000x128xf32>
    %get3A_9 = arith.constant 0 : index
    %get3A_10 = arith.constant 0 : index
    %get3A_11 = vector.load %arg0[%get3A_9, %get3A_10] : memref<10000x128xf32, #tpu.memory_space<vmem>>, vector<10000x128xf32>
    %mul3A = vector.broadcast %rsqrt3A : vector<10000x1xf32> to vector<10000x128xf32>
    %mul3A_12 = arith.mulf %mul3A, %get3A_11 : vector<10000x128xf32>
    %get3A_13 = arith.constant 0 : index
    %get3A_14 = vector.load %arg4[%get3A_13] : memref<128xf32, #tpu.memory_space<vmem>>, vector<128xf32>
    %broadcast_in_dim3A_15 = vector.shape_cast %get3A_14 : vector<128xf32> to vector<1x128xf32>
    %add3A_16 = vector.broadcast %broadcast_in_dim3A_15 : vector<1x128xf32> to vector<10000x128xf32>
    %add3A_17 = arith.addf %mul3A_12, %add3A_16 : vector<10000x128xf32>
    %max3A = arith.constant 0.000000e+00 : f32
    %max3A_18 = vector.broadcast %max3A : f32 to vector<10000x128xf32>
    %max3A_19 = arith.maximumf %add3A_17, %max3A_18 : vector<10000x128xf32>
    %add3A_20 = arith.addf %max3A_19, %get3A_8 : vector<10000x128xf32>
    %get3A_21 = arith.constant 0 : index
    %get3A_22 = arith.constant 0 : index
    %get3A_23 = vector.load %arg5[%get3A_21, %get3A_22] : memref<128x32xf32, #tpu.memory_space<vmem>>, vector<128x32xf32>
    %dot_general3A_24 = arith.constant dense<0.000000e+00> : vector<10000x32xf32>
    %dot_general3A_25 = tpu.matmul %add3A_20, %get3A_23, %dot_general3A_24 {dimension_numbers = #tpu.dot_dimension_numbers<[1], [0], [0], [1], [0, 0, 1, 1], [], []>, transpose_lhs_hint = false} : vector<10000x128xf32>, vector<128x32xf32>, vector<10000x32xf32> -> vector<10000x32xf32>
    %get3A_26 = arith.constant 0 : index
    %get3A_27 = vector.load %arg6[%get3A_26] : memref<32xf32, #tpu.memory_space<vmem>>, vector<32xf32>
    %broadcast_in_dim3A_28 = vector.shape_cast %get3A_27 : vector<32xf32> to vector<1x32xf32>
    %add3A_29 = vector.broadcast %broadcast_in_dim3A_28 : vector<1x32xf32> to vector<10000x32xf32>
    %add3A_30 = arith.addf %dot_general3A_25, %add3A_29 : vector<10000x32xf32>
    %max3A_31 = arith.constant 0.000000e+00 : f32
    %max3A_32 = vector.broadcast %max3A_31 : f32 to vector<10000x32xf32>
    %max3A_33 = arith.maximumf %add3A_30, %max3A_32 : vector<10000x32xf32>
    %get3A_34 = arith.constant 0 : index
    %get3A_35 = arith.constant 0 : index
    %get3A_36 = vector.load %arg7[%get3A_34, %get3A_35] : memref<32x32xf32, #tpu.memory_space<vmem>>, vector<32x32xf32>
    %dot_general3A_37 = arith.constant dense<0.000000e+00> : vector<10000x32xf32>
    %dot_general3A_38 = tpu.matmul %max3A_33, %get3A_36, %dot_general3A_37 {dimension_numbers = #tpu.dot_dimension_numbers<[1], [0], [0], [1], [0, 0, 1, 1], [], []>, transpose_lhs_hint = false} : vector<10000x32xf32>, vector<32x32xf32>, vector<10000x32xf32> -> vector<10000x32xf32>
    %get3A_39 = arith.constant 0 : index
    %get3A_40 = vector.load %arg8[%get3A_39] : memref<32xf32, #tpu.memory_space<vmem>>, vector<32xf32>
    %broadcast_in_dim3A_41 = vector.shape_cast %get3A_40 : vector<32xf32> to vector<1x32xf32>
    %add3A_42 = vector.broadcast %broadcast_in_dim3A_41 : vector<1x32xf32> to vector<10000x32xf32>
    %add3A_43 = arith.addf %dot_general3A_38, %add3A_42 : vector<10000x32xf32>
    %max3A_44 = arith.constant 0.000000e+00 : f32
    %max3A_45 = vector.broadcast %max3A_44 : f32 to vector<10000x32xf32>
    %max3A_46 = arith.maximumf %add3A_43, %max3A_45 : vector<10000x32xf32>
    %get3A_47 = arith.constant 0 : index
    %get3A_48 = arith.constant 0 : index
    %get3A_49 = vector.load %arg9[%get3A_47, %get3A_48] : memref<32x2xf32, #tpu.memory_space<vmem>>, vector<32x2xf32>
    %dot_general3A_50 = arith.constant dense<0.000000e+00> : vector<2x10000xf32>
    %dot_general3A_51 = tpu.matmul %get3A_49, %max3A_46, %dot_general3A_50 {dimension_numbers = #tpu.dot_dimension_numbers<[0], [1], [1], [0], [0, 1, 1, 0], [], []>, transpose_lhs_hint = false} : vector<32x2xf32>, vector<10000x32xf32>, vector<2x10000xf32> -> vector<2x10000xf32>
    %get3A_52 = arith.constant 0 : index
    %get3A_53 = vector.load %arg10[%get3A_52] : memref<2xf32, #tpu.memory_space<vmem>>, vector<2xf32>
    %broadcast_in_dim3A_54 = vector.shape_cast %get3A_53 : vector<2xf32> to vector<2x1xf32>
    %add3A_55 = vector.broadcast %broadcast_in_dim3A_54 : vector<2x1xf32> to vector<2x10000xf32>
    %add3A_56 = arith.addf %dot_general3A_51, %add3A_55 : vector<2x10000xf32>
    %slice3A = vector.extract_strided_slice %add3A_56 {offsets = [0, 0], sizes = [1, 10000], strides = [1, 1]} : vector<2x10000xf32> to vector<1x10000xf32>
    %max3A_57 = arith.constant 0.000000e+00 : f32
    %max3A_58 = vector.broadcast %max3A_57 : f32 to vector<1x10000xf32>
    %max3A_59 = arith.maximumf %slice3A, %max3A_58 : vector<1x10000xf32>
    %abs3A = math.absf %slice3A : vector<1x10000xf32>
    %neg3A = arith.constant 0.000000e+00 : f32
    %neg3A_60 = vector.broadcast %neg3A : f32 to vector<1x10000xf32>
    %neg3A_61 = arith.subf %neg3A_60, %abs3A : vector<1x10000xf32>
    %exp3A = math.exp %neg3A_61 : vector<1x10000xf32>
    %log1p3A = math.log1p %exp3A : vector<1x10000xf32>
    %add3A_62 = arith.addf %max3A_59, %log1p3A : vector<1x10000xf32>
    %add3A_63 = arith.constant 9.99999968E-21 : f32
    %add3A_64 = vector.broadcast %add3A_63 : f32 to vector<1x10000xf32>
    %add3A_65 = arith.addf %add3A_62, %add3A_64 : vector<1x10000xf32>
    %reshape3A = vector.shape_cast %add3A_65 : vector<1x10000xf32> to vector<10000xf32>
    %swap3A = arith.constant 0 : index
    %swap3A_66 = vector.load %arg18[%swap3A] : memref<10000xf32, #tpu.memory_space<vmem>>, vector<10000xf32>
    tpu.vector_store %arg18[%swap3A], %reshape3A {strides = array<i32>} : memref<10000xf32, #tpu.memory_space<vmem>>, vector<10000xf32>,
    %slice3A_67 = vector.extract_strided_slice %add3A_56 {offsets = [1, 0], sizes = [1, 10000], strides = [1, 1]} : vector<2x10000xf32> to vector<1x10000xf32>
    %max3A_68 = arith.constant 0.000000e+00 : f32
    %max3A_69 = vector.broadcast %max3A_68 : f32 to vector<1x10000xf32>
    %max3A_70 = arith.maximumf %slice3A_67, %max3A_69 : vector<1x10000xf32>
    %abs3A_71 = math.absf %slice3A_67 : vector<1x10000xf32>
    %neg3A_72 = arith.constant 0.000000e+00 : f32
    %neg3A_73 = vector.broadcast %neg3A_72 : f32 to vector<1x10000xf32>
    %neg3A_74 = arith.subf %neg3A_73, %abs3A_71 : vector<1x10000xf32>
    %exp3A_75 = math.exp %neg3A_74 : vector<1x10000xf32>
    %log1p3A_76 = math.log1p %exp3A_75 : vector<1x10000xf32>
    %add3A_77 = arith.addf %max3A_70, %log1p3A_76 : vector<1x10000xf32>
    %reduce_sum3A = vector.shape_cast %add3A_77 : vector<1x10000xf32> to vector<1x1x10000xf32>
    %reduce_sum3A_78 = arith.constant dense<0.000000e+00> : vector<1xf32>
    %reduce_sum3A_79 = vector.multi_reduction <add>, %reduce_sum3A, %reduce_sum3A_78 [1, 2] : vector<1x1x10000xf32> to vector<1xf32>
    %reduce_sum3A_80 = vector.shape_cast %reduce_sum3A_79 : vector<1xf32> to vector<1x1x1xf32>
    %reduce_sum3A_81 = vector.extract %reduce_sum3A_80[0, 0, 0] : f32 from vector<1x1x1xf32>
    %div3A = vector.broadcast %reduce_sum3A_81 : f32 to vector<1x10000xf32>
    %div3A_82 = arith.divf %add3A_77, %div3A : vector<1x10000xf32>
    %reshape3A_83 = vector.shape_cast %div3A_82 : vector<1x10000xf32> to vector<10000xf32>
    %swap3A_84 = arith.constant 0 : index
    %swap3A_85 = vector.load %arg19[%swap3A_84] : memref<10000xf32, #tpu.memory_space<vmem>>, vector<10000xf32>
    tpu.vector_store %arg19[%swap3A_84], %reshape3A_83 {strides = array<i32>} : memref<10000xf32, #tpu.memory_space<vmem>>, vector<10000xf32>,
    %get3A_86 = arith.constant 0 : index
    %get3A_87 = arith.constant 0 : index
    %get3A_88 = vector.load %arg1[%get3A_86, %get3A_87] : memref<10000x128xf32, #tpu.memory_space<vmem>>, vector<10000x128xf32>
    %mul3A_89 = vector.broadcast %rsqrt3A : vector<10000x1xf32> to vector<10000x128xf32>
    %mul3A_90 = arith.mulf %mul3A_89, %get3A_88 : vector<10000x128xf32>
    %get3A_91 = arith.constant 0 : index
    %get3A_92 = vector.load %arg11[%get3A_91] : memref<128xf32, #tpu.memory_space<vmem>>, vector<128xf32>
    %broadcast_in_dim3A_93 = vector.shape_cast %get3A_92 : vector<128xf32> to vector<1x128xf32>
    %add3A_94 = vector.broadcast %broadcast_in_dim3A_93 : vector<1x128xf32> to vector<10000x128xf32>
    %add3A_95 = arith.addf %mul3A_90, %add3A_94 : vector<10000x128xf32>
    %max3A_96 = arith.constant 0.000000e+00 : f32
    %max3A_97 = vector.broadcast %max3A_96 : f32 to vector<10000x128xf32>
    %max3A_98 = arith.maximumf %add3A_95, %max3A_97 : vector<10000x128xf32>
    %add3A_99 = arith.addf %max3A_98, %get3A_8 : vector<10000x128xf32>
    %reduce_sum3A_100 = arith.constant dense<0.000000e+00> : vector<128xf32>
    %reduce_sum3A_101 = vector.multi_reduction <add>, %add3A_99, %reduce_sum3A_100 [0] : vector<10000x128xf32> to vector<128xf32>
    %broadcast_in_dim3A_102 = vector.shape_cast %reduce_sum3A_101 : vector<128xf32> to vector<1x128xf32>
    %get3A_103 = arith.constant 0 : index
    %get3A_104 = arith.constant 0 : index
    %get3A_105 = vector.load %arg12[%get3A_103, %get3A_104] : memref<128x32xf32, #tpu.memory_space<vmem>>, vector<128x32xf32>
    %dot_general3A_106 = arith.constant dense<0.000000e+00> : vector<1x32xf32>
    %dot_general3A_107 = tpu.matmul %broadcast_in_dim3A_102, %get3A_105, %dot_general3A_106 {dimension_numbers = #tpu.dot_dimension_numbers<[1], [0], [0], [1], [0, 0, 1, 1], [], []>, transpose_lhs_hint = false} : vector<1x128xf32>, vector<128x32xf32>, vector<1x32xf32> -> vector<1x32xf32>
    %get3A_108 = arith.constant 0 : index
    %get3A_109 = vector.load %arg13[%get3A_108] : memref<32xf32, #tpu.memory_space<vmem>>, vector<32xf32>
    %broadcast_in_dim3A_110 = vector.shape_cast %get3A_109 : vector<32xf32> to vector<1x32xf32>
    %add3A_111 = arith.addf %dot_general3A_107, %broadcast_in_dim3A_110 : vector<1x32xf32>
    %max3A_112 = arith.constant 0.000000e+00 : f32
    %max3A_113 = vector.broadcast %max3A_112 : f32 to vector<1x32xf32>
    %max3A_114 = arith.maximumf %add3A_111, %max3A_113 : vector<1x32xf32>
    %get3A_115 = arith.constant 0 : index
    %get3A_116 = arith.constant 0 : index
    %get3A_117 = vector.load %arg14[%get3A_115, %get3A_116] : memref<32x32xf32, #tpu.memory_space<vmem>>, vector<32x32xf32>
    %dot_general3A_118 = arith.constant dense<0.000000e+00> : vector<1x32xf32>
    %dot_general3A_119 = tpu.matmul %max3A_114, %get3A_117, %dot_general3A_118 {dimension_numbers = #tpu.dot_dimension_numbers<[1], [0], [0], [1], [0, 0, 1, 1], [], []>, transpose_lhs_hint = false} : vector<1x32xf32>, vector<32x32xf32>, vector<1x32xf32> -> vector<1x32xf32>
    %get3A_120 = arith.constant 0 : index
    %get3A_121 = vector.load %arg15[%get3A_120] : memref<32xf32, #tpu.memory_space<vmem>>, vector<32xf32>
    %broadcast_in_dim3A_122 = vector.shape_cast %get3A_121 : vector<32xf32> to vector<1x32xf32>
    %add3A_123 = arith.addf %dot_general3A_119, %broadcast_in_dim3A_122 : vector<1x32xf32>
    %max3A_124 = arith.constant 0.000000e+00 : f32
    %max3A_125 = vector.broadcast %max3A_124 : f32 to vector<1x32xf32>
    %max3A_126 = arith.maximumf %add3A_123, %max3A_125 : vector<1x32xf32>
    %get3A_127 = arith.constant 0 : index
    %get3A_128 = arith.constant 0 : index
    %get3A_129 = vector.load %arg16[%get3A_127, %get3A_128] : memref<32x2xf32, #tpu.memory_space<vmem>>, vector<32x2xf32>
    %dot_general3A_130 = arith.constant dense<0.000000e+00> : vector<1x2xf32>
    %dot_general3A_131 = tpu.matmul %max3A_126, %get3A_129, %dot_general3A_130 {dimension_numbers = #tpu.dot_dimension_numbers<[1], [0], [0], [1], [0, 0, 1, 1], [], []>, transpose_lhs_hint = false} : vector<1x32xf32>, vector<32x2xf32>, vector<1x2xf32> -> vector<1x2xf32>
    %get3A_132 = arith.constant 0 : index
    %get3A_133 = vector.load %arg17[%get3A_132] : memref<2xf32, #tpu.memory_space<vmem>>, vector<2xf32>
    %broadcast_in_dim3A_134 = vector.shape_cast %get3A_133 : vector<2xf32> to vector<1x2xf32>
    %add3A_135 = arith.addf %dot_general3A_131, %broadcast_in_dim3A_134 : vector<1x2xf32>
    %swap3A_136 = arith.constant 0 : index
    %swap3A_137 = arith.constant 0 : index
    %swap3A_138 = vector.load %arg20[%swap3A_136, %swap3A_137] : memref<1x2xf32, #tpu.memory_space<vmem>>, vector<1x2xf32>
    tpu.vector_store %arg20[%swap3A_136, %swap3A_137], %add3A_135 {strides = array<i32>} : memref<1x2xf32, #tpu.memory_space<vmem>>, vector<1x2xf32>,
    return
  }
}

</mosaic_0001>

<sc_bundles>
// kernel: kernel.6.cloned.1.call-start
scs
__scs_entry_jumppad:
0x0: {  	(pc) =	sbr.rel $0x88, $3  }
0x1: {  	(tag) =	ssettag $0x0;
	lr =	simm.s32 $0x1  }
0x2: {  	[smem:$0x3F8F] =	sst lr;
	_ =	strace $0xD0000000  }
0x3: {  	_ = 	snop  }
0x4: {  	_ = 	snop  }
0x5: {  	_ = 	snop  }
0x6: {  	_ = 	snop  }
0x7: {  	_ = 	snop  }
__scs_overlays_trampoline_lowered:
0x8: {  	[smem:$0x3F9E] =	sst s0  }
0x9: {  	[smem:$0x3F9F] =	sst s1  }
0xa: {  	[smem:$0x3FA0] =	sst s2  }
0xb: {  	[smem:$0x3FA1] =	sst s3  }
0xc: {  	[smem:$0x3FA2] =	sst s4  }
0xd: {  	[smem:$0x3FA3] =	sst s5  }
0xe: {  	[smem:$0x3FA4] =	sst s6  }
0xf: {  	[smem:$0x3FA5] =	sst s7  }
0x10: {  	[smem:$0x3FA6] =	sst s8  }
0x11: {  	[smem:$0x3FA7] =	sst s9;
	s0 =	simm.s32 @!p0 $0x0  }
0x12: {  	s1 =	sld [smem:$0x3F8D];
	s0 =	simm.s32 @p0 $0x1  }
0x13: {  	[smem:$0x3FA8] =	sst s0;
	s0 =	simm.s32 @!p1 $0x0  }
0x14: {  	s2 =	sld [smem:$0x3F8C];
	s0 =	simm.s32 @p1 $0x1  }
0x15: {  	[smem:$0x3FA9] =	sst s0;
	s0 =	simm.s32 @!p2 $0x0  }
0x16: {  	s3 =	sld [smem:$0x3FDB];
	s0 =	simm.s32 @p2 $0x1  }
0x17: {  	s4 =	simm.s32 $0x1BF5;
	[smem:$0x3FAB] =	sst s0  }
0x18: {  	s0 =	sld [smem:$0x3F8E];
	_ =	swait.ge [sflag:s4], $0x0  }
0x19: {  	s7 =	sld [smem:$0x3F8F]  }
0x1a: {  	s8 =	sadd.s32 $0xFFFFE003, lr  }
0x1b: {  	s9 =	sadd.s32 $0xFFFFFEF7, lr;
	s5 =	simm.s32 $0xFFFFFFFF;
	p2 =	slt.u32 s8, $0xFFFFF086  }
0x1c: {  	p1 =	slt.u32 s9, $0xF7A;
	s5 =	simm.s32 @!p2 $0x0  }
0x1d: {  	s5 =	simm.s32 @p1 $0x1;
	p0 =	seq.s32 s7, s2  }
0x1e: {  	s7 =	smul.u32 @!p0 $0xF7A, s2;
	p2 =	seq.s32 @!p0 s5, $0x0  }
0x1f: {  	s9 =	smul.u32 $0xF7A, s1;
	s8 =	simm.s32 @!p0 $0x1BF5;
	p2 =	por !p2, p0  }
0x20: {  	[sflag:s8] =	ssyncset.s32 @!p0 $0xFFFFF086;
	s6 =	sadd.s32 @!p0 s3, s7;
	s7 =	simm.s32 @!p0 $0x108  }
0x21: {  	s3 =	sadd.s32 s3, s9;
	s6 =	sadd.s32 @!p0 $0x88, s6;
	s7 =	simm.s32 @p2 $0x1082  }
0x22: {  	[simem:s7], [sflag:s8] =	dma.local @!p0 [hbm:s6], $0xF7A  }
0x23: {  	s9 =	sor.u32 $0xD0000000, s2;
	s6 =	simm.s32 $0x108;
	_ =	swait.ge @!p0 [sflag:s8], $0x0  }
0x24: {  	s3 =	sadd.s32 $0x88, s3;
	s6 =	simm.s32 @!p1 $0x1082;
	[sflag:s4] =	ssyncset.s32 $0xFFFFF086  }
0x25: {  	[simem:s6], [sflag:s4] =	dma.local [hbm:s3], $0xF7A  }
0x26: {  	[smem:$0x3F8F] =	sst s1;
	(tag) =	ssettag s2;
	_ =	strace s9  }
0x27: {  	s1 =	sld [smem:$0x3F9F]  }
0x28: {  	s2 =	sld [smem:$0x3FA0]  }
0x29: {  	s4 =	sld [smem:$0x3FA2]  }
0x2a: {  	p0 =	seq.s32 s5, $0x0;
	s5 =	sld [smem:$0x3FA3]  }
0x2b: {  	s6 =	sld [smem:$0x3FA4]  }
0x2c: {  	s7 =	sld [smem:$0x3FA5]  }
0x2d: {  	s3 =	simm.s32 $0x108;
	s8 =	sld [smem:$0x3FA6]  }
0x2e: {  	s3 =	simm.s32 @!p0 $0x1082;
	s9 =	sld [smem:$0x3FA7]  }
0x2f: {  	lr =	sadd.s32 s0, s3;
	s0 =	sld [smem:$0x3F9E]  }
0x30: {  	s3 =	sld [smem:$0x3FA1]  }
0x31: {  	[smem:$0x3FAA] =	sst s10  }
0x32: {  	s10 =	sld [smem:$0x3FA8];
	_ =	sdelay $0x3  }
0x33: {  	p0 =	seq.s32 s10, $0x1;
	s10 =	sld [smem:$0x3FAA];
	_ =	sdelay $0x3  }
0x34: {  	[smem:$0x3FAA] =	sst s10  }
0x35: {  	s10 =	sld [smem:$0x3FA9];
	_ =	sdelay $0x3  }
0x36: {  	p1 =	seq.s32 s10, $0x1;
	s10 =	sld [smem:$0x3FAA];
	_ =	sdelay $0x3  }
0x37: {  	[smem:$0x3FAA] =	sst s10  }
0x38: {  	s10 =	sld [smem:$0x3FAB]  }
0x39: {  	_ = 	snop;
	(pc) =	sbr.ind lr, $3  }
0x3a: {  	_ = 	snop  }
0x3b: {  	_ = 	snop  }
0x3c: {  	p2 =	seq.s32 s10, $0x1;
	s10 =	sld [smem:$0x3FAA]  }
0x3d: {  	_ =	shalt  }
0x3e: {  	_ =	shalt  }
0x3f: {  	_ =	shalt  }
0x40: {  	_ =	shalt  }
0x41: {  	_ =	shalt  }
0x42: {  	_ =	shalt  }
0x43: {  	_ =	shalt  }
0x44: {  	_ =	shalt  }
0x45: {  	_ =	shalt  }
0x46: {  	_ =	shalt  }
0x47: {  	_ =	shalt  }
0x48: {  	_ =	shalt  }
0x49: {  	_ =	shalt  }
0x4a: {  	_ =	shalt  }
0x4b: {  	_ =	shalt  }
0x4c: {  	_ =	shalt  }
0x4d: {  	_ =	shalt  }
0x4e: {  	_ =	shalt  }
0x4f: {  	_ =	shalt  }
0x50: {  	_ =	shalt  }
0x51: {  	_ =	shalt  }
0x52: {  	_ =	shalt  }
0x53: {  	_ =	shalt  }
0x54: {  	_ =	shalt  }
0x55: {  	_ =	shalt  }
0x56: {  	_ =	shalt  }
0x57: {  	_ =	shalt  }
0x58: {  	_ =	shalt  }
0x59: {  	_ =	shalt  }
0x5a: {  	_ =	shalt  }
0x5b: {  	_ =	shalt  }
0x5c: {  	_ =	shalt  }
0x5d: {  	_ =	shalt  }
0x5e: {  	_ =	shalt  }
0x5f: {  	_ =	shalt  }
0x60: {  	_ =	shalt  }
0x61: {  	_ =	shalt  }
0x62: {  	_ =	shalt  }
0x63: {  	_ =	shalt  }
0x64: {  	_ =	shalt  }
0x65: {  	_ =	shalt  }
0x66: {  	_ =	shalt  }
0x67: {  	_ =	shalt  }
0x68: {  	_ =	shalt  }
0x69: {  	_ =	shalt  }
0x6a: {  	_ =	shalt  }
0x6b: {  	_ =	shalt  }
0x6c: {  	_ =	shalt  }
0x6d: {  	_ =	shalt  }
0x6e: {  	_ =	shalt  }
0x6f: {  	_ =	shalt  }
0x70: {  	_ =	shalt  }
0x71: {  	_ =	shalt  }
0x72: {  	_ =	shalt  }
0x73: {  	_ =	shalt  }
0x74: {  	_ =	shalt  }
0x75: {  	_ =	shalt  }
0x76: {  	_ =	shalt  }
0x77: {  	_ =	shalt  }
0x78: {  	_ =	shalt  }
0x79: {  	_ =	shalt  }
0x7a: {  	_ =	shalt  }
0x7b: {  	_ =	shalt  }
0x7c: {  	_ =	shalt  }
0x7d: {  	_ =	shalt  }
0x7e: {  	_ =	shalt  }
0x7f: {  	_ =	shalt  }
0x80: {  	_ =	shalt  }
0x81: {  	_ =	shalt  }
0x82: {  	_ =	shalt  }
0x83: {  	_ =	shalt  }
0x84: {  	_ =	shalt  }
0x85: {  	_ =	shalt  }
0x86: {  	_ =	shalt  }
0x87: {  	_ =	shalt  }
.Lfunc_end0:
.L_simem_size_0:
called_computation_lowered:
.L_overlay_start_0:
0x88: {  	s2 =	sld [smem:$0x3FD9]  }
0x89: {  	s3 =	sld [smem:$0x3FFE];
	_ =	sdelay $0x1  }
0x8a: {  	s1 =	srdreg.scid  }
0x8b: {  	s0 =	sand.u32 $0x1, s1  }
0x8c: {  	s17 =	sshll.u32 s0, $0xA;
	s2 =	sadd.s32 s3, s2  }
0x8d: {  	s2 =	sadd.s32 s2, s17  }
0x8e: {  	[smem:$0x3FB6] =	sst s2  }
0x8f: {  	_ = 	snop  }
0x90: {  	s2 =	sld [smem:$0x3FC8];
	(tm) =	ssettm $0x1  }
0x91: {  	s18 =	sld [smem:$0x3FFB];
	_ =	sdelay $0x3  }
0x92: {  	_ =	strace s18  }
0x93: {  	s3 =	sld [smem:$0x3FFC];
	_ =	sdelay $0x3  }
0x94: {  	_ =	strace s3  }
0x95: {  	s3 =	sld [smem:$0x3FFD];
	_ =	sdelay $0x3  }
0x96: {  	_ =	strace s3  }
0x97: {  	_ =	strace $0x8FFFFFFF  }
0x98: {  	s19 =	sld [smem:$0x3FDB];
	_ =	sdelay $0x1  }
0x99: {  	s4 =	simm.s32 $_scs_section_size  }
0x9a: {  	s5 =	simm.s32 $_size__tile_overlayer_lowered;
	s6 =	simm.s32 $_tile_overlayer_lowered  }
0x9b: {  	s22 =	simm.s32 $0x1BFF;
	s21 =	sshll.u32 s6, $0x1;
	s3 =	sadd.s32 s4, s19  }
0x9c: {  	s7 =	simm.s32 $0x0;
	s20 =	sshll.u32 s5, $0x1;
	s5 =	sadd.s32 s21, s3  }
0x9d: {  	[timem:s7], [sflag:s22] =	dma.local [hbm:s5], s20  }
0x9e: {  	_ =	swait.ge [sflag:s22], s20  }
0x9f: {  	s4 =	ssub.s32 $0x0, s20;
	[sflag:s22] =	ssyncset.done $0x0  }
0xa0: {  	[sflag:s22] =	ssyncadd.s32 s4;
	_ =	sdelay $0x1  }
0xa1: {  	s23 =	simm.s32 $0x1B8B  }
0xa2: {  	_ =	swait.ge [sflag:s23], $0x1  }
0xa3: {  	[sflag:s23] =	ssyncset.done $0x0  }
0xa4: {  	s25 =	simm.s32 $0x1B8E;
	s24 =	sld [smem:$0x3FFE];
	[sflag:s23] =	ssyncadd.s32 $0xFFFFFFFF  }
0xa5: {  	s26 =	simm.s32 $execute0_lowered;
	[smem:$0x3FD2] =	sst s25  }
0xa6: {  	s5 =	sshll.u32 s26, $0x1;
	_ =	strace $0x80000046;
	[dreg:$0x1] =	wrdreg $0xFFFFFFFF  }
0xa7: {  	s28 =	simm.s32 $_size_execute0_lowered;
	s3 =	sadd.s32 s3, s5;
	[dreg:$0x0] =	wrdreg $0x0  }
0xa8: {  	s5 =	sshll.u32 s28, $0x1;
	[dreg:$0x2] =	wrdreg s3  }
0xa9: {  	[dreg:$0x3] =	wrdreg s5  }
0xaa: {  	[dreg:$0x4] =	wrdreg $0xC0  }
0xab: {  	_ =	task [dreg:s7], $0x5FFFF  }
0xac: {  	[dreg:$0x1] =	wrdreg $0xFFFFFFFF  }
0xad: {  	[dreg:$0x0] =	wrdreg $0x60  }
0xae: {  	[dreg:$0x2] =	wrdreg s2  }
0xaf: {  	[dreg:$0x3] =	wrdreg s24  }
0xb0: {  	[dreg:$0x4] =	wrdreg $0x9  }
0xb1: {  	_ =	task.clear_ibuf [dreg:s7], $0x5FFFF;
	_ =	strace $0x90000046  }
0xb2: {  	s29 =	simm.s32 $0x9;
	_ =	strace $0x80000048  }
0xb3: {  	_ =	swait.ge [sflag:s29], $0x1  }
0xb4: {  	[sflag:s29] =	ssyncadd.s32 $0xFFFFFFFF  }
0xb5: {  	_ =	strace $0x90000048  }
0xb6: {  	_ =	sfence  }
0xb7: {  	s30 =	sld [smem:$0x0];
	_ =	sdelay $0x2  }
0xb8: {  	s31 =	sshll.u32 s1, $0xD;
	s1 =	sshrl.u32 s1, $0x2  }
0xb9: {  	s3 =	sand.u32 $0x4000, s31;
	s1 =	sadd.s32 s1, s30  }
0xba: {  	s0 =	sor.u32 s3, s0;
	s1 =	sshll.u32 s1, $0x11  }
0xbb: {  	s0 =	sor.u32 s1, s0  }
0xbc: {  	s0 =	sadd.s32 $0x8F2B, s0  }
0xbd: {  	[sflag:s0] =	ssyncadd.remote.s32 $0x1  }
0xbe: {  	_ =	sfence.sel $0xFFFF  }
0xbf: {  	[dreg:$0x0] =	wrdreg $0xFFFFFFFF;
	(pc) =	sbr.abs _section_cstart, $3  }
0xc0: {  	[dreg:$0x1] =	wrdreg $0xFFFFFFFF  }
0xc1: {  	_ =	task.clear_ibuf [dreg:s7], $0x2FFFF;
	_ =	strace $0x9FFFFFFF  }
0xc2: {  	(tm) =	ssettm $0x7FFFFFFF  }
0xc3: {  	_ =	shalt  }
tec
execute0_lowered:
.L_overlay_start_1:
0x0: {  	(tag) =	ssettag $0x1  }
0x1: {  	s1 =	srdreg.scid;
	s4 =	rddreg [dreg:$0x0]  }
0x2: {  	s0 =	stileid.u32;
	s5 =	rddreg [dreg:$0x1];
	s2 =	simm.s32 $0x0  }
0x3: {  	s10 =	simm.s32 $0x400;
	s3 =	sand.u32 $0x1, s1;
	s1 =	rddreg [dreg:$0x2]  }
0x4: {  	s28 =	sshll.u32 s0, $0x1;
	s29 =	sshrl.u32 s0, $0x2;
	[smem:$0x7FF] =	sst s2  }
0x5: {  	s7 =	sor.u32 s3, s28;
	s6 =	smul.u32 $0x13C00, s29;
	s3 =	ssub.s32 $0x2, s3  }
0x6: {  	_ =	strace $0x80000047;
	s8 =	sshll.u32 s7, $0x7;
	s9 =	smul.u32 $0xA00, s7  }
.Ltmp0:
0x7: {  	s30 =	sshrl.u32 s3, $0x1;
	s8 =	sand.u32 $0x380, s8;
	(pc) =	sbr.rel .LBB2_1-.Ltmp0, $4  }
0x8: {  	p0 =	seq.s32 s7, $0x1F;
	s7 =	simm.s32 $0x1;
	s6 =	sor.u32 s6, s8  }
0x9: {  	s31 =	ssub.s32 s3, s30;
	s3 =	sadd.s32 s4, s9;
	s6 =	sshrl.u32 s6, $0x3  }
0xa: {  	s4 =	sadd.s32 $0x13600, s4;
	s8 =	simm.s32 $0x5000;
	s5 =	sadd.s32 s6, s5  }
0xb: {  	v0 =	vimm.f32 $0.0e+00;
	v1 =	vimm.f32 $1.000000000e+00;
	s9 =	simm.s32 $0x80;
	s6 =	smax.u32 s31, $0x1;
	s5 =	sadd.s32 $0x3E00, s5  }
.LBB2_6:
0xc: {  	_ =	sdelay $0x3  }
0xd: {  	s11 =	sor.u32 s13, s14;
	[tilespmem:v2+s8+$0x0] =	vst.idx.add.f32.msk $0xffff, v1  }
0xe: {  	v2 =	vld [tilespmem:s11+$0x80];
	_ =	sdelay $0x7  }
0xf: {  	[tilespmem:v2+s8+$0x0] =	vst.idx.add.f32.msk $0xffff, v1  }
.LBB2_10:
0x10: {  	s2 =	sadd.s32 $0x1, s2  }
0x11: {  	p1 =	sne.s32 s2, s6  }
.Ltmp1:
0x12: {  	_ = 	snop;
	(pc) =	sbr.rel @!p1 .LBB2_11-.Ltmp1, $4  }
0x13: {  	[hbm4b:s5+s9] =	stream.strided.scatter [tilespmem:s8], [sflag:$0x1], $0x2780, s10, s9, $0x38;
	[tilespmem:$0x7780] =	vst v63  }
0x14: {  	_ =	swait.ge [sflag:s7], $0x2780  }
0x15: {  	[sflag:s7] =	ssyncset.done $0x0  }
0x16: {  	[sflag:s7] =	ssyncadd.s32 $0xFFFFD880  }
.LBB2_1:
0x17: {  	s11 =	simm.s32 $0x40;
	s12 =	simm.s32 $0x0  }
.LBB2_2:
0x18: {  	p1 =	sne.s32 s11, $0x9C00;
	[tilespmem:s12+$0x5000] =	vst v0;
	s12 =	smov.u32 s11;
	s11 =	sadd.s32 $0x40, s11  }
.Ltmp2:
0x19: {  	(pc) =	sbr.rel @p1 .LBB2_2-.Ltmp2, $2  }
0x1a: {  	_ =	sdelay $0x2  }
0x1b: {  	s12 =	sshra.s32 s12, $0x2  }
.Ltmp3:
0x1c: {  	(pc) =	sbr.rel @!p0 .LBB2_4-.Ltmp3, $2  }
0x1d: {  	_ =	sdelay $0x2  }
0x1e: {  	[tilespmem:s12+$0x5000] =	vst v0;
	s11 =	simm.s32 $0x0  }
0x1f: {  	[tilespmem:s11], [sflag:$0x1] =	stream.linear.gather [hbm4b:s4+s11], $0x1400, $0x38;
	[tilespmem:$0x7780] =	vst v63  }
0x20: {  	_ =	swait.ge [sflag:s7], $0x1400  }
0x21: {  	s12 =	sand.u32 $0x70, s11;
	s31 =	sand.u32 $0x1F00, s11;
	[sflag:s7] =	ssyncset.done $0x0  }
0x22: {  	s12 =	sor.u32 s12, s31;
	[sflag:s7] =	ssyncadd.s32 $0xFFFFEC00  }
0x23: {  	v2 =	vld [tilespmem:s12+$0x80];
	_ =	sdelay $0x5  }
0x24: {  	s13 =	simm.s32 $0x10;
	s11 =	simm.s32 $0x20  }
0x25: {  	s13 =	sand.u32 $0x70, s13;
	s14 =	sand.u32 $0x1F00, s11;
	s12 =	simm.s32 $0x20  }
.LBB2_8:
0x26: {  	p1 =	sne.s32 s12, $0x9F0;
	s13 =	sor.u32 s13, s14;
	[tilespmem:v2+s8+$0x0] =	vst.idx.add.f32.msk $0xffff, v1  }
0x27: {  	v2 =	vld [tilespmem:s13+$0x80];
	_ =	sdelay $0x2  }
.Ltmp4:
0x28: {  	(pc) =	sbr.rel @p1 .LBB2_8-.Ltmp4, $3  }
0x29: {  	_ =	sdelay $0x1  }
0x2a: {  	s11 =	sadd.s32 $0x20, s11  }
0x2b: {  	s13 =	sand.u32 $0x70, s12;
	s14 =	sand.u32 $0x1F00, s11;
	s12 =	sadd.s32 $0x10, s12  }
0x2c: {  	_ =	sdelay $0x3  }
0x2d: {  	s11 =	sor.u32 s13, s14;
	[tilespmem:v2+s8+$0x0] =	vst.idx.add.f32.msk $0xffff, v1  }
0x2e: {  	v2 =	vld [tilespmem:s11+$0x80];
	_ =	sdelay $0x3  }
.Ltmp5:
0x2f: {  	_ = 	snop;
	(pc) =	sbr.rel .LBB2_10-.Ltmp5, $2  }
0x30: {  	_ =	sdelay $0x2  }
0x31: {  	[tilespmem:v2+s8+$0x0] =	vst.idx.add.f32.msk $0xffff, v1  }
.LBB2_4:
0x32: {  	[tilespmem:s11], [sflag:$0x1] =	stream.linear.gather [hbm4b:s3+s11], $0x5000, $0x38;
	[tilespmem:$0x7780] =	vst v63  }
0x33: {  	_ =	swait.ge [sflag:s7], $0x5000  }
0x34: {  	s12 =	sand.u32 $0x70, s11;
	s31 =	sand.u32 $0x7F00, s11;
	[sflag:s7] =	ssyncset.done $0x0  }
0x35: {  	s12 =	sor.u32 s12, s31;
	[sflag:s7] =	ssyncadd.s32 $0xFFFFB000  }
0x36: {  	v2 =	vld [tilespmem:s12+$0x80];
	_ =	sdelay $0x5  }
0x37: {  	s13 =	simm.s32 $0x10;
	s11 =	simm.s32 $0x20  }
0x38: {  	s13 =	sand.u32 $0x70, s13;
	s14 =	sand.u32 $0x7F00, s11;
	s12 =	simm.s32 $0x20  }
.LBB2_5:
0x39: {  	p1 =	seq.s32 s12, $0x27F0;
	s13 =	sor.u32 s13, s14;
	[tilespmem:v2+s8+$0x0] =	vst.idx.add.f32.msk $0xffff, v1  }
0x3a: {  	v2 =	vld [tilespmem:s13+$0x80];
	_ =	sdelay $0x2  }
.Ltmp6:
0x3b: {  	(pc) =	sbr.rel @!p1 .LBB2_5-.Ltmp6, $3  }
0x3c: {  	_ =	sdelay $0x1  }
0x3d: {  	s11 =	sadd.s32 $0x20, s11  }
0x3e: {  	s13 =	sand.u32 $0x70, s12;
	s14 =	sand.u32 $0x7F00, s11;
	s12 =	sadd.s32 $0x10, s12  }
.Ltmp7:
0x3f: {  	_ = 	snop;
	(pc) =	sbr.rel .LBB2_6-.Ltmp7, $1  }
0x40: {  	_ =	sdelay $0x3  }
.LBB2_11:
0x41: {  	_ =	sfence.sel $0x180000  }
0x42: {  	[bflag:$0x0] =	sbarrier.arrive $0xFFFF  }
0x43: {  	p0 =	sne.s32 s0, $0x0;
	_ =	strace $0x90000047  }
0x44: {  	s0 =	sadd.s32 @!p0 $0x100000, s1;
	[bflag:$0x2] =	sbarrier.arrive $0xFFFF  }
0x45: {  	[sflag:s0] =	ssyncadd.tile.s32 @!p0 $0x1;
	_ =	shalt  }
.Lfunc_end2:
_tile_overlayer_lowered:
.L_overlay_start_2:
0x46: {  	(tag) =	ssettag $0x2  }
0x47: {  	s0 =	rddreg [dreg:$0x0];
	s2 =	stileid.u32  }
0x48: {  	s1 =	rddreg [dreg:$0x1];
	p0 =	sne.s32 s2, $0x0  }
0x49: {  	s3 =	rddreg [dreg:$0x2];
	[bflag:$0x3] =	sbarrier.arrive $0xFFFF;
	s2 =	simm.s32 @!p0 $0x1C01  }
0x4a: {  	[timem:s3], [sflag:s2] =	dma.local @!p0 [hbm:s0], s1  }
0x4b: {  	s0 =	simm.s32 @!p0 $0x1  }
0x4c: {  	_ =	swait.ge @!p0 [sflag:s0], s1  }
0x4d: {  	s1 =	ssub.s32 @!p0 $0x0, s1;
	[sflag:s0] =	ssyncset.done @!p0 $0x0  }
0x4e: {  	[sflag:s0] =	ssyncadd.s32 @!p0 s1  }
0x4f: {  	[bflag:$0x3] =	sbarrier.arrive $0xFFFF  }
0x50: {  	_ =	shalt  }

// kernel: kernel.9.cloned.1.call-start
scs
__scs_entry_jumppad:
0x0: {  	(pc) =	sbr.rel $0x88, $3  }
0x1: {  	(tag) =	ssettag $0x0;
	lr =	simm.s32 $0x1  }
0x2: {  	[smem:$0x3F8F] =	sst lr;
	_ =	strace $0xD0000000  }
0x3: {  	_ = 	snop  }
0x4: {  	_ = 	snop  }
0x5: {  	_ = 	snop  }
0x6: {  	_ = 	snop  }
0x7: {  	_ = 	snop  }
__scs_overlays_trampoline_lowered:
0x8: {  	[smem:$0x3F9E] =	sst s0  }
0x9: {  	[smem:$0x3F9F] =	sst s1  }
0xa: {  	[smem:$0x3FA0] =	sst s2  }
0xb: {  	[smem:$0x3FA1] =	sst s3  }
0xc: {  	[smem:$0x3FA2] =	sst s4  }
0xd: {  	[smem:$0x3FA3] =	sst s5  }
0xe: {  	[smem:$0x3FA4] =	sst s6  }
0xf: {  	[smem:$0x3FA5] =	sst s7  }
0x10: {  	[smem:$0x3FA6] =	sst s8  }
0x11: {  	[smem:$0x3FA7] =	sst s9;
	s0 =	simm.s32 @!p0 $0x0  }
0x12: {  	s1 =	sld [smem:$0x3F8D];
	s0 =	simm.s32 @p0 $0x1  }
0x13: {  	[smem:$0x3FA8] =	sst s0;
	s0 =	simm.s32 @!p1 $0x0  }
0x14: {  	s2 =	sld [smem:$0x3F8C];
	s0 =	simm.s32 @p1 $0x1  }
0x15: {  	[smem:$0x3FA9] =	sst s0;
	s0 =	simm.s32 @!p2 $0x0  }
0x16: {  	s3 =	sld [smem:$0x3FDB];
	s0 =	simm.s32 @p2 $0x1  }
0x17: {  	s4 =	simm.s32 $0x1BF5;
	[smem:$0x3FAB] =	sst s0  }
0x18: {  	s0 =	sld [smem:$0x3F8E];
	_ =	swait.ge [sflag:s4], $0x0  }
0x19: {  	s7 =	sld [smem:$0x3F8F]  }
0x1a: {  	s8 =	sadd.s32 $0xFFFFE003, lr  }
0x1b: {  	s9 =	sadd.s32 $0xFFFFFEF7, lr;
	s5 =	simm.s32 $0xFFFFFFFF;
	p2 =	slt.u32 s8, $0xFFFFF086  }
0x1c: {  	p1 =	slt.u32 s9, $0xF7A;
	s5 =	simm.s32 @!p2 $0x0  }
0x1d: {  	s5 =	simm.s32 @p1 $0x1;
	p0 =	seq.s32 s7, s2  }
0x1e: {  	s7 =	smul.u32 @!p0 $0xF7A, s2;
	p2 =	seq.s32 @!p0 s5, $0x0  }
0x1f: {  	s9 =	smul.u32 $0xF7A, s1;
	s8 =	simm.s32 @!p0 $0x1BF5;
	p2 =	por !p2, p0  }
0x20: {  	[sflag:s8] =	ssyncset.s32 @!p0 $0xFFFFF086;
	s6 =	sadd.s32 @!p0 s3, s7;
	s7 =	simm.s32 @!p0 $0x108  }
0x21: {  	s3 =	sadd.s32 s3, s9;
	s6 =	sadd.s32 @!p0 $0x88, s6;
	s7 =	simm.s32 @p2 $0x1082  }
0x22: {  	[simem:s7], [sflag:s8] =	dma.local @!p0 [hbm:s6], $0xF7A  }
0x23: {  	s9 =	sor.u32 $0xD0000000, s2;
	s6 =	simm.s32 $0x108;
	_ =	swait.ge @!p0 [sflag:s8], $0x0  }
0x24: {  	s3 =	sadd.s32 $0x88, s3;
	s6 =	simm.s32 @!p1 $0x1082;
	[sflag:s4] =	ssyncset.s32 $0xFFFFF086  }
0x25: {  	[simem:s6], [sflag:s4] =	dma.local [hbm:s3], $0xF7A  }
0x26: {  	[smem:$0x3F8F] =	sst s1;
	(tag) =	ssettag s2;
	_ =	strace s9  }
0x27: {  	s1 =	sld [smem:$0x3F9F]  }
0x28: {  	s2 =	sld [smem:$0x3FA0]  }
0x29: {  	s4 =	sld [smem:$0x3FA2]  }
0x2a: {  	p0 =	seq.s32 s5, $0x0;
	s5 =	sld [smem:$0x3FA3]  }
0x2b: {  	s6 =	sld [smem:$0x3FA4]  }
0x2c: {  	s7 =	sld [smem:$0x3FA5]  }
0x2d: {  	s3 =	simm.s32 $0x108;
	s8 =	sld [smem:$0x3FA6]  }
0x2e: {  	s3 =	simm.s32 @!p0 $0x1082;
	s9 =	sld [smem:$0x3FA7]  }
0x2f: {  	lr =	sadd.s32 s0, s3;
	s0 =	sld [smem:$0x3F9E]  }
0x30: {  	s3 =	sld [smem:$0x3FA1]  }
0x31: {  	[smem:$0x3FAA] =	sst s10  }
0x32: {  	s10 =	sld [smem:$0x3FA8];
	_ =	sdelay $0x3  }
0x33: {  	p0 =	seq.s32 s10, $0x1;
	s10 =	sld [smem:$0x3FAA];
	_ =	sdelay $0x3  }
0x34: {  	[smem:$0x3FAA] =	sst s10  }
0x35: {  	s10 =	sld [smem:$0x3FA9];
	_ =	sdelay $0x3  }
0x36: {  	p1 =	seq.s32 s10, $0x1;
	s10 =	sld [smem:$0x3FAA];
	_ =	sdelay $0x3  }
0x37: {  	[smem:$0x3FAA] =	sst s10  }
0x38: {  	s10 =	sld [smem:$0x3FAB]  }
0x39: {  	_ = 	snop;
	(pc) =	sbr.ind lr, $3  }
0x3a: {  	_ = 	snop  }
0x3b: {  	_ = 	snop  }
0x3c: {  	p2 =	seq.s32 s10, $0x1;
	s10 =	sld [smem:$0x3FAA]  }
0x3d: {  	_ =	shalt  }
0x3e: {  	_ =	shalt  }
0x3f: {  	_ =	shalt  }
0x40: {  	_ =	shalt  }
0x41: {  	_ =	shalt  }
0x42: {  	_ =	shalt  }
0x43: {  	_ =	shalt  }
0x44: {  	_ =	shalt  }
0x45: {  	_ =	shalt  }
0x46: {  	_ =	shalt  }
0x47: {  	_ =	shalt  }
0x48: {  	_ =	shalt  }
0x49: {  	_ =	shalt  }
0x4a: {  	_ =	shalt  }
0x4b: {  	_ =	shalt  }
0x4c: {  	_ =	shalt  }
0x4d: {  	_ =	shalt  }
0x4e: {  	_ =	shalt  }
0x4f: {  	_ =	shalt  }
0x50: {  	_ =	shalt  }
0x51: {  	_ =	shalt  }
0x52: {  	_ =	shalt  }
0x53: {  	_ =	shalt  }
0x54: {  	_ =	shalt  }
0x55: {  	_ =	shalt  }
0x56: {  	_ =	shalt  }
0x57: {  	_ =	shalt  }
0x58: {  	_ =	shalt  }
0x59: {  	_ =	shalt  }
0x5a: {  	_ =	shalt  }
0x5b: {  	_ =	shalt  }
0x5c: {  	_ =	shalt  }
0x5d: {  	_ =	shalt  }
0x5e: {  	_ =	shalt  }
0x5f: {  	_ =	shalt  }
0x60: {  	_ =	shalt  }
0x61: {  	_ =	shalt  }
0x62: {  	_ =	shalt  }
0x63: {  	_ =	shalt  }
0x64: {  	_ =	shalt  }
0x65: {  	_ =	shalt  }
0x66: {  	_ =	shalt  }
0x67: {  	_ =	shalt  }
0x68: {  	_ =	shalt  }
0x69: {  	_ =	shalt  }
0x6a: {  	_ =	shalt  }
0x6b: {  	_ =	shalt  }
0x6c: {  	_ =	shalt  }
0x6d: {  	_ =	shalt  }
0x6e: {  	_ =	shalt  }
0x6f: {  	_ =	shalt  }
0x70: {  	_ =	shalt  }
0x71: {  	_ =	shalt  }
0x72: {  	_ =	shalt  }
0x73: {  	_ =	shalt  }
0x74: {  	_ =	shalt  }
0x75: {  	_ =	shalt  }
0x76: {  	_ =	shalt  }
0x77: {  	_ =	shalt  }
0x78: {  	_ =	shalt  }
0x79: {  	_ =	shalt  }
0x7a: {  	_ =	shalt  }
0x7b: {  	_ =	shalt  }
0x7c: {  	_ =	shalt  }
0x7d: {  	_ =	shalt  }
0x7e: {  	_ =	shalt  }
0x7f: {  	_ =	shalt  }
0x80: {  	_ =	shalt  }
0x81: {  	_ =	shalt  }
0x82: {  	_ =	shalt  }
0x83: {  	_ =	shalt  }
0x84: {  	_ =	shalt  }
0x85: {  	_ =	shalt  }
0x86: {  	_ =	shalt  }
0x87: {  	_ =	shalt  }
.Lfunc_end0:
.L_simem_size_0:
called_computation.1_lowered:
.L_overlay_start_0:
0x88: {  	s2 =	sld [smem:$0x3FD9]  }
0x89: {  	s3 =	sld [smem:$0x3FFE];
	_ =	sdelay $0x1  }
0x8a: {  	s1 =	srdreg.scid  }
0x8b: {  	s0 =	sand.u32 $0x1, s1  }
0x8c: {  	s16 =	sshll.u32 s0, $0xA;
	s2 =	sadd.s32 s3, s2  }
0x8d: {  	s2 =	sadd.s32 s2, s16  }
0x8e: {  	[smem:$0x3FB6] =	sst s2  }
0x8f: {  	_ = 	snop  }
0x90: {  	(tm) =	ssettm $0x1  }
0x91: {  	s17 =	sld [smem:$0x3FFB];
	_ =	sdelay $0x3  }
0x92: {  	_ =	strace s17  }
0x93: {  	s2 =	sld [smem:$0x3FFC];
	_ =	sdelay $0x3  }
0x94: {  	_ =	strace s2  }
0x95: {  	s2 =	sld [smem:$0x3FFD];
	_ =	sdelay $0x3  }
0x96: {  	_ =	strace s2  }
0x97: {  	_ =	strace $0x8FFFFFFF  }
0x98: {  	s18 =	sld [smem:$0x3FDB];
	_ =	sdelay $0x1  }
0x99: {  	s19 =	simm.s32 $_scs_section_size  }
0x9a: {  	s4 =	simm.s32 $_size__tile_overlayer_lowered;
	s5 =	simm.s32 $_tile_overlayer_lowered  }
0x9b: {  	s22 =	simm.s32 $0x1BFF;
	s21 =	sshll.u32 s5, $0x1;
	s2 =	sadd.s32 s19, s18  }
0x9c: {  	s6 =	simm.s32 $0x0;
	s20 =	sshll.u32 s4, $0x1;
	s4 =	sadd.s32 s21, s2  }
0x9d: {  	[timem:s6], [sflag:s22] =	dma.local [hbm:s4], s20  }
0x9e: {  	_ =	swait.ge [sflag:s22], s20  }
0x9f: {  	s3 =	ssub.s32 $0x0, s20;
	[sflag:s22] =	ssyncset.done $0x0  }
0xa0: {  	[sflag:s22] =	ssyncadd.s32 s3;
	_ =	sdelay $0x1  }
0xa1: {  	s23 =	simm.s32 $0x1B8B  }
0xa2: {  	_ =	swait.ge [sflag:s23], $0x1  }
0xa3: {  	[sflag:s23] =	ssyncset.done $0x0  }
0xa4: {  	s25 =	simm.s32 $0x1B8E;
	s24 =	sld [smem:$0x3FFE];
	[sflag:s23] =	ssyncadd.s32 $0xFFFFFFFF  }
0xa5: {  	s26 =	simm.s32 $execute0_lowered;
	[smem:$0x3FD2] =	sst s25  }
0xa6: {  	s4 =	sshll.u32 s26, $0x1;
	_ =	strace $0x80000049;
	[dreg:$0x1] =	wrdreg $0xFFFFFFFF  }
0xa7: {  	s28 =	simm.s32 $_size_execute0_lowered;
	s2 =	sadd.s32 s2, s4;
	[dreg:$0x0] =	wrdreg $0x0  }
0xa8: {  	s4 =	sshll.u32 s28, $0x1;
	[dreg:$0x2] =	wrdreg s2  }
0xa9: {  	[dreg:$0x3] =	wrdreg s4  }
0xaa: {  	[dreg:$0x4] =	wrdreg $0xC0  }
0xab: {  	_ =	task [dreg:s6], $0x5FFFF  }
0xac: {  	[dreg:$0x1] =	wrdreg $0xFFFFFFFF  }
0xad: {  	[dreg:$0x0] =	wrdreg $0x60  }
0xae: {  	[dreg:$0x2] =	wrdreg s24  }
0xaf: {  	[dreg:$0x3] =	wrdreg $0xC4000  }
0xb0: {  	[dreg:$0x4] =	wrdreg $0x9  }
0xb1: {  	_ =	task.clear_ibuf [dreg:s6], $0x5FFFF;
	_ =	strace $0x90000049  }
0xb2: {  	s29 =	simm.s32 $0x9;
	_ =	strace $0x8000004B  }
0xb3: {  	_ =	swait.ge [sflag:s29], $0x1  }
0xb4: {  	[sflag:s29] =	ssyncadd.s32 $0xFFFFFFFF  }
0xb5: {  	_ =	strace $0x9000004B  }
0xb6: {  	_ =	sfence  }
0xb7: {  	s30 =	sld [smem:$0x0];
	_ =	sdelay $0x2  }
0xb8: {  	s31 =	sshll.u32 s1, $0xD;
	s1 =	sshrl.u32 s1, $0x2  }
0xb9: {  	s3 =	sand.u32 $0x4000, s31;
	s1 =	sadd.s32 s1, s30  }
0xba: {  	s0 =	sor.u32 s3, s0;
	s1 =	sshll.u32 s1, $0x11  }
0xbb: {  	s0 =	sor.u32 s1, s0  }
0xbc: {  	s0 =	sadd.s32 $0x8F2B, s0  }
0xbd: {  	[sflag:s0] =	ssyncadd.remote.s32 $0x1  }
0xbe: {  	_ =	sfence.sel $0xFFFF  }
0xbf: {  	[dreg:$0x0] =	wrdreg $0xFFFFFFFF;
	(pc) =	sbr.abs _section_cstart, $3  }
0xc0: {  	[dreg:$0x1] =	wrdreg $0xFFFFFFFF  }
0xc1: {  	_ =	task.clear_ibuf [dreg:s6], $0x2FFFF;
	_ =	strace $0x9FFFFFFF  }
0xc2: {  	(tm) =	ssettm $0x7FFFFFFF  }
0xc3: {  	_ =	shalt  }
tec
execute0_lowered:
.L_overlay_start_1:
0x0: {  	(tag) =	ssettag $0x1  }
0x1: {  	s0 =	rddreg [dreg:$0x0]  }
0x2: {  	s2 =	rddreg [dreg:$0x1];
	s19 =	stileid.u32  }
0x3: {  	s3 =	simm.s32 $0x0;
	s17 =	srdreg.scid;
	s1 =	smul.u32 $0x6400, s19  }
0x4: {  	[smem:$0x7FF] =	sst s3;
	s4 =	sadd.s32 $0x26C00, s0;
	s5 =	sadd.s32 $0x4DE00, s0  }
0x5: {  	s3 =	sadd.s32 $0x75000, s0;
	s7 =	sand.u32 $0x1, s17;
	s8 =	smul.u32 $0xA000, s19  }
0x6: {  	s9 =	smul.u32 $0x500, s19;
	s10 =	sor.u32 $0x10, s19;
	s18 =	sor.u32 $0x20, s19  }
0x7: {  	s13 =	sor.u32 $0x30, s19;
	s24 =	sor.u32 $0x40, s19;
	s14 =	sor.u32 $0x50, s19  }
0x8: {  	s16 =	sor.u32 $0x60, s19;
	_ =	strace $0x8000004A;
	s12 =	smul.u32 $0xA000, s10  }
0x9: {  	p0 =	seq.s32 s7, $0x1;
	s21 =	smul.u32 $0xA000, s18;
	s1 =	sshrl.u32 s1, $0x3  }
0xa: {  	s15 =	smul.u32 $0xA000, s14;
	s20 =	sshrl.u32 s8, $0x2;
	s6 =	sadd.s32 s1, s0  }
0xb: {  	s1 =	ssub.s32 $0x2, s7;
	s12 =	sshrl.u32 s12, $0x2;
	s7 =	sadd.s32 s20, s2  }
0xc: {  	s8 =	sshrl.u32 s21, $0x2;
	[dreg:$0x3] =	wrdreg s7;
	s22 =	sadd.s32 s12, s2  }
0xd: {  	s15 =	sshrl.u32 s15, $0x2;
	s8 =	sadd.s32 s8, s2;
	[dreg:$0x4] =	wrdreg s22  }
0xe: {  	s17 =	sor.u32 $0x70, s19;
	s31 =	sadd.s32 s15, s2;
	[dreg:$0x5] =	wrdreg s8  }
0xf: {  	s23 =	smul.u32 $0xA000, s13;
	s20 =	sadd.s32 $0x1A680, s6;
	[dreg:$0x8] =	wrdreg s31  }
0x10: {  	s10 =	smul.u32 $0x500, s10;
	s21 =	sadd.s32 $0xE100, s6;
	[dreg:$0xe] =	wrdreg s20  }
0x11: {  	s7 =	sshrl.u32 s23, $0x2;
	s23 =	sadd.s32 $0xE380, s6;
	[dreg:$0xf] =	wrdreg s21  }
0x12: {  	s25 =	smul.u32 $0xA000, s24;
	s7 =	sadd.s32 s7, s2;
	[dreg:$0x11] =	wrdreg s23  }
0x13: {  	s26 =	smul.u32 $0xA000, s16;
	s22 =	sadd.s32 $0x1A900, s6;
	[dreg:$0x6] =	wrdreg s7  }
0x14: {  	s8 =	sshrl.u32 s25, $0x2;
	s25 =	sadd.s32 $0xE600, s6;
	[dreg:$0x10] =	wrdreg s22  }
0x15: {  	s0 =	sadd.s32 $0x9C200, s0;
	s31 =	sadd.s32 s3, s10;
	[dreg:$0x13] =	wrdreg s25  }
0x16: {  	s11 =	sshrl.u32 s1, $0x1;
	s21 =	sadd.s32 s4, s9;
	[dreg:$0x16] =	wrdreg s31  }
0x17: {  	s12 =	smul.u32 $0x500, s13;
	s23 =	sadd.s32 s0, s9;
	[dreg:$0x1d] =	wrdreg s21  }
0x18: {  	s13 =	smul.u32 $0x500, s14;
	s8 =	sadd.s32 s8, s2;
	[dreg:$0x1f] =	wrdreg s23  }
0x19: {  	s7 =	sshrl.u32 s26, $0x2;
	s26 =	sadd.s32 s3, s9;
	[dreg:$0x7] =	wrdreg s8  }
0x1a: {  	s1 =	ssub.s32 s1, s11;
	s22 =	sadd.s32 s5, s9;
	[dreg:$0x15] =	wrdreg s26  }
0x1b: {  	s11 =	smul.u32 $0x500, s18;
	s25 =	sadd.s32 s5, s10;
	[dreg:$0x1e] =	wrdreg s22  }
0x1c: {  	s18 =	smul.u32 $0xA000, s17;
	s21 =	sadd.s32 s0, s13;
	[smem:$0x7E9] =	sst s25  }
0x1d: {  	s7 =	sadd.s32 s7, s2;
	[smem:$0x7F6] =	sst s21  }
0x1e: {  	s15 =	sshrl.u32 s18, $0x2;
	s18 =	sadd.s32 $0xDE80, s6;
	[dreg:$0x9] =	wrdreg s7  }
0x1f: {  	s8 =	smul.u32 $0x500, s24;
	s24 =	sadd.s32 $0x1AB80, s6;
	[dreg:$0xd] =	wrdreg s18  }
0x20: {  	s26 =	sadd.s32 s0, s10;
	[dreg:$0x12] =	wrdreg s24  }
0x21: {  	s31 =	sadd.s32 s4, s11;
	[smem:$0x7EA] =	sst s26  }
0x22: {  	s9 =	sadd.s32 s0, s11;
	[smem:$0x7EB] =	sst s31  }
0x23: {  	s14 =	sadd.s32 s15, s2;
	[smem:$0x7ED] =	sst s9  }
0x24: {  	s7 =	smul.u32 $0x500, s16;
	s16 =	sadd.s32 $0xDC00, s6;
	[dreg:$0xa] =	wrdreg s14  }
0x25: {  	s15 =	sadd.s32 s3, s11;
	[dreg:$0xb] =	wrdreg s16  }
0x26: {  	s18 =	sadd.s32 s3, s13;
	[dreg:$0x17] =	wrdreg s15  }
0x27: {  	s24 =	sadd.s32 s4, s10;
	[dreg:$0x1a] =	wrdreg s18  }
0x28: {  	s10 =	sadd.s32 s4, s12;
	[smem:$0x7E8] =	sst s24  }
0x29: {  	s31 =	smax.u32 s1, $0x1;
	[smem:$0x7EE] =	sst s10  }
0x2a: {  	s14 =	smul.u32 $0x500, s17;
	s17 =	sadd.s32 $0x1A400, s6;
	[smem:$0x7FD] =	sst s31  }
0x2b: {  	s6 =	sadd.s32 $0x1AE00, s6;
	[dreg:$0xc] =	wrdreg s17  }
0x2c: {  	s16 =	sadd.s32 s3, s12;
	[dreg:$0x14] =	wrdreg s6  }
0x2d: {  	s15 =	sadd.s32 s4, s8;
	[dreg:$0x18] =	wrdreg s16  }
0x2e: {  	s18 =	sadd.s32 s4, s13;
	[smem:$0x7F1] =	sst s15  }
0x2f: {  	s17 =	sadd.s32 s3, s8;
	[smem:$0x7F4] =	sst s18  }
0x30: {  	s28 =	simm.s32 $0x2;
	s20 =	sadd.s32 s3, s7;
	[dreg:$0x19] =	wrdreg s17  }
0x31: {  	s29 =	simm.s32 $0x64;
	s6 =	sadd.s32 s5, s11;
	[dreg:$0x1b] =	wrdreg s20  }
0x32: {  	s30 =	simm.s32 $0x2800;
	s11 =	sadd.s32 s5, s12;
	[smem:$0x7EC] =	sst s6  }
0x33: {  	p1 =	sgt.u32 s19, $0xC;
	s12 =	sadd.s32 s0, s12;
	[smem:$0x7EF] =	sst s11  }
0x34: {  	p2 =	slt.u32 s19, $0xD;
	s16 =	sadd.s32 s5, s8;
	[smem:$0x7F0] =	sst s12  }
0x35: {  	s1 =	simm.s32 $0x7;
	s22 =	sadd.s32 s4, s7;
	[smem:$0x7F2] =	sst s16  }
0x36: {  	s9 =	simm.s32 $0x4;
	s23 =	sadd.s32 s5, s7;
	[smem:$0x7F7] =	sst s22  }
0x37: {  	s24 =	sadd.s32 s0, s7;
	s7 =	simm.s32 $0x9000;
	[smem:$0x7F8] =	sst s23  }
0x38: {  	s15 =	simm.s32 $0x6;
	s3 =	sadd.s32 s3, s14;
	[smem:$0x7F9] =	sst s24  }
0x39: {  	s17 =	sadd.s32 s0, s8;
	s20 =	sadd.s32 s5, s13;
	[dreg:$0x1c] =	wrdreg s3  }
0x3a: {  	s0 =	sadd.s32 s0, s14;
	s25 =	sadd.s32 s4, s14;
	[smem:$0x7F3] =	sst s17  }
.Ltmp0:
0x3b: {  	s26 =	sadd.s32 s5, s14;
	[smem:$0x7F5] =	sst s20;
	(pc) =	sbr.rel .LBB2_1-.Ltmp0, $4  }
0x3c: {  	s11 =	simm.s32 $0x3;
	s12 =	simm.s32 $0x1500;
	[smem:$0x7FA] =	sst s0  }
0x3d: {  	s13 =	simm.s32 $0x5;
	s14 =	simm.s32 $0x200;
	[smem:$0x7FB] =	sst s25  }
0x3e: {  	s16 =	simm.s32 $0x2780;
	[smem:$0x7FC] =	sst s26;
	s25 =	simm.s32 $0x1400  }
0x3f: {  	s26 =	simm.s32 $0x1;
	s0 =	simm.s32 $0x5C00;
	s17 =	simm.s32 $0x0  }
.LBB2_34:
0x40: {  	_ =	swait.ge [sflag:s26], $0x500  }
0x41: {  	[sflag:s26] =	ssyncset.done $0x0  }
0x42: {  	[sflag:s26] =	ssyncadd.s32 $0xFFFFFB00  }
.LBB2_35:
0x43: {  	s3 =	sld [smem:$0x7FD];
	_ =	sdelay $0x1  }
0x44: {  	s17 =	sadd.s32 $0x1, s17  }
0x45: {  	p3 =	sne.s32 s17, s3  }
.Ltmp1:
0x46: {  	_ = 	snop;
	(pc) =	sbr.rel @!p3 .LBB2_36-.Ltmp1, $1  }
0x47: {  	_ =	sdelay $0x3  }
.LBB2_1:
.Ltmp2:
0x48: {  	(pc) =	sbr.rel @!p0 .LBB2_2-.Ltmp2, $4  }
0x49: {  	s24 =	rddreg [dreg:$0x3]  }
0x4a: {  	s3 =	stileid.u32;
	s31 =	rddreg [dreg:$0x4]  }
0x4b: {  	s20 =	sshll.u32 s3, $0x6;
	s19 =	sshrl.u32 s24, $0x3;
	s3 =	rddreg [dreg:$0xa]  }
0x4c: {  	s21 =	sshrl.u32 s31, $0x3;
	s18 =	sshrl.u32 @!p1 s3, $0x3;
	s6 =	sor.u32 $0x1C07, s20  }
0x4d: {  	s3 =	rddreg [dreg:$0x1e]  }
0x4e: {  	[spmem:s19], [sflag:s6] =	dma.local [hbm:s3], $0x500  }
0x4f: {  	s3 =	sld [smem:$0x7E9];
	_ =	sdelay $0x2  }
0x50: {  	[spmem:s21], [sflag:s6] =	dma.local [hbm:s3], $0x500  }
0x51: {  	s23 =	sld [smem:$0x7EC]  }
0x52: {  	s3 =	rddreg [dreg:$0x5]  }
0x53: {  	s22 =	sshrl.u32 s3, $0x3  }
0x54: {  	[spmem:s22], [sflag:s6] =	dma.local [hbm:s23], $0x500  }
0x55: {  	s24 =	sld [smem:$0x7EF]  }
0x56: {  	s3 =	rddreg [dreg:$0x6]  }
0x57: {  	s23 =	sshrl.u32 s3, $0x3  }
0x58: {  	[spmem:s23], [sflag:s6] =	dma.local [hbm:s24], $0x500  }
0x59: {  	s8 =	sld [smem:$0x7F2]  }
0x5a: {  	s3 =	rddreg [dreg:$0x7]  }
0x5b: {  	s24 =	sshrl.u32 s3, $0x3  }
0x5c: {  	[spmem:s24], [sflag:s6] =	dma.local [hbm:s8], $0x500  }
0x5d: {  	s8 =	sld [smem:$0x7F5]  }
0x5e: {  	s3 =	rddreg [dreg:$0x8]  }
0x5f: {  	s3 =	sshrl.u32 s3, $0x3  }
0x60: {  	[spmem:s3], [sflag:s6] =	dma.local [hbm:s8], $0x500  }
0x61: {  	s10 =	sld [smem:$0x7F8]  }
0x62: {  	s8 =	rddreg [dreg:$0x9]  }
0x63: {  	s31 =	sshrl.u32 s8, $0x3  }
0x64: {  	[spmem:s31], [sflag:s6] =	dma.local [hbm:s10], $0x500  }
0x65: {  	s8 =	sld [smem:$0x7FC];
	_ =	sdelay $0x2  }
0x66: {  	[spmem:s18], [sflag:s6] =	dma.local @!p1 [hbm:s8], $0x500  }
0x67: {  	s6 =	simm.s32 $0x0;
	s8 =	rddreg [dreg:$0xb]  }
0x68: {  	[tilespmem:s6], [sflag:$0x1] =	stream.linear.gather [hbm4b:s8+s6], $0x1400, $0x38;
	[tilespmem:$0x1FC80] =	vst v63  }
0x69: {  	s10 =	rddreg [dreg:$0xc]  }
0x6a: {  	[tilespmem:s25], [sflag:$0x2] =	stream.linear.gather [hbm4b:s10+s6], $0x1400, $0x38;
	[tilespmem:$0x1FC80] =	vst v63  }
0x6b: {  	_ =	swait.ge [sflag:s26], $0x1400  }
0x6c: {  	[sflag:s26] =	ssyncset.done $0x0  }
0x6d: {  	[sflag:s26] =	ssyncadd.s32 $0xFFFFEC00  }
0x6e: {  	_ =	swait.ge [sflag:s28], $0x1400  }
0x6f: {  	[sflag:s28] =	ssyncset.done $0x0  }
0x70: {  	[sflag:s28] =	ssyncadd.s32 $0xFFFFEC00  }
0x71: {  	[tilespmem:s30], [sflag:$0x1] =	stream.indirect.gather [hbm4b:s5+s29], $0x80, s6, s29, $0xb8;
	[tilespmem:$0x1FC80] =	vst v63  }
0x72: {  	s8 =	simm.s32 $0x80  }
0x73: {  	[tilespmem:s0], [sflag:$0x2] =	stream.indirect.gather [hbm4b:s5+s29], $0x80, s8, s29, $0xb8;
	[tilespmem:$0x1FC80] =	vst v63  }
0x74: {  	_ =	swait.ge [sflag:s1], $0x500  }
0x75: {  	[sflag:s1] =	ssyncset.done $0x0  }
0x76: {  	[sflag:s1] =	ssyncadd.s32 $0xFFFFFB00  }
0x77: {  	_ =	swait.ge [sflag:s1], $0x500  }
0x78: {  	[sflag:s1] =	ssyncset.done $0x0  }
0x79: {  	[sflag:s1] =	ssyncadd.s32 $0xFFFFFB00  }
0x7a: {  	_ =	swait.ge [sflag:s1], $0x500  }
0x7b: {  	[sflag:s1] =	ssyncset.done $0x0  }
0x7c: {  	[sflag:s1] =	ssyncadd.s32 $0xFFFFFB00  }
0x7d: {  	_ =	swait.ge [sflag:s1], $0x500  }
0x7e: {  	[sflag:s1] =	ssyncset.done $0x0  }
0x7f: {  	[sflag:s1] =	ssyncadd.s32 $0xFFFFFB00  }
0x80: {  	_ =	swait.ge [sflag:s1], $0x500  }
0x81: {  	[sflag:s1] =	ssyncset.done $0x0  }
0x82: {  	[sflag:s1] =	ssyncadd.s32 $0xFFFFFB00  }
0x83: {  	_ =	swait.ge [sflag:s1], $0x500  }
0x84: {  	[sflag:s1] =	ssyncset.done $0x0  }
0x85: {  	[sflag:s1] =	ssyncadd.s32 $0xFFFFFB00  }
0x86: {  	_ =	swait.ge [sflag:s1], $0x500  }
0x87: {  	[sflag:s1] =	ssyncset.done $0x0  }
0x88: {  	s6 =	simm.s32 @!p1 $0x7;
	[sflag:s1] =	ssyncadd.s32 $0xFFFFFB00  }
0x89: {  	_ =	swait.ge @!p1 [sflag:s6], $0x500  }
0x8a: {  	[sflag:s6] =	ssyncset.done @!p1 $0x0  }
0x8b: {  	[sflag:s6] =	ssyncadd.s32 @!p1 $0xFFFFFB00  }
0x8c: {  	[bflag:$0x0] =	sbarrier.arrive $0xFFFF  }
0x8d: {  	_ =	swait.ge [sflag:s26], $0x3200  }
0x8e: {  	[sflag:s26] =	ssyncset.done $0x0  }
0x8f: {  	[sflag:s26] =	ssyncadd.s32 $0xFFFFCE00  }
0x90: {  	[spmem:s2] =	stream.indirect.scatter.add.f32 [tilespmem:s30], [sflag:$0x4], $0x80, s25, s29, $0xb8;
	[tilespmem:$0x1FC80] =	vst v63  }
0x91: {  	s10 =	simm.s32 $0x100  }
0x92: {  	[tilespmem:s7], [sflag:$0x3] =	stream.indirect.gather [hbm4b:s5+s29], $0x80, s10, s29, $0xb8;
	[tilespmem:$0x1FC80] =	vst v63  }
0x93: {  	_ =	swait.ge [sflag:s28], $0x3200  }
0x94: {  	[sflag:s28] =	ssyncset.done $0x0  }
0x95: {  	s8 =	simm.s32 $0x1480;
	[sflag:s28] =	ssyncadd.s32 $0xFFFFCE00  }
0x96: {  	[spmem:s2] =	stream.indirect.scatter.add.f32 [tilespmem:s0], [sflag:$0x5], $0x80, s8, s29, $0xb8;
	[tilespmem:$0x1FC80] =	vst v63  }
0x97: {  	_ =	swait.ge [sflag:s9], $0x3200  }
0x98: {  	[sflag:s9] =	ssyncset.done $0x0  }
0x99: {  	s10 =	simm.s32 $0x180;
	[sflag:s9] =	ssyncadd.s32 $0xFFFFCE00  }
0x9a: {  	[tilespmem:s30], [sflag:$0x1] =	stream.indirect.gather [hbm4b:s5+s29], $0x80, s10, s29, $0xb8;
	[tilespmem:$0x1FC80] =	vst v63  }
0x9b: {  	_ =	swait.ge [sflag:s11], $0x3200  }
0x9c: {  	[sflag:s11] =	ssyncset.done $0x0  }
0x9d: {  	[sflag:s11] =	ssyncadd.s32 $0xFFFFCE00  }
0x9e: {  	[spmem:s2] =	stream.indirect.scatter.add.f32 [tilespmem:s7], [sflag:$0x6], $0x80, s12, s29, $0xb8;
	[tilespmem:$0x1FC80] =	vst v63  }
0x9f: {  	_ =	swait.ge [sflag:s13], $0x3200  }
0xa0: {  	[sflag:s13] =	ssyncset.done $0x0  }
0xa1: {  	s6 =	simm.s32 $0x0;
	[sflag:s13] =	ssyncadd.s32 $0xFFFFCE00  }
0xa2: {  	[tilespmem:s0], [sflag:$0x2] =	stream.indirect.gather [hbm4b:s5+s29], $0x80, s14, s29, $0xb8;
	[tilespmem:$0x1FC80] =	vst v63  }
.LBB2_19:
0xa3: {  	_ =	swait.ge [sflag:s26], $0x3200  }
0xa4: {  	s8 =	sshra.s32 s6, $0x2;
	[sflag:s26] =	ssyncset.done $0x0  }
0xa5: {  	s10 =	sadd.s32 $0x1580, s8;
	[sflag:s26] =	ssyncadd.s32 $0xFFFFCE00  }
0xa6: {  	[spmem:s2] =	stream.indirect.scatter.add.f32 [tilespmem:s30], [sflag:$0x4], $0x80, s10, s29, $0xb8;
	[tilespmem:$0x1FC80] =	vst v63  }
0xa7: {  	_ =	swait.ge [sflag:s15], $0x3200  }
0xa8: {  	[sflag:s15] =	ssyncset.done $0x0  }
0xa9: {  	s10 =	sadd.s32 $0x280, s8;
	[sflag:s15] =	ssyncadd.s32 $0xFFFFCE00  }
0xaa: {  	[tilespmem:s7], [sflag:$0x3] =	stream.indirect.gather [hbm4b:s5+s29], $0x80, s10, s29, $0xb8;
	[tilespmem:$0x1FC80] =	vst v63  }
0xab: {  	_ =	swait.ge [sflag:s28], $0x3200  }
0xac: {  	[sflag:s28] =	ssyncset.done $0x0  }
0xad: {  	s10 =	sadd.s32 $0x1600, s8;
	[sflag:s28] =	ssyncadd.s32 $0xFFFFCE00  }
0xae: {  	[spmem:s2] =	stream.indirect.scatter.add.f32 [tilespmem:s0], [sflag:$0x5], $0x80, s10, s29, $0xb8;
	[tilespmem:$0x1FC80] =	vst v63  }
0xaf: {  	_ =	swait.ge [sflag:s9], $0x3200  }
0xb0: {  	[sflag:s9] =	ssyncset.done $0x0  }
0xb1: {  	s10 =	sadd.s32 $0x300, s8;
	[sflag:s9] =	ssyncadd.s32 $0xFFFFCE00  }
0xb2: {  	[tilespmem:s30], [sflag:$0x1] =	stream.indirect.gather [hbm4b:s5+s29], $0x80, s10, s29, $0xb8;
	[tilespmem:$0x1FC80] =	vst v63  }
0xb3: {  	_ =	swait.ge [sflag:s11], $0x3200  }
0xb4: {  	p3 =	seq.s32 s6, $0x4200;
	[sflag:s11] =	ssyncset.done $0x0  }
.Ltmp3:
0xb5: {  	s10 =	sadd.s32 $0x1680, s8;
	[sflag:s11] =	ssyncadd.s32 $0xFFFFCE00;
	(pc) =	sbr.rel @p3 .LBB2_21-.Ltmp3, $4  }
0xb6: {  	[spmem:s2] =	stream.indirect.scatter.add.f32 [tilespmem:s7], [sflag:$0x6], $0x80, s10, s29, $0xb8;
	[tilespmem:$0x1FC80] =	vst v63  }
0xb7: {  	_ =	swait.ge [sflag:s13], $0x3200  }
0xb8: {  	[sflag:s13] =	ssyncset.done $0x0  }
0xb9: {  	[sflag:s13] =	ssyncadd.s32 $0xFFFFCE00  }
.Ltmp4:
0xba: {  	(pc) =	sbr.rel .LBB2_19-.Ltmp4, $3  }
0xbb: {  	_ =	sdelay $0x1  }
0xbc: {  	s8 =	sadd.s32 $0x380, s8;
	s6 =	sadd.s32 $0x600, s6  }
0xbd: {  	[tilespmem:s0], [sflag:$0x2] =	stream.indirect.gather [hbm4b:s5+s29], $0x80, s8, s29, $0xb8;
	[tilespmem:$0x1FC80] =	vst v63  }
.LBB2_2:
0xbe: {  	s3 =	rddreg [dreg:$0x1d]  }
0xbf: {  	[spmem:s19], [sflag:s6] =	dma.local [hbm:s3], $0x500  }
0xc0: {  	s3 =	sld [smem:$0x7E8];
	_ =	sdelay $0x2  }
0xc1: {  	[spmem:s21], [sflag:s6] =	dma.local [hbm:s3], $0x500  }
0xc2: {  	s23 =	sld [smem:$0x7EB]  }
0xc3: {  	s3 =	rddreg [dreg:$0x5]  }
0xc4: {  	s22 =	sshrl.u32 s3, $0x3  }
0xc5: {  	[spmem:s22], [sflag:s6] =	dma.local [hbm:s23], $0x500  }
0xc6: {  	s24 =	sld [smem:$0x7EE]  }
0xc7: {  	s3 =	rddreg [dreg:$0x6]  }
0xc8: {  	s23 =	sshrl.u32 s3, $0x3  }
0xc9: {  	[spmem:s23], [sflag:s6] =	dma.local [hbm:s24], $0x500  }
0xca: {  	s8 =	sld [smem:$0x7F1]  }
0xcb: {  	s3 =	rddreg [dreg:$0x7]  }
0xcc: {  	s24 =	sshrl.u32 s3, $0x3  }
0xcd: {  	[spmem:s24], [sflag:s6] =	dma.local [hbm:s8], $0x500  }
0xce: {  	s8 =	sld [smem:$0x7F4]  }
0xcf: {  	s3 =	rddreg [dreg:$0x8]  }
0xd0: {  	s3 =	sshrl.u32 s3, $0x3  }
0xd1: {  	[spmem:s3], [sflag:s6] =	dma.local [hbm:s8], $0x500  }
0xd2: {  	s10 =	sld [smem:$0x7F7]  }
0xd3: {  	s8 =	rddreg [dreg:$0x9]  }
0xd4: {  	s31 =	sshrl.u32 s8, $0x3  }
0xd5: {  	[spmem:s31], [sflag:s6] =	dma.local [hbm:s10], $0x500  }
0xd6: {  	s8 =	sld [smem:$0x7FB];
	_ =	sdelay $0x2  }
0xd7: {  	[spmem:s18], [sflag:s6] =	dma.local @!p1 [hbm:s8], $0x500  }
0xd8: {  	s6 =	simm.s32 $0x0;
	s8 =	rddreg [dreg:$0xb]  }
0xd9: {  	[tilespmem:s6], [sflag:$0x1] =	stream.linear.gather [hbm4b:s8+s6], $0x1400, $0x38;
	[tilespmem:$0x1FC80] =	vst v63  }
0xda: {  	s10 =	rddreg [dreg:$0xc]  }
0xdb: {  	[tilespmem:s25], [sflag:$0x2] =	stream.linear.gather [hbm4b:s10+s6], $0x1400, $0x38;
	[tilespmem:$0x1FC80] =	vst v63  }
0xdc: {  	_ =	swait.ge [sflag:s26], $0x1400  }
0xdd: {  	[sflag:s26] =	ssyncset.done $0x0  }
0xde: {  	[sflag:s26] =	ssyncadd.s32 $0xFFFFEC00  }
0xdf: {  	_ =	swait.ge [sflag:s28], $0x1400  }
0xe0: {  	[sflag:s28] =	ssyncset.done $0x0  }
0xe1: {  	[sflag:s28] =	ssyncadd.s32 $0xFFFFEC00  }
0xe2: {  	[tilespmem:s30], [sflag:$0x1] =	stream.indirect.gather [hbm4b:s4+s29], $0x80, s6, s29, $0xb8;
	[tilespmem:$0x1FC80] =	vst v63  }
0xe3: {  	s8 =	simm.s32 $0x80  }
0xe4: {  	[tilespmem:s0], [sflag:$0x2] =	stream.indirect.gather [hbm4b:s4+s29], $0x80, s8, s29, $0xb8;
	[tilespmem:$0x1FC80] =	vst v63  }
0xe5: {  	_ =	swait.ge [sflag:s1], $0x500  }
0xe6: {  	[sflag:s1] =	ssyncset.done $0x0  }
0xe7: {  	[sflag:s1] =	ssyncadd.s32 $0xFFFFFB00  }
0xe8: {  	_ =	swait.ge [sflag:s1], $0x500  }
0xe9: {  	[sflag:s1] =	ssyncset.done $0x0  }
0xea: {  	[sflag:s1] =	ssyncadd.s32 $0xFFFFFB00  }
0xeb: {  	_ =	swait.ge [sflag:s1], $0x500  }
0xec: {  	[sflag:s1] =	ssyncset.done $0x0  }
0xed: {  	[sflag:s1] =	ssyncadd.s32 $0xFFFFFB00  }
0xee: {  	_ =	swait.ge [sflag:s1], $0x500  }
0xef: {  	[sflag:s1] =	ssyncset.done $0x0  }
0xf0: {  	[sflag:s1] =	ssyncadd.s32 $0xFFFFFB00  }
0xf1: {  	_ =	swait.ge [sflag:s1], $0x500  }
0xf2: {  	[sflag:s1] =	ssyncset.done $0x0  }
0xf3: {  	[sflag:s1] =	ssyncadd.s32 $0xFFFFFB00  }
0xf4: {  	_ =	swait.ge [sflag:s1], $0x500  }
0xf5: {  	[sflag:s1] =	ssyncset.done $0x0  }
0xf6: {  	[sflag:s1] =	ssyncadd.s32 $0xFFFFFB00  }
0xf7: {  	_ =	swait.ge [sflag:s1], $0x500  }
0xf8: {  	[sflag:s1] =	ssyncset.done $0x0  }
0xf9: {  	s6 =	simm.s32 @!p1 $0x7;
	[sflag:s1] =	ssyncadd.s32 $0xFFFFFB00  }
0xfa: {  	_ =	swait.ge @!p1 [sflag:s6], $0x500  }
0xfb: {  	[sflag:s6] =	ssyncset.done @!p1 $0x0  }
0xfc: {  	[sflag:s6] =	ssyncadd.s32 @!p1 $0xFFFFFB00  }
0xfd: {  	[bflag:$0x0] =	sbarrier.arrive $0xFFFF  }
0xfe: {  	_ =	swait.ge [sflag:s26], $0x3200  }
0xff: {  	[sflag:s26] =	ssyncset.done $0x0  }
0x100: {  	[sflag:s26] =	ssyncadd.s32 $0xFFFFCE00  }
0x101: {  	[spmem:s2] =	stream.indirect.scatter.add.f32 [tilespmem:s30], [sflag:$0x4], $0x80, s25, s29, $0xb8;
	[tilespmem:$0x1FC80] =	vst v63  }
0x102: {  	s10 =	simm.s32 $0x100  }
0x103: {  	[tilespmem:s7], [sflag:$0x3] =	stream.indirect.gather [hbm4b:s4+s29], $0x80, s10, s29, $0xb8;
	[tilespmem:$0x1FC80] =	vst v63  }
0x104: {  	_ =	swait.ge [sflag:s28], $0x3200  }
0x105: {  	[sflag:s28] =	ssyncset.done $0x0  }
0x106: {  	s8 =	simm.s32 $0x1480;
	[sflag:s28] =	ssyncadd.s32 $0xFFFFCE00  }
0x107: {  	[spmem:s2] =	stream.indirect.scatter.add.f32 [tilespmem:s0], [sflag:$0x5], $0x80, s8, s29, $0xb8;
	[tilespmem:$0x1FC80] =	vst v63  }
0x108: {  	_ =	swait.ge [sflag:s9], $0x3200  }
0x109: {  	[sflag:s9] =	ssyncset.done $0x0  }
0x10a: {  	s10 =	simm.s32 $0x180;
	[sflag:s9] =	ssyncadd.s32 $0xFFFFCE00  }
0x10b: {  	[tilespmem:s30], [sflag:$0x1] =	stream.indirect.gather [hbm4b:s4+s29], $0x80, s10, s29, $0xb8;
	[tilespmem:$0x1FC80] =	vst v63  }
0x10c: {  	_ =	swait.ge [sflag:s11], $0x3200  }
0x10d: {  	[sflag:s11] =	ssyncset.done $0x0  }
0x10e: {  	[sflag:s11] =	ssyncadd.s32 $0xFFFFCE00  }
0x10f: {  	[spmem:s2] =	stream.indirect.scatter.add.f32 [tilespmem:s7], [sflag:$0x6], $0x80, s12, s29, $0xb8;
	[tilespmem:$0x1FC80] =	vst v63  }
0x110: {  	_ =	swait.ge [sflag:s13], $0x3200  }
0x111: {  	[sflag:s13] =	ssyncset.done $0x0  }
0x112: {  	s6 =	simm.s32 $0x0;
	[sflag:s13] =	ssyncadd.s32 $0xFFFFCE00  }
0x113: {  	[tilespmem:s0], [sflag:$0x2] =	stream.indirect.gather [hbm4b:s4+s29], $0x80, s14, s29, $0xb8;
	[tilespmem:$0x1FC80] =	vst v63  }
.LBB2_3:
0x114: {  	_ =	swait.ge [sflag:s26], $0x3200  }
0x115: {  	s8 =	sshra.s32 s6, $0x2;
	[sflag:s26] =	ssyncset.done $0x0  }
0x116: {  	s10 =	sadd.s32 $0x1580, s8;
	[sflag:s26] =	ssyncadd.s32 $0xFFFFCE00  }
0x117: {  	[spmem:s2] =	stream.indirect.scatter.add.f32 [tilespmem:s30], [sflag:$0x4], $0x80, s10, s29, $0xb8;
	[tilespmem:$0x1FC80] =	vst v63  }
0x118: {  	_ =	swait.ge [sflag:s15], $0x3200  }
0x119: {  	[sflag:s15] =	ssyncset.done $0x0  }
0x11a: {  	s10 =	sadd.s32 $0x280, s8;
	[sflag:s15] =	ssyncadd.s32 $0xFFFFCE00  }
0x11b: {  	[tilespmem:s7], [sflag:$0x3] =	stream.indirect.gather [hbm4b:s4+s29], $0x80, s10, s29, $0xb8;
	[tilespmem:$0x1FC80] =	vst v63  }
0x11c: {  	_ =	swait.ge [sflag:s28], $0x3200  }
0x11d: {  	[sflag:s28] =	ssyncset.done $0x0  }
0x11e: {  	s10 =	sadd.s32 $0x1600, s8;
	[sflag:s28] =	ssyncadd.s32 $0xFFFFCE00  }
0x11f: {  	[spmem:s2] =	stream.indirect.scatter.add.f32 [tilespmem:s0], [sflag:$0x5], $0x80, s10, s29, $0xb8;
	[tilespmem:$0x1FC80] =	vst v63  }
0x120: {  	_ =	swait.ge [sflag:s9], $0x3200  }
0x121: {  	[sflag:s9] =	ssyncset.done $0x0  }
0x122: {  	s10 =	sadd.s32 $0x300, s8;
	[sflag:s9] =	ssyncadd.s32 $0xFFFFCE00  }
0x123: {  	[tilespmem:s30], [sflag:$0x1] =	stream.indirect.gather [hbm4b:s4+s29], $0x80, s10, s29, $0xb8;
	[tilespmem:$0x1FC80] =	vst v63  }
0x124: {  	_ =	swait.ge [sflag:s11], $0x3200  }
0x125: {  	p3 =	seq.s32 s6, $0x4200;
	[sflag:s11] =	ssyncset.done $0x0  }
.Ltmp5:
0x126: {  	s10 =	sadd.s32 $0x1680, s8;
	[sflag:s11] =	ssyncadd.s32 $0xFFFFCE00;
	(pc) =	sbr.rel @p3 .LBB2_5-.Ltmp5, $4  }
0x127: {  	[spmem:s2] =	stream.indirect.scatter.add.f32 [tilespmem:s7], [sflag:$0x6], $0x80, s10, s29, $0xb8;
	[tilespmem:$0x1FC80] =	vst v63  }
0x128: {  	_ =	swait.ge [sflag:s13], $0x3200  }
0x129: {  	[sflag:s13] =	ssyncset.done $0x0  }
0x12a: {  	[sflag:s13] =	ssyncadd.s32 $0xFFFFCE00  }
.Ltmp6:
0x12b: {  	(pc) =	sbr.rel .LBB2_3-.Ltmp6, $3  }
0x12c: {  	_ =	sdelay $0x1  }
0x12d: {  	s8 =	sadd.s32 $0x380, s8;
	s6 =	sadd.s32 $0x600, s6  }
0x12e: {  	[tilespmem:s0], [sflag:$0x2] =	stream.indirect.gather [hbm4b:s4+s29], $0x80, s8, s29, $0xb8;
	[tilespmem:$0x1FC80] =	vst v63  }
.LBB2_21:
0x12f: {  	_ =	swait.ge [sflag:s26], $0x3200  }
0x130: {  	[sflag:s26] =	ssyncset.done $0x0  }
0x131: {  	[sflag:s26] =	ssyncadd.s32 $0xFFFFCE00  }
0x132: {  	[spmem:s2] =	stream.indirect.scatter.add.f32 [tilespmem:s30], [sflag:$0x4], $0x80, s16, s29, $0xb8;
	[tilespmem:$0x1FC80] =	vst v63  }
0x133: {  	_ =	swait.ge [sflag:s15], $0x3200  }
0x134: {  	[sflag:s15] =	ssyncset.done $0x0  }
0x135: {  	[sflag:s15] =	ssyncadd.s32 $0xFFFFCE00  }
0x136: {  	_ =	swait.ge [sflag:s9], $0x3200  }
0x137: {  	[sflag:s9] =	ssyncset.done $0x0  }
0x138: {  	s6 =	simm.s32 $0x0;
	s8 =	rddreg [dreg:$0xd];
	[sflag:s9] =	ssyncadd.s32 $0xFFFFCE00  }
0x139: {  	[tilespmem:s6], [sflag:$0x1] =	stream.linear.gather [hbm4b:s8+s6], $0x1400, $0x38;
	[tilespmem:$0x1FC80] =	vst v63  }
0x13a: {  	s10 =	rddreg [dreg:$0xe]  }
0x13b: {  	[tilespmem:s25], [sflag:$0x2] =	stream.linear.gather [hbm4b:s10+s6], $0x1400, $0x38;
	[tilespmem:$0x1FC80] =	vst v63  }
0x13c: {  	_ =	swait.ge [sflag:s26], $0x1400  }
0x13d: {  	[sflag:s26] =	ssyncset.done $0x0  }
0x13e: {  	[sflag:s26] =	ssyncadd.s32 $0xFFFFEC00  }
0x13f: {  	_ =	swait.ge [sflag:s28], $0x1400  }
0x140: {  	[sflag:s28] =	ssyncset.done $0x0  }
0x141: {  	[sflag:s28] =	ssyncadd.s32 $0xFFFFEC00  }
0x142: {  	[tilespmem:s0], [sflag:$0x2] =	stream.indirect.gather [hbm4b:s5+s29], $0x80, s6, s29, $0xb8;
	[tilespmem:$0x1FC80] =	vst v63  }
0x143: {  	s10 =	simm.s32 $0x80  }
0x144: {  	[tilespmem:s7], [sflag:$0x3] =	stream.indirect.gather [hbm4b:s5+s29], $0x80, s10, s29, $0xb8;
	[tilespmem:$0x1FC80] =	vst v63  }
0x145: {  	_ =	swait.ge [sflag:s28], $0x3200  }
0x146: {  	[sflag:s28] =	ssyncset.done $0x0  }
0x147: {  	[sflag:s28] =	ssyncadd.s32 $0xFFFFCE00  }
0x148: {  	[spmem:s2] =	stream.indirect.scatter.add.f32 [tilespmem:s0], [sflag:$0x5], $0x80, s25, s29, $0xb8;
	[tilespmem:$0x1FC80] =	vst v63  }
0x149: {  	s10 =	simm.s32 $0x100  }
0x14a: {  	[tilespmem:s30], [sflag:$0x1] =	stream.indirect.gather [hbm4b:s5+s29], $0x80, s10, s29, $0xb8;
	[tilespmem:$0x1FC80] =	vst v63  }
0x14b: {  	_ =	swait.ge [sflag:s11], $0x3200  }
0x14c: {  	[sflag:s11] =	ssyncset.done $0x0  }
0x14d: {  	s10 =	simm.s32 $0x1480;
	[sflag:s11] =	ssyncadd.s32 $0xFFFFCE00  }
0x14e: {  	[spmem:s2] =	stream.indirect.scatter.add.f32 [tilespmem:s7], [sflag:$0x6], $0x80, s10, s29, $0xb8;
	[tilespmem:$0x1FC80] =	vst v63  }
0x14f: {  	_ =	swait.ge [sflag:s13], $0x3200  }
0x150: {  	[sflag:s13] =	ssyncset.done $0x0  }
0x151: {  	s10 =	simm.s32 $0x180;
	[sflag:s13] =	ssyncadd.s32 $0xFFFFCE00  }
0x152: {  	[tilespmem:s0], [sflag:$0x2] =	stream.indirect.gather [hbm4b:s5+s29], $0x80, s10, s29, $0xb8;
	[tilespmem:$0x1FC80] =	vst v63  }
0x153: {  	_ =	swait.ge [sflag:s26], $0x3200  }
0x154: {  	[sflag:s26] =	ssyncset.done $0x0  }
0x155: {  	[sflag:s26] =	ssyncadd.s32 $0xFFFFCE00  }
0x156: {  	[spmem:s2] =	stream.indirect.scatter.add.f32 [tilespmem:s30], [sflag:$0x4], $0x80, s12, s29, $0xb8;
	[tilespmem:$0x1FC80] =	vst v63  }
0x157: {  	_ =	swait.ge [sflag:s15], $0x3200  }
0x158: {  	[sflag:s15] =	ssyncset.done $0x0  }
0x159: {  	[sflag:s15] =	ssyncadd.s32 $0xFFFFCE00  }
0x15a: {  	[tilespmem:s7], [sflag:$0x3] =	stream.indirect.gather [hbm4b:s5+s29], $0x80, s14, s29, $0xb8;
	[tilespmem:$0x1FC80] =	vst v63  }
.LBB2_22:
0x15b: {  	_ =	swait.ge [sflag:s28], $0x3200  }
0x15c: {  	s8 =	sshra.s32 s6, $0x2;
	[sflag:s28] =	ssyncset.done $0x0  }
0x15d: {  	s10 =	sadd.s32 $0x1580, s8;
	[sflag:s28] =	ssyncadd.s32 $0xFFFFCE00  }
0x15e: {  	[spmem:s2] =	stream.indirect.scatter.add.f32 [tilespmem:s0], [sflag:$0x5], $0x80, s10, s29, $0xb8;
	[tilespmem:$0x1FC80] =	vst v63  }
0x15f: {  	_ =	swait.ge [sflag:s9], $0x3200  }
0x160: {  	[sflag:s9] =	ssyncset.done $0x0  }
0x161: {  	s10 =	sadd.s32 $0x280, s8;
	[sflag:s9] =	ssyncadd.s32 $0xFFFFCE00  }
0x162: {  	[tilespmem:s30], [sflag:$0x1] =	stream.indirect.gather [hbm4b:s5+s29], $0x80, s10, s29, $0xb8;
	[tilespmem:$0x1FC80] =	vst v63  }
0x163: {  	_ =	swait.ge [sflag:s11], $0x3200  }
0x164: {  	[sflag:s11] =	ssyncset.done $0x0  }
0x165: {  	s10 =	sadd.s32 $0x1600, s8;
	[sflag:s11] =	ssyncadd.s32 $0xFFFFCE00  }
0x166: {  	[spmem:s2] =	stream.indirect.scatter.add.f32 [tilespmem:s7], [sflag:$0x6], $0x80, s10, s29, $0xb8;
	[tilespmem:$0x1FC80] =	vst v63  }
0x167: {  	_ =	swait.ge [sflag:s13], $0x3200  }
0x168: {  	[sflag:s13] =	ssyncset.done $0x0  }
0x169: {  	s10 =	sadd.s32 $0x300, s8;
	[sflag:s13] =	ssyncadd.s32 $0xFFFFCE00  }
0x16a: {  	[tilespmem:s0], [sflag:$0x2] =	stream.indirect.gather [hbm4b:s5+s29], $0x80, s10, s29, $0xb8;
	[tilespmem:$0x1FC80] =	vst v63  }
0x16b: {  	_ =	swait.ge [sflag:s26], $0x3200  }
0x16c: {  	p3 =	seq.s32 s6, $0x4200;
	[sflag:s26] =	ssyncset.done $0x0  }
.Ltmp7:
0x16d: {  	s10 =	sadd.s32 $0x1680, s8;
	[sflag:s26] =	ssyncadd.s32 $0xFFFFCE00;
	(pc) =	sbr.rel @p3 .LBB2_24-.Ltmp7, $4  }
0x16e: {  	[spmem:s2] =	stream.indirect.scatter.add.f32 [tilespmem:s30], [sflag:$0x4], $0x80, s10, s29, $0xb8;
	[tilespmem:$0x1FC80] =	vst v63  }
0x16f: {  	_ =	swait.ge [sflag:s15], $0x3200  }
0x170: {  	[sflag:s15] =	ssyncset.done $0x0  }
0x171: {  	[sflag:s15] =	ssyncadd.s32 $0xFFFFCE00  }
.Ltmp8:
0x172: {  	(pc) =	sbr.rel .LBB2_22-.Ltmp8, $3  }
0x173: {  	_ =	sdelay $0x1  }
0x174: {  	s8 =	sadd.s32 $0x380, s8;
	s6 =	sadd.s32 $0x600, s6  }
0x175: {  	[tilespmem:s7], [sflag:$0x3] =	stream.indirect.gather [hbm4b:s5+s29], $0x80, s8, s29, $0xb8;
	[tilespmem:$0x1FC80] =	vst v63  }
.LBB2_5:
0x176: {  	_ =	swait.ge [sflag:s26], $0x3200  }
0x177: {  	[sflag:s26] =	ssyncset.done $0x0  }
0x178: {  	[sflag:s26] =	ssyncadd.s32 $0xFFFFCE00  }
0x179: {  	[spmem:s2] =	stream.indirect.scatter.add.f32 [tilespmem:s30], [sflag:$0x4], $0x80, s16, s29, $0xb8;
	[tilespmem:$0x1FC80] =	vst v63  }
0x17a: {  	_ =	swait.ge [sflag:s15], $0x3200  }
0x17b: {  	[sflag:s15] =	ssyncset.done $0x0  }
0x17c: {  	[sflag:s15] =	ssyncadd.s32 $0xFFFFCE00  }
0x17d: {  	_ =	swait.ge [sflag:s9], $0x3200  }
0x17e: {  	[sflag:s9] =	ssyncset.done $0x0  }
0x17f: {  	s6 =	simm.s32 $0x0;
	s8 =	rddreg [dreg:$0xd];
	[sflag:s9] =	ssyncadd.s32 $0xFFFFCE00  }
0x180: {  	[tilespmem:s6], [sflag:$0x1] =	stream.linear.gather [hbm4b:s8+s6], $0x1400, $0x38;
	[tilespmem:$0x1FC80] =	vst v63  }
0x181: {  	s10 =	rddreg [dreg:$0xe]  }
0x182: {  	[tilespmem:s25], [sflag:$0x2] =	stream.linear.gather [hbm4b:s10+s6], $0x1400, $0x38;
	[tilespmem:$0x1FC80] =	vst v63  }
0x183: {  	_ =	swait.ge [sflag:s26], $0x1400  }
0x184: {  	[sflag:s26] =	ssyncset.done $0x0  }
0x185: {  	[sflag:s26] =	ssyncadd.s32 $0xFFFFEC00  }
0x186: {  	_ =	swait.ge [sflag:s28], $0x1400  }
0x187: {  	[sflag:s28] =	ssyncset.done $0x0  }
0x188: {  	[sflag:s28] =	ssyncadd.s32 $0xFFFFEC00  }
0x189: {  	[tilespmem:s0], [sflag:$0x2] =	stream.indirect.gather [hbm4b:s4+s29], $0x80, s6, s29, $0xb8;
	[tilespmem:$0x1FC80] =	vst v63  }
0x18a: {  	s10 =	simm.s32 $0x80  }
0x18b: {  	[tilespmem:s7], [sflag:$0x3] =	stream.indirect.gather [hbm4b:s4+s29], $0x80, s10, s29, $0xb8;
	[tilespmem:$0x1FC80] =	vst v63  }
0x18c: {  	_ =	swait.ge [sflag:s28], $0x3200  }
0x18d: {  	[sflag:s28] =	ssyncset.done $0x0  }
0x18e: {  	[sflag:s28] =	ssyncadd.s32 $0xFFFFCE00  }
0x18f: {  	[spmem:s2] =	stream.indirect.scatter.add.f32 [tilespmem:s0], [sflag:$0x5], $0x80, s25, s29, $0xb8;
	[tilespmem:$0x1FC80] =	vst v63  }
0x190: {  	s10 =	simm.s32 $0x100  }
0x191: {  	[tilespmem:s30], [sflag:$0x1] =	stream.indirect.gather [hbm4b:s4+s29], $0x80, s10, s29, $0xb8;
	[tilespmem:$0x1FC80] =	vst v63  }
0x192: {  	_ =	swait.ge [sflag:s11], $0x3200  }
0x193: {  	[sflag:s11] =	ssyncset.done $0x0  }
0x194: {  	s10 =	simm.s32 $0x1480;
	[sflag:s11] =	ssyncadd.s32 $0xFFFFCE00  }
0x195: {  	[spmem:s2] =	stream.indirect.scatter.add.f32 [tilespmem:s7], [sflag:$0x6], $0x80, s10, s29, $0xb8;
	[tilespmem:$0x1FC80] =	vst v63  }
0x196: {  	_ =	swait.ge [sflag:s13], $0x3200  }
0x197: {  	[sflag:s13] =	ssyncset.done $0x0  }
0x198: {  	s10 =	simm.s32 $0x180;
	[sflag:s13] =	ssyncadd.s32 $0xFFFFCE00  }
0x199: {  	[tilespmem:s0], [sflag:$0x2] =	stream.indirect.gather [hbm4b:s4+s29], $0x80, s10, s29, $0xb8;
	[tilespmem:$0x1FC80] =	vst v63  }
0x19a: {  	_ =	swait.ge [sflag:s26], $0x3200  }
0x19b: {  	[sflag:s26] =	ssyncset.done $0x0  }
0x19c: {  	[sflag:s26] =	ssyncadd.s32 $0xFFFFCE00  }
0x19d: {  	[spmem:s2] =	stream.indirect.scatter.add.f32 [tilespmem:s30], [sflag:$0x4], $0x80, s12, s29, $0xb8;
	[tilespmem:$0x1FC80] =	vst v63  }
0x19e: {  	_ =	swait.ge [sflag:s15], $0x3200  }
0x19f: {  	[sflag:s15] =	ssyncset.done $0x0  }
0x1a0: {  	[sflag:s15] =	ssyncadd.s32 $0xFFFFCE00  }
0x1a1: {  	[tilespmem:s7], [sflag:$0x3] =	stream.indirect.gather [hbm4b:s4+s29], $0x80, s14, s29, $0xb8;
	[tilespmem:$0x1FC80] =	vst v63  }
.LBB2_6:
0x1a2: {  	_ =	swait.ge [sflag:s28], $0x3200  }
0x1a3: {  	s8 =	sshra.s32 s6, $0x2;
	[sflag:s28] =	ssyncset.done $0x0  }
0x1a4: {  	s10 =	sadd.s32 $0x1580, s8;
	[sflag:s28] =	ssyncadd.s32 $0xFFFFCE00  }
0x1a5: {  	[spmem:s2] =	stream.indirect.scatter.add.f32 [tilespmem:s0], [sflag:$0x5], $0x80, s10, s29, $0xb8;
	[tilespmem:$0x1FC80] =	vst v63  }
0x1a6: {  	_ =	swait.ge [sflag:s9], $0x3200  }
0x1a7: {  	[sflag:s9] =	ssyncset.done $0x0  }
0x1a8: {  	s10 =	sadd.s32 $0x280, s8;
	[sflag:s9] =	ssyncadd.s32 $0xFFFFCE00  }
0x1a9: {  	[tilespmem:s30], [sflag:$0x1] =	stream.indirect.gather [hbm4b:s4+s29], $0x80, s10, s29, $0xb8;
	[tilespmem:$0x1FC80] =	vst v63  }
0x1aa: {  	_ =	swait.ge [sflag:s11], $0x3200  }
0x1ab: {  	[sflag:s11] =	ssyncset.done $0x0  }
0x1ac: {  	s10 =	sadd.s32 $0x1600, s8;
	[sflag:s11] =	ssyncadd.s32 $0xFFFFCE00  }
0x1ad: {  	[spmem:s2] =	stream.indirect.scatter.add.f32 [tilespmem:s7], [sflag:$0x6], $0x80, s10, s29, $0xb8;
	[tilespmem:$0x1FC80] =	vst v63  }
0x1ae: {  	_ =	swait.ge [sflag:s13], $0x3200  }
0x1af: {  	[sflag:s13] =	ssyncset.done $0x0  }
0x1b0: {  	s10 =	sadd.s32 $0x300, s8;
	[sflag:s13] =	ssyncadd.s32 $0xFFFFCE00  }
0x1b1: {  	[tilespmem:s0], [sflag:$0x2] =	stream.indirect.gather [hbm4b:s4+s29], $0x80, s10, s29, $0xb8;
	[tilespmem:$0x1FC80] =	vst v63  }
0x1b2: {  	_ =	swait.ge [sflag:s26], $0x3200  }
0x1b3: {  	p3 =	seq.s32 s6, $0x4200;
	[sflag:s26] =	ssyncset.done $0x0  }
.Ltmp9:
0x1b4: {  	s10 =	sadd.s32 $0x1680, s8;
	[sflag:s26] =	ssyncadd.s32 $0xFFFFCE00;
	(pc) =	sbr.rel @p3 .LBB2_8-.Ltmp9, $4  }
0x1b5: {  	[spmem:s2] =	stream.indirect.scatter.add.f32 [tilespmem:s30], [sflag:$0x4], $0x80, s10, s29, $0xb8;
	[tilespmem:$0x1FC80] =	vst v63  }
0x1b6: {  	_ =	swait.ge [sflag:s15], $0x3200  }
0x1b7: {  	[sflag:s15] =	ssyncset.done $0x0  }
0x1b8: {  	[sflag:s15] =	ssyncadd.s32 $0xFFFFCE00  }
.Ltmp10:
0x1b9: {  	(pc) =	sbr.rel .LBB2_6-.Ltmp10, $3  }
0x1ba: {  	_ =	sdelay $0x1  }
0x1bb: {  	s8 =	sadd.s32 $0x380, s8;
	s6 =	sadd.s32 $0x600, s6  }
0x1bc: {  	[tilespmem:s7], [sflag:$0x3] =	stream.indirect.gather [hbm4b:s4+s29], $0x80, s8, s29, $0xb8;
	[tilespmem:$0x1FC80] =	vst v63  }
.LBB2_24:
0x1bd: {  	_ =	swait.ge [sflag:s28], $0x3200  }
0x1be: {  	[sflag:s28] =	ssyncset.done $0x0  }
0x1bf: {  	[sflag:s28] =	ssyncadd.s32 $0xFFFFCE00  }
0x1c0: {  	[spmem:s2] =	stream.indirect.scatter.add.f32 [tilespmem:s0], [sflag:$0x5], $0x80, s16, s29, $0xb8;
	[tilespmem:$0x1FC80] =	vst v63  }
0x1c1: {  	_ =	swait.ge [sflag:s9], $0x3200  }
0x1c2: {  	[sflag:s9] =	ssyncset.done $0x0  }
0x1c3: {  	[sflag:s9] =	ssyncadd.s32 $0xFFFFCE00  }
0x1c4: {  	_ =	swait.ge [sflag:s13], $0x3200  }
0x1c5: {  	[sflag:s13] =	ssyncset.done $0x0  }
0x1c6: {  	s6 =	simm.s32 $0x0;
	s8 =	rddreg [dreg:$0xf];
	[sflag:s13] =	ssyncadd.s32 $0xFFFFCE00  }
0x1c7: {  	[tilespmem:s6], [sflag:$0x1] =	stream.linear.gather [hbm4b:s8+s6], $0x1400, $0x38;
	[tilespmem:$0x1FC80] =	vst v63  }
0x1c8: {  	s10 =	rddreg [dreg:$0x10]  }
0x1c9: {  	[tilespmem:s25], [sflag:$0x2] =	stream.linear.gather [hbm4b:s10+s6], $0x1400, $0x38;
	[tilespmem:$0x1FC80] =	vst v63  }
0x1ca: {  	_ =	swait.ge [sflag:s26], $0x1400  }
0x1cb: {  	[sflag:s26] =	ssyncset.done $0x0  }
0x1cc: {  	[sflag:s26] =	ssyncadd.s32 $0xFFFFEC00  }
0x1cd: {  	_ =	swait.ge [sflag:s28], $0x1400  }
0x1ce: {  	[sflag:s28] =	ssyncset.done $0x0  }
0x1cf: {  	[sflag:s28] =	ssyncadd.s32 $0xFFFFEC00  }
0x1d0: {  	[tilespmem:s7], [sflag:$0x3] =	stream.indirect.gather [hbm4b:s5+s29], $0x80, s6, s29, $0xb8;
	[tilespmem:$0x1FC80] =	vst v63  }
0x1d1: {  	s10 =	simm.s32 $0x80  }
0x1d2: {  	[tilespmem:s30], [sflag:$0x1] =	stream.indirect.gather [hbm4b:s5+s29], $0x80, s10, s29, $0xb8;
	[tilespmem:$0x1FC80] =	vst v63  }
0x1d3: {  	_ =	swait.ge [sflag:s11], $0x3200  }
0x1d4: {  	[sflag:s11] =	ssyncset.done $0x0  }
0x1d5: {  	[sflag:s11] =	ssyncadd.s32 $0xFFFFCE00  }
0x1d6: {  	[spmem:s2] =	stream.indirect.scatter.add.f32 [tilespmem:s7], [sflag:$0x6], $0x80, s25, s29, $0xb8;
	[tilespmem:$0x1FC80] =	vst v63  }
0x1d7: {  	s10 =	simm.s32 $0x100  }
0x1d8: {  	[tilespmem:s0], [sflag:$0x2] =	stream.indirect.gather [hbm4b:s5+s29], $0x80, s10, s29, $0xb8;
	[tilespmem:$0x1FC80] =	vst v63  }
0x1d9: {  	_ =	swait.ge [sflag:s26], $0x3200  }
0x1da: {  	[sflag:s26] =	ssyncset.done $0x0  }
0x1db: {  	s10 =	simm.s32 $0x1480;
	[sflag:s26] =	ssyncadd.s32 $0xFFFFCE00  }
0x1dc: {  	[spmem:s2] =	stream.indirect.scatter.add.f32 [tilespmem:s30], [sflag:$0x4], $0x80, s10, s29, $0xb8;
	[tilespmem:$0x1FC80] =	vst v63  }
0x1dd: {  	_ =	swait.ge [sflag:s15], $0x3200  }
0x1de: {  	[sflag:s15] =	ssyncset.done $0x0  }
0x1df: {  	s10 =	simm.s32 $0x180;
	[sflag:s15] =	ssyncadd.s32 $0xFFFFCE00  }
0x1e0: {  	[tilespmem:s7], [sflag:$0x3] =	stream.indirect.gather [hbm4b:s5+s29], $0x80, s10, s29, $0xb8;
	[tilespmem:$0x1FC80] =	vst v63  }
0x1e1: {  	_ =	swait.ge [sflag:s28], $0x3200  }
0x1e2: {  	[sflag:s28] =	ssyncset.done $0x0  }
0x1e3: {  	[sflag:s28] =	ssyncadd.s32 $0xFFFFCE00  }
0x1e4: {  	[spmem:s2] =	stream.indirect.scatter.add.f32 [tilespmem:s0], [sflag:$0x5], $0x80, s12, s29, $0xb8;
	[tilespmem:$0x1FC80] =	vst v63  }
0x1e5: {  	_ =	swait.ge [sflag:s9], $0x3200  }
0x1e6: {  	[sflag:s9] =	ssyncset.done $0x0  }
0x1e7: {  	[sflag:s9] =	ssyncadd.s32 $0xFFFFCE00  }
0x1e8: {  	[tilespmem:s30], [sflag:$0x1] =	stream.indirect.gather [hbm4b:s5+s29], $0x80, s14, s29, $0xb8;
	[tilespmem:$0x1FC80] =	vst v63  }
.LBB2_25:
0x1e9: {  	_ =	swait.ge [sflag:s11], $0x3200  }
0x1ea: {  	s8 =	sshra.s32 s6, $0x2;
	[sflag:s11] =	ssyncset.done $0x0  }
0x1eb: {  	s10 =	sadd.s32 $0x1580, s8;
	[sflag:s11] =	ssyncadd.s32 $0xFFFFCE00  }
0x1ec: {  	[spmem:s2] =	stream.indirect.scatter.add.f32 [tilespmem:s7], [sflag:$0x6], $0x80, s10, s29, $0xb8;
	[tilespmem:$0x1FC80] =	vst v63  }
0x1ed: {  	_ =	swait.ge [sflag:s13], $0x3200  }
0x1ee: {  	[sflag:s13] =	ssyncset.done $0x0  }
0x1ef: {  	s10 =	sadd.s32 $0x280, s8;
	[sflag:s13] =	ssyncadd.s32 $0xFFFFCE00  }
0x1f0: {  	[tilespmem:s0], [sflag:$0x2] =	stream.indirect.gather [hbm4b:s5+s29], $0x80, s10, s29, $0xb8;
	[tilespmem:$0x1FC80] =	vst v63  }
0x1f1: {  	_ =	swait.ge [sflag:s26], $0x3200  }
0x1f2: {  	[sflag:s26] =	ssyncset.done $0x0  }
0x1f3: {  	s10 =	sadd.s32 $0x1600, s8;
	[sflag:s26] =	ssyncadd.s32 $0xFFFFCE00  }
0x1f4: {  	[spmem:s2] =	stream.indirect.scatter.add.f32 [tilespmem:s30], [sflag:$0x4], $0x80, s10, s29, $0xb8;
	[tilespmem:$0x1FC80] =	vst v63  }
0x1f5: {  	_ =	swait.ge [sflag:s15], $0x3200  }
0x1f6: {  	[sflag:s15] =	ssyncset.done $0x0  }
0x1f7: {  	s10 =	sadd.s32 $0x300, s8;
	[sflag:s15] =	ssyncadd.s32 $0xFFFFCE00  }
0x1f8: {  	[tilespmem:s7], [sflag:$0x3] =	stream.indirect.gather [hbm4b:s5+s29], $0x80, s10, s29, $0xb8;
	[tilespmem:$0x1FC80] =	vst v63  }
0x1f9: {  	_ =	swait.ge [sflag:s28], $0x3200  }
0x1fa: {  	p3 =	seq.s32 s6, $0x4200;
	[sflag:s28] =	ssyncset.done $0x0  }
.Ltmp11:
0x1fb: {  	s10 =	sadd.s32 $0x1680, s8;
	[sflag:s28] =	ssyncadd.s32 $0xFFFFCE00;
	(pc) =	sbr.rel @p3 .LBB2_27-.Ltmp11, $4  }
0x1fc: {  	[spmem:s2] =	stream.indirect.scatter.add.f32 [tilespmem:s0], [sflag:$0x5], $0x80, s10, s29, $0xb8;
	[tilespmem:$0x1FC80] =	vst v63  }
0x1fd: {  	_ =	swait.ge [sflag:s9], $0x3200  }
0x1fe: {  	[sflag:s9] =	ssyncset.done $0x0  }
0x1ff: {  	[sflag:s9] =	ssyncadd.s32 $0xFFFFCE00  }
.Ltmp12:
0x200: {  	(pc) =	sbr.rel .LBB2_25-.Ltmp12, $3  }
0x201: {  	_ =	sdelay $0x1  }
0x202: {  	s8 =	sadd.s32 $0x380, s8;
	s6 =	sadd.s32 $0x600, s6  }
0x203: {  	[tilespmem:s30], [sflag:$0x1] =	stream.indirect.gather [hbm4b:s5+s29], $0x80, s8, s29, $0xb8;
	[tilespmem:$0x1FC80] =	vst v63  }
.LBB2_8:
0x204: {  	_ =	swait.ge [sflag:s28], $0x3200  }
0x205: {  	[sflag:s28] =	ssyncset.done $0x0  }
0x206: {  	[sflag:s28] =	ssyncadd.s32 $0xFFFFCE00  }
0x207: {  	[spmem:s2] =	stream.indirect.scatter.add.f32 [tilespmem:s0], [sflag:$0x5], $0x80, s16, s29, $0xb8;
	[tilespmem:$0x1FC80] =	vst v63  }
0x208: {  	_ =	swait.ge [sflag:s9], $0x3200  }
0x209: {  	[sflag:s9] =	ssyncset.done $0x0  }
0x20a: {  	[sflag:s9] =	ssyncadd.s32 $0xFFFFCE00  }
0x20b: {  	_ =	swait.ge [sflag:s13], $0x3200  }
0x20c: {  	[sflag:s13] =	ssyncset.done $0x0  }
0x20d: {  	s6 =	simm.s32 $0x0;
	s8 =	rddreg [dreg:$0xf];
	[sflag:s13] =	ssyncadd.s32 $0xFFFFCE00  }
0x20e: {  	[tilespmem:s6], [sflag:$0x1] =	stream.linear.gather [hbm4b:s8+s6], $0x1400, $0x38;
	[tilespmem:$0x1FC80] =	vst v63  }
0x20f: {  	s10 =	rddreg [dreg:$0x10]  }
0x210: {  	[tilespmem:s25], [sflag:$0x2] =	stream.linear.gather [hbm4b:s10+s6], $0x1400, $0x38;
	[tilespmem:$0x1FC80] =	vst v63  }
0x211: {  	_ =	swait.ge [sflag:s26], $0x1400  }
0x212: {  	[sflag:s26] =	ssyncset.done $0x0  }
0x213: {  	[sflag:s26] =	ssyncadd.s32 $0xFFFFEC00  }
0x214: {  	_ =	swait.ge [sflag:s28], $0x1400  }
0x215: {  	[sflag:s28] =	ssyncset.done $0x0  }
0x216: {  	[sflag:s28] =	ssyncadd.s32 $0xFFFFEC00  }
0x217: {  	[tilespmem:s7], [sflag:$0x3] =	stream.indirect.gather [hbm4b:s4+s29], $0x80, s6, s29, $0xb8;
	[tilespmem:$0x1FC80] =	vst v63  }
0x218: {  	s10 =	simm.s32 $0x80  }
0x219: {  	[tilespmem:s30], [sflag:$0x1] =	stream.indirect.gather [hbm4b:s4+s29], $0x80, s10, s29, $0xb8;
	[tilespmem:$0x1FC80] =	vst v63  }
0x21a: {  	_ =	swait.ge [sflag:s11], $0x3200  }
0x21b: {  	[sflag:s11] =	ssyncset.done $0x0  }
0x21c: {  	[sflag:s11] =	ssyncadd.s32 $0xFFFFCE00  }
0x21d: {  	[spmem:s2] =	stream.indirect.scatter.add.f32 [tilespmem:s7], [sflag:$0x6], $0x80, s25, s29, $0xb8;
	[tilespmem:$0x1FC80] =	vst v63  }
0x21e: {  	s10 =	simm.s32 $0x100  }
0x21f: {  	[tilespmem:s0], [sflag:$0x2] =	stream.indirect.gather [hbm4b:s4+s29], $0x80, s10, s29, $0xb8;
	[tilespmem:$0x1FC80] =	vst v63  }
0x220: {  	_ =	swait.ge [sflag:s26], $0x3200  }
0x221: {  	[sflag:s26] =	ssyncset.done $0x0  }
0x222: {  	s10 =	simm.s32 $0x1480;
	[sflag:s26] =	ssyncadd.s32 $0xFFFFCE00  }
0x223: {  	[spmem:s2] =	stream.indirect.scatter.add.f32 [tilespmem:s30], [sflag:$0x4], $0x80, s10, s29, $0xb8;
	[tilespmem:$0x1FC80] =	vst v63  }
0x224: {  	_ =	swait.ge [sflag:s15], $0x3200  }
0x225: {  	[sflag:s15] =	ssyncset.done $0x0  }
0x226: {  	s10 =	simm.s32 $0x180;
	[sflag:s15] =	ssyncadd.s32 $0xFFFFCE00  }
0x227: {  	[tilespmem:s7], [sflag:$0x3] =	stream.indirect.gather [hbm4b:s4+s29], $0x80, s10, s29, $0xb8;
	[tilespmem:$0x1FC80] =	vst v63  }
0x228: {  	_ =	swait.ge [sflag:s28], $0x3200  }
0x229: {  	[sflag:s28] =	ssyncset.done $0x0  }
0x22a: {  	[sflag:s28] =	ssyncadd.s32 $0xFFFFCE00  }
0x22b: {  	[spmem:s2] =	stream.indirect.scatter.add.f32 [tilespmem:s0], [sflag:$0x5], $0x80, s12, s29, $0xb8;
	[tilespmem:$0x1FC80] =	vst v63  }
0x22c: {  	_ =	swait.ge [sflag:s9], $0x3200  }
0x22d: {  	[sflag:s9] =	ssyncset.done $0x0  }
0x22e: {  	[sflag:s9] =	ssyncadd.s32 $0xFFFFCE00  }
0x22f: {  	[tilespmem:s30], [sflag:$0x1] =	stream.indirect.gather [hbm4b:s4+s29], $0x80, s14, s29, $0xb8;
	[tilespmem:$0x1FC80] =	vst v63  }
.LBB2_9:
0x230: {  	_ =	swait.ge [sflag:s11], $0x3200  }
0x231: {  	s8 =	sshra.s32 s6, $0x2;
	[sflag:s11] =	ssyncset.done $0x0  }
0x232: {  	s10 =	sadd.s32 $0x1580, s8;
	[sflag:s11] =	ssyncadd.s32 $0xFFFFCE00  }
0x233: {  	[spmem:s2] =	stream.indirect.scatter.add.f32 [tilespmem:s7], [sflag:$0x6], $0x80, s10, s29, $0xb8;
	[tilespmem:$0x1FC80] =	vst v63  }
0x234: {  	_ =	swait.ge [sflag:s13], $0x3200  }
0x235: {  	[sflag:s13] =	ssyncset.done $0x0  }
0x236: {  	s10 =	sadd.s32 $0x280, s8;
	[sflag:s13] =	ssyncadd.s32 $0xFFFFCE00  }
0x237: {  	[tilespmem:s0], [sflag:$0x2] =	stream.indirect.gather [hbm4b:s4+s29], $0x80, s10, s29, $0xb8;
	[tilespmem:$0x1FC80] =	vst v63  }
0x238: {  	_ =	swait.ge [sflag:s26], $0x3200  }
0x239: {  	[sflag:s26] =	ssyncset.done $0x0  }
0x23a: {  	s10 =	sadd.s32 $0x1600, s8;
	[sflag:s26] =	ssyncadd.s32 $0xFFFFCE00  }
0x23b: {  	[spmem:s2] =	stream.indirect.scatter.add.f32 [tilespmem:s30], [sflag:$0x4], $0x80, s10, s29, $0xb8;
	[tilespmem:$0x1FC80] =	vst v63  }
0x23c: {  	_ =	swait.ge [sflag:s15], $0x3200  }
0x23d: {  	[sflag:s15] =	ssyncset.done $0x0  }
0x23e: {  	s10 =	sadd.s32 $0x300, s8;
	[sflag:s15] =	ssyncadd.s32 $0xFFFFCE00  }
0x23f: {  	[tilespmem:s7], [sflag:$0x3] =	stream.indirect.gather [hbm4b:s4+s29], $0x80, s10, s29, $0xb8;
	[tilespmem:$0x1FC80] =	vst v63  }
0x240: {  	_ =	swait.ge [sflag:s28], $0x3200  }
0x241: {  	p3 =	seq.s32 s6, $0x4200;
	[sflag:s28] =	ssyncset.done $0x0  }
.Ltmp13:
0x242: {  	s10 =	sadd.s32 $0x1680, s8;
	[sflag:s28] =	ssyncadd.s32 $0xFFFFCE00;
	(pc) =	sbr.rel @p3 .LBB2_11-.Ltmp13, $4  }
0x243: {  	[spmem:s2] =	stream.indirect.scatter.add.f32 [tilespmem:s0], [sflag:$0x5], $0x80, s10, s29, $0xb8;
	[tilespmem:$0x1FC80] =	vst v63  }
0x244: {  	_ =	swait.ge [sflag:s9], $0x3200  }
0x245: {  	[sflag:s9] =	ssyncset.done $0x0  }
0x246: {  	[sflag:s9] =	ssyncadd.s32 $0xFFFFCE00  }
.Ltmp14:
0x247: {  	(pc) =	sbr.rel .LBB2_9-.Ltmp14, $3  }
0x248: {  	_ =	sdelay $0x1  }
0x249: {  	s8 =	sadd.s32 $0x380, s8;
	s6 =	sadd.s32 $0x600, s6  }
0x24a: {  	[tilespmem:s30], [sflag:$0x1] =	stream.indirect.gather [hbm4b:s4+s29], $0x80, s8, s29, $0xb8;
	[tilespmem:$0x1FC80] =	vst v63  }
.LBB2_27:
0x24b: {  	_ =	swait.ge [sflag:s11], $0x3200  }
0x24c: {  	[sflag:s11] =	ssyncset.done $0x0  }
0x24d: {  	[sflag:s11] =	ssyncadd.s32 $0xFFFFCE00  }
0x24e: {  	[spmem:s2] =	stream.indirect.scatter.add.f32 [tilespmem:s7], [sflag:$0x6], $0x80, s16, s29, $0xb8;
	[tilespmem:$0x1FC80] =	vst v63  }
0x24f: {  	_ =	swait.ge [sflag:s13], $0x3200  }
0x250: {  	[sflag:s13] =	ssyncset.done $0x0  }
0x251: {  	[sflag:s13] =	ssyncadd.s32 $0xFFFFCE00  }
0x252: {  	_ =	swait.ge [sflag:s15], $0x3200  }
0x253: {  	[sflag:s15] =	ssyncset.done $0x0  }
0x254: {  	s6 =	simm.s32 $0x0;
	s8 =	rddreg [dreg:$0x11];
	[sflag:s15] =	ssyncadd.s32 $0xFFFFCE00  }
0x255: {  	[tilespmem:s6], [sflag:$0x1] =	stream.linear.gather [hbm4b:s8+s6], $0x1400, $0x38;
	[tilespmem:$0x1FC80] =	vst v63  }
0x256: {  	s10 =	rddreg [dreg:$0x12]  }
0x257: {  	[tilespmem:s25], [sflag:$0x2] =	stream.linear.gather [hbm4b:s10+s6], $0x1400, $0x38;
	[tilespmem:$0x1FC80] =	vst v63  }
0x258: {  	_ =	swait.ge [sflag:s26], $0x1400  }
0x259: {  	[sflag:s26] =	ssyncset.done $0x0  }
0x25a: {  	[sflag:s26] =	ssyncadd.s32 $0xFFFFEC00  }
0x25b: {  	_ =	swait.ge [sflag:s28], $0x1400  }
0x25c: {  	[sflag:s28] =	ssyncset.done $0x0  }
0x25d: {  	[sflag:s28] =	ssyncadd.s32 $0xFFFFEC00  }
0x25e: {  	[tilespmem:s30], [sflag:$0x1] =	stream.indirect.gather [hbm4b:s5+s29], $0x80, s6, s29, $0xb8;
	[tilespmem:$0x1FC80] =	vst v63  }
0x25f: {  	s10 =	simm.s32 $0x80  }
0x260: {  	[tilespmem:s0], [sflag:$0x2] =	stream.indirect.gather [hbm4b:s5+s29], $0x80, s10, s29, $0xb8;
	[tilespmem:$0x1FC80] =	vst v63  }
0x261: {  	_ =	swait.ge [sflag:s26], $0x3200  }
0x262: {  	[sflag:s26] =	ssyncset.done $0x0  }
0x263: {  	[sflag:s26] =	ssyncadd.s32 $0xFFFFCE00  }
0x264: {  	[spmem:s2] =	stream.indirect.scatter.add.f32 [tilespmem:s30], [sflag:$0x4], $0x80, s25, s29, $0xb8;
	[tilespmem:$0x1FC80] =	vst v63  }
0x265: {  	s10 =	simm.s32 $0x100  }
0x266: {  	[tilespmem:s7], [sflag:$0x3] =	stream.indirect.gather [hbm4b:s5+s29], $0x80, s10, s29, $0xb8;
	[tilespmem:$0x1FC80] =	vst v63  }
0x267: {  	_ =	swait.ge [sflag:s28], $0x3200  }
0x268: {  	[sflag:s28] =	ssyncset.done $0x0  }
0x269: {  	s10 =	simm.s32 $0x1480;
	[sflag:s28] =	ssyncadd.s32 $0xFFFFCE00  }
0x26a: {  	[spmem:s2] =	stream.indirect.scatter.add.f32 [tilespmem:s0], [sflag:$0x5], $0x80, s10, s29, $0xb8;
	[tilespmem:$0x1FC80] =	vst v63  }
0x26b: {  	_ =	swait.ge [sflag:s9], $0x3200  }
0x26c: {  	[sflag:s9] =	ssyncset.done $0x0  }
0x26d: {  	s10 =	simm.s32 $0x180;
	[sflag:s9] =	ssyncadd.s32 $0xFFFFCE00  }
0x26e: {  	[tilespmem:s30], [sflag:$0x1] =	stream.indirect.gather [hbm4b:s5+s29], $0x80, s10, s29, $0xb8;
	[tilespmem:$0x1FC80] =	vst v63  }
0x26f: {  	_ =	swait.ge [sflag:s11], $0x3200  }
0x270: {  	[sflag:s11] =	ssyncset.done $0x0  }
0x271: {  	[sflag:s11] =	ssyncadd.s32 $0xFFFFCE00  }
0x272: {  	[spmem:s2] =	stream.indirect.scatter.add.f32 [tilespmem:s7], [sflag:$0x6], $0x80, s12, s29, $0xb8;
	[tilespmem:$0x1FC80] =	vst v63  }
0x273: {  	_ =	swait.ge [sflag:s13], $0x3200  }
0x274: {  	[sflag:s13] =	ssyncset.done $0x0  }
0x275: {  	[sflag:s13] =	ssyncadd.s32 $0xFFFFCE00  }
0x276: {  	[tilespmem:s0], [sflag:$0x2] =	stream.indirect.gather [hbm4b:s5+s29], $0x80, s14, s29, $0xb8;
	[tilespmem:$0x1FC80] =	vst v63  }
.LBB2_28:
0x277: {  	_ =	swait.ge [sflag:s26], $0x3200  }
0x278: {  	s8 =	sshra.s32 s6, $0x2;
	[sflag:s26] =	ssyncset.done $0x0  }
0x279: {  	s10 =	sadd.s32 $0x1580, s8;
	[sflag:s26] =	ssyncadd.s32 $0xFFFFCE00  }
0x27a: {  	[spmem:s2] =	stream.indirect.scatter.add.f32 [tilespmem:s30], [sflag:$0x4], $0x80, s10, s29, $0xb8;
	[tilespmem:$0x1FC80] =	vst v63  }
0x27b: {  	_ =	swait.ge [sflag:s15], $0x3200  }
0x27c: {  	[sflag:s15] =	ssyncset.done $0x0  }
0x27d: {  	s10 =	sadd.s32 $0x280, s8;
	[sflag:s15] =	ssyncadd.s32 $0xFFFFCE00  }
0x27e: {  	[tilespmem:s7], [sflag:$0x3] =	stream.indirect.gather [hbm4b:s5+s29], $0x80, s10, s29, $0xb8;
	[tilespmem:$0x1FC80] =	vst v63  }
0x27f: {  	_ =	swait.ge [sflag:s28], $0x3200  }
0x280: {  	[sflag:s28] =	ssyncset.done $0x0  }
0x281: {  	s10 =	sadd.s32 $0x1600, s8;
	[sflag:s28] =	ssyncadd.s32 $0xFFFFCE00  }
0x282: {  	[spmem:s2] =	stream.indirect.scatter.add.f32 [tilespmem:s0], [sflag:$0x5], $0x80, s10, s29, $0xb8;
	[tilespmem:$0x1FC80] =	vst v63  }
0x283: {  	_ =	swait.ge [sflag:s9], $0x3200  }
0x284: {  	[sflag:s9] =	ssyncset.done $0x0  }
0x285: {  	s10 =	sadd.s32 $0x300, s8;
	[sflag:s9] =	ssyncadd.s32 $0xFFFFCE00  }
0x286: {  	[tilespmem:s30], [sflag:$0x1] =	stream.indirect.gather [hbm4b:s5+s29], $0x80, s10, s29, $0xb8;
	[tilespmem:$0x1FC80] =	vst v63  }
0x287: {  	_ =	swait.ge [sflag:s11], $0x3200  }
0x288: {  	p3 =	seq.s32 s6, $0x4200;
	[sflag:s11] =	ssyncset.done $0x0  }
.Ltmp15:
0x289: {  	s10 =	sadd.s32 $0x1680, s8;
	[sflag:s11] =	ssyncadd.s32 $0xFFFFCE00;
	(pc) =	sbr.rel @p3 .LBB2_30-.Ltmp15, $4  }
0x28a: {  	[spmem:s2] =	stream.indirect.scatter.add.f32 [tilespmem:s7], [sflag:$0x6], $0x80, s10, s29, $0xb8;
	[tilespmem:$0x1FC80] =	vst v63  }
0x28b: {  	_ =	swait.ge [sflag:s13], $0x3200  }
0x28c: {  	[sflag:s13] =	ssyncset.done $0x0  }
0x28d: {  	[sflag:s13] =	ssyncadd.s32 $0xFFFFCE00  }
.Ltmp16:
0x28e: {  	(pc) =	sbr.rel .LBB2_28-.Ltmp16, $3  }
0x28f: {  	_ =	sdelay $0x1  }
0x290: {  	s8 =	sadd.s32 $0x380, s8;
	s6 =	sadd.s32 $0x600, s6  }
0x291: {  	[tilespmem:s0], [sflag:$0x2] =	stream.indirect.gather [hbm4b:s5+s29], $0x80, s8, s29, $0xb8;
	[tilespmem:$0x1FC80] =	vst v63  }
.LBB2_11:
0x292: {  	_ =	swait.ge [sflag:s11], $0x3200  }
0x293: {  	[sflag:s11] =	ssyncset.done $0x0  }
0x294: {  	[sflag:s11] =	ssyncadd.s32 $0xFFFFCE00  }
0x295: {  	[spmem:s2] =	stream.indirect.scatter.add.f32 [tilespmem:s7], [sflag:$0x6], $0x80, s16, s29, $0xb8;
	[tilespmem:$0x1FC80] =	vst v63  }
0x296: {  	_ =	swait.ge [sflag:s13], $0x3200  }
0x297: {  	[sflag:s13] =	ssyncset.done $0x0  }
0x298: {  	[sflag:s13] =	ssyncadd.s32 $0xFFFFCE00  }
0x299: {  	_ =	swait.ge [sflag:s15], $0x3200  }
0x29a: {  	[sflag:s15] =	ssyncset.done $0x0  }
0x29b: {  	s6 =	simm.s32 $0x0;
	s8 =	rddreg [dreg:$0x11];
	[sflag:s15] =	ssyncadd.s32 $0xFFFFCE00  }
0x29c: {  	[tilespmem:s6], [sflag:$0x1] =	stream.linear.gather [hbm4b:s8+s6], $0x1400, $0x38;
	[tilespmem:$0x1FC80] =	vst v63  }
0x29d: {  	s10 =	rddreg [dreg:$0x12]  }
0x29e: {  	[tilespmem:s25], [sflag:$0x2] =	stream.linear.gather [hbm4b:s10+s6], $0x1400, $0x38;
	[tilespmem:$0x1FC80] =	vst v63  }
0x29f: {  	_ =	swait.ge [sflag:s26], $0x1400  }
0x2a0: {  	[sflag:s26] =	ssyncset.done $0x0  }
0x2a1: {  	[sflag:s26] =	ssyncadd.s32 $0xFFFFEC00  }
0x2a2: {  	_ =	swait.ge [sflag:s28], $0x1400  }
0x2a3: {  	[sflag:s28] =	ssyncset.done $0x0  }
0x2a4: {  	[sflag:s28] =	ssyncadd.s32 $0xFFFFEC00  }
0x2a5: {  	[tilespmem:s30], [sflag:$0x1] =	stream.indirect.gather [hbm4b:s4+s29], $0x80, s6, s29, $0xb8;
	[tilespmem:$0x1FC80] =	vst v63  }
0x2a6: {  	s10 =	simm.s32 $0x80  }
0x2a7: {  	[tilespmem:s0], [sflag:$0x2] =	stream.indirect.gather [hbm4b:s4+s29], $0x80, s10, s29, $0xb8;
	[tilespmem:$0x1FC80] =	vst v63  }
0x2a8: {  	_ =	swait.ge [sflag:s26], $0x3200  }
0x2a9: {  	[sflag:s26] =	ssyncset.done $0x0  }
0x2aa: {  	[sflag:s26] =	ssyncadd.s32 $0xFFFFCE00  }
0x2ab: {  	[spmem:s2] =	stream.indirect.scatter.add.f32 [tilespmem:s30], [sflag:$0x4], $0x80, s25, s29, $0xb8;
	[tilespmem:$0x1FC80] =	vst v63  }
0x2ac: {  	s10 =	simm.s32 $0x100  }
0x2ad: {  	[tilespmem:s7], [sflag:$0x3] =	stream.indirect.gather [hbm4b:s4+s29], $0x80, s10, s29, $0xb8;
	[tilespmem:$0x1FC80] =	vst v63  }
0x2ae: {  	_ =	swait.ge [sflag:s28], $0x3200  }
0x2af: {  	[sflag:s28] =	ssyncset.done $0x0  }
0x2b0: {  	s10 =	simm.s32 $0x1480;
	[sflag:s28] =	ssyncadd.s32 $0xFFFFCE00  }
0x2b1: {  	[spmem:s2] =	stream.indirect.scatter.add.f32 [tilespmem:s0], [sflag:$0x5], $0x80, s10, s29, $0xb8;
	[tilespmem:$0x1FC80] =	vst v63  }
0x2b2: {  	_ =	swait.ge [sflag:s9], $0x3200  }
0x2b3: {  	[sflag:s9] =	ssyncset.done $0x0  }
0x2b4: {  	s10 =	simm.s32 $0x180;
	[sflag:s9] =	ssyncadd.s32 $0xFFFFCE00  }
0x2b5: {  	[tilespmem:s30], [sflag:$0x1] =	stream.indirect.gather [hbm4b:s4+s29], $0x80, s10, s29, $0xb8;
	[tilespmem:$0x1FC80] =	vst v63  }
0x2b6: {  	_ =	swait.ge [sflag:s11], $0x3200  }
0x2b7: {  	[sflag:s11] =	ssyncset.done $0x0  }
0x2b8: {  	[sflag:s11] =	ssyncadd.s32 $0xFFFFCE00  }
0x2b9: {  	[spmem:s2] =	stream.indirect.scatter.add.f32 [tilespmem:s7], [sflag:$0x6], $0x80, s12, s29, $0xb8;
	[tilespmem:$0x1FC80] =	vst v63  }
0x2ba: {  	_ =	swait.ge [sflag:s13], $0x3200  }
0x2bb: {  	[sflag:s13] =	ssyncset.done $0x0  }
0x2bc: {  	[sflag:s13] =	ssyncadd.s32 $0xFFFFCE00  }
0x2bd: {  	[tilespmem:s0], [sflag:$0x2] =	stream.indirect.gather [hbm4b:s4+s29], $0x80, s14, s29, $0xb8;
	[tilespmem:$0x1FC80] =	vst v63  }
.LBB2_12:
0x2be: {  	_ =	swait.ge [sflag:s26], $0x3200  }
0x2bf: {  	s8 =	sshra.s32 s6, $0x2;
	[sflag:s26] =	ssyncset.done $0x0  }
0x2c0: {  	s10 =	sadd.s32 $0x1580, s8;
	[sflag:s26] =	ssyncadd.s32 $0xFFFFCE00  }
0x2c1: {  	[spmem:s2] =	stream.indirect.scatter.add.f32 [tilespmem:s30], [sflag:$0x4], $0x80, s10, s29, $0xb8;
	[tilespmem:$0x1FC80] =	vst v63  }
0x2c2: {  	_ =	swait.ge [sflag:s15], $0x3200  }
0x2c3: {  	[sflag:s15] =	ssyncset.done $0x0  }
0x2c4: {  	s10 =	sadd.s32 $0x280, s8;
	[sflag:s15] =	ssyncadd.s32 $0xFFFFCE00  }
0x2c5: {  	[tilespmem:s7], [sflag:$0x3] =	stream.indirect.gather [hbm4b:s4+s29], $0x80, s10, s29, $0xb8;
	[tilespmem:$0x1FC80] =	vst v63  }
0x2c6: {  	_ =	swait.ge [sflag:s28], $0x3200  }
0x2c7: {  	[sflag:s28] =	ssyncset.done $0x0  }
0x2c8: {  	s10 =	sadd.s32 $0x1600, s8;
	[sflag:s28] =	ssyncadd.s32 $0xFFFFCE00  }
0x2c9: {  	[spmem:s2] =	stream.indirect.scatter.add.f32 [tilespmem:s0], [sflag:$0x5], $0x80, s10, s29, $0xb8;
	[tilespmem:$0x1FC80] =	vst v63  }
0x2ca: {  	_ =	swait.ge [sflag:s9], $0x3200  }
0x2cb: {  	[sflag:s9] =	ssyncset.done $0x0  }
0x2cc: {  	s10 =	sadd.s32 $0x300, s8;
	[sflag:s9] =	ssyncadd.s32 $0xFFFFCE00  }
0x2cd: {  	[tilespmem:s30], [sflag:$0x1] =	stream.indirect.gather [hbm4b:s4+s29], $0x80, s10, s29, $0xb8;
	[tilespmem:$0x1FC80] =	vst v63  }
0x2ce: {  	_ =	swait.ge [sflag:s11], $0x3200  }
0x2cf: {  	p3 =	seq.s32 s6, $0x4200;
	[sflag:s11] =	ssyncset.done $0x0  }
.Ltmp17:
0x2d0: {  	s10 =	sadd.s32 $0x1680, s8;
	[sflag:s11] =	ssyncadd.s32 $0xFFFFCE00;
	(pc) =	sbr.rel @p3 .LBB2_14-.Ltmp17, $4  }
0x2d1: {  	[spmem:s2] =	stream.indirect.scatter.add.f32 [tilespmem:s7], [sflag:$0x6], $0x80, s10, s29, $0xb8;
	[tilespmem:$0x1FC80] =	vst v63  }
0x2d2: {  	_ =	swait.ge [sflag:s13], $0x3200  }
0x2d3: {  	[sflag:s13] =	ssyncset.done $0x0  }
0x2d4: {  	[sflag:s13] =	ssyncadd.s32 $0xFFFFCE00  }
.Ltmp18:
0x2d5: {  	(pc) =	sbr.rel .LBB2_12-.Ltmp18, $3  }
0x2d6: {  	_ =	sdelay $0x1  }
0x2d7: {  	s8 =	sadd.s32 $0x380, s8;
	s6 =	sadd.s32 $0x600, s6  }
0x2d8: {  	[tilespmem:s0], [sflag:$0x2] =	stream.indirect.gather [hbm4b:s4+s29], $0x80, s8, s29, $0xb8;
	[tilespmem:$0x1FC80] =	vst v63  }
.LBB2_30:
0x2d9: {  	_ =	swait.ge [sflag:s26], $0x3200  }
0x2da: {  	[sflag:s26] =	ssyncset.done $0x0  }
0x2db: {  	[sflag:s26] =	ssyncadd.s32 $0xFFFFCE00  }
0x2dc: {  	[spmem:s2] =	stream.indirect.scatter.add.f32 [tilespmem:s30], [sflag:$0x4], $0x80, s16, s29, $0xb8;
	[tilespmem:$0x1FC80] =	vst v63  }
0x2dd: {  	_ =	swait.ge [sflag:s15], $0x3200  }
0x2de: {  	[sflag:s15] =	ssyncset.done $0x0  }
0x2df: {  	[sflag:s15] =	ssyncadd.s32 $0xFFFFCE00  }
0x2e0: {  	_ =	swait.ge [sflag:s9], $0x3200  }
0x2e1: {  	[sflag:s9] =	ssyncset.done $0x0  }
0x2e2: {  	s6 =	simm.s32 $0x0;
	s8 =	rddreg [dreg:$0x13];
	[sflag:s9] =	ssyncadd.s32 $0xFFFFCE00  }
0x2e3: {  	[tilespmem:s6], [sflag:$0x1] =	stream.linear.gather [hbm4b:s8+s6], $0x1400, $0x38;
	[tilespmem:$0x1FC80] =	vst v63  }
0x2e4: {  	s10 =	rddreg [dreg:$0x14]  }
0x2e5: {  	[tilespmem:s25], [sflag:$0x2] =	stream.linear.gather [hbm4b:s10+s6], $0x1400, $0x38;
	[tilespmem:$0x1FC80] =	vst v63  }
0x2e6: {  	_ =	swait.ge [sflag:s26], $0x1400  }
0x2e7: {  	[sflag:s26] =	ssyncset.done $0x0  }
0x2e8: {  	[sflag:s26] =	ssyncadd.s32 $0xFFFFEC00  }
0x2e9: {  	_ =	swait.ge [sflag:s28], $0x1400  }
0x2ea: {  	[sflag:s28] =	ssyncset.done $0x0  }
0x2eb: {  	[sflag:s28] =	ssyncadd.s32 $0xFFFFEC00  }
0x2ec: {  	[tilespmem:s0], [sflag:$0x2] =	stream.indirect.gather [hbm4b:s5+s29], $0x80, s6, s29, $0xb8;
	[tilespmem:$0x1FC80] =	vst v63  }
0x2ed: {  	s10 =	simm.s32 $0x80  }
0x2ee: {  	[tilespmem:s7], [sflag:$0x3] =	stream.indirect.gather [hbm4b:s5+s29], $0x80, s10, s29, $0xb8;
	[tilespmem:$0x1FC80] =	vst v63  }
0x2ef: {  	_ =	swait.ge [sflag:s28], $0x3200  }
0x2f0: {  	[sflag:s28] =	ssyncset.done $0x0  }
0x2f1: {  	[sflag:s28] =	ssyncadd.s32 $0xFFFFCE00  }
0x2f2: {  	[spmem:s2] =	stream.indirect.scatter.add.f32 [tilespmem:s0], [sflag:$0x5], $0x80, s25, s29, $0xb8;
	[tilespmem:$0x1FC80] =	vst v63  }
0x2f3: {  	s10 =	simm.s32 $0x100  }
0x2f4: {  	[tilespmem:s30], [sflag:$0x1] =	stream.indirect.gather [hbm4b:s5+s29], $0x80, s10, s29, $0xb8;
	[tilespmem:$0x1FC80] =	vst v63  }
0x2f5: {  	_ =	swait.ge [sflag:s11], $0x3200  }
0x2f6: {  	[sflag:s11] =	ssyncset.done $0x0  }
0x2f7: {  	s10 =	simm.s32 $0x1480;
	[sflag:s11] =	ssyncadd.s32 $0xFFFFCE00  }
0x2f8: {  	[spmem:s2] =	stream.indirect.scatter.add.f32 [tilespmem:s7], [sflag:$0x6], $0x80, s10, s29, $0xb8;
	[tilespmem:$0x1FC80] =	vst v63  }
0x2f9: {  	_ =	swait.ge [sflag:s13], $0x3200  }
0x2fa: {  	[sflag:s13] =	ssyncset.done $0x0  }
0x2fb: {  	s10 =	simm.s32 $0x180;
	[sflag:s13] =	ssyncadd.s32 $0xFFFFCE00  }
0x2fc: {  	[tilespmem:s0], [sflag:$0x2] =	stream.indirect.gather [hbm4b:s5+s29], $0x80, s10, s29, $0xb8;
	[tilespmem:$0x1FC80] =	vst v63  }
0x2fd: {  	_ =	swait.ge [sflag:s26], $0x3200  }
0x2fe: {  	[sflag:s26] =	ssyncset.done $0x0  }
0x2ff: {  	[sflag:s26] =	ssyncadd.s32 $0xFFFFCE00  }
0x300: {  	[spmem:s2] =	stream.indirect.scatter.add.f32 [tilespmem:s30], [sflag:$0x4], $0x80, s12, s29, $0xb8;
	[tilespmem:$0x1FC80] =	vst v63  }
0x301: {  	_ =	swait.ge [sflag:s15], $0x3200  }
0x302: {  	[sflag:s15] =	ssyncset.done $0x0  }
0x303: {  	[sflag:s15] =	ssyncadd.s32 $0xFFFFCE00  }
0x304: {  	[tilespmem:s7], [sflag:$0x3] =	stream.indirect.gather [hbm4b:s5+s29], $0x80, s14, s29, $0xb8;
	[tilespmem:$0x1FC80] =	vst v63  }
.LBB2_31:
0x305: {  	_ =	swait.ge [sflag:s28], $0x3200  }
0x306: {  	s8 =	sshra.s32 s6, $0x2;
	[sflag:s28] =	ssyncset.done $0x0  }
0x307: {  	s10 =	sadd.s32 $0x1580, s8;
	[sflag:s28] =	ssyncadd.s32 $0xFFFFCE00  }
0x308: {  	[spmem:s2] =	stream.indirect.scatter.add.f32 [tilespmem:s0], [sflag:$0x5], $0x80, s10, s29, $0xb8;
	[tilespmem:$0x1FC80] =	vst v63  }
0x309: {  	_ =	swait.ge [sflag:s9], $0x3200  }
0x30a: {  	[sflag:s9] =	ssyncset.done $0x0  }
0x30b: {  	s10 =	sadd.s32 $0x280, s8;
	[sflag:s9] =	ssyncadd.s32 $0xFFFFCE00  }
0x30c: {  	[tilespmem:s30], [sflag:$0x1] =	stream.indirect.gather [hbm4b:s5+s29], $0x80, s10, s29, $0xb8;
	[tilespmem:$0x1FC80] =	vst v63  }
0x30d: {  	_ =	swait.ge [sflag:s11], $0x3200  }
0x30e: {  	[sflag:s11] =	ssyncset.done $0x0  }
0x30f: {  	s10 =	sadd.s32 $0x1600, s8;
	[sflag:s11] =	ssyncadd.s32 $0xFFFFCE00  }
0x310: {  	[spmem:s2] =	stream.indirect.scatter.add.f32 [tilespmem:s7], [sflag:$0x6], $0x80, s10, s29, $0xb8;
	[tilespmem:$0x1FC80] =	vst v63  }
0x311: {  	_ =	swait.ge [sflag:s13], $0x3200  }
0x312: {  	[sflag:s13] =	ssyncset.done $0x0  }
0x313: {  	s10 =	sadd.s32 $0x300, s8;
	[sflag:s13] =	ssyncadd.s32 $0xFFFFCE00  }
0x314: {  	[tilespmem:s0], [sflag:$0x2] =	stream.indirect.gather [hbm4b:s5+s29], $0x80, s10, s29, $0xb8;
	[tilespmem:$0x1FC80] =	vst v63  }
0x315: {  	_ =	swait.ge [sflag:s26], $0x3200  }
0x316: {  	p3 =	seq.s32 s6, $0x4200;
	[sflag:s26] =	ssyncset.done $0x0  }
.Ltmp19:
0x317: {  	s10 =	sadd.s32 $0x1680, s8;
	[sflag:s26] =	ssyncadd.s32 $0xFFFFCE00;
	(pc) =	sbr.rel @p3 .LBB2_33-.Ltmp19, $4  }
0x318: {  	[spmem:s2] =	stream.indirect.scatter.add.f32 [tilespmem:s30], [sflag:$0x4], $0x80, s10, s29, $0xb8;
	[tilespmem:$0x1FC80] =	vst v63  }
0x319: {  	_ =	swait.ge [sflag:s15], $0x3200  }
0x31a: {  	[sflag:s15] =	ssyncset.done $0x0  }
0x31b: {  	[sflag:s15] =	ssyncadd.s32 $0xFFFFCE00  }
.Ltmp20:
0x31c: {  	(pc) =	sbr.rel .LBB2_31-.Ltmp20, $3  }
0x31d: {  	_ =	sdelay $0x1  }
0x31e: {  	s8 =	sadd.s32 $0x380, s8;
	s6 =	sadd.s32 $0x600, s6  }
0x31f: {  	[tilespmem:s7], [sflag:$0x3] =	stream.indirect.gather [hbm4b:s5+s29], $0x80, s8, s29, $0xb8;
	[tilespmem:$0x1FC80] =	vst v63  }
.LBB2_14:
0x320: {  	_ =	swait.ge [sflag:s26], $0x3200  }
0x321: {  	[sflag:s26] =	ssyncset.done $0x0  }
0x322: {  	[sflag:s26] =	ssyncadd.s32 $0xFFFFCE00  }
0x323: {  	[spmem:s2] =	stream.indirect.scatter.add.f32 [tilespmem:s30], [sflag:$0x4], $0x80, s16, s29, $0xb8;
	[tilespmem:$0x1FC80] =	vst v63  }
0x324: {  	_ =	swait.ge [sflag:s15], $0x3200  }
0x325: {  	[sflag:s15] =	ssyncset.done $0x0  }
0x326: {  	[sflag:s15] =	ssyncadd.s32 $0xFFFFCE00  }
0x327: {  	_ =	swait.ge [sflag:s9], $0x3200  }
0x328: {  	[sflag:s9] =	ssyncset.done $0x0  }
0x329: {  	s6 =	simm.s32 $0x0;
	s8 =	rddreg [dreg:$0x13];
	[sflag:s9] =	ssyncadd.s32 $0xFFFFCE00  }
0x32a: {  	[tilespmem:s6], [sflag:$0x1] =	stream.linear.gather [hbm4b:s8+s6], $0x1400, $0x38;
	[tilespmem:$0x1FC80] =	vst v63  }
0x32b: {  	s10 =	rddreg [dreg:$0x14]  }
0x32c: {  	[tilespmem:s25], [sflag:$0x2] =	stream.linear.gather [hbm4b:s10+s6], $0x1400, $0x38;
	[tilespmem:$0x1FC80] =	vst v63  }
0x32d: {  	_ =	swait.ge [sflag:s26], $0x1400  }
0x32e: {  	[sflag:s26] =	ssyncset.done $0x0  }
0x32f: {  	[sflag:s26] =	ssyncadd.s32 $0xFFFFEC00  }
0x330: {  	_ =	swait.ge [sflag:s28], $0x1400  }
0x331: {  	[sflag:s28] =	ssyncset.done $0x0  }
0x332: {  	[sflag:s28] =	ssyncadd.s32 $0xFFFFEC00  }
0x333: {  	[tilespmem:s0], [sflag:$0x2] =	stream.indirect.gather [hbm4b:s4+s29], $0x80, s6, s29, $0xb8;
	[tilespmem:$0x1FC80] =	vst v63  }
0x334: {  	s10 =	simm.s32 $0x80  }
0x335: {  	[tilespmem:s7], [sflag:$0x3] =	stream.indirect.gather [hbm4b:s4+s29], $0x80, s10, s29, $0xb8;
	[tilespmem:$0x1FC80] =	vst v63  }
0x336: {  	_ =	swait.ge [sflag:s28], $0x3200  }
0x337: {  	[sflag:s28] =	ssyncset.done $0x0  }
0x338: {  	[sflag:s28] =	ssyncadd.s32 $0xFFFFCE00  }
0x339: {  	[spmem:s2] =	stream.indirect.scatter.add.f32 [tilespmem:s0], [sflag:$0x5], $0x80, s25, s29, $0xb8;
	[tilespmem:$0x1FC80] =	vst v63  }
0x33a: {  	s10 =	simm.s32 $0x100  }
0x33b: {  	[tilespmem:s30], [sflag:$0x1] =	stream.indirect.gather [hbm4b:s4+s29], $0x80, s10, s29, $0xb8;
	[tilespmem:$0x1FC80] =	vst v63  }
0x33c: {  	_ =	swait.ge [sflag:s11], $0x3200  }
0x33d: {  	[sflag:s11] =	ssyncset.done $0x0  }
0x33e: {  	s10 =	simm.s32 $0x1480;
	[sflag:s11] =	ssyncadd.s32 $0xFFFFCE00  }
0x33f: {  	[spmem:s2] =	stream.indirect.scatter.add.f32 [tilespmem:s7], [sflag:$0x6], $0x80, s10, s29, $0xb8;
	[tilespmem:$0x1FC80] =	vst v63  }
0x340: {  	_ =	swait.ge [sflag:s13], $0x3200  }
0x341: {  	[sflag:s13] =	ssyncset.done $0x0  }
0x342: {  	s10 =	simm.s32 $0x180;
	[sflag:s13] =	ssyncadd.s32 $0xFFFFCE00  }
0x343: {  	[tilespmem:s0], [sflag:$0x2] =	stream.indirect.gather [hbm4b:s4+s29], $0x80, s10, s29, $0xb8;
	[tilespmem:$0x1FC80] =	vst v63  }
0x344: {  	_ =	swait.ge [sflag:s26], $0x3200  }
0x345: {  	[sflag:s26] =	ssyncset.done $0x0  }
0x346: {  	[sflag:s26] =	ssyncadd.s32 $0xFFFFCE00  }
0x347: {  	[spmem:s2] =	stream.indirect.scatter.add.f32 [tilespmem:s30], [sflag:$0x4], $0x80, s12, s29, $0xb8;
	[tilespmem:$0x1FC80] =	vst v63  }
0x348: {  	_ =	swait.ge [sflag:s15], $0x3200  }
0x349: {  	[sflag:s15] =	ssyncset.done $0x0  }
0x34a: {  	[sflag:s15] =	ssyncadd.s32 $0xFFFFCE00  }
0x34b: {  	[tilespmem:s7], [sflag:$0x3] =	stream.indirect.gather [hbm4b:s4+s29], $0x80, s14, s29, $0xb8;
	[tilespmem:$0x1FC80] =	vst v63  }
.LBB2_15:
0x34c: {  	_ =	swait.ge [sflag:s28], $0x3200  }
0x34d: {  	s8 =	sshra.s32 s6, $0x2;
	[sflag:s28] =	ssyncset.done $0x0  }
0x34e: {  	s10 =	sadd.s32 $0x1580, s8;
	[sflag:s28] =	ssyncadd.s32 $0xFFFFCE00  }
0x34f: {  	[spmem:s2] =	stream.indirect.scatter.add.f32 [tilespmem:s0], [sflag:$0x5], $0x80, s10, s29, $0xb8;
	[tilespmem:$0x1FC80] =	vst v63  }
0x350: {  	_ =	swait.ge [sflag:s9], $0x3200  }
0x351: {  	[sflag:s9] =	ssyncset.done $0x0  }
0x352: {  	s10 =	sadd.s32 $0x280, s8;
	[sflag:s9] =	ssyncadd.s32 $0xFFFFCE00  }
0x353: {  	[tilespmem:s30], [sflag:$0x1] =	stream.indirect.gather [hbm4b:s4+s29], $0x80, s10, s29, $0xb8;
	[tilespmem:$0x1FC80] =	vst v63  }
0x354: {  	_ =	swait.ge [sflag:s11], $0x3200  }
0x355: {  	[sflag:s11] =	ssyncset.done $0x0  }
0x356: {  	s10 =	sadd.s32 $0x1600, s8;
	[sflag:s11] =	ssyncadd.s32 $0xFFFFCE00  }
0x357: {  	[spmem:s2] =	stream.indirect.scatter.add.f32 [tilespmem:s7], [sflag:$0x6], $0x80, s10, s29, $0xb8;
	[tilespmem:$0x1FC80] =	vst v63  }
0x358: {  	_ =	swait.ge [sflag:s13], $0x3200  }
0x359: {  	[sflag:s13] =	ssyncset.done $0x0  }
0x35a: {  	s10 =	sadd.s32 $0x300, s8;
	[sflag:s13] =	ssyncadd.s32 $0xFFFFCE00  }
0x35b: {  	[tilespmem:s0], [sflag:$0x2] =	stream.indirect.gather [hbm4b:s4+s29], $0x80, s10, s29, $0xb8;
	[tilespmem:$0x1FC80] =	vst v63  }
0x35c: {  	_ =	swait.ge [sflag:s26], $0x3200  }
0x35d: {  	p3 =	seq.s32 s6, $0x4200;
	[sflag:s26] =	ssyncset.done $0x0  }
.Ltmp21:
0x35e: {  	s10 =	sadd.s32 $0x1680, s8;
	[sflag:s26] =	ssyncadd.s32 $0xFFFFCE00;
	(pc) =	sbr.rel @p3 .LBB2_17-.Ltmp21, $4  }
0x35f: {  	[spmem:s2] =	stream.indirect.scatter.add.f32 [tilespmem:s30], [sflag:$0x4], $0x80, s10, s29, $0xb8;
	[tilespmem:$0x1FC80] =	vst v63  }
0x360: {  	_ =	swait.ge [sflag:s15], $0x3200  }
0x361: {  	[sflag:s15] =	ssyncset.done $0x0  }
0x362: {  	[sflag:s15] =	ssyncadd.s32 $0xFFFFCE00  }
.Ltmp22:
0x363: {  	(pc) =	sbr.rel .LBB2_15-.Ltmp22, $3  }
0x364: {  	_ =	sdelay $0x1  }
0x365: {  	s8 =	sadd.s32 $0x380, s8;
	s6 =	sadd.s32 $0x600, s6  }
0x366: {  	[tilespmem:s7], [sflag:$0x3] =	stream.indirect.gather [hbm4b:s4+s29], $0x80, s8, s29, $0xb8;
	[tilespmem:$0x1FC80] =	vst v63  }
.LBB2_33:
0x367: {  	_ =	swait.ge [sflag:s28], $0x3200  }
0x368: {  	[sflag:s28] =	ssyncset.done $0x0  }
0x369: {  	[sflag:s28] =	ssyncadd.s32 $0xFFFFCE00  }
0x36a: {  	[spmem:s2] =	stream.indirect.scatter.add.f32 [tilespmem:s0], [sflag:$0x5], $0x80, s16, s29, $0xb8;
	[tilespmem:$0x1FC80] =	vst v63  }
0x36b: {  	_ =	swait.ge [sflag:s9], $0x3200  }
0x36c: {  	[sflag:s9] =	ssyncset.done $0x0  }
0x36d: {  	[sflag:s9] =	ssyncadd.s32 $0xFFFFCE00  }
0x36e: {  	_ =	swait.ge [sflag:s13], $0x3200  }
0x36f: {  	[sflag:s13] =	ssyncset.done $0x0  }
0x370: {  	[sflag:s13] =	ssyncadd.s32 $0xFFFFCE00  }
0x371: {  	[bflag:$0x0] =	sbarrier.arrive $0xFFFF  }
0x372: {  	s6 =	sor.u32 $0x1C01, s20;
	s8 =	rddreg [dreg:$0x1f]  }
0x373: {  	[hbm:s8], [sflag:s6] =	dma.local [spmem:s19], $0x500  }
0x374: {  	s8 =	sld [smem:$0x7EA];
	_ =	sdelay $0x2  }
0x375: {  	[hbm:s8], [sflag:s6] =	dma.local [spmem:s21], $0x500  }
0x376: {  	s8 =	sld [smem:$0x7ED];
	_ =	sdelay $0x2  }
0x377: {  	[hbm:s8], [sflag:s6] =	dma.local [spmem:s22], $0x500  }
0x378: {  	s8 =	sld [smem:$0x7F0];
	_ =	sdelay $0x2  }
0x379: {  	[hbm:s8], [sflag:s6] =	dma.local [spmem:s23], $0x500  }
0x37a: {  	s8 =	sld [smem:$0x7F3];
	_ =	sdelay $0x2  }
0x37b: {  	[hbm:s8], [sflag:s6] =	dma.local [spmem:s24], $0x500  }
0x37c: {  	s8 =	sld [smem:$0x7F6];
	_ =	sdelay $0x2  }
0x37d: {  	[hbm:s8], [sflag:s6] =	dma.local [spmem:s3], $0x500  }
0x37e: {  	s3 =	sld [smem:$0x7F9];
	_ =	sdelay $0x2  }
0x37f: {  	[hbm:s3], [sflag:s6] =	dma.local [spmem:s31], $0x500  }
0x380: {  	s3 =	sld [smem:$0x7FA];
	_ =	sdelay $0x2  }
0x381: {  	[hbm:s3], [sflag:s6] =	dma.local @!p1 [spmem:s18], $0x500  }
0x382: {  	_ =	swait.ge [sflag:s26], $0x500  }
0x383: {  	[sflag:s26] =	ssyncset.done $0x0  }
0x384: {  	[sflag:s26] =	ssyncadd.s32 $0xFFFFFB00  }
0x385: {  	_ =	swait.ge [sflag:s26], $0x500  }
0x386: {  	[sflag:s26] =	ssyncset.done $0x0  }
0x387: {  	[sflag:s26] =	ssyncadd.s32 $0xFFFFFB00  }
0x388: {  	_ =	swait.ge [sflag:s26], $0x500  }
0x389: {  	[sflag:s26] =	ssyncset.done $0x0  }
0x38a: {  	[sflag:s26] =	ssyncadd.s32 $0xFFFFFB00  }
0x38b: {  	_ =	swait.ge [sflag:s26], $0x500  }
0x38c: {  	[sflag:s26] =	ssyncset.done $0x0  }
0x38d: {  	[sflag:s26] =	ssyncadd.s32 $0xFFFFFB00  }
0x38e: {  	_ =	swait.ge [sflag:s26], $0x500  }
0x38f: {  	[sflag:s26] =	ssyncset.done $0x0  }
0x390: {  	[sflag:s26] =	ssyncadd.s32 $0xFFFFFB00  }
0x391: {  	_ =	swait.ge [sflag:s26], $0x500  }
.Ltmp23:
0x392: {  	[sflag:s26] =	ssyncset.done $0x0;
	(pc) =	sbr.rel @p1 .LBB2_35-.Ltmp23, $4  }
.Ltmp24:
0x393: {  	[sflag:s26] =	ssyncadd.s32 $0xFFFFFB00;
	(pc) =	sbr.rel @!p1 .LBB2_34-.Ltmp24, $4  }
0x394: {  	_ =	swait.ge [sflag:s26], $0x500  }
0x395: {  	[sflag:s26] =	ssyncset.done $0x0  }
0x396: {  	[sflag:s26] =	ssyncadd.s32 $0xFFFFFB00  }
0x397: {  	_ = 	snop  }
.LBB2_17:
0x398: {  	_ =	swait.ge [sflag:s28], $0x3200  }
0x399: {  	[sflag:s28] =	ssyncset.done $0x0  }
0x39a: {  	[sflag:s28] =	ssyncadd.s32 $0xFFFFCE00  }
0x39b: {  	[spmem:s2] =	stream.indirect.scatter.add.f32 [tilespmem:s0], [sflag:$0x5], $0x80, s16, s29, $0xb8;
	[tilespmem:$0x1FC80] =	vst v63  }
0x39c: {  	_ =	swait.ge [sflag:s9], $0x3200  }
0x39d: {  	[sflag:s9] =	ssyncset.done $0x0  }
0x39e: {  	[sflag:s9] =	ssyncadd.s32 $0xFFFFCE00  }
0x39f: {  	_ =	swait.ge [sflag:s13], $0x3200  }
0x3a0: {  	[sflag:s13] =	ssyncset.done $0x0  }
0x3a1: {  	[sflag:s13] =	ssyncadd.s32 $0xFFFFCE00  }
0x3a2: {  	[bflag:$0x0] =	sbarrier.arrive $0xFFFF  }
0x3a3: {  	s6 =	sor.u32 $0x1C01, s20;
	s8 =	rddreg [dreg:$0x15]  }
0x3a4: {  	[hbm:s8], [sflag:s6] =	dma.local [spmem:s19], $0x500  }
0x3a5: {  	s8 =	rddreg [dreg:$0x16]  }
0x3a6: {  	[hbm:s8], [sflag:s6] =	dma.local [spmem:s21], $0x500  }
0x3a7: {  	s8 =	rddreg [dreg:$0x17]  }
0x3a8: {  	[hbm:s8], [sflag:s6] =	dma.local [spmem:s22], $0x500  }
0x3a9: {  	s8 =	rddreg [dreg:$0x18]  }
0x3aa: {  	[hbm:s8], [sflag:s6] =	dma.local [spmem:s23], $0x500  }
0x3ab: {  	s8 =	rddreg [dreg:$0x19]  }
0x3ac: {  	[hbm:s8], [sflag:s6] =	dma.local [spmem:s24], $0x500  }
0x3ad: {  	s8 =	rddreg [dreg:$0x1a]  }
0x3ae: {  	[hbm:s8], [sflag:s6] =	dma.local [spmem:s3], $0x500  }
0x3af: {  	s3 =	rddreg [dreg:$0x1b]  }
0x3b0: {  	[hbm:s3], [sflag:s6] =	dma.local [spmem:s31], $0x500  }
0x3b1: {  	s3 =	rddreg [dreg:$0x1c]  }
0x3b2: {  	[hbm:s3], [sflag:s6] =	dma.local @!p1 [spmem:s18], $0x500  }
0x3b3: {  	_ =	swait.ge [sflag:s26], $0x500  }
0x3b4: {  	[sflag:s26] =	ssyncset.done $0x0  }
0x3b5: {  	[sflag:s26] =	ssyncadd.s32 $0xFFFFFB00  }
0x3b6: {  	_ =	swait.ge [sflag:s26], $0x500  }
0x3b7: {  	[sflag:s26] =	ssyncset.done $0x0  }
0x3b8: {  	[sflag:s26] =	ssyncadd.s32 $0xFFFFFB00  }
0x3b9: {  	_ =	swait.ge [sflag:s26], $0x500  }
0x3ba: {  	[sflag:s26] =	ssyncset.done $0x0  }
0x3bb: {  	[sflag:s26] =	ssyncadd.s32 $0xFFFFFB00  }
0x3bc: {  	_ =	swait.ge [sflag:s26], $0x500  }
0x3bd: {  	[sflag:s26] =	ssyncset.done $0x0  }
0x3be: {  	[sflag:s26] =	ssyncadd.s32 $0xFFFFFB00  }
0x3bf: {  	_ =	swait.ge [sflag:s26], $0x500  }
0x3c0: {  	[sflag:s26] =	ssyncset.done $0x0  }
0x3c1: {  	[sflag:s26] =	ssyncadd.s32 $0xFFFFFB00  }
0x3c2: {  	_ =	swait.ge [sflag:s26], $0x500  }
.Ltmp25:
0x3c3: {  	[sflag:s26] =	ssyncset.done $0x0;
	(pc) =	sbr.rel @p2 .LBB2_34-.Ltmp25, $4  }
.Ltmp26:
0x3c4: {  	[sflag:s26] =	ssyncadd.s32 $0xFFFFFB00;
	(pc) =	sbr.rel @!p2 .LBB2_35-.Ltmp26, $4  }
0x3c5: {  	_ =	swait.ge [sflag:s26], $0x500  }
0x3c6: {  	[sflag:s26] =	ssyncset.done $0x0  }
0x3c7: {  	[sflag:s26] =	ssyncadd.s32 $0xFFFFFB00  }
0x3c8: {  	_ = 	snop  }
.LBB2_36:
0x3c9: {  	_ =	sfence.sel $0x180000  }
0x3ca: {  	[bflag:$0x0] =	sbarrier.arrive $0xFFFF  }
0x3cb: {  	_ =	strace $0x9000004A  }
0x3cc: {  	s0 =	stileid.u32;
	[bflag:$0x2] =	sbarrier.arrive $0xFFFF  }
0x3cd: {  	p0 =	sne.s32 s0, $0x0;
	s0 =	rddreg [dreg:$0x2]  }
0x3ce: {  	s0 =	sadd.s32 @!p0 $0x100000, s0  }
0x3cf: {  	[sflag:s0] =	ssyncadd.tile.s32 @!p0 $0x1;
	_ =	shalt  }
.Lfunc_end2:
_tile_overlayer_lowered:
.L_overlay_start_2:
0x3d0: {  	(tag) =	ssettag $0x2  }
0x3d1: {  	s0 =	rddreg [dreg:$0x0];
	s2 =	stileid.u32  }
0x3d2: {  	s1 =	rddreg [dreg:$0x1];
	p0 =	sne.s32 s2, $0x0  }
0x3d3: {  	s3 =	rddreg [dreg:$0x2];
	[bflag:$0x3] =	sbarrier.arrive $0xFFFF;
	s2 =	simm.s32 @!p0 $0x1C08  }
0x3d4: {  	[timem:s3], [sflag:s2] =	dma.local @!p0 [hbm:s0], s1  }
0x3d5: {  	s0 =	simm.s32 @!p0 $0x8  }
0x3d6: {  	_ =	swait.ge @!p0 [sflag:s0], s1  }
0x3d7: {  	s1 =	ssub.s32 @!p0 $0x0, s1;
	[sflag:s0] =	ssyncset.done @!p0 $0x0  }
0x3d8: {  	[sflag:s0] =	ssyncadd.s32 @!p0 s1  }
0x3d9: {  	[bflag:$0x3] =	sbarrier.arrive $0xFFFF  }
0x3da: {  	_ =	shalt  }

</sc_bundles>
